<compile_context>
chip_gen: v7x
topology: tpu7x:2x2x1
jax: 0.10.2.dev20260603
libtpu: 0.0.44.dev20260713+nightly
codegen_flags: <defaults>
</compile_context>

<pallas_src>
import functools

import jax
import jax.numpy as jnp
from jax import lax
from jax.experimental import pallas as pl
from jax.experimental.pallas import tpu as pltpu
from jax.experimental.pallas import tpu_sc as plsc

N = 10000
E = 320000
F_N = 128
F_E = 4
H = 128

NC = 2
NS = 16
NW = NC * NS
BE = 128
NBLK = E // BE
EU = 4
HC = H // 16

SW = 8
N_PAD = 10240

NFULL = NBLK // NW
NREM = NBLK % NW
NPAIR = NFULL // 2


def _tables_body(x_ref, wst_ref, wdt_ref, be1_ref, p_ref, q_ref):
    xv = x_ref[...]
    p_ref[...] = (
        jnp.dot(xv, wst_ref[...], preferred_element_type=jnp.float32)
        + be1_ref[...]
    )
    q_ref[...] = jnp.dot(xv, wdt_ref[...], preferred_element_type=jnp.float32)


def _node_tables(x, wst, wdt, be1):
    blk = 2000
    grid = N // blk
    return pl.pallas_call(
        _tables_body,
        grid=(grid,),
        in_specs=[
            pl.BlockSpec((blk, F_N), lambda i: (i, 0)),
            pl.BlockSpec((F_N, H), lambda i: (0, 0)),
            pl.BlockSpec((F_N, H), lambda i: (0, 0)),
            pl.BlockSpec((1, H), lambda i: (0, 0)),
        ],
        out_specs=[
            pl.BlockSpec((blk, H), lambda i: (i, 0)),
            pl.BlockSpec((blk, H), lambda i: (i, 0)),
        ],
        out_shape=[
            jax.ShapeDtypeStruct((N, H), jnp.float32),
            jax.ShapeDtypeStruct((N, H), jnp.float32),
        ],
    )(x, wst, wdt, be1)


EBLK = 12800


def _a128_body(a_ref, wat_ref, out_ref):
    out_ref[...] = jnp.dot(a_ref[...], wat_ref[...],
                           preferred_element_type=jnp.float32)


def _a128(attr, wat):
    return pl.pallas_call(
        _a128_body,
        grid=(E // EBLK,),
        in_specs=[
            pl.BlockSpec((EBLK, F_E), lambda i: (i, 0)),
            pl.BlockSpec((F_E, H), lambda i: (0, 0)),
        ],
        out_specs=pl.BlockSpec((EBLK, H), lambda i: (i, 0)),
        out_shape=jax.ShapeDtypeStruct((E, H), jnp.float32),
    )(attr, wat)


def _sc_edge_kernel(p_hbm, q_hbm, row_hbm, col_hbm, a_hbm,
                    we2_hbm, be2_hbm, zeros8_hbm,
                    emb_hbm, seg_hbm,
                    row0_v, col0_v, a0_v, row1_v, col1_v, a1_v,
                    p0_v, q0_v, p1_v, q1_v, emb0_v, emb1_v, scat_v,
                    we2_v, be2_v, zbuf_v, seg_sh,
                    sem_i0, sem_i1, sem_p0, sem_q0, sem_p1, sem_q1,
                    sem_o0, sem_o1):
    cid = lax.axis_index("c")
    sid = lax.axis_index("s")
    wid = cid * NS + sid

    pltpu.sync_copy(we2_hbm, we2_v)
    pltpu.sync_copy(be2_hbm, be2_v)

    iota = lax.iota(jnp.int32, 16)
    ediv = iota // F_E
    jmod = iota % F_E
    rdiv = iota // SW
    rmod = iota % SW

    cnt_pat = jnp.where(rmod == F_E, 1.0, 0.0)
    for k in range(BE * SW // 16):
        plsc.store_scatter(scat_v, (k * 2 + rdiv, rmod), cnt_pat)

    off = sid * (N_PAD // NS)
    pltpu.sync_copy(zeros8_hbm.at[pl.ds(off, N_PAD // NS)], zbuf_v)
    pltpu.sync_copy(zbuf_v, seg_sh.at[pl.ds(off, N_PAD // NS)])

    plsc.subcore_barrier()

    be2_tile = be2_v[pl.ds(0, 16)]

    def blk_base(b):
        return (wid + b * NW) * BE

    def issue_idx(b, rv, cv, av, sem):
        base = blk_base(b)
        pltpu.async_copy(row_hbm.at[pl.ds(base, BE)], rv, sem)
        pltpu.async_copy(col_hbm.at[pl.ds(base, BE)], cv, sem)
        pltpu.async_copy(a_hbm.at[pl.ds(base, BE)], av, sem)

    def wait_idx(b, rv, cv, av, sem):
        base = blk_base(b)
        pltpu.make_async_copy(row_hbm.at[pl.ds(base, BE)], rv, sem).wait()
        pltpu.make_async_copy(col_hbm.at[pl.ds(base, BE)], cv, sem).wait()
        pltpu.make_async_copy(a_hbm.at[pl.ds(base, BE)], av, sem).wait()

    def issue_gathers(rv, cv, pv, qv, semp, semq):
        pltpu.async_copy(p_hbm.at[rv], pv, semp)
        pltpu.async_copy(q_hbm.at[cv], qv, semq)

    def wait_gathers(rv, cv, pv, qv, semp, semq):
        pltpu.make_async_copy(p_hbm.at[rv], pv, semp).wait()
        pltpu.make_async_copy(q_hbm.at[cv], qv, semq).wait()

    def compute_and_out(b, rv, av, pv, qv, ev, sem_o, sync_out):
        def group_body(g, gcarry):
            out_vec = be2_tile
            for u in range(EU):
                e = g * EU + u
                accs = [None] * F_E
                for c in range(HC):
                    sl = pl.ds(c * 16, 16)
                    pre = pv[e, sl] + qv[e, sl] + av[e, sl]
                    h = jnp.maximum(pre, 0.0)
                    for j in range(F_E):
                        t = h * we2_v[j, sl]
                        accs[j] = t if c == 0 else accs[j] + t
                for j in range(F_E):
                    out_vec = jnp.where(iota == F_E * u + j,
                                        jnp.sum(accs[j]) + out_vec, out_vec)
            plsc.store_scatter(ev, (g * EU + ediv, jmod), out_vec)
            plsc.store_scatter(scat_v, (g * EU + ediv, jmod), out_vec)
            return gcarry

        lax.fori_loop(0, BE // EU, group_body, 0)
        if sync_out:
            pltpu.sync_copy(ev, emb_hbm.at[pl.ds(blk_base(b), BE)])
        else:
            pltpu.async_copy(ev, emb_hbm.at[pl.ds(blk_base(b), BE)], sem_o)
        pltpu.sync_copy(scat_v, seg_sh.at[rv], add=True)

    issue_idx(0, row0_v, col0_v, a0_v, sem_i0)
    wait_idx(0, row0_v, col0_v, a0_v, sem_i0)
    issue_gathers(row0_v, col0_v, p0_v, q0_v, sem_p0, sem_q0)
    issue_idx(1, row1_v, col1_v, a1_v, sem_i1)

    def pair_body(t, carry):
        b0 = 2 * t
        b1 = 2 * t + 1
        wait_idx(b1, row1_v, col1_v, a1_v, sem_i1)
        issue_gathers(row1_v, col1_v, p1_v, q1_v, sem_p1, sem_q1)
        wait_gathers(row0_v, col0_v, p0_v, q0_v, sem_p0, sem_q0)

        @pl.when(t > 0)
        def _():
            pltpu.make_async_copy(
                emb0_v, emb_hbm.at[pl.ds(blk_base(b0 - 2), BE)],
                sem_o0).wait()

        compute_and_out(b0, row0_v, a0_v, p0_v, q0_v, emb0_v, sem_o0, False)

        @pl.when(t < NPAIR - 1)
        def _():
            issue_idx(b0 + 2, row0_v, col0_v, a0_v, sem_i0)
            wait_idx(b0 + 2, row0_v, col0_v, a0_v, sem_i0)
            issue_gathers(row0_v, col0_v, p0_v, q0_v, sem_p0, sem_q0)

        wait_gathers(row1_v, col1_v, p1_v, q1_v, sem_p1, sem_q1)

        @pl.when(t > 0)
        def _():
            pltpu.make_async_copy(
                emb1_v, emb_hbm.at[pl.ds(blk_base(b1 - 2), BE)],
                sem_o1).wait()

        compute_and_out(b1, row1_v, a1_v, p1_v, q1_v, emb1_v, sem_o1, False)

        @pl.when(t < NPAIR - 1)
        def _():
            issue_idx(b1 + 2, row1_v, col1_v, a1_v, sem_i1)

        return carry

    lax.fori_loop(0, NPAIR, pair_body, 0)

    pltpu.make_async_copy(emb0_v, emb_hbm.at[pl.ds(blk_base(NFULL - 2), BE)],
                          sem_o0).wait()
    pltpu.make_async_copy(emb1_v, emb_hbm.at[pl.ds(blk_base(NFULL - 1), BE)],
                          sem_o1).wait()

    @pl.when(wid < NREM)
    def _():
        issue_idx(NFULL, row0_v, col0_v, a0_v, sem_i0)
        wait_idx(NFULL, row0_v, col0_v, a0_v, sem_i0)
        issue_gathers(row0_v, col0_v, p0_v, q0_v, sem_p0, sem_q0)
        wait_gathers(row0_v, col0_v, p0_v, q0_v, sem_p0, sem_q0)
        compute_and_out(NFULL, row0_v, a0_v, p0_v, q0_v, emb0_v, sem_o0, True)

    plsc.subcore_barrier()

    pltpu.sync_copy(seg_sh.at[pl.ds(off, N_PAD // NS)], zbuf_v)
    pltpu.sync_copy(zbuf_v, seg_hbm.at[cid, pl.ds(off, N_PAD // NS)])


def _sc_edge_pass(p, q, row, col, a128, we2, be2_tiled):
    mesh = plsc.VectorSubcoreMesh(core_axis_name="c", subcore_axis_name="s",
                                  num_cores=NC, num_subcores=NS)
    zeros8 = jnp.zeros((N_PAD, SW), jnp.float32)
    fn = functools.partial(
        pl.kernel,
        out_type=(
            jax.ShapeDtypeStruct((E, F_E), jnp.float32),
            jax.ShapeDtypeStruct((NC, N_PAD, SW), jnp.float32),
        ),
        mesh=mesh,
        compiler_params=pltpu.CompilerParams(needs_layout_passes=False,
                                             use_tc_tiling_on_sc=False),
        scratch_types=[
            pltpu.VMEM((BE,), jnp.int32),
            pltpu.VMEM((BE,), jnp.int32),
            pltpu.VMEM((BE, H), jnp.float32),
            pltpu.VMEM((BE,), jnp.int32),
            pltpu.VMEM((BE,), jnp.int32),
            pltpu.VMEM((BE, H), jnp.float32),
            pltpu.VMEM((BE, H), jnp.float32),
            pltpu.VMEM((BE, H), jnp.float32),
            pltpu.VMEM((BE, H), jnp.float32),
            pltpu.VMEM((BE, H), jnp.float32),
            pltpu.VMEM((BE, F_E), jnp.float32),
            pltpu.VMEM((BE, F_E), jnp.float32),
            pltpu.VMEM((BE, SW), jnp.float32),
            pltpu.VMEM((F_E, H), jnp.float32),
            pltpu.VMEM((16,), jnp.float32),
            pltpu.VMEM((N_PAD // NS, SW), jnp.float32),
            pltpu.VMEM_SHARED((N_PAD, SW), jnp.float32),
            pltpu.SemaphoreType.DMA,
            pltpu.SemaphoreType.DMA,
            pltpu.SemaphoreType.DMA,
            pltpu.SemaphoreType.DMA,
            pltpu.SemaphoreType.DMA,
            pltpu.SemaphoreType.DMA,
            pltpu.SemaphoreType.DMA,
            pltpu.SemaphoreType.DMA,
        ],
    )(_sc_edge_kernel)
    return fn(p, q, row, col, a128, we2, be2_tiled, zeros8)


def _node_mlp_body(x_ref, seg_ref, wn1xt_ref, wn1at_ref, bn1_ref,
                   wn2t_ref, bn2_ref, out_ref):
    tot = seg_ref[0] + seg_ref[1]
    seg = tot[:, 0:F_E]
    cnt = tot[:, F_E:F_E + 1]
    agg = seg / jnp.maximum(cnt, 1.0)
    h2 = (
        jnp.dot(x_ref[...], wn1xt_ref[...], preferred_element_type=jnp.float32)
        + jnp.dot(agg, wn1at_ref[...], preferred_element_type=jnp.float32)
        + bn1_ref[...]
    )
    h2 = jnp.maximum(h2, 0.0)
    out_ref[...] = (
        jnp.dot(h2, wn2t_ref[...], preferred_element_type=jnp.float32)
        + bn2_ref[...]
    )


def _node_mlp(x, seg, wn1xt, wn1at, bn1, wn2t, bn2):
    blk = 2000
    grid = N // blk
    return pl.pallas_call(
        _node_mlp_body,
        grid=(grid,),
        in_specs=[
            pl.BlockSpec((blk, F_N), lambda i: (i, 0)),
            pl.BlockSpec((NC, blk, SW), lambda i: (0, i, 0)),
            pl.BlockSpec((F_N, H), lambda i: (0, 0)),
            pl.BlockSpec((F_E, H), lambda i: (0, 0)),
            pl.BlockSpec((1, H), lambda i: (0, 0)),
            pl.BlockSpec((H, F_N), lambda i: (0, 0)),
            pl.BlockSpec((1, F_N), lambda i: (0, 0)),
        ],
        out_specs=pl.BlockSpec((blk, F_N), lambda i: (i, 0)),
        out_shape=jax.ShapeDtypeStruct((N, F_N), jnp.float32),
    )(x, seg, wn1xt, wn1at, bn1, wn2t, bn2)


def kernel(x, edge_index, edge_attr, We1, be1, We2, be2, Wn1, bn1, Wn2, bn2):
    row = edge_index[0].astype(jnp.int32)
    col = edge_index[1].astype(jnp.int32)

    wst = We1[:, :F_N].T
    wdt = We1[:, F_N:2 * F_N].T
    wat = We1[:, 2 * F_N:].T
    be1_2d = be1.reshape(1, H)
    be2_tiled = jnp.tile(be2, 16 // F_E)
    wn1xt = Wn1[:, :F_N].T
    wn1at = Wn1[:, F_N:].T
    bn1_2d = bn1.reshape(1, H)
    wn2t = Wn2.T
    bn2_2d = bn2.reshape(1, F_N)

    p, q = _node_tables(x, wst, wdt, be1_2d)
    a128 = _a128(edge_attr, wat)
    emb, seg = _sc_edge_pass(p, q, row, col, a128, We2, be2_tiled)
    node_embeddings = _node_mlp(x, seg, wn1xt, wn1at, bn1_2d, wn2t, bn2_2d)
    return (emb, node_embeddings)

# --- scband reference (transcript-rebuilt; emitter-appended) ---
"""Pipeline reference for scband-graph-net-13786845020469 (READ-ONLY COPY).

The authoritative reference and input builder live on the scoring server;
editing this copy changes nothing except your own understanding.
"""

import jax, jax.numpy as jnp
import numpy as np

N = 10000
E = 320000
F_N = 128
F_E = 4
H = 128


def _lin_w(k, out_dim, in_dim):
    bound = 1.0 / np.sqrt(in_dim)
    return jax.random.uniform(k, (out_dim, in_dim), minval=-bound, maxval=bound, dtype=jnp.float32)


def _lin_b(k, out_dim, in_dim):
    bound = 1.0 / np.sqrt(in_dim)
    return jax.random.uniform(k, (out_dim,), minval=-bound, maxval=bound, dtype=jnp.float32)


def setup_inputs(seed: int = 0):
    key = jax.random.key(seed)
    ks = jax.random.split(key, 12)
    x = jax.random.normal(ks[0], (N, F_N), dtype=jnp.float32)
    edge_index = jax.random.randint(ks[1], (2, E), 0, N)
    edge_attr = jax.random.normal(ks[2], (E, F_E), dtype=jnp.float32)
    # edge_block: MLP([2*F_N + F_E, H, F_E]) -> Linear(260,128)+ReLU+Linear(128,4)
    We1 = _lin_w(ks[3], H, 2 * F_N + F_E)
    be1 = _lin_b(ks[4], H, 2 * F_N + F_E)
    We2 = _lin_w(ks[5], F_E, H)
    be2 = _lin_b(ks[6], F_E, H)
    # node_block: MLP([F_E + F_N, H, F_N]) -> Linear(132,128)+ReLU+Linear(128,128)
    Wn1 = _lin_w(ks[7], H, F_E + F_N)
    bn1 = _lin_b(ks[8], H, F_E + F_N)
    Wn2 = _lin_w(ks[9], F_N, H)
    bn2 = _lin_b(ks[10], F_N, H)
    return {"x": x, "edge_index": edge_index, "edge_attr": edge_attr,
            "We1": We1, "be1": be1, "We2": We2, "be2": be2,
            "Wn1": Wn1, "bn1": bn1, "Wn2": Wn2, "bn2": bn2}


def reference(x, edge_index, edge_attr, We1, be1, We2, be2, Wn1, bn1, Wn2, bn2):
    row = edge_index[0]
    col = edge_index[1]
    # edge update: concat(x[src], x[dst], edge_attr) -> MLP
    e_in = jnp.concatenate([x[row], x[col], edge_attr], axis=1)
    h = jax.nn.relu(e_in @ We1.T + be1)
    edge_embedding = h @ We2.T + be2
    # mean aggregation of edge embeddings to source nodes (index=row)
    seg_sum = jax.ops.segment_sum(edge_embedding, row, num_segments=N)
    counts = jax.ops.segment_sum(jnp.ones((E, 1), dtype=jnp.float32), row, num_segments=N)
    aggregation = seg_sum / jnp.maximum(counts, 1.0)
    # node update
    agg_features = jnp.concatenate([x, aggregation], axis=1)
    h2 = jax.nn.relu(agg_features @ Wn1.T + bn1)
    node_embeddings = h2 @ Wn2.T + bn2
    return (edge_embedding, node_embeddings)

if __name__ == "__main__":
    import jax
    _d = setup_inputs()
    print(jax.jit(kernel)(*tuple(_d.values())))

</pallas_src>

<mosaic_0001>
#map = affine_map<(d0, d1) -> (0, 0)>
#map1 = affine_map<(d0, d1) -> (0)>
#map2 = affine_map<(d0, d1) -> (0, 0, 0)>
module attributes {stable_mosaic.version = 14 : i64} {
  func.func @_sc_edge_kernel(%arg0: i32, %arg1: i32, %arg2: memref<10000x128xf32, #tpu.memory_space<hbm>>, %arg3: memref<10000x128xf32, #tpu.memory_space<hbm>>, %arg4: memref<320000xi32, #tpu.memory_space<hbm>>, %arg5: memref<320000xi32, #tpu.memory_space<hbm>>, %arg6: memref<320000x128xf32, #tpu.memory_space<hbm>>, %arg7: memref<4x128xf32, #tpu.memory_space<hbm>>, %arg8: memref<16xf32, #tpu.memory_space<hbm>>, %arg9: memref<10240x8xf32, #tpu.memory_space<hbm>>, %arg10: memref<320000x4xf32, #tpu.memory_space<hbm>>, %arg11: memref<2x10240x8xf32, #tpu.memory_space<hbm>>, %arg12: memref<128xi32, #tpu.memory_space<vmem>>, %arg13: memref<128xi32, #tpu.memory_space<vmem>>, %arg14: memref<128x128xf32, #tpu.memory_space<vmem>>, %arg15: memref<128xi32, #tpu.memory_space<vmem>>, %arg16: memref<128xi32, #tpu.memory_space<vmem>>, %arg17: memref<128x128xf32, #tpu.memory_space<vmem>>, %arg18: memref<128x128xf32, #tpu.memory_space<vmem>>, %arg19: memref<128x128xf32, #tpu.memory_space<vmem>>, %arg20: memref<128x128xf32, #tpu.memory_space<vmem>>, %arg21: memref<128x128xf32, #tpu.memory_space<vmem>>, %arg22: memref<128x4xf32, #tpu.memory_space<vmem>>, %arg23: memref<128x4xf32, #tpu.memory_space<vmem>>, %arg24: memref<128x8xf32, #tpu.memory_space<vmem>>, %arg25: memref<4x128xf32, #tpu.memory_space<vmem>>, %arg26: memref<16xf32, #tpu.memory_space<vmem>>, %arg27: memref<640x8xf32, #tpu.memory_space<vmem>>, %arg28: memref<10240x8xf32, #tpu.memory_space<vmem_shared>>, %arg29: memref<!tpu.dma_semaphore, #tpu.memory_space<semaphore_mem>>, %arg30: memref<!tpu.dma_semaphore, #tpu.memory_space<semaphore_mem>>, %arg31: memref<!tpu.dma_semaphore, #tpu.memory_space<semaphore_mem>>, %arg32: memref<!tpu.dma_semaphore, #tpu.memory_space<semaphore_mem>>, %arg33: memref<!tpu.dma_semaphore, #tpu.memory_space<semaphore_mem>>, %arg34: memref<!tpu.dma_semaphore, #tpu.memory_space<semaphore_mem>>, %arg35: memref<!tpu.dma_semaphore, #tpu.memory_space<semaphore_mem>>, %arg36: memref<!tpu.dma_semaphore, #tpu.memory_space<semaphore_mem>>) attributes {dimension_semantics = [#tpu.dimension_semantics<core_parallel>, #tpu.dimension_semantics<subcore_parallel>], iteration_bounds = array<i64: 2, 16>, scalar_prefetch = 0 : i64, scratch_operands = 25 : i64, tpu.core_type = #tpu.core_type<sc_vector_subcore>, window_params = [{transform_indices = #map}, {transform_indices = #map}, {transform_indices = #map1}, {transform_indices = #map1}, {transform_indices = #map}, {transform_indices = #map}, {transform_indices = #map1}, {transform_indices = #map}, {transform_indices = #map}, {transform_indices = #map2}]} {
    %mul3A = arith.constant 16 : i32
    %mul3A_0 = arith.muli %arg0, %mul3A : i32
    %add3A = arith.addi %mul3A_0, %arg1 : i32
    "tpu.region"() ({
      %run_scoped3A = tpu.sem_alloc : memref<!tpu.dma_semaphore, #tpu.memory_space<semaphore_mem>>
      tpu.enqueue_dma source(%arg7 : memref<4x128xf32, #tpu.memory_space<hbm>>) target(%arg25 : memref<4x128xf32, #tpu.memory_space<vmem>>) target_semaphore(%run_scoped3A : memref<!tpu.dma_semaphore, #tpu.memory_space<semaphore_mem>>)
      tpu.wait_dma2 semaphore(%run_scoped3A : memref<!tpu.dma_semaphore, #tpu.memory_space<semaphore_mem>>) src(%arg7 : memref<4x128xf32, #tpu.memory_space<hbm>>) dst(%arg25 : memref<4x128xf32, #tpu.memory_space<vmem>>)
      tpu.yield
    }) : () -> ()
    "tpu.region"() ({
      %run_scoped3A = tpu.sem_alloc : memref<!tpu.dma_semaphore, #tpu.memory_space<semaphore_mem>>
      tpu.enqueue_dma source(%arg8 : memref<16xf32, #tpu.memory_space<hbm>>) target(%arg26 : memref<16xf32, #tpu.memory_space<vmem>>) target_semaphore(%run_scoped3A : memref<!tpu.dma_semaphore, #tpu.memory_space<semaphore_mem>>)
      tpu.wait_dma2 semaphore(%run_scoped3A : memref<!tpu.dma_semaphore, #tpu.memory_space<semaphore_mem>>) src(%arg8 : memref<16xf32, #tpu.memory_space<hbm>>) dst(%arg26 : memref<16xf32, #tpu.memory_space<vmem>>)
      tpu.yield
    }) : () -> ()
    %iota3A = tpu.iota {dimensions = array<i32: 0>} : vector<16xi32>
    %jit3A = arith.constant 4 : i32
    %div3A = vector.broadcast %jit3A : i32 to vector<16xi32>
    %div3A_1 = arith.divsi %iota3A, %div3A : vector<16xi32>
    %sign3A = arith.constant 0 : i32
    %sign3A_2 = vector.broadcast %sign3A : i32 to vector<16xi32>
    %sign3A_3 = arith.cmpi sgt, %iota3A, %sign3A_2 : vector<16xi32>
    %sign3A_4 = arith.extui %sign3A_3 : vector<16xi1> to vector<16xi32>
    %sign3A_5 = arith.constant 0 : i32
    %sign3A_6 = vector.broadcast %sign3A_5 : i32 to vector<16xi32>
    %sign3A_7 = arith.cmpi slt, %iota3A, %sign3A_6 : vector<16xi32>
    %sign3A_8 = arith.extui %sign3A_7 : vector<16xi1> to vector<16xi32>
    %sign3A_9 = arith.subi %sign3A_4, %sign3A_8 : vector<16xi32>
    %sign3A_10 = arith.constant 0 : i32
    %sign3A_11 = arith.cmpi sgt, %jit3A, %sign3A_10 : i32
    %sign3A_12 = arith.extui %sign3A_11 : i1 to i32
    %sign3A_13 = arith.constant 0 : i32
    %sign3A_14 = arith.cmpi slt, %jit3A, %sign3A_13 : i32
    %sign3A_15 = arith.extui %sign3A_14 : i1 to i32
    %sign3A_16 = arith.subi %sign3A_12, %sign3A_15 : i32
    %ne3A = vector.broadcast %sign3A_16 : i32 to vector<16xi32>
    %ne3A_17 = arith.cmpi ne, %sign3A_9, %ne3A : vector<16xi32>
    %rem3A = vector.broadcast %jit3A : i32 to vector<16xi32>
    %rem3A_18 = arith.remsi %iota3A, %rem3A : vector<16xi32>
    %ne3A_19 = arith.constant 0 : i32
    %ne3A_20 = vector.broadcast %ne3A_19 : i32 to vector<16xi32>
    %ne3A_21 = arith.cmpi ne, %rem3A_18, %ne3A_20 : vector<16xi32>
    %and3A = arith.andi %ne3A_17, %ne3A_21 : vector<16xi1>
    %sub3A = arith.constant 1 : i32
    %sub3A_22 = vector.broadcast %sub3A : i32 to vector<16xi32>
    %sub3A_23 = arith.subi %div3A_1, %sub3A_22 : vector<16xi32>
    %select_n3A = arith.select %and3A, %sub3A_23, %div3A_1 : vector<16xi1>, vector<16xi32>
    %jit3A_24 = arith.constant 4 : i32
    %eq3A = arith.constant 0 : i32
    %eq3A_25 = arith.cmpi eq, %jit3A_24, %eq3A : i32
    %jit3A_26 = arith.constant 1 : i32
    %select_n3A_27 = arith.select %eq3A_25, %jit3A_26, %jit3A_24 : i32
    %rem3A_28 = vector.broadcast %select_n3A_27 : i32 to vector<16xi32>
    %rem3A_29 = arith.remsi %iota3A, %rem3A_28 : vector<16xi32>
    %ne3A_30 = arith.constant 0 : i32
    %ne3A_31 = vector.broadcast %ne3A_30 : i32 to vector<16xi32>
    %ne3A_32 = arith.cmpi ne, %rem3A_29, %ne3A_31 : vector<16xi32>
    %lt3A = arith.constant 0 : i32
    %lt3A_33 = vector.broadcast %lt3A : i32 to vector<16xi32>
    %lt3A_34 = arith.cmpi slt, %rem3A_29, %lt3A_33 : vector<16xi32>
    %lt3A_35 = arith.constant 0 : i32
    %lt3A_36 = arith.cmpi slt, %select_n3A_27, %lt3A_35 : i32
    %ne3A_37 = vector.broadcast %lt3A_36 : i1 to vector<16xi1>
    %ne3A_38 = vector.broadcast %ne3A_37 : vector<16xi1> to vector<16xi1>
    %ne3A_39 = arith.xori %lt3A_34, %ne3A_38 : vector<16xi1>
    %and3A_40 = arith.andi %ne3A_39, %ne3A_32 : vector<16xi1>
    %add3A_41 = vector.broadcast %select_n3A_27 : i32 to vector<16xi32>
    %add3A_42 = arith.addi %rem3A_29, %add3A_41 : vector<16xi32>
    %select_n3A_43 = arith.select %and3A_40, %add3A_42, %rem3A_29 : vector<16xi1>, vector<16xi32>
    %jit3A_44 = arith.constant 8 : i32
    %div3A_45 = vector.broadcast %jit3A_44 : i32 to vector<16xi32>
    %div3A_46 = arith.divsi %iota3A, %div3A_45 : vector<16xi32>
    %sign3A_47 = arith.constant 0 : i32
    %sign3A_48 = vector.broadcast %sign3A_47 : i32 to vector<16xi32>
    %sign3A_49 = arith.cmpi sgt, %iota3A, %sign3A_48 : vector<16xi32>
    %sign3A_50 = arith.extui %sign3A_49 : vector<16xi1> to vector<16xi32>
    %sign3A_51 = arith.constant 0 : i32
    %sign3A_52 = vector.broadcast %sign3A_51 : i32 to vector<16xi32>
    %sign3A_53 = arith.cmpi slt, %iota3A, %sign3A_52 : vector<16xi32>
    %sign3A_54 = arith.extui %sign3A_53 : vector<16xi1> to vector<16xi32>
    %sign3A_55 = arith.subi %sign3A_50, %sign3A_54 : vector<16xi32>
    %sign3A_56 = arith.constant 0 : i32
    %sign3A_57 = arith.cmpi sgt, %jit3A_44, %sign3A_56 : i32
    %sign3A_58 = arith.extui %sign3A_57 : i1 to i32
    %sign3A_59 = arith.constant 0 : i32
    %sign3A_60 = arith.cmpi slt, %jit3A_44, %sign3A_59 : i32
    %sign3A_61 = arith.extui %sign3A_60 : i1 to i32
    %sign3A_62 = arith.subi %sign3A_58, %sign3A_61 : i32
    %ne3A_63 = vector.broadcast %sign3A_62 : i32 to vector<16xi32>
    %ne3A_64 = arith.cmpi ne, %sign3A_55, %ne3A_63 : vector<16xi32>
    %rem3A_65 = vector.broadcast %jit3A_44 : i32 to vector<16xi32>
    %rem3A_66 = arith.remsi %iota3A, %rem3A_65 : vector<16xi32>
    %ne3A_67 = arith.constant 0 : i32
    %ne3A_68 = vector.broadcast %ne3A_67 : i32 to vector<16xi32>
    %ne3A_69 = arith.cmpi ne, %rem3A_66, %ne3A_68 : vector<16xi32>
    %and3A_70 = arith.andi %ne3A_64, %ne3A_69 : vector<16xi1>
    %sub3A_71 = arith.constant 1 : i32
    %sub3A_72 = vector.broadcast %sub3A_71 : i32 to vector<16xi32>
    %sub3A_73 = arith.subi %div3A_46, %sub3A_72 : vector<16xi32>
    %select_n3A_74 = arith.select %and3A_70, %sub3A_73, %div3A_46 : vector<16xi1>, vector<16xi32>
    %jit3A_75 = arith.constant 8 : i32
    %eq3A_76 = arith.constant 0 : i32
    %eq3A_77 = arith.cmpi eq, %jit3A_75, %eq3A_76 : i32
    %jit3A_78 = arith.constant 1 : i32
    %select_n3A_79 = arith.select %eq3A_77, %jit3A_78, %jit3A_75 : i32
    %rem3A_80 = vector.broadcast %select_n3A_79 : i32 to vector<16xi32>
    %rem3A_81 = arith.remsi %iota3A, %rem3A_80 : vector<16xi32>
    %ne3A_82 = arith.constant 0 : i32
    %ne3A_83 = vector.broadcast %ne3A_82 : i32 to vector<16xi32>
    %ne3A_84 = arith.cmpi ne, %rem3A_81, %ne3A_83 : vector<16xi32>
    %lt3A_85 = arith.constant 0 : i32
    %lt3A_86 = vector.broadcast %lt3A_85 : i32 to vector<16xi32>
    %lt3A_87 = arith.cmpi slt, %rem3A_81, %lt3A_86 : vector<16xi32>
    %lt3A_88 = arith.constant 0 : i32
    %lt3A_89 = arith.cmpi slt, %select_n3A_79, %lt3A_88 : i32
    %ne3A_90 = vector.broadcast %lt3A_89 : i1 to vector<16xi1>
    %ne3A_91 = vector.broadcast %ne3A_90 : vector<16xi1> to vector<16xi1>
    %ne3A_92 = arith.xori %lt3A_87, %ne3A_91 : vector<16xi1>
    %and3A_93 = arith.andi %ne3A_92, %ne3A_84 : vector<16xi1>
    %add3A_94 = vector.broadcast %select_n3A_79 : i32 to vector<16xi32>
    %add3A_95 = arith.addi %rem3A_81, %add3A_94 : vector<16xi32>
    %select_n3A_96 = arith.select %and3A_93, %add3A_95, %rem3A_81 : vector<16xi1>, vector<16xi32>
    %eq3A_97 = arith.constant 4 : i32
    %eq3A_98 = vector.broadcast %eq3A_97 : i32 to vector<16xi32>
    %eq3A_99 = arith.cmpi eq, %select_n3A_96, %eq3A_98 : vector<16xi32>
    %jit3A_100 = arith.constant 1.000000e+00 : f32
    %jit3A_101 = arith.constant 0.000000e+00 : f32
    %broadcast_in_dim3A = vector.broadcast %jit3A_100 : f32 to vector<16xf32>
    %broadcast_in_dim3A_102 = vector.broadcast %jit3A_101 : f32 to vector<16xf32>
    %select_n3A_103 = arith.select %eq3A_99, %broadcast_in_dim3A, %broadcast_in_dim3A_102 : vector<16xi1>, vector<16xf32>
    %add3A_104 = arith.constant 0 : i32
    %add3A_105 = vector.broadcast %add3A_104 : i32 to vector<16xi32>
    %add3A_106 = arith.addi %add3A_105, %select_n3A_74 : vector<16xi32>
    tpu.vector_store_idx %arg24[%add3A_106, %select_n3A_96], %select_n3A_103 : memref<128x8xf32, #tpu.memory_space<vmem>>[vector<16xi32>, vector<16xi32>], vector<16xf32>,
    %add3A_107 = arith.constant 2 : i32
    %add3A_108 = vector.broadcast %add3A_107 : i32 to vector<16xi32>
    %add3A_109 = arith.addi %add3A_108, %select_n3A_74 : vector<16xi32>
    tpu.vector_store_idx %arg24[%add3A_109, %select_n3A_96], %select_n3A_103 : memref<128x8xf32, #tpu.memory_space<vmem>>[vector<16xi32>, vector<16xi32>], vector<16xf32>,
    %add3A_110 = arith.constant 4 : i32
    %add3A_111 = vector.broadcast %add3A_110 : i32 to vector<16xi32>
    %add3A_112 = arith.addi %add3A_111, %select_n3A_74 : vector<16xi32>
    tpu.vector_store_idx %arg24[%add3A_112, %select_n3A_96], %select_n3A_103 : memref<128x8xf32, #tpu.memory_space<vmem>>[vector<16xi32>, vector<16xi32>], vector<16xf32>,
    %add3A_113 = arith.constant 6 : i32
    %add3A_114 = vector.broadcast %add3A_113 : i32 to vector<16xi32>
    %add3A_115 = arith.addi %add3A_114, %select_n3A_74 : vector<16xi32>
    tpu.vector_store_idx %arg24[%add3A_115, %select_n3A_96], %select_n3A_103 : memref<128x8xf32, #tpu.memory_space<vmem>>[vector<16xi32>, vector<16xi32>], vector<16xf32>,
    %add3A_116 = arith.constant 8 : i32
    %add3A_117 = vector.broadcast %add3A_116 : i32 to vector<16xi32>
    %add3A_118 = arith.addi %add3A_117, %select_n3A_74 : vector<16xi32>
    tpu.vector_store_idx %arg24[%add3A_118, %select_n3A_96], %select_n3A_103 : memref<128x8xf32, #tpu.memory_space<vmem>>[vector<16xi32>, vector<16xi32>], vector<16xf32>,
    %add3A_119 = arith.constant 10 : i32
    %add3A_120 = vector.broadcast %add3A_119 : i32 to vector<16xi32>
    %add3A_121 = arith.addi %add3A_120, %select_n3A_74 : vector<16xi32>
    tpu.vector_store_idx %arg24[%add3A_121, %select_n3A_96], %select_n3A_103 : memref<128x8xf32, #tpu.memory_space<vmem>>[vector<16xi32>, vector<16xi32>], vector<16xf32>,
    %add3A_122 = arith.constant 12 : i32
    %add3A_123 = vector.broadcast %add3A_122 : i32 to vector<16xi32>
    %add3A_124 = arith.addi %add3A_123, %select_n3A_74 : vector<16xi32>
    tpu.vector_store_idx %arg24[%add3A_124, %select_n3A_96], %select_n3A_103 : memref<128x8xf32, #tpu.memory_space<vmem>>[vector<16xi32>, vector<16xi32>], vector<16xf32>,
    %add3A_125 = arith.constant 14 : i32
    %add3A_126 = vector.broadcast %add3A_125 : i32 to vector<16xi32>
    %add3A_127 = arith.addi %add3A_126, %select_n3A_74 : vector<16xi32>
    tpu.vector_store_idx %arg24[%add3A_127, %select_n3A_96], %select_n3A_103 : memref<128x8xf32, #tpu.memory_space<vmem>>[vector<16xi32>, vector<16xi32>], vector<16xf32>,
    %add3A_128 = arith.constant 16 : i32
    %add3A_129 = vector.broadcast %add3A_128 : i32 to vector<16xi32>
    %add3A_130 = arith.addi %add3A_129, %select_n3A_74 : vector<16xi32>
    tpu.vector_store_idx %arg24[%add3A_130, %select_n3A_96], %select_n3A_103 : memref<128x8xf32, #tpu.memory_space<vmem>>[vector<16xi32>, vector<16xi32>], vector<16xf32>,
    %add3A_131 = arith.constant 18 : i32
    %add3A_132 = vector.broadcast %add3A_131 : i32 to vector<16xi32>
    %add3A_133 = arith.addi %add3A_132, %select_n3A_74 : vector<16xi32>
    tpu.vector_store_idx %arg24[%add3A_133, %select_n3A_96], %select_n3A_103 : memref<128x8xf32, #tpu.memory_space<vmem>>[vector<16xi32>, vector<16xi32>], vector<16xf32>,
    %add3A_134 = arith.constant 20 : i32
    %add3A_135 = vector.broadcast %add3A_134 : i32 to vector<16xi32>
    %add3A_136 = arith.addi %add3A_135, %select_n3A_74 : vector<16xi32>
    tpu.vector_store_idx %arg24[%add3A_136, %select_n3A_96], %select_n3A_103 : memref<128x8xf32, #tpu.memory_space<vmem>>[vector<16xi32>, vector<16xi32>], vector<16xf32>,
    %add3A_137 = arith.constant 22 : i32
    %add3A_138 = vector.broadcast %add3A_137 : i32 to vector<16xi32>
    %add3A_139 = arith.addi %add3A_138, %select_n3A_74 : vector<16xi32>
    tpu.vector_store_idx %arg24[%add3A_139, %select_n3A_96], %select_n3A_103 : memref<128x8xf32, #tpu.memory_space<vmem>>[vector<16xi32>, vector<16xi32>], vector<16xf32>,
    %add3A_140 = arith.constant 24 : i32
    %add3A_141 = vector.broadcast %add3A_140 : i32 to vector<16xi32>
    %add3A_142 = arith.addi %add3A_141, %select_n3A_74 : vector<16xi32>
    tpu.vector_store_idx %arg24[%add3A_142, %select_n3A_96], %select_n3A_103 : memref<128x8xf32, #tpu.memory_space<vmem>>[vector<16xi32>, vector<16xi32>], vector<16xf32>,
    %add3A_143 = arith.constant 26 : i32
    %add3A_144 = vector.broadcast %add3A_143 : i32 to vector<16xi32>
    %add3A_145 = arith.addi %add3A_144, %select_n3A_74 : vector<16xi32>
    tpu.vector_store_idx %arg24[%add3A_145, %select_n3A_96], %select_n3A_103 : memref<128x8xf32, #tpu.memory_space<vmem>>[vector<16xi32>, vector<16xi32>], vector<16xf32>,
    %add3A_146 = arith.constant 28 : i32
    %add3A_147 = vector.broadcast %add3A_146 : i32 to vector<16xi32>
    %add3A_148 = arith.addi %add3A_147, %select_n3A_74 : vector<16xi32>
    tpu.vector_store_idx %arg24[%add3A_148, %select_n3A_96], %select_n3A_103 : memref<128x8xf32, #tpu.memory_space<vmem>>[vector<16xi32>, vector<16xi32>], vector<16xf32>,
    %add3A_149 = arith.constant 30 : i32
    %add3A_150 = vector.broadcast %add3A_149 : i32 to vector<16xi32>
    %add3A_151 = arith.addi %add3A_150, %select_n3A_74 : vector<16xi32>
    tpu.vector_store_idx %arg24[%add3A_151, %select_n3A_96], %select_n3A_103 : memref<128x8xf32, #tpu.memory_space<vmem>>[vector<16xi32>, vector<16xi32>], vector<16xf32>,
    %add3A_152 = arith.constant 32 : i32
    %add3A_153 = vector.broadcast %add3A_152 : i32 to vector<16xi32>
    %add3A_154 = arith.addi %add3A_153, %select_n3A_74 : vector<16xi32>
    tpu.vector_store_idx %arg24[%add3A_154, %select_n3A_96], %select_n3A_103 : memref<128x8xf32, #tpu.memory_space<vmem>>[vector<16xi32>, vector<16xi32>], vector<16xf32>,
    %add3A_155 = arith.constant 34 : i32
    %add3A_156 = vector.broadcast %add3A_155 : i32 to vector<16xi32>
    %add3A_157 = arith.addi %add3A_156, %select_n3A_74 : vector<16xi32>
    tpu.vector_store_idx %arg24[%add3A_157, %select_n3A_96], %select_n3A_103 : memref<128x8xf32, #tpu.memory_space<vmem>>[vector<16xi32>, vector<16xi32>], vector<16xf32>,
    %add3A_158 = arith.constant 36 : i32
    %add3A_159 = vector.broadcast %add3A_158 : i32 to vector<16xi32>
    %add3A_160 = arith.addi %add3A_159, %select_n3A_74 : vector<16xi32>
    tpu.vector_store_idx %arg24[%add3A_160, %select_n3A_96], %select_n3A_103 : memref<128x8xf32, #tpu.memory_space<vmem>>[vector<16xi32>, vector<16xi32>], vector<16xf32>,
    %add3A_161 = arith.constant 38 : i32
    %add3A_162 = vector.broadcast %add3A_161 : i32 to vector<16xi32>
    %add3A_163 = arith.addi %add3A_162, %select_n3A_74 : vector<16xi32>
    tpu.vector_store_idx %arg24[%add3A_163, %select_n3A_96], %select_n3A_103 : memref<128x8xf32, #tpu.memory_space<vmem>>[vector<16xi32>, vector<16xi32>], vector<16xf32>,
    %add3A_164 = arith.constant 40 : i32
    %add3A_165 = vector.broadcast %add3A_164 : i32 to vector<16xi32>
    %add3A_166 = arith.addi %add3A_165, %select_n3A_74 : vector<16xi32>
    tpu.vector_store_idx %arg24[%add3A_166, %select_n3A_96], %select_n3A_103 : memref<128x8xf32, #tpu.memory_space<vmem>>[vector<16xi32>, vector<16xi32>], vector<16xf32>,
    %add3A_167 = arith.constant 42 : i32
    %add3A_168 = vector.broadcast %add3A_167 : i32 to vector<16xi32>
    %add3A_169 = arith.addi %add3A_168, %select_n3A_74 : vector<16xi32>
    tpu.vector_store_idx %arg24[%add3A_169, %select_n3A_96], %select_n3A_103 : memref<128x8xf32, #tpu.memory_space<vmem>>[vector<16xi32>, vector<16xi32>], vector<16xf32>,
    %add3A_170 = arith.constant 44 : i32
    %add3A_171 = vector.broadcast %add3A_170 : i32 to vector<16xi32>
    %add3A_172 = arith.addi %add3A_171, %select_n3A_74 : vector<16xi32>
    tpu.vector_store_idx %arg24[%add3A_172, %select_n3A_96], %select_n3A_103 : memref<128x8xf32, #tpu.memory_space<vmem>>[vector<16xi32>, vector<16xi32>], vector<16xf32>,
    %add3A_173 = arith.constant 46 : i32
    %add3A_174 = vector.broadcast %add3A_173 : i32 to vector<16xi32>
    %add3A_175 = arith.addi %add3A_174, %select_n3A_74 : vector<16xi32>
    tpu.vector_store_idx %arg24[%add3A_175, %select_n3A_96], %select_n3A_103 : memref<128x8xf32, #tpu.memory_space<vmem>>[vector<16xi32>, vector<16xi32>], vector<16xf32>,
    %add3A_176 = arith.constant 48 : i32
    %add3A_177 = vector.broadcast %add3A_176 : i32 to vector<16xi32>
    %add3A_178 = arith.addi %add3A_177, %select_n3A_74 : vector<16xi32>
    tpu.vector_store_idx %arg24[%add3A_178, %select_n3A_96], %select_n3A_103 : memref<128x8xf32, #tpu.memory_space<vmem>>[vector<16xi32>, vector<16xi32>], vector<16xf32>,
    %add3A_179 = arith.constant 50 : i32
    %add3A_180 = vector.broadcast %add3A_179 : i32 to vector<16xi32>
    %add3A_181 = arith.addi %add3A_180, %select_n3A_74 : vector<16xi32>
    tpu.vector_store_idx %arg24[%add3A_181, %select_n3A_96], %select_n3A_103 : memref<128x8xf32, #tpu.memory_space<vmem>>[vector<16xi32>, vector<16xi32>], vector<16xf32>,
    %add3A_182 = arith.constant 52 : i32
    %add3A_183 = vector.broadcast %add3A_182 : i32 to vector<16xi32>
    %add3A_184 = arith.addi %add3A_183, %select_n3A_74 : vector<16xi32>
    tpu.vector_store_idx %arg24[%add3A_184, %select_n3A_96], %select_n3A_103 : memref<128x8xf32, #tpu.memory_space<vmem>>[vector<16xi32>, vector<16xi32>], vector<16xf32>,
    %add3A_185 = arith.constant 54 : i32
    %add3A_186 = vector.broadcast %add3A_185 : i32 to vector<16xi32>
    %add3A_187 = arith.addi %add3A_186, %select_n3A_74 : vector<16xi32>
    tpu.vector_store_idx %arg24[%add3A_187, %select_n3A_96], %select_n3A_103 : memref<128x8xf32, #tpu.memory_space<vmem>>[vector<16xi32>, vector<16xi32>], vector<16xf32>,
    %add3A_188 = arith.constant 56 : i32
    %add3A_189 = vector.broadcast %add3A_188 : i32 to vector<16xi32>
    %add3A_190 = arith.addi %add3A_189, %select_n3A_74 : vector<16xi32>
    tpu.vector_store_idx %arg24[%add3A_190, %select_n3A_96], %select_n3A_103 : memref<128x8xf32, #tpu.memory_space<vmem>>[vector<16xi32>, vector<16xi32>], vector<16xf32>,
    %add3A_191 = arith.constant 58 : i32
    %add3A_192 = vector.broadcast %add3A_191 : i32 to vector<16xi32>
    %add3A_193 = arith.addi %add3A_192, %select_n3A_74 : vector<16xi32>
    tpu.vector_store_idx %arg24[%add3A_193, %select_n3A_96], %select_n3A_103 : memref<128x8xf32, #tpu.memory_space<vmem>>[vector<16xi32>, vector<16xi32>], vector<16xf32>,
    %add3A_194 = arith.constant 60 : i32
    %add3A_195 = vector.broadcast %add3A_194 : i32 to vector<16xi32>
    %add3A_196 = arith.addi %add3A_195, %select_n3A_74 : vector<16xi32>
    tpu.vector_store_idx %arg24[%add3A_196, %select_n3A_96], %select_n3A_103 : memref<128x8xf32, #tpu.memory_space<vmem>>[vector<16xi32>, vector<16xi32>], vector<16xf32>,
    %add3A_197 = arith.constant 62 : i32
    %add3A_198 = vector.broadcast %add3A_197 : i32 to vector<16xi32>
    %add3A_199 = arith.addi %add3A_198, %select_n3A_74 : vector<16xi32>
    tpu.vector_store_idx %arg24[%add3A_199, %select_n3A_96], %select_n3A_103 : memref<128x8xf32, #tpu.memory_space<vmem>>[vector<16xi32>, vector<16xi32>], vector<16xf32>,
    %add3A_200 = arith.constant 64 : i32
    %add3A_201 = vector.broadcast %add3A_200 : i32 to vector<16xi32>
    %add3A_202 = arith.addi %add3A_201, %select_n3A_74 : vector<16xi32>
    tpu.vector_store_idx %arg24[%add3A_202, %select_n3A_96], %select_n3A_103 : memref<128x8xf32, #tpu.memory_space<vmem>>[vector<16xi32>, vector<16xi32>], vector<16xf32>,
    %add3A_203 = arith.constant 66 : i32
    %add3A_204 = vector.broadcast %add3A_203 : i32 to vector<16xi32>
    %add3A_205 = arith.addi %add3A_204, %select_n3A_74 : vector<16xi32>
    tpu.vector_store_idx %arg24[%add3A_205, %select_n3A_96], %select_n3A_103 : memref<128x8xf32, #tpu.memory_space<vmem>>[vector<16xi32>, vector<16xi32>], vector<16xf32>,
    %add3A_206 = arith.constant 68 : i32
    %add3A_207 = vector.broadcast %add3A_206 : i32 to vector<16xi32>
    %add3A_208 = arith.addi %add3A_207, %select_n3A_74 : vector<16xi32>
    tpu.vector_store_idx %arg24[%add3A_208, %select_n3A_96], %select_n3A_103 : memref<128x8xf32, #tpu.memory_space<vmem>>[vector<16xi32>, vector<16xi32>], vector<16xf32>,
    %add3A_209 = arith.constant 70 : i32
    %add3A_210 = vector.broadcast %add3A_209 : i32 to vector<16xi32>
    %add3A_211 = arith.addi %add3A_210, %select_n3A_74 : vector<16xi32>
    tpu.vector_store_idx %arg24[%add3A_211, %select_n3A_96], %select_n3A_103 : memref<128x8xf32, #tpu.memory_space<vmem>>[vector<16xi32>, vector<16xi32>], vector<16xf32>,
    %add3A_212 = arith.constant 72 : i32
    %add3A_213 = vector.broadcast %add3A_212 : i32 to vector<16xi32>
    %add3A_214 = arith.addi %add3A_213, %select_n3A_74 : vector<16xi32>
    tpu.vector_store_idx %arg24[%add3A_214, %select_n3A_96], %select_n3A_103 : memref<128x8xf32, #tpu.memory_space<vmem>>[vector<16xi32>, vector<16xi32>], vector<16xf32>,
    %add3A_215 = arith.constant 74 : i32
    %add3A_216 = vector.broadcast %add3A_215 : i32 to vector<16xi32>
    %add3A_217 = arith.addi %add3A_216, %select_n3A_74 : vector<16xi32>
    tpu.vector_store_idx %arg24[%add3A_217, %select_n3A_96], %select_n3A_103 : memref<128x8xf32, #tpu.memory_space<vmem>>[vector<16xi32>, vector<16xi32>], vector<16xf32>,
    %add3A_218 = arith.constant 76 : i32
    %add3A_219 = vector.broadcast %add3A_218 : i32 to vector<16xi32>
    %add3A_220 = arith.addi %add3A_219, %select_n3A_74 : vector<16xi32>
    tpu.vector_store_idx %arg24[%add3A_220, %select_n3A_96], %select_n3A_103 : memref<128x8xf32, #tpu.memory_space<vmem>>[vector<16xi32>, vector<16xi32>], vector<16xf32>,
    %add3A_221 = arith.constant 78 : i32
    %add3A_222 = vector.broadcast %add3A_221 : i32 to vector<16xi32>
    %add3A_223 = arith.addi %add3A_222, %select_n3A_74 : vector<16xi32>
    tpu.vector_store_idx %arg24[%add3A_223, %select_n3A_96], %select_n3A_103 : memref<128x8xf32, #tpu.memory_space<vmem>>[vector<16xi32>, vector<16xi32>], vector<16xf32>,
    %add3A_224 = arith.constant 80 : i32
    %add3A_225 = vector.broadcast %add3A_224 : i32 to vector<16xi32>
    %add3A_226 = arith.addi %add3A_225, %select_n3A_74 : vector<16xi32>
    tpu.vector_store_idx %arg24[%add3A_226, %select_n3A_96], %select_n3A_103 : memref<128x8xf32, #tpu.memory_space<vmem>>[vector<16xi32>, vector<16xi32>], vector<16xf32>,
    %add3A_227 = arith.constant 82 : i32
    %add3A_228 = vector.broadcast %add3A_227 : i32 to vector<16xi32>
    %add3A_229 = arith.addi %add3A_228, %select_n3A_74 : vector<16xi32>
    tpu.vector_store_idx %arg24[%add3A_229, %select_n3A_96], %select_n3A_103 : memref<128x8xf32, #tpu.memory_space<vmem>>[vector<16xi32>, vector<16xi32>], vector<16xf32>,
    %add3A_230 = arith.constant 84 : i32
    %add3A_231 = vector.broadcast %add3A_230 : i32 to vector<16xi32>
    %add3A_232 = arith.addi %add3A_231, %select_n3A_74 : vector<16xi32>
    tpu.vector_store_idx %arg24[%add3A_232, %select_n3A_96], %select_n3A_103 : memref<128x8xf32, #tpu.memory_space<vmem>>[vector<16xi32>, vector<16xi32>], vector<16xf32>,
    %add3A_233 = arith.constant 86 : i32
    %add3A_234 = vector.broadcast %add3A_233 : i32 to vector<16xi32>
    %add3A_235 = arith.addi %add3A_234, %select_n3A_74 : vector<16xi32>
    tpu.vector_store_idx %arg24[%add3A_235, %select_n3A_96], %select_n3A_103 : memref<128x8xf32, #tpu.memory_space<vmem>>[vector<16xi32>, vector<16xi32>], vector<16xf32>,
    %add3A_236 = arith.constant 88 : i32
    %add3A_237 = vector.broadcast %add3A_236 : i32 to vector<16xi32>
    %add3A_238 = arith.addi %add3A_237, %select_n3A_74 : vector<16xi32>
    tpu.vector_store_idx %arg24[%add3A_238, %select_n3A_96], %select_n3A_103 : memref<128x8xf32, #tpu.memory_space<vmem>>[vector<16xi32>, vector<16xi32>], vector<16xf32>,
    %add3A_239 = arith.constant 90 : i32
    %add3A_240 = vector.broadcast %add3A_239 : i32 to vector<16xi32>
    %add3A_241 = arith.addi %add3A_240, %select_n3A_74 : vector<16xi32>
    tpu.vector_store_idx %arg24[%add3A_241, %select_n3A_96], %select_n3A_103 : memref<128x8xf32, #tpu.memory_space<vmem>>[vector<16xi32>, vector<16xi32>], vector<16xf32>,
    %add3A_242 = arith.constant 92 : i32
    %add3A_243 = vector.broadcast %add3A_242 : i32 to vector<16xi32>
    %add3A_244 = arith.addi %add3A_243, %select_n3A_74 : vector<16xi32>
    tpu.vector_store_idx %arg24[%add3A_244, %select_n3A_96], %select_n3A_103 : memref<128x8xf32, #tpu.memory_space<vmem>>[vector<16xi32>, vector<16xi32>], vector<16xf32>,
    %add3A_245 = arith.constant 94 : i32
    %add3A_246 = vector.broadcast %add3A_245 : i32 to vector<16xi32>
    %add3A_247 = arith.addi %add3A_246, %select_n3A_74 : vector<16xi32>
    tpu.vector_store_idx %arg24[%add3A_247, %select_n3A_96], %select_n3A_103 : memref<128x8xf32, #tpu.memory_space<vmem>>[vector<16xi32>, vector<16xi32>], vector<16xf32>,
    %add3A_248 = arith.constant 96 : i32
    %add3A_249 = vector.broadcast %add3A_248 : i32 to vector<16xi32>
    %add3A_250 = arith.addi %add3A_249, %select_n3A_74 : vector<16xi32>
    tpu.vector_store_idx %arg24[%add3A_250, %select_n3A_96], %select_n3A_103 : memref<128x8xf32, #tpu.memory_space<vmem>>[vector<16xi32>, vector<16xi32>], vector<16xf32>,
    %add3A_251 = arith.constant 98 : i32
    %add3A_252 = vector.broadcast %add3A_251 : i32 to vector<16xi32>
    %add3A_253 = arith.addi %add3A_252, %select_n3A_74 : vector<16xi32>
    tpu.vector_store_idx %arg24[%add3A_253, %select_n3A_96], %select_n3A_103 : memref<128x8xf32, #tpu.memory_space<vmem>>[vector<16xi32>, vector<16xi32>], vector<16xf32>,
    %add3A_254 = arith.constant 100 : i32
    %add3A_255 = vector.broadcast %add3A_254 : i32 to vector<16xi32>
    %add3A_256 = arith.addi %add3A_255, %select_n3A_74 : vector<16xi32>
    tpu.vector_store_idx %arg24[%add3A_256, %select_n3A_96], %select_n3A_103 : memref<128x8xf32, #tpu.memory_space<vmem>>[vector<16xi32>, vector<16xi32>], vector<16xf32>,
    %add3A_257 = arith.constant 102 : i32
    %add3A_258 = vector.broadcast %add3A_257 : i32 to vector<16xi32>
    %add3A_259 = arith.addi %add3A_258, %select_n3A_74 : vector<16xi32>
    tpu.vector_store_idx %arg24[%add3A_259, %select_n3A_96], %select_n3A_103 : memref<128x8xf32, #tpu.memory_space<vmem>>[vector<16xi32>, vector<16xi32>], vector<16xf32>,
    %add3A_260 = arith.constant 104 : i32
    %add3A_261 = vector.broadcast %add3A_260 : i32 to vector<16xi32>
    %add3A_262 = arith.addi %add3A_261, %select_n3A_74 : vector<16xi32>
    tpu.vector_store_idx %arg24[%add3A_262, %select_n3A_96], %select_n3A_103 : memref<128x8xf32, #tpu.memory_space<vmem>>[vector<16xi32>, vector<16xi32>], vector<16xf32>,
    %add3A_263 = arith.constant 106 : i32
    %add3A_264 = vector.broadcast %add3A_263 : i32 to vector<16xi32>
    %add3A_265 = arith.addi %add3A_264, %select_n3A_74 : vector<16xi32>
    tpu.vector_store_idx %arg24[%add3A_265, %select_n3A_96], %select_n3A_103 : memref<128x8xf32, #tpu.memory_space<vmem>>[vector<16xi32>, vector<16xi32>], vector<16xf32>,
    %add3A_266 = arith.constant 108 : i32
    %add3A_267 = vector.broadcast %add3A_266 : i32 to vector<16xi32>
    %add3A_268 = arith.addi %add3A_267, %select_n3A_74 : vector<16xi32>
    tpu.vector_store_idx %arg24[%add3A_268, %select_n3A_96], %select_n3A_103 : memref<128x8xf32, #tpu.memory_space<vmem>>[vector<16xi32>, vector<16xi32>], vector<16xf32>,
    %add3A_269 = arith.constant 110 : i32
    %add3A_270 = vector.broadcast %add3A_269 : i32 to vector<16xi32>
    %add3A_271 = arith.addi %add3A_270, %select_n3A_74 : vector<16xi32>
    tpu.vector_store_idx %arg24[%add3A_271, %select_n3A_96], %select_n3A_103 : memref<128x8xf32, #tpu.memory_space<vmem>>[vector<16xi32>, vector<16xi32>], vector<16xf32>,
    %add3A_272 = arith.constant 112 : i32
    %add3A_273 = vector.broadcast %add3A_272 : i32 to vector<16xi32>
    %add3A_274 = arith.addi %add3A_273, %select_n3A_74 : vector<16xi32>
    tpu.vector_store_idx %arg24[%add3A_274, %select_n3A_96], %select_n3A_103 : memref<128x8xf32, #tpu.memory_space<vmem>>[vector<16xi32>, vector<16xi32>], vector<16xf32>,
    %add3A_275 = arith.constant 114 : i32
    %add3A_276 = vector.broadcast %add3A_275 : i32 to vector<16xi32>
    %add3A_277 = arith.addi %add3A_276, %select_n3A_74 : vector<16xi32>
    tpu.vector_store_idx %arg24[%add3A_277, %select_n3A_96], %select_n3A_103 : memref<128x8xf32, #tpu.memory_space<vmem>>[vector<16xi32>, vector<16xi32>], vector<16xf32>,
    %add3A_278 = arith.constant 116 : i32
    %add3A_279 = vector.broadcast %add3A_278 : i32 to vector<16xi32>
    %add3A_280 = arith.addi %add3A_279, %select_n3A_74 : vector<16xi32>
    tpu.vector_store_idx %arg24[%add3A_280, %select_n3A_96], %select_n3A_103 : memref<128x8xf32, #tpu.memory_space<vmem>>[vector<16xi32>, vector<16xi32>], vector<16xf32>,
    %add3A_281 = arith.constant 118 : i32
    %add3A_282 = vector.broadcast %add3A_281 : i32 to vector<16xi32>
    %add3A_283 = arith.addi %add3A_282, %select_n3A_74 : vector<16xi32>
    tpu.vector_store_idx %arg24[%add3A_283, %select_n3A_96], %select_n3A_103 : memref<128x8xf32, #tpu.memory_space<vmem>>[vector<16xi32>, vector<16xi32>], vector<16xf32>,
    %add3A_284 = arith.constant 120 : i32
    %add3A_285 = vector.broadcast %add3A_284 : i32 to vector<16xi32>
    %add3A_286 = arith.addi %add3A_285, %select_n3A_74 : vector<16xi32>
    tpu.vector_store_idx %arg24[%add3A_286, %select_n3A_96], %select_n3A_103 : memref<128x8xf32, #tpu.memory_space<vmem>>[vector<16xi32>, vector<16xi32>], vector<16xf32>,
    %add3A_287 = arith.constant 122 : i32
    %add3A_288 = vector.broadcast %add3A_287 : i32 to vector<16xi32>
    %add3A_289 = arith.addi %add3A_288, %select_n3A_74 : vector<16xi32>
    tpu.vector_store_idx %arg24[%add3A_289, %select_n3A_96], %select_n3A_103 : memref<128x8xf32, #tpu.memory_space<vmem>>[vector<16xi32>, vector<16xi32>], vector<16xf32>,
    %add3A_290 = arith.constant 124 : i32
    %add3A_291 = vector.broadcast %add3A_290 : i32 to vector<16xi32>
    %add3A_292 = arith.addi %add3A_291, %select_n3A_74 : vector<16xi32>
    tpu.vector_store_idx %arg24[%add3A_292, %select_n3A_96], %select_n3A_103 : memref<128x8xf32, #tpu.memory_space<vmem>>[vector<16xi32>, vector<16xi32>], vector<16xf32>,
    %add3A_293 = arith.constant 126 : i32
    %add3A_294 = vector.broadcast %add3A_293 : i32 to vector<16xi32>
    %add3A_295 = arith.addi %add3A_294, %select_n3A_74 : vector<16xi32>
    tpu.vector_store_idx %arg24[%add3A_295, %select_n3A_96], %select_n3A_103 : memref<128x8xf32, #tpu.memory_space<vmem>>[vector<16xi32>, vector<16xi32>], vector<16xf32>,
    %mul3A_296 = arith.constant 640 : i32
    %mul3A_297 = arith.muli %arg1, %mul3A_296 : i32
    "tpu.region"() ({
      %run_scoped3A = tpu.sem_alloc : memref<!tpu.dma_semaphore, #tpu.memory_space<semaphore_mem>>
      %dma_start3A_364 = arith.constant 0 : i32
      %dma_start3A_365 = tpu.memref_slice %arg9[%mul3A_297, %dma_start3A_364] : memref<10240x8xf32, #tpu.memory_space<hbm>> -> memref<640x8xf32, #tpu.memory_space<hbm>>
      %dma_start3A_366 = arith.constant 0 : i32
      %dma_start3A_367 = tpu.memref_slice %arg9[%mul3A_297, %dma_start3A_366] : memref<10240x8xf32, #tpu.memory_space<hbm>> -> memref<640x8xf32, #tpu.memory_space<hbm>>
      tpu.enqueue_dma source(%dma_start3A_367 : memref<640x8xf32, #tpu.memory_space<hbm>>) target(%arg27 : memref<640x8xf32, #tpu.memory_space<vmem>>) target_semaphore(%run_scoped3A : memref<!tpu.dma_semaphore, #tpu.memory_space<semaphore_mem>>)
      %dma_wait3A_368 = arith.constant 0 : i32
      %dma_wait3A_369 = tpu.memref_slice %arg9[%mul3A_297, %dma_wait3A_368] : memref<10240x8xf32, #tpu.memory_space<hbm>> -> memref<640x8xf32, #tpu.memory_space<hbm>>
      %dma_wait3A_370 = arith.constant 0 : i32
      %dma_wait3A_371 = tpu.memref_slice %arg9[%mul3A_297, %dma_wait3A_370] : memref<10240x8xf32, #tpu.memory_space<hbm>> -> memref<640x8xf32, #tpu.memory_space<hbm>>
      tpu.wait_dma2 semaphore(%run_scoped3A : memref<!tpu.dma_semaphore, #tpu.memory_space<semaphore_mem>>) src(%dma_wait3A_371 : memref<640x8xf32, #tpu.memory_space<hbm>>) dst(%arg27 : memref<640x8xf32, #tpu.memory_space<vmem>>)
      tpu.yield
    }) : () -> ()
    "tpu.region"() ({
      %run_scoped3A = tpu.sem_alloc : memref<!tpu.dma_semaphore, #tpu.memory_space<semaphore_mem>>
      %dma_start3A_364 = arith.constant 0 : i32
      %dma_start3A_365 = tpu.memref_slice %arg28[%mul3A_297, %dma_start3A_364] : memref<10240x8xf32, #tpu.memory_space<vmem_shared>> -> memref<640x8xf32, #tpu.memory_space<vmem_shared>>
      %dma_start3A_366 = arith.constant 0 : i32
      %dma_start3A_367 = tpu.memref_slice %arg28[%mul3A_297, %dma_start3A_366] : memref<10240x8xf32, #tpu.memory_space<vmem_shared>> -> memref<640x8xf32, #tpu.memory_space<vmem_shared>>
      tpu.enqueue_dma source(%arg27 : memref<640x8xf32, #tpu.memory_space<vmem>>) target(%dma_start3A_367 : memref<640x8xf32, #tpu.memory_space<vmem_shared>>) target_semaphore(%run_scoped3A : memref<!tpu.dma_semaphore, #tpu.memory_space<semaphore_mem>>)
      %dma_wait3A_368 = arith.constant 0 : i32
      %dma_wait3A_369 = tpu.memref_slice %arg28[%mul3A_297, %dma_wait3A_368] : memref<10240x8xf32, #tpu.memory_space<vmem_shared>> -> memref<640x8xf32, #tpu.memory_space<vmem_shared>>
      %dma_wait3A_370 = arith.constant 0 : i32
      %dma_wait3A_371 = tpu.memref_slice %arg28[%mul3A_297, %dma_wait3A_370] : memref<10240x8xf32, #tpu.memory_space<vmem_shared>> -> memref<640x8xf32, #tpu.memory_space<vmem_shared>>
      tpu.wait_dma2 semaphore(%run_scoped3A : memref<!tpu.dma_semaphore, #tpu.memory_space<semaphore_mem>>) src(%arg27 : memref<640x8xf32, #tpu.memory_space<vmem>>) dst(%dma_wait3A_371 : memref<640x8xf32, #tpu.memory_space<vmem_shared>>)
      tpu.yield
    }) : () -> ()
    %barrier3A = arith.constant 0 : index
    tpu.barrier barrier_id(%barrier3A)
    %get3A = arith.constant 0 : index
    %get3A_298 = tpu.vector_load %arg26[%get3A] {strides = array<i32>} : memref<16xf32, #tpu.memory_space<vmem>>, vector<16xf32>,
    %add3A_299 = arith.constant 0 : i32
    %add3A_300 = arith.addi %add3A, %add3A_299 : i32
    %mul3A_301 = arith.constant 128 : i32
    %mul3A_302 = arith.muli %add3A_300, %mul3A_301 : i32
    %dma_start3A = tpu.memref_slice %arg4[%mul3A_302] : memref<320000xi32, #tpu.memory_space<hbm>> -> memref<128xi32, #tpu.memory_space<hbm>>
    %dma_start3A_303 = tpu.memref_slice %arg4[%mul3A_302] : memref<320000xi32, #tpu.memory_space<hbm>> -> memref<128xi32, #tpu.memory_space<hbm>>
    tpu.enqueue_dma source(%dma_start3A_303 : memref<128xi32, #tpu.memory_space<hbm>>) target(%arg12 : memref<128xi32, #tpu.memory_space<vmem>>) target_semaphore(%arg29 : memref<!tpu.dma_semaphore, #tpu.memory_space<semaphore_mem>>)
    %dma_start3A_304 = tpu.memref_slice %arg5[%mul3A_302] : memref<320000xi32, #tpu.memory_space<hbm>> -> memref<128xi32, #tpu.memory_space<hbm>>
    %dma_start3A_305 = tpu.memref_slice %arg5[%mul3A_302] : memref<320000xi32, #tpu.memory_space<hbm>> -> memref<128xi32, #tpu.memory_space<hbm>>
    tpu.enqueue_dma source(%dma_start3A_305 : memref<128xi32, #tpu.memory_space<hbm>>) target(%arg13 : memref<128xi32, #tpu.memory_space<vmem>>) target_semaphore(%arg29 : memref<!tpu.dma_semaphore, #tpu.memory_space<semaphore_mem>>)
    %dma_start3A_306 = arith.constant 0 : i32
    %dma_start3A_307 = tpu.memref_slice %arg6[%mul3A_302, %dma_start3A_306] : memref<320000x128xf32, #tpu.memory_space<hbm>> -> memref<128x128xf32, #tpu.memory_space<hbm>>
    %dma_start3A_308 = arith.constant 0 : i32
    %dma_start3A_309 = tpu.memref_slice %arg6[%mul3A_302, %dma_start3A_308] : memref<320000x128xf32, #tpu.memory_space<hbm>> -> memref<128x128xf32, #tpu.memory_space<hbm>>
    tpu.enqueue_dma source(%dma_start3A_309 : memref<128x128xf32, #tpu.memory_space<hbm>>) target(%arg14 : memref<128x128xf32, #tpu.memory_space<vmem>>) target_semaphore(%arg29 : memref<!tpu.dma_semaphore, #tpu.memory_space<semaphore_mem>>)
    %add3A_310 = arith.constant 0 : i32
    %add3A_311 = arith.addi %add3A, %add3A_310 : i32
    %mul3A_312 = arith.constant 128 : i32
    %mul3A_313 = arith.muli %add3A_311, %mul3A_312 : i32
    %dma_wait3A = tpu.memref_slice %arg4[%mul3A_313] : memref<320000xi32, #tpu.memory_space<hbm>> -> memref<128xi32, #tpu.memory_space<hbm>>
    %dma_wait3A_314 = tpu.memref_slice %arg4[%mul3A_313] : memref<320000xi32, #tpu.memory_space<hbm>> -> memref<128xi32, #tpu.memory_space<hbm>>
    tpu.wait_dma2 semaphore(%arg29 : memref<!tpu.dma_semaphore, #tpu.memory_space<semaphore_mem>>) src(%dma_wait3A_314 : memref<128xi32, #tpu.memory_space<hbm>>) dst(%arg12 : memref<128xi32, #tpu.memory_space<vmem>>)
    %dma_wait3A_315 = tpu.memref_slice %arg5[%mul3A_313] : memref<320000xi32, #tpu.memory_space<hbm>> -> memref<128xi32, #tpu.memory_space<hbm>>
    %dma_wait3A_316 = tpu.memref_slice %arg5[%mul3A_313] : memref<320000xi32, #tpu.memory_space<hbm>> -> memref<128xi32, #tpu.memory_space<hbm>>
    tpu.wait_dma2 semaphore(%arg29 : memref<!tpu.dma_semaphore, #tpu.memory_space<semaphore_mem>>) src(%dma_wait3A_316 : memref<128xi32, #tpu.memory_space<hbm>>) dst(%arg13 : memref<128xi32, #tpu.memory_space<vmem>>)
    %dma_wait3A_317 = arith.constant 0 : i32
    %dma_wait3A_318 = tpu.memref_slice %arg6[%mul3A_313, %dma_wait3A_317] : memref<320000x128xf32, #tpu.memory_space<hbm>> -> memref<128x128xf32, #tpu.memory_space<hbm>>
    %dma_wait3A_319 = arith.constant 0 : i32
    %dma_wait3A_320 = tpu.memref_slice %arg6[%mul3A_313, %dma_wait3A_319] : memref<320000x128xf32, #tpu.memory_space<hbm>> -> memref<128x128xf32, #tpu.memory_space<hbm>>
    tpu.wait_dma2 semaphore(%arg29 : memref<!tpu.dma_semaphore, #tpu.memory_space<semaphore_mem>>) src(%dma_wait3A_320 : memref<128x128xf32, #tpu.memory_space<hbm>>) dst(%arg14 : memref<128x128xf32, #tpu.memory_space<vmem>>)
    %dma_start3A_321 = arith.constant 0 : i32
    %dma_start3A_322 = arith.constant 0 : i32
    %dma_start3A_323 = tpu.memref_slice %arg2[%dma_start3A_321, %dma_start3A_322] : memref<10000x128xf32, #tpu.memory_space<hbm>> -> memref<10000x128xf32, #tpu.memory_space<hbm>>
    tpu.enqueue_indirect_dma source(%dma_start3A_323 : memref<10000x128xf32, #tpu.memory_space<hbm>>) target(%arg18 : memref<128x128xf32, #tpu.memory_space<vmem>>) offsets(%arg12 : memref<128xi32, #tpu.memory_space<vmem>>) semaphore(%arg31 : memref<!tpu.dma_semaphore, #tpu.memory_space<semaphore_mem>>)
    %dma_start3A_324 = arith.constant 0 : i32
    %dma_start3A_325 = arith.constant 0 : i32
    %dma_start3A_326 = tpu.memref_slice %arg3[%dma_start3A_324, %dma_start3A_325] : memref<10000x128xf32, #tpu.memory_space<hbm>> -> memref<10000x128xf32, #tpu.memory_space<hbm>>
    tpu.enqueue_indirect_dma source(%dma_start3A_326 : memref<10000x128xf32, #tpu.memory_space<hbm>>) target(%arg19 : memref<128x128xf32, #tpu.memory_space<vmem>>) offsets(%arg13 : memref<128xi32, #tpu.memory_space<vmem>>) semaphore(%arg32 : memref<!tpu.dma_semaphore, #tpu.memory_space<semaphore_mem>>)
    %add3A_327 = arith.constant 32 : i32
    %add3A_328 = arith.addi %add3A, %add3A_327 : i32
    %mul3A_329 = arith.constant 128 : i32
    %mul3A_330 = arith.muli %add3A_328, %mul3A_329 : i32
    %dma_start3A_331 = tpu.memref_slice %arg4[%mul3A_330] : memref<320000xi32, #tpu.memory_space<hbm>> -> memref<128xi32, #tpu.memory_space<hbm>>
    %dma_start3A_332 = tpu.memref_slice %arg4[%mul3A_330] : memref<320000xi32, #tpu.memory_space<hbm>> -> memref<128xi32, #tpu.memory_space<hbm>>
    tpu.enqueue_dma source(%dma_start3A_332 : memref<128xi32, #tpu.memory_space<hbm>>) target(%arg15 : memref<128xi32, #tpu.memory_space<vmem>>) target_semaphore(%arg30 : memref<!tpu.dma_semaphore, #tpu.memory_space<semaphore_mem>>)
    %dma_start3A_333 = tpu.memref_slice %arg5[%mul3A_330] : memref<320000xi32, #tpu.memory_space<hbm>> -> memref<128xi32, #tpu.memory_space<hbm>>
    %dma_start3A_334 = tpu.memref_slice %arg5[%mul3A_330] : memref<320000xi32, #tpu.memory_space<hbm>> -> memref<128xi32, #tpu.memory_space<hbm>>
    tpu.enqueue_dma source(%dma_start3A_334 : memref<128xi32, #tpu.memory_space<hbm>>) target(%arg16 : memref<128xi32, #tpu.memory_space<vmem>>) target_semaphore(%arg30 : memref<!tpu.dma_semaphore, #tpu.memory_space<semaphore_mem>>)
    %dma_start3A_335 = arith.constant 0 : i32
    %dma_start3A_336 = tpu.memref_slice %arg6[%mul3A_330, %dma_start3A_335] : memref<320000x128xf32, #tpu.memory_space<hbm>> -> memref<128x128xf32, #tpu.memory_space<hbm>>
    %dma_start3A_337 = arith.constant 0 : i32
    %dma_start3A_338 = tpu.memref_slice %arg6[%mul3A_330, %dma_start3A_337] : memref<320000x128xf32, #tpu.memory_space<hbm>> -> memref<128x128xf32, #tpu.memory_space<hbm>>
    tpu.enqueue_dma source(%dma_start3A_338 : memref<128x128xf32, #tpu.memory_space<hbm>>) target(%arg17 : memref<128x128xf32, #tpu.memory_space<vmem>>) target_semaphore(%arg30 : memref<!tpu.dma_semaphore, #tpu.memory_space<semaphore_mem>>)
    %scan3A = arith.constant 0 : i32
    %scan3A_339 = arith.constant 0 : i32
    %scan3A_340 = arith.constant 39 : i32
    %scan3A_341 = arith.addi %scan3A_339, %scan3A_340 : i32
    %scan3A_342 = arith.constant 1 : i32
    scf.for %scan3A_364 = %scan3A_339 to %scan3A_341 step %scan3A_342  : i32 {
      %mul3A_365 = arith.constant 2 : i32
      %mul3A_366 = arith.muli %mul3A_365, %scan3A_364 : i32
      %mul3A_367 = arith.constant 2 : i32
      %mul3A_368 = arith.muli %mul3A_367, %scan3A_364 : i32
      %add3A_369 = arith.constant 1 : i32
      %add3A_370 = arith.addi %mul3A_368, %add3A_369 : i32
      %mul3A_371 = arith.constant 32 : i32
      %mul3A_372 = arith.muli %add3A_370, %mul3A_371 : i32
      %add3A_373 = arith.addi %add3A, %mul3A_372 : i32
      %mul3A_374 = arith.constant 128 : i32
      %mul3A_375 = arith.muli %add3A_373, %mul3A_374 : i32
      %dma_wait3A_376 = tpu.memref_slice %arg4[%mul3A_375] : memref<320000xi32, #tpu.memory_space<hbm>> -> memref<128xi32, #tpu.memory_space<hbm>>
      %dma_wait3A_377 = tpu.memref_slice %arg4[%mul3A_375] : memref<320000xi32, #tpu.memory_space<hbm>> -> memref<128xi32, #tpu.memory_space<hbm>>
      tpu.wait_dma2 semaphore(%arg30 : memref<!tpu.dma_semaphore, #tpu.memory_space<semaphore_mem>>) src(%dma_wait3A_377 : memref<128xi32, #tpu.memory_space<hbm>>) dst(%arg15 : memref<128xi32, #tpu.memory_space<vmem>>)
      %dma_wait3A_378 = tpu.memref_slice %arg5[%mul3A_375] : memref<320000xi32, #tpu.memory_space<hbm>> -> memref<128xi32, #tpu.memory_space<hbm>>
      %dma_wait3A_379 = tpu.memref_slice %arg5[%mul3A_375] : memref<320000xi32, #tpu.memory_space<hbm>> -> memref<128xi32, #tpu.memory_space<hbm>>
      tpu.wait_dma2 semaphore(%arg30 : memref<!tpu.dma_semaphore, #tpu.memory_space<semaphore_mem>>) src(%dma_wait3A_379 : memref<128xi32, #tpu.memory_space<hbm>>) dst(%arg16 : memref<128xi32, #tpu.memory_space<vmem>>)
      %dma_wait3A_380 = arith.constant 0 : i32
      %dma_wait3A_381 = tpu.memref_slice %arg6[%mul3A_375, %dma_wait3A_380] : memref<320000x128xf32, #tpu.memory_space<hbm>> -> memref<128x128xf32, #tpu.memory_space<hbm>>
      %dma_wait3A_382 = arith.constant 0 : i32
      %dma_wait3A_383 = tpu.memref_slice %arg6[%mul3A_375, %dma_wait3A_382] : memref<320000x128xf32, #tpu.memory_space<hbm>> -> memref<128x128xf32, #tpu.memory_space<hbm>>
      tpu.wait_dma2 semaphore(%arg30 : memref<!tpu.dma_semaphore, #tpu.memory_space<semaphore_mem>>) src(%dma_wait3A_383 : memref<128x128xf32, #tpu.memory_space<hbm>>) dst(%arg17 : memref<128x128xf32, #tpu.memory_space<vmem>>)
      %dma_start3A_384 = arith.constant 0 : i32
      %dma_start3A_385 = arith.constant 0 : i32
      %dma_start3A_386 = tpu.memref_slice %arg2[%dma_start3A_384, %dma_start3A_385] : memref<10000x128xf32, #tpu.memory_space<hbm>> -> memref<10000x128xf32, #tpu.memory_space<hbm>>
      tpu.enqueue_indirect_dma source(%dma_start3A_386 : memref<10000x128xf32, #tpu.memory_space<hbm>>) target(%arg20 : memref<128x128xf32, #tpu.memory_space<vmem>>) offsets(%arg15 : memref<128xi32, #tpu.memory_space<vmem>>) semaphore(%arg33 : memref<!tpu.dma_semaphore, #tpu.memory_space<semaphore_mem>>)
      %dma_start3A_387 = arith.constant 0 : i32
      %dma_start3A_388 = arith.constant 0 : i32
      %dma_start3A_389 = tpu.memref_slice %arg3[%dma_start3A_387, %dma_start3A_388] : memref<10000x128xf32, #tpu.memory_space<hbm>> -> memref<10000x128xf32, #tpu.memory_space<hbm>>
      tpu.enqueue_indirect_dma source(%dma_start3A_389 : memref<10000x128xf32, #tpu.memory_space<hbm>>) target(%arg21 : memref<128x128xf32, #tpu.memory_space<vmem>>) offsets(%arg16 : memref<128xi32, #tpu.memory_space<vmem>>) semaphore(%arg34 : memref<!tpu.dma_semaphore, #tpu.memory_space<semaphore_mem>>)
      %dma_wait3A_390 = arith.constant 0 : i32
      %dma_wait3A_391 = arith.constant 0 : i32
      %dma_wait3A_392 = tpu.memref_slice %arg2[%dma_wait3A_390, %dma_wait3A_391] : memref<10000x128xf32, #tpu.memory_space<hbm>> -> memref<10000x128xf32, #tpu.memory_space<hbm>>
      tpu.wait_indirect_dma semaphore(%arg31 : memref<!tpu.dma_semaphore, #tpu.memory_space<semaphore_mem>>) src(%dma_wait3A_392 : memref<10000x128xf32, #tpu.memory_space<hbm>>) dst(%arg18 : memref<128x128xf32, #tpu.memory_space<vmem>>)
      %dma_wait3A_393 = arith.constant 0 : i32
      %dma_wait3A_394 = arith.constant 0 : i32
      %dma_wait3A_395 = tpu.memref_slice %arg3[%dma_wait3A_393, %dma_wait3A_394] : memref<10000x128xf32, #tpu.memory_space<hbm>> -> memref<10000x128xf32, #tpu.memory_space<hbm>>
      tpu.wait_indirect_dma semaphore(%arg32 : memref<!tpu.dma_semaphore, #tpu.memory_space<semaphore_mem>>) src(%dma_wait3A_395 : memref<10000x128xf32, #tpu.memory_space<hbm>>) dst(%arg19 : memref<128x128xf32, #tpu.memory_space<vmem>>)
      %gt3A = arith.constant 0 : i32
      %gt3A_396 = arith.cmpi sgt, %scan3A_364, %gt3A : i32
      %convert_element_type3A_397 = arith.extui %gt3A_396 : i1 to i32
      %cond3A_398 = arith.constant 0 : i32
      %cond3A_399 = arith.cmpi ne, %convert_element_type3A_397, %cond3A_398 : i32
      scf.if %cond3A_399 {
        %sub3A_451 = arith.constant 2 : i32
        %sub3A_452 = arith.subi %mul3A_366, %sub3A_451 : i32
        %mul3A_453 = arith.constant 32 : i32
        %mul3A_454 = arith.muli %sub3A_452, %mul3A_453 : i32
        %add3A_455 = arith.addi %add3A, %mul3A_454 : i32
        %mul3A_456 = arith.constant 128 : i32
        %mul3A_457 = arith.muli %add3A_455, %mul3A_456 : i32
        %dma_wait3A_458 = arith.constant 0 : i32
        %dma_wait3A_459 = tpu.memref_slice %arg10[%mul3A_457, %dma_wait3A_458] : memref<320000x4xf32, #tpu.memory_space<hbm>> -> memref<128x4xf32, #tpu.memory_space<hbm>>
        %dma_wait3A_460 = arith.constant 0 : i32
        %dma_wait3A_461 = tpu.memref_slice %arg10[%mul3A_457, %dma_wait3A_460] : memref<320000x4xf32, #tpu.memory_space<hbm>> -> memref<128x4xf32, #tpu.memory_space<hbm>>
        tpu.wait_dma2 semaphore(%arg35 : memref<!tpu.dma_semaphore, #tpu.memory_space<semaphore_mem>>) src(%arg22 : memref<128x4xf32, #tpu.memory_space<vmem>>) dst(%dma_wait3A_461 : memref<128x4xf32, #tpu.memory_space<hbm>>)
      } else {
      }
      %scan3A_400 = arith.constant 0 : i32
      %scan3A_401 = arith.constant 0 : i32
      %scan3A_402 = arith.constant 32 : i32
      %scan3A_403 = arith.addi %scan3A_401, %scan3A_402 : i32
      %scan3A_404 = arith.constant 1 : i32
      scf.for %scan3A_451 = %scan3A_401 to %scan3A_403 step %scan3A_404  : i32 {
        %mul3A_452 = arith.constant 4 : i32
        %mul3A_453 = arith.muli %scan3A_451, %mul3A_452 : i32
        %add3A_454 = arith.constant 0 : i32
        %add3A_455 = arith.addi %mul3A_453, %add3A_454 : i32
        %get3A_456 = arith.index_cast %add3A_455 : i32 to index
        %get3A_457 = arith.constant 0 : index
        %get3A_458 = tpu.vector_load %arg18[%get3A_456, %get3A_457] {strides = array<i32>} : memref<128x128xf32, #tpu.memory_space<vmem>>, vector<16xf32>,
        %get3A_459 = arith.index_cast %add3A_455 : i32 to index
        %get3A_460 = arith.constant 0 : index
        %get3A_461 = tpu.vector_load %arg19[%get3A_459, %get3A_460] {strides = array<i32>} : memref<128x128xf32, #tpu.memory_space<vmem>>, vector<16xf32>,
        %add3A_462 = arith.addf %get3A_458, %get3A_461 : vector<16xf32>
        %get3A_463 = arith.index_cast %add3A_455 : i32 to index
        %get3A_464 = arith.constant 0 : index
        %get3A_465 = tpu.vector_load %arg14[%get3A_463, %get3A_464] {strides = array<i32>} : memref<128x128xf32, #tpu.memory_space<vmem>>, vector<16xf32>,
        %add3A_466 = arith.addf %add3A_462, %get3A_465 : vector<16xf32>
        %max3A = arith.constant 0.000000e+00 : f32
        %max3A_467 = vector.broadcast %max3A : f32 to vector<16xf32>
        %max3A_468 = arith.maximumf %add3A_466, %max3A_467 : vector<16xf32>
        %get3A_469 = arith.constant 0 : i32
        %get3A_470 = arith.index_cast %get3A_469 : i32 to index
        %get3A_471 = arith.constant 0 : index
        %get3A_472 = tpu.vector_load %arg25[%get3A_470, %get3A_471] {strides = array<i32>} : memref<4x128xf32, #tpu.memory_space<vmem>>, vector<16xf32>,
        %mul3A_473 = arith.mulf %max3A_468, %get3A_472 : vector<16xf32>
        %get3A_474 = arith.constant 1 : i32
        %get3A_475 = arith.index_cast %get3A_474 : i32 to index
        %get3A_476 = arith.constant 0 : index
        %get3A_477 = tpu.vector_load %arg25[%get3A_475, %get3A_476] {strides = array<i32>} : memref<4x128xf32, #tpu.memory_space<vmem>>, vector<16xf32>,
        %mul3A_478 = arith.mulf %max3A_468, %get3A_477 : vector<16xf32>
        %get3A_479 = arith.constant 2 : i32
        %get3A_480 = arith.index_cast %get3A_479 : i32 to index
        %get3A_481 = arith.constant 0 : index
        %get3A_482 = tpu.vector_load %arg25[%get3A_480, %get3A_481] {strides = array<i32>} : memref<4x128xf32, #tpu.memory_space<vmem>>, vector<16xf32>,
        %mul3A_483 = arith.mulf %max3A_468, %get3A_482 : vector<16xf32>
        %get3A_484 = arith.constant 3 : i32
        %get3A_485 = arith.index_cast %get3A_484 : i32 to index
        %get3A_486 = arith.constant 0 : index
        %get3A_487 = tpu.vector_load %arg25[%get3A_485, %get3A_486] {strides = array<i32>} : memref<4x128xf32, #tpu.memory_space<vmem>>, vector<16xf32>,
        %mul3A_488 = arith.mulf %max3A_468, %get3A_487 : vector<16xf32>
        %get3A_489 = arith.index_cast %add3A_455 : i32 to index
        %get3A_490 = arith.constant 16 : index
        %get3A_491 = tpu.vector_load %arg18[%get3A_489, %get3A_490] {strides = array<i32>} : memref<128x128xf32, #tpu.memory_space<vmem>>, vector<16xf32>,
        %get3A_492 = arith.index_cast %add3A_455 : i32 to index
        %get3A_493 = arith.constant 16 : index
        %get3A_494 = tpu.vector_load %arg19[%get3A_492, %get3A_493] {strides = array<i32>} : memref<128x128xf32, #tpu.memory_space<vmem>>, vector<16xf32>,
        %add3A_495 = arith.addf %get3A_491, %get3A_494 : vector<16xf32>
        %get3A_496 = arith.index_cast %add3A_455 : i32 to index
        %get3A_497 = arith.constant 16 : index
        %get3A_498 = tpu.vector_load %arg14[%get3A_496, %get3A_497] {strides = array<i32>} : memref<128x128xf32, #tpu.memory_space<vmem>>, vector<16xf32>,
        %add3A_499 = arith.addf %add3A_495, %get3A_498 : vector<16xf32>
        %max3A_500 = arith.constant 0.000000e+00 : f32
        %max3A_501 = vector.broadcast %max3A_500 : f32 to vector<16xf32>
        %max3A_502 = arith.maximumf %add3A_499, %max3A_501 : vector<16xf32>
        %get3A_503 = arith.constant 0 : i32
        %get3A_504 = arith.index_cast %get3A_503 : i32 to index
        %get3A_505 = arith.constant 16 : index
        %get3A_506 = tpu.vector_load %arg25[%get3A_504, %get3A_505] {strides = array<i32>} : memref<4x128xf32, #tpu.memory_space<vmem>>, vector<16xf32>,
        %mul3A_507 = arith.mulf %max3A_502, %get3A_506 : vector<16xf32>
        %add3A_508 = arith.addf %mul3A_473, %mul3A_507 : vector<16xf32>
        %get3A_509 = arith.constant 1 : i32
        %get3A_510 = arith.index_cast %get3A_509 : i32 to index
        %get3A_511 = arith.constant 16 : index
        %get3A_512 = tpu.vector_load %arg25[%get3A_510, %get3A_511] {strides = array<i32>} : memref<4x128xf32, #tpu.memory_space<vmem>>, vector<16xf32>,
        %mul3A_513 = arith.mulf %max3A_502, %get3A_512 : vector<16xf32>
        %add3A_514 = arith.addf %mul3A_478, %mul3A_513 : vector<16xf32>
        %get3A_515 = arith.constant 2 : i32
        %get3A_516 = arith.index_cast %get3A_515 : i32 to index
        %get3A_517 = arith.constant 16 : index
        %get3A_518 = tpu.vector_load %arg25[%get3A_516, %get3A_517] {strides = array<i32>} : memref<4x128xf32, #tpu.memory_space<vmem>>, vector<16xf32>,
        %mul3A_519 = arith.mulf %max3A_502, %get3A_518 : vector<16xf32>
        %add3A_520 = arith.addf %mul3A_483, %mul3A_519 : vector<16xf32>
        %get3A_521 = arith.constant 3 : i32
        %get3A_522 = arith.index_cast %get3A_521 : i32 to index
        %get3A_523 = arith.constant 16 : index
        %get3A_524 = tpu.vector_load %arg25[%get3A_522, %get3A_523] {strides = array<i32>} : memref<4x128xf32, #tpu.memory_space<vmem>>, vector<16xf32>,
        %mul3A_525 = arith.mulf %max3A_502, %get3A_524 : vector<16xf32>
        %add3A_526 = arith.addf %mul3A_488, %mul3A_525 : vector<16xf32>
        %get3A_527 = arith.index_cast %add3A_455 : i32 to index
        %get3A_528 = arith.constant 32 : index
        %get3A_529 = tpu.vector_load %arg18[%get3A_527, %get3A_528] {strides = array<i32>} : memref<128x128xf32, #tpu.memory_space<vmem>>, vector<16xf32>,
        %get3A_530 = arith.index_cast %add3A_455 : i32 to index
        %get3A_531 = arith.constant 32 : index
        %get3A_532 = tpu.vector_load %arg19[%get3A_530, %get3A_531] {strides = array<i32>} : memref<128x128xf32, #tpu.memory_space<vmem>>, vector<16xf32>,
        %add3A_533 = arith.addf %get3A_529, %get3A_532 : vector<16xf32>
        %get3A_534 = arith.index_cast %add3A_455 : i32 to index
        %get3A_535 = arith.constant 32 : index
        %get3A_536 = tpu.vector_load %arg14[%get3A_534, %get3A_535] {strides = array<i32>} : memref<128x128xf32, #tpu.memory_space<vmem>>, vector<16xf32>,
        %add3A_537 = arith.addf %add3A_533, %get3A_536 : vector<16xf32>
        %max3A_538 = arith.constant 0.000000e+00 : f32
        %max3A_539 = vector.broadcast %max3A_538 : f32 to vector<16xf32>
        %max3A_540 = arith.maximumf %add3A_537, %max3A_539 : vector<16xf32>
        %get3A_541 = arith.constant 0 : i32
        %get3A_542 = arith.index_cast %get3A_541 : i32 to index
        %get3A_543 = arith.constant 32 : index
        %get3A_544 = tpu.vector_load %arg25[%get3A_542, %get3A_543] {strides = array<i32>} : memref<4x128xf32, #tpu.memory_space<vmem>>, vector<16xf32>,
        %mul3A_545 = arith.mulf %max3A_540, %get3A_544 : vector<16xf32>
        %add3A_546 = arith.addf %add3A_508, %mul3A_545 : vector<16xf32>
        %get3A_547 = arith.constant 1 : i32
        %get3A_548 = arith.index_cast %get3A_547 : i32 to index
        %get3A_549 = arith.constant 32 : index
        %get3A_550 = tpu.vector_load %arg25[%get3A_548, %get3A_549] {strides = array<i32>} : memref<4x128xf32, #tpu.memory_space<vmem>>, vector<16xf32>,
        %mul3A_551 = arith.mulf %max3A_540, %get3A_550 : vector<16xf32>
        %add3A_552 = arith.addf %add3A_514, %mul3A_551 : vector<16xf32>
        %get3A_553 = arith.constant 2 : i32
        %get3A_554 = arith.index_cast %get3A_553 : i32 to index
        %get3A_555 = arith.constant 32 : index
        %get3A_556 = tpu.vector_load %arg25[%get3A_554, %get3A_555] {strides = array<i32>} : memref<4x128xf32, #tpu.memory_space<vmem>>, vector<16xf32>,
        %mul3A_557 = arith.mulf %max3A_540, %get3A_556 : vector<16xf32>
        %add3A_558 = arith.addf %add3A_520, %mul3A_557 : vector<16xf32>
        %get3A_559 = arith.constant 3 : i32
        %get3A_560 = arith.index_cast %get3A_559 : i32 to index
        %get3A_561 = arith.constant 32 : index
        %get3A_562 = tpu.vector_load %arg25[%get3A_560, %get3A_561] {strides = array<i32>} : memref<4x128xf32, #tpu.memory_space<vmem>>, vector<16xf32>,
        %mul3A_563 = arith.mulf %max3A_540, %get3A_562 : vector<16xf32>
        %add3A_564 = arith.addf %add3A_526, %mul3A_563 : vector<16xf32>
        %get3A_565 = arith.index_cast %add3A_455 : i32 to index
        %get3A_566 = arith.constant 48 : index
        %get3A_567 = tpu.vector_load %arg18[%get3A_565, %get3A_566] {strides = array<i32>} : memref<128x128xf32, #tpu.memory_space<vmem>>, vector<16xf32>,
        %get3A_568 = arith.index_cast %add3A_455 : i32 to index
        %get3A_569 = arith.constant 48 : index
        %get3A_570 = tpu.vector_load %arg19[%get3A_568, %get3A_569] {strides = array<i32>} : memref<128x128xf32, #tpu.memory_space<vmem>>, vector<16xf32>,
        %add3A_571 = arith.addf %get3A_567, %get3A_570 : vector<16xf32>
        %get3A_572 = arith.index_cast %add3A_455 : i32 to index
        %get3A_573 = arith.constant 48 : index
        %get3A_574 = tpu.vector_load %arg14[%get3A_572, %get3A_573] {strides = array<i32>} : memref<128x128xf32, #tpu.memory_space<vmem>>, vector<16xf32>,
        %add3A_575 = arith.addf %add3A_571, %get3A_574 : vector<16xf32>
        %max3A_576 = arith.constant 0.000000e+00 : f32
        %max3A_577 = vector.broadcast %max3A_576 : f32 to vector<16xf32>
        %max3A_578 = arith.maximumf %add3A_575, %max3A_577 : vector<16xf32>
        %get3A_579 = arith.constant 0 : i32
        %get3A_580 = arith.index_cast %get3A_579 : i32 to index
        %get3A_581 = arith.constant 48 : index
        %get3A_582 = tpu.vector_load %arg25[%get3A_580, %get3A_581] {strides = array<i32>} : memref<4x128xf32, #tpu.memory_space<vmem>>, vector<16xf32>,
        %mul3A_583 = arith.mulf %max3A_578, %get3A_582 : vector<16xf32>
        %add3A_584 = arith.addf %add3A_546, %mul3A_583 : vector<16xf32>
        %get3A_585 = arith.constant 1 : i32
        %get3A_586 = arith.index_cast %get3A_585 : i32 to index
        %get3A_587 = arith.constant 48 : index
        %get3A_588 = tpu.vector_load %arg25[%get3A_586, %get3A_587] {strides = array<i32>} : memref<4x128xf32, #tpu.memory_space<vmem>>, vector<16xf32>,
        %mul3A_589 = arith.mulf %max3A_578, %get3A_588 : vector<16xf32>
        %add3A_590 = arith.addf %add3A_552, %mul3A_589 : vector<16xf32>
        %get3A_591 = arith.constant 2 : i32
        %get3A_592 = arith.index_cast %get3A_591 : i32 to index
        %get3A_593 = arith.constant 48 : index
        %get3A_594 = tpu.vector_load %arg25[%get3A_592, %get3A_593] {strides = array<i32>} : memref<4x128xf32, #tpu.memory_space<vmem>>, vector<16xf32>,
        %mul3A_595 = arith.mulf %max3A_578, %get3A_594 : vector<16xf32>
        %add3A_596 = arith.addf %add3A_558, %mul3A_595 : vector<16xf32>
        %get3A_597 = arith.constant 3 : i32
        %get3A_598 = arith.index_cast %get3A_597 : i32 to index
        %get3A_599 = arith.constant 48 : index
        %get3A_600 = tpu.vector_load %arg25[%get3A_598, %get3A_599] {strides = array<i32>} : memref<4x128xf32, #tpu.memory_space<vmem>>, vector<16xf32>,
        %mul3A_601 = arith.mulf %max3A_578, %get3A_600 : vector<16xf32>
        %add3A_602 = arith.addf %add3A_564, %mul3A_601 : vector<16xf32>
        %get3A_603 = arith.index_cast %add3A_455 : i32 to index
        %get3A_604 = arith.constant 64 : index
        %get3A_605 = tpu.vector_load %arg18[%get3A_603, %get3A_604] {strides = array<i32>} : memref<128x128xf32, #tpu.memory_space<vmem>>, vector<16xf32>,
        %get3A_606 = arith.index_cast %add3A_455 : i32 to index
        %get3A_607 = arith.constant 64 : index
        %get3A_608 = tpu.vector_load %arg19[%get3A_606, %get3A_607] {strides = array<i32>} : memref<128x128xf32, #tpu.memory_space<vmem>>, vector<16xf32>,
        %add3A_609 = arith.addf %get3A_605, %get3A_608 : vector<16xf32>
        %get3A_610 = arith.index_cast %add3A_455 : i32 to index
        %get3A_611 = arith.constant 64 : index
        %get3A_612 = tpu.vector_load %arg14[%get3A_610, %get3A_611] {strides = array<i32>} : memref<128x128xf32, #tpu.memory_space<vmem>>, vector<16xf32>,
        %add3A_613 = arith.addf %add3A_609, %get3A_612 : vector<16xf32>
        %max3A_614 = arith.constant 0.000000e+00 : f32
        %max3A_615 = vector.broadcast %max3A_614 : f32 to vector<16xf32>
        %max3A_616 = arith.maximumf %add3A_613, %max3A_615 : vector<16xf32>
        %get3A_617 = arith.constant 0 : i32
        %get3A_618 = arith.index_cast %get3A_617 : i32 to index
        %get3A_619 = arith.constant 64 : index
        %get3A_620 = tpu.vector_load %arg25[%get3A_618, %get3A_619] {strides = array<i32>} : memref<4x128xf32, #tpu.memory_space<vmem>>, vector<16xf32>,
        %mul3A_621 = arith.mulf %max3A_616, %get3A_620 : vector<16xf32>
        %add3A_622 = arith.addf %add3A_584, %mul3A_621 : vector<16xf32>
        %get3A_623 = arith.constant 1 : i32
        %get3A_624 = arith.index_cast %get3A_623 : i32 to index
        %get3A_625 = arith.constant 64 : index
        %get3A_626 = tpu.vector_load %arg25[%get3A_624, %get3A_625] {strides = array<i32>} : memref<4x128xf32, #tpu.memory_space<vmem>>, vector<16xf32>,
        %mul3A_627 = arith.mulf %max3A_616, %get3A_626 : vector<16xf32>
        %add3A_628 = arith.addf %add3A_590, %mul3A_627 : vector<16xf32>
        %get3A_629 = arith.constant 2 : i32
        %get3A_630 = arith.index_cast %get3A_629 : i32 to index
        %get3A_631 = arith.constant 64 : index
        %get3A_632 = tpu.vector_load %arg25[%get3A_630, %get3A_631] {strides = array<i32>} : memref<4x128xf32, #tpu.memory_space<vmem>>, vector<16xf32>,
        %mul3A_633 = arith.mulf %max3A_616, %get3A_632 : vector<16xf32>
        %add3A_634 = arith.addf %add3A_596, %mul3A_633 : vector<16xf32>
        %get3A_635 = arith.constant 3 : i32
        %get3A_636 = arith.index_cast %get3A_635 : i32 to index
        %get3A_637 = arith.constant 64 : index
        %get3A_638 = tpu.vector_load %arg25[%get3A_636, %get3A_637] {strides = array<i32>} : memref<4x128xf32, #tpu.memory_space<vmem>>, vector<16xf32>,
        %mul3A_639 = arith.mulf %max3A_616, %get3A_638 : vector<16xf32>
        %add3A_640 = arith.addf %add3A_602, %mul3A_639 : vector<16xf32>
        %get3A_641 = arith.index_cast %add3A_455 : i32 to index
        %get3A_642 = arith.constant 80 : index
        %get3A_643 = tpu.vector_load %arg18[%get3A_641, %get3A_642] {strides = array<i32>} : memref<128x128xf32, #tpu.memory_space<vmem>>, vector<16xf32>,
        %get3A_644 = arith.index_cast %add3A_455 : i32 to index
        %get3A_645 = arith.constant 80 : index
        %get3A_646 = tpu.vector_load %arg19[%get3A_644, %get3A_645] {strides = array<i32>} : memref<128x128xf32, #tpu.memory_space<vmem>>, vector<16xf32>,
        %add3A_647 = arith.addf %get3A_643, %get3A_646 : vector<16xf32>
        %get3A_648 = arith.index_cast %add3A_455 : i32 to index
        %get3A_649 = arith.constant 80 : index
        %get3A_650 = tpu.vector_load %arg14[%get3A_648, %get3A_649] {strides = array<i32>} : memref<128x128xf32, #tpu.memory_space<vmem>>, vector<16xf32>,
        %add3A_651 = arith.addf %add3A_647, %get3A_650 : vector<16xf32>
        %max3A_652 = arith.constant 0.000000e+00 : f32
        %max3A_653 = vector.broadcast %max3A_652 : f32 to vector<16xf32>
        %max3A_654 = arith.maximumf %add3A_651, %max3A_653 : vector<16xf32>
        %get3A_655 = arith.constant 0 : i32
        %get3A_656 = arith.index_cast %get3A_655 : i32 to index
        %get3A_657 = arith.constant 80 : index
        %get3A_658 = tpu.vector_load %arg25[%get3A_656, %get3A_657] {strides = array<i32>} : memref<4x128xf32, #tpu.memory_space<vmem>>, vector<16xf32>,
        %mul3A_659 = arith.mulf %max3A_654, %get3A_658 : vector<16xf32>
        %add3A_660 = arith.addf %add3A_622, %mul3A_659 : vector<16xf32>
        %get3A_661 = arith.constant 1 : i32
        %get3A_662 = arith.index_cast %get3A_661 : i32 to index
        %get3A_663 = arith.constant 80 : index
        %get3A_664 = tpu.vector_load %arg25[%get3A_662, %get3A_663] {strides = array<i32>} : memref<4x128xf32, #tpu.memory_space<vmem>>, vector<16xf32>,
        %mul3A_665 = arith.mulf %max3A_654, %get3A_664 : vector<16xf32>
        %add3A_666 = arith.addf %add3A_628, %mul3A_665 : vector<16xf32>
        %get3A_667 = arith.constant 2 : i32
        %get3A_668 = arith.index_cast %get3A_667 : i32 to index
        %get3A_669 = arith.constant 80 : index
        %get3A_670 = tpu.vector_load %arg25[%get3A_668, %get3A_669] {strides = array<i32>} : memref<4x128xf32, #tpu.memory_space<vmem>>, vector<16xf32>,
        %mul3A_671 = arith.mulf %max3A_654, %get3A_670 : vector<16xf32>
        %add3A_672 = arith.addf %add3A_634, %mul3A_671 : vector<16xf32>
        %get3A_673 = arith.constant 3 : i32
        %get3A_674 = arith.index_cast %get3A_673 : i32 to index
        %get3A_675 = arith.constant 80 : index
        %get3A_676 = tpu.vector_load %arg25[%get3A_674, %get3A_675] {strides = array<i32>} : memref<4x128xf32, #tpu.memory_space<vmem>>, vector<16xf32>,
        %mul3A_677 = arith.mulf %max3A_654, %get3A_676 : vector<16xf32>
        %add3A_678 = arith.addf %add3A_640, %mul3A_677 : vector<16xf32>
        %get3A_679 = arith.index_cast %add3A_455 : i32 to index
        %get3A_680 = arith.constant 96 : index
        %get3A_681 = tpu.vector_load %arg18[%get3A_679, %get3A_680] {strides = array<i32>} : memref<128x128xf32, #tpu.memory_space<vmem>>, vector<16xf32>,
        %get3A_682 = arith.index_cast %add3A_455 : i32 to index
        %get3A_683 = arith.constant 96 : index
        %get3A_684 = tpu.vector_load %arg19[%get3A_682, %get3A_683] {strides = array<i32>} : memref<128x128xf32, #tpu.memory_space<vmem>>, vector<16xf32>,
        %add3A_685 = arith.addf %get3A_681, %get3A_684 : vector<16xf32>
        %get3A_686 = arith.index_cast %add3A_455 : i32 to index
        %get3A_687 = arith.constant 96 : index
        %get3A_688 = tpu.vector_load %arg14[%get3A_686, %get3A_687] {strides = array<i32>} : memref<128x128xf32, #tpu.memory_space<vmem>>, vector<16xf32>,
        %add3A_689 = arith.addf %add3A_685, %get3A_688 : vector<16xf32>
        %max3A_690 = arith.constant 0.000000e+00 : f32
        %max3A_691 = vector.broadcast %max3A_690 : f32 to vector<16xf32>
        %max3A_692 = arith.maximumf %add3A_689, %max3A_691 : vector<16xf32>
        %get3A_693 = arith.constant 0 : i32
        %get3A_694 = arith.index_cast %get3A_693 : i32 to index
        %get3A_695 = arith.constant 96 : index
        %get3A_696 = tpu.vector_load %arg25[%get3A_694, %get3A_695] {strides = array<i32>} : memref<4x128xf32, #tpu.memory_space<vmem>>, vector<16xf32>,
        %mul3A_697 = arith.mulf %max3A_692, %get3A_696 : vector<16xf32>
        %add3A_698 = arith.addf %add3A_660, %mul3A_697 : vector<16xf32>
        %get3A_699 = arith.constant 1 : i32
        %get3A_700 = arith.index_cast %get3A_699 : i32 to index
        %get3A_701 = arith.constant 96 : index
        %get3A_702 = tpu.vector_load %arg25[%get3A_700, %get3A_701] {strides = array<i32>} : memref<4x128xf32, #tpu.memory_space<vmem>>, vector<16xf32>,
        %mul3A_703 = arith.mulf %max3A_692, %get3A_702 : vector<16xf32>
        %add3A_704 = arith.addf %add3A_666, %mul3A_703 : vector<16xf32>
        %get3A_705 = arith.constant 2 : i32
        %get3A_706 = arith.index_cast %get3A_705 : i32 to index
        %get3A_707 = arith.constant 96 : index
        %get3A_708 = tpu.vector_load %arg25[%get3A_706, %get3A_707] {strides = array<i32>} : memref<4x128xf32, #tpu.memory_space<vmem>>, vector<16xf32>,
        %mul3A_709 = arith.mulf %max3A_692, %get3A_708 : vector<16xf32>
        %add3A_710 = arith.addf %add3A_672, %mul3A_709 : vector<16xf32>
        %get3A_711 = arith.constant 3 : i32
        %get3A_712 = arith.index_cast %get3A_711 : i32 to index
        %get3A_713 = arith.constant 96 : index
        %get3A_714 = tpu.vector_load %arg25[%get3A_712, %get3A_713] {strides = array<i32>} : memref<4x128xf32, #tpu.memory_space<vmem>>, vector<16xf32>,
        %mul3A_715 = arith.mulf %max3A_692, %get3A_714 : vector<16xf32>
        %add3A_716 = arith.addf %add3A_678, %mul3A_715 : vector<16xf32>
        %get3A_717 = arith.index_cast %add3A_455 : i32 to index
        %get3A_718 = arith.constant 112 : index
        %get3A_719 = tpu.vector_load %arg18[%get3A_717, %get3A_718] {strides = array<i32>} : memref<128x128xf32, #tpu.memory_space<vmem>>, vector<16xf32>,
        %get3A_720 = arith.index_cast %add3A_455 : i32 to index
        %get3A_721 = arith.constant 112 : index
        %get3A_722 = tpu.vector_load %arg19[%get3A_720, %get3A_721] {strides = array<i32>} : memref<128x128xf32, #tpu.memory_space<vmem>>, vector<16xf32>,
        %add3A_723 = arith.addf %get3A_719, %get3A_722 : vector<16xf32>
        %get3A_724 = arith.index_cast %add3A_455 : i32 to index
        %get3A_725 = arith.constant 112 : index
        %get3A_726 = tpu.vector_load %arg14[%get3A_724, %get3A_725] {strides = array<i32>} : memref<128x128xf32, #tpu.memory_space<vmem>>, vector<16xf32>,
        %add3A_727 = arith.addf %add3A_723, %get3A_726 : vector<16xf32>
        %max3A_728 = arith.constant 0.000000e+00 : f32
        %max3A_729 = vector.broadcast %max3A_728 : f32 to vector<16xf32>
        %max3A_730 = arith.maximumf %add3A_727, %max3A_729 : vector<16xf32>
        %get3A_731 = arith.constant 0 : i32
        %get3A_732 = arith.index_cast %get3A_731 : i32 to index
        %get3A_733 = arith.constant 112 : index
        %get3A_734 = tpu.vector_load %arg25[%get3A_732, %get3A_733] {strides = array<i32>} : memref<4x128xf32, #tpu.memory_space<vmem>>, vector<16xf32>,
        %mul3A_735 = arith.mulf %max3A_730, %get3A_734 : vector<16xf32>
        %add3A_736 = arith.addf %add3A_698, %mul3A_735 : vector<16xf32>
        %get3A_737 = arith.constant 1 : i32
        %get3A_738 = arith.index_cast %get3A_737 : i32 to index
        %get3A_739 = arith.constant 112 : index
        %get3A_740 = tpu.vector_load %arg25[%get3A_738, %get3A_739] {strides = array<i32>} : memref<4x128xf32, #tpu.memory_space<vmem>>, vector<16xf32>,
        %mul3A_741 = arith.mulf %max3A_730, %get3A_740 : vector<16xf32>
        %add3A_742 = arith.addf %add3A_704, %mul3A_741 : vector<16xf32>
        %get3A_743 = arith.constant 2 : i32
        %get3A_744 = arith.index_cast %get3A_743 : i32 to index
        %get3A_745 = arith.constant 112 : index
        %get3A_746 = tpu.vector_load %arg25[%get3A_744, %get3A_745] {strides = array<i32>} : memref<4x128xf32, #tpu.memory_space<vmem>>, vector<16xf32>,
        %mul3A_747 = arith.mulf %max3A_730, %get3A_746 : vector<16xf32>
        %add3A_748 = arith.addf %add3A_710, %mul3A_747 : vector<16xf32>
        %get3A_749 = arith.constant 3 : i32
        %get3A_750 = arith.index_cast %get3A_749 : i32 to index
        %get3A_751 = arith.constant 112 : index
        %get3A_752 = tpu.vector_load %arg25[%get3A_750, %get3A_751] {strides = array<i32>} : memref<4x128xf32, #tpu.memory_space<vmem>>, vector<16xf32>,
        %mul3A_753 = arith.mulf %max3A_730, %get3A_752 : vector<16xf32>
        %add3A_754 = arith.addf %add3A_716, %mul3A_753 : vector<16xf32>
        %eq3A_755 = arith.constant 0 : i32
        %eq3A_756 = vector.broadcast %eq3A_755 : i32 to vector<16xi32>
        %eq3A_757 = arith.cmpi eq, %iota3A, %eq3A_756 : vector<16xi32>
        %reduce_sum3A = arith.constant true
        %reduce_sum3A_758 = vector.broadcast %reduce_sum3A : i1 to vector<16xi1>
        %reduce_sum3A_759 = tpu.scan <sum>, %add3A_736 masked %reduce_sum3A_758 : vector<16xf32>, vector<16xi1> -> vector<16xf32>
        %reduce_sum3A_760 = vector.extract %reduce_sum3A_759[15] : f32 from vector<16xf32>
        %add3A_761 = vector.broadcast %reduce_sum3A_760 : f32 to vector<16xf32>
        %add3A_762 = arith.addf %add3A_761, %get3A_298 : vector<16xf32>
        %select_n3A_763 = arith.select %eq3A_757, %add3A_762, %get3A_298 : vector<16xi1>, vector<16xf32>
        %eq3A_764 = arith.constant 1 : i32
        %eq3A_765 = vector.broadcast %eq3A_764 : i32 to vector<16xi32>
        %eq3A_766 = arith.cmpi eq, %iota3A, %eq3A_765 : vector<16xi32>
        %reduce_sum3A_767 = arith.constant true
        %reduce_sum3A_768 = vector.broadcast %reduce_sum3A_767 : i1 to vector<16xi1>
        %reduce_sum3A_769 = tpu.scan <sum>, %add3A_742 masked %reduce_sum3A_768 : vector<16xf32>, vector<16xi1> -> vector<16xf32>
        %reduce_sum3A_770 = vector.extract %reduce_sum3A_769[15] : f32 from vector<16xf32>
        %add3A_771 = vector.broadcast %reduce_sum3A_770 : f32 to vector<16xf32>
        %add3A_772 = arith.addf %add3A_771, %select_n3A_763 : vector<16xf32>
        %select_n3A_773 = arith.select %eq3A_766, %add3A_772, %select_n3A_763 : vector<16xi1>, vector<16xf32>
        %eq3A_774 = arith.constant 2 : i32
        %eq3A_775 = vector.broadcast %eq3A_774 : i32 to vector<16xi32>
        %eq3A_776 = arith.cmpi eq, %iota3A, %eq3A_775 : vector<16xi32>
        %reduce_sum3A_777 = arith.constant true
        %reduce_sum3A_778 = vector.broadcast %reduce_sum3A_777 : i1 to vector<16xi1>
        %reduce_sum3A_779 = tpu.scan <sum>, %add3A_748 masked %reduce_sum3A_778 : vector<16xf32>, vector<16xi1> -> vector<16xf32>
        %reduce_sum3A_780 = vector.extract %reduce_sum3A_779[15] : f32 from vector<16xf32>
        %add3A_781 = vector.broadcast %reduce_sum3A_780 : f32 to vector<16xf32>
        %add3A_782 = arith.addf %add3A_781, %select_n3A_773 : vector<16xf32>
        %select_n3A_783 = arith.select %eq3A_776, %add3A_782, %select_n3A_773 : vector<16xi1>, vector<16xf32>
        %eq3A_784 = arith.constant 3 : i32
        %eq3A_785 = vector.broadcast %eq3A_784 : i32 to vector<16xi32>
        %eq3A_786 = arith.cmpi eq, %iota3A, %eq3A_785 : vector<16xi32>
        %reduce_sum3A_787 = arith.constant true
        %reduce_sum3A_788 = vector.broadcast %reduce_sum3A_787 : i1 to vector<16xi1>
        %reduce_sum3A_789 = tpu.scan <sum>, %add3A_754 masked %reduce_sum3A_788 : vector<16xf32>, vector<16xi1> -> vector<16xf32>
        %reduce_sum3A_790 = vector.extract %reduce_sum3A_789[15] : f32 from vector<16xf32>
        %add3A_791 = vector.broadcast %reduce_sum3A_790 : f32 to vector<16xf32>
        %add3A_792 = arith.addf %add3A_791, %select_n3A_783 : vector<16xf32>
        %select_n3A_793 = arith.select %eq3A_786, %add3A_792, %select_n3A_783 : vector<16xi1>, vector<16xf32>
        %mul3A_794 = arith.constant 4 : i32
        %mul3A_795 = arith.muli %scan3A_451, %mul3A_794 : i32
        %add3A_796 = arith.constant 1 : i32
        %add3A_797 = arith.addi %mul3A_795, %add3A_796 : i32
        %get3A_798 = arith.index_cast %add3A_797 : i32 to index
        %get3A_799 = arith.constant 0 : index
        %get3A_800 = tpu.vector_load %arg18[%get3A_798, %get3A_799] {strides = array<i32>} : memref<128x128xf32, #tpu.memory_space<vmem>>, vector<16xf32>,
        %get3A_801 = arith.index_cast %add3A_797 : i32 to index
        %get3A_802 = arith.constant 0 : index
        %get3A_803 = tpu.vector_load %arg19[%get3A_801, %get3A_802] {strides = array<i32>} : memref<128x128xf32, #tpu.memory_space<vmem>>, vector<16xf32>,
        %add3A_804 = arith.addf %get3A_800, %get3A_803 : vector<16xf32>
        %get3A_805 = arith.index_cast %add3A_797 : i32 to index
        %get3A_806 = arith.constant 0 : index
        %get3A_807 = tpu.vector_load %arg14[%get3A_805, %get3A_806] {strides = array<i32>} : memref<128x128xf32, #tpu.memory_space<vmem>>, vector<16xf32>,
        %add3A_808 = arith.addf %add3A_804, %get3A_807 : vector<16xf32>
        %max3A_809 = arith.constant 0.000000e+00 : f32
        %max3A_810 = vector.broadcast %max3A_809 : f32 to vector<16xf32>
        %max3A_811 = arith.maximumf %add3A_808, %max3A_810 : vector<16xf32>
        %get3A_812 = arith.constant 0 : i32
        %get3A_813 = arith.index_cast %get3A_812 : i32 to index
        %get3A_814 = arith.constant 0 : index
        %get3A_815 = tpu.vector_load %arg25[%get3A_813, %get3A_814] {strides = array<i32>} : memref<4x128xf32, #tpu.memory_space<vmem>>, vector<16xf32>,
        %mul3A_816 = arith.mulf %max3A_811, %get3A_815 : vector<16xf32>
        %get3A_817 = arith.constant 1 : i32
        %get3A_818 = arith.index_cast %get3A_817 : i32 to index
        %get3A_819 = arith.constant 0 : index
        %get3A_820 = tpu.vector_load %arg25[%get3A_818, %get3A_819] {strides = array<i32>} : memref<4x128xf32, #tpu.memory_space<vmem>>, vector<16xf32>,
        %mul3A_821 = arith.mulf %max3A_811, %get3A_820 : vector<16xf32>
        %get3A_822 = arith.constant 2 : i32
        %get3A_823 = arith.index_cast %get3A_822 : i32 to index
        %get3A_824 = arith.constant 0 : index
        %get3A_825 = tpu.vector_load %arg25[%get3A_823, %get3A_824] {strides = array<i32>} : memref<4x128xf32, #tpu.memory_space<vmem>>, vector<16xf32>,
        %mul3A_826 = arith.mulf %max3A_811, %get3A_825 : vector<16xf32>
        %get3A_827 = arith.constant 3 : i32
        %get3A_828 = arith.index_cast %get3A_827 : i32 to index
        %get3A_829 = arith.constant 0 : index
        %get3A_830 = tpu.vector_load %arg25[%get3A_828, %get3A_829] {strides = array<i32>} : memref<4x128xf32, #tpu.memory_space<vmem>>, vector<16xf32>,
        %mul3A_831 = arith.mulf %max3A_811, %get3A_830 : vector<16xf32>
        %get3A_832 = arith.index_cast %add3A_797 : i32 to index
        %get3A_833 = arith.constant 16 : index
        %get3A_834 = tpu.vector_load %arg18[%get3A_832, %get3A_833] {strides = array<i32>} : memref<128x128xf32, #tpu.memory_space<vmem>>, vector<16xf32>,
        %get3A_835 = arith.index_cast %add3A_797 : i32 to index
        %get3A_836 = arith.constant 16 : index
        %get3A_837 = tpu.vector_load %arg19[%get3A_835, %get3A_836] {strides = array<i32>} : memref<128x128xf32, #tpu.memory_space<vmem>>, vector<16xf32>,
        %add3A_838 = arith.addf %get3A_834, %get3A_837 : vector<16xf32>
        %get3A_839 = arith.index_cast %add3A_797 : i32 to index
        %get3A_840 = arith.constant 16 : index
        %get3A_841 = tpu.vector_load %arg14[%get3A_839, %get3A_840] {strides = array<i32>} : memref<128x128xf32, #tpu.memory_space<vmem>>, vector<16xf32>,
        %add3A_842 = arith.addf %add3A_838, %get3A_841 : vector<16xf32>
        %max3A_843 = arith.constant 0.000000e+00 : f32
        %max3A_844 = vector.broadcast %max3A_843 : f32 to vector<16xf32>
        %max3A_845 = arith.maximumf %add3A_842, %max3A_844 : vector<16xf32>
        %get3A_846 = arith.constant 0 : i32
        %get3A_847 = arith.index_cast %get3A_846 : i32 to index
        %get3A_848 = arith.constant 16 : index
        %get3A_849 = tpu.vector_load %arg25[%get3A_847, %get3A_848] {strides = array<i32>} : memref<4x128xf32, #tpu.memory_space<vmem>>, vector<16xf32>,
        %mul3A_850 = arith.mulf %max3A_845, %get3A_849 : vector<16xf32>
        %add3A_851 = arith.addf %mul3A_816, %mul3A_850 : vector<16xf32>
        %get3A_852 = arith.constant 1 : i32
        %get3A_853 = arith.index_cast %get3A_852 : i32 to index
        %get3A_854 = arith.constant 16 : index
        %get3A_855 = tpu.vector_load %arg25[%get3A_853, %get3A_854] {strides = array<i32>} : memref<4x128xf32, #tpu.memory_space<vmem>>, vector<16xf32>,
        %mul3A_856 = arith.mulf %max3A_845, %get3A_855 : vector<16xf32>
        %add3A_857 = arith.addf %mul3A_821, %mul3A_856 : vector<16xf32>
        %get3A_858 = arith.constant 2 : i32
        %get3A_859 = arith.index_cast %get3A_858 : i32 to index
        %get3A_860 = arith.constant 16 : index
        %get3A_861 = tpu.vector_load %arg25[%get3A_859, %get3A_860] {strides = array<i32>} : memref<4x128xf32, #tpu.memory_space<vmem>>, vector<16xf32>,
        %mul3A_862 = arith.mulf %max3A_845, %get3A_861 : vector<16xf32>
        %add3A_863 = arith.addf %mul3A_826, %mul3A_862 : vector<16xf32>
        %get3A_864 = arith.constant 3 : i32
        %get3A_865 = arith.index_cast %get3A_864 : i32 to index
        %get3A_866 = arith.constant 16 : index
        %get3A_867 = tpu.vector_load %arg25[%get3A_865, %get3A_866] {strides = array<i32>} : memref<4x128xf32, #tpu.memory_space<vmem>>, vector<16xf32>,
        %mul3A_868 = arith.mulf %max3A_845, %get3A_867 : vector<16xf32>
        %add3A_869 = arith.addf %mul3A_831, %mul3A_868 : vector<16xf32>
        %get3A_870 = arith.index_cast %add3A_797 : i32 to index
        %get3A_871 = arith.constant 32 : index
        %get3A_872 = tpu.vector_load %arg18[%get3A_870, %get3A_871] {strides = array<i32>} : memref<128x128xf32, #tpu.memory_space<vmem>>, vector<16xf32>,
        %get3A_873 = arith.index_cast %add3A_797 : i32 to index
        %get3A_874 = arith.constant 32 : index
        %get3A_875 = tpu.vector_load %arg19[%get3A_873, %get3A_874] {strides = array<i32>} : memref<128x128xf32, #tpu.memory_space<vmem>>, vector<16xf32>,
        %add3A_876 = arith.addf %get3A_872, %get3A_875 : vector<16xf32>
        %get3A_877 = arith.index_cast %add3A_797 : i32 to index
        %get3A_878 = arith.constant 32 : index
        %get3A_879 = tpu.vector_load %arg14[%get3A_877, %get3A_878] {strides = array<i32>} : memref<128x128xf32, #tpu.memory_space<vmem>>, vector<16xf32>,
        %add3A_880 = arith.addf %add3A_876, %get3A_879 : vector<16xf32>
        %max3A_881 = arith.constant 0.000000e+00 : f32
        %max3A_882 = vector.broadcast %max3A_881 : f32 to vector<16xf32>
        %max3A_883 = arith.maximumf %add3A_880, %max3A_882 : vector<16xf32>
        %get3A_884 = arith.constant 0 : i32
        %get3A_885 = arith.index_cast %get3A_884 : i32 to index
        %get3A_886 = arith.constant 32 : index
        %get3A_887 = tpu.vector_load %arg25[%get3A_885, %get3A_886] {strides = array<i32>} : memref<4x128xf32, #tpu.memory_space<vmem>>, vector<16xf32>,
        %mul3A_888 = arith.mulf %max3A_883, %get3A_887 : vector<16xf32>
        %add3A_889 = arith.addf %add3A_851, %mul3A_888 : vector<16xf32>
        %get3A_890 = arith.constant 1 : i32
        %get3A_891 = arith.index_cast %get3A_890 : i32 to index
        %get3A_892 = arith.constant 32 : index
        %get3A_893 = tpu.vector_load %arg25[%get3A_891, %get3A_892] {strides = array<i32>} : memref<4x128xf32, #tpu.memory_space<vmem>>, vector<16xf32>,
        %mul3A_894 = arith.mulf %max3A_883, %get3A_893 : vector<16xf32>
        %add3A_895 = arith.addf %add3A_857, %mul3A_894 : vector<16xf32>
        %get3A_896 = arith.constant 2 : i32
        %get3A_897 = arith.index_cast %get3A_896 : i32 to index
        %get3A_898 = arith.constant 32 : index
        %get3A_899 = tpu.vector_load %arg25[%get3A_897, %get3A_898] {strides = array<i32>} : memref<4x128xf32, #tpu.memory_space<vmem>>, vector<16xf32>,
        %mul3A_900 = arith.mulf %max3A_883, %get3A_899 : vector<16xf32>
        %add3A_901 = arith.addf %add3A_863, %mul3A_900 : vector<16xf32>
        %get3A_902 = arith.constant 3 : i32
        %get3A_903 = arith.index_cast %get3A_902 : i32 to index
        %get3A_904 = arith.constant 32 : index
        %get3A_905 = tpu.vector_load %arg25[%get3A_903, %get3A_904] {strides = array<i32>} : memref<4x128xf32, #tpu.memory_space<vmem>>, vector<16xf32>,
        %mul3A_906 = arith.mulf %max3A_883, %get3A_905 : vector<16xf32>
        %add3A_907 = arith.addf %add3A_869, %mul3A_906 : vector<16xf32>
        %get3A_908 = arith.index_cast %add3A_797 : i32 to index
        %get3A_909 = arith.constant 48 : index
        %get3A_910 = tpu.vector_load %arg18[%get3A_908, %get3A_909] {strides = array<i32>} : memref<128x128xf32, #tpu.memory_space<vmem>>, vector<16xf32>,
        %get3A_911 = arith.index_cast %add3A_797 : i32 to index
        %get3A_912 = arith.constant 48 : index
        %get3A_913 = tpu.vector_load %arg19[%get3A_911, %get3A_912] {strides = array<i32>} : memref<128x128xf32, #tpu.memory_space<vmem>>, vector<16xf32>,
        %add3A_914 = arith.addf %get3A_910, %get3A_913 : vector<16xf32>
        %get3A_915 = arith.index_cast %add3A_797 : i32 to index
        %get3A_916 = arith.constant 48 : index
        %get3A_917 = tpu.vector_load %arg14[%get3A_915, %get3A_916] {strides = array<i32>} : memref<128x128xf32, #tpu.memory_space<vmem>>, vector<16xf32>,
        %add3A_918 = arith.addf %add3A_914, %get3A_917 : vector<16xf32>
        %max3A_919 = arith.constant 0.000000e+00 : f32
        %max3A_920 = vector.broadcast %max3A_919 : f32 to vector<16xf32>
        %max3A_921 = arith.maximumf %add3A_918, %max3A_920 : vector<16xf32>
        %get3A_922 = arith.constant 0 : i32
        %get3A_923 = arith.index_cast %get3A_922 : i32 to index
        %get3A_924 = arith.constant 48 : index
        %get3A_925 = tpu.vector_load %arg25[%get3A_923, %get3A_924] {strides = array<i32>} : memref<4x128xf32, #tpu.memory_space<vmem>>, vector<16xf32>,
        %mul3A_926 = arith.mulf %max3A_921, %get3A_925 : vector<16xf32>
        %add3A_927 = arith.addf %add3A_889, %mul3A_926 : vector<16xf32>
        %get3A_928 = arith.constant 1 : i32
        %get3A_929 = arith.index_cast %get3A_928 : i32 to index
        %get3A_930 = arith.constant 48 : index
        %get3A_931 = tpu.vector_load %arg25[%get3A_929, %get3A_930] {strides = array<i32>} : memref<4x128xf32, #tpu.memory_space<vmem>>, vector<16xf32>,
        %mul3A_932 = arith.mulf %max3A_921, %get3A_931 : vector<16xf32>
        %add3A_933 = arith.addf %add3A_895, %mul3A_932 : vector<16xf32>
        %get3A_934 = arith.constant 2 : i32
        %get3A_935 = arith.index_cast %get3A_934 : i32 to index
        %get3A_936 = arith.constant 48 : index
        %get3A_937 = tpu.vector_load %arg25[%get3A_935, %get3A_936] {strides = array<i32>} : memref<4x128xf32, #tpu.memory_space<vmem>>, vector<16xf32>,
        %mul3A_938 = arith.mulf %max3A_921, %get3A_937 : vector<16xf32>
        %add3A_939 = arith.addf %add3A_901, %mul3A_938 : vector<16xf32>
        %get3A_940 = arith.constant 3 : i32
        %get3A_941 = arith.index_cast %get3A_940 : i32 to index
        %get3A_942 = arith.constant 48 : index
        %get3A_943 = tpu.vector_load %arg25[%get3A_941, %get3A_942] {strides = array<i32>} : memref<4x128xf32, #tpu.memory_space<vmem>>, vector<16xf32>,
        %mul3A_944 = arith.mulf %max3A_921, %get3A_943 : vector<16xf32>
        %add3A_945 = arith.addf %add3A_907, %mul3A_944 : vector<16xf32>
        %get3A_946 = arith.index_cast %add3A_797 : i32 to index
        %get3A_947 = arith.constant 64 : index
        %get3A_948 = tpu.vector_load %arg18[%get3A_946, %get3A_947] {strides = array<i32>} : memref<128x128xf32, #tpu.memory_space<vmem>>, vector<16xf32>,
        %get3A_949 = arith.index_cast %add3A_797 : i32 to index
        %get3A_950 = arith.constant 64 : index
        %get3A_951 = tpu.vector_load %arg19[%get3A_949, %get3A_950] {strides = array<i32>} : memref<128x128xf32, #tpu.memory_space<vmem>>, vector<16xf32>,
        %add3A_952 = arith.addf %get3A_948, %get3A_951 : vector<16xf32>
        %get3A_953 = arith.index_cast %add3A_797 : i32 to index
        %get3A_954 = arith.constant 64 : index
        %get3A_955 = tpu.vector_load %arg14[%get3A_953, %get3A_954] {strides = array<i32>} : memref<128x128xf32, #tpu.memory_space<vmem>>, vector<16xf32>,
        %add3A_956 = arith.addf %add3A_952, %get3A_955 : vector<16xf32>
        %max3A_957 = arith.constant 0.000000e+00 : f32
        %max3A_958 = vector.broadcast %max3A_957 : f32 to vector<16xf32>
        %max3A_959 = arith.maximumf %add3A_956, %max3A_958 : vector<16xf32>
        %get3A_960 = arith.constant 0 : i32
        %get3A_961 = arith.index_cast %get3A_960 : i32 to index
        %get3A_962 = arith.constant 64 : index
        %get3A_963 = tpu.vector_load %arg25[%get3A_961, %get3A_962] {strides = array<i32>} : memref<4x128xf32, #tpu.memory_space<vmem>>, vector<16xf32>,
        %mul3A_964 = arith.mulf %max3A_959, %get3A_963 : vector<16xf32>
        %add3A_965 = arith.addf %add3A_927, %mul3A_964 : vector<16xf32>
        %get3A_966 = arith.constant 1 : i32
        %get3A_967 = arith.index_cast %get3A_966 : i32 to index
        %get3A_968 = arith.constant 64 : index
        %get3A_969 = tpu.vector_load %arg25[%get3A_967, %get3A_968] {strides = array<i32>} : memref<4x128xf32, #tpu.memory_space<vmem>>, vector<16xf32>,
        %mul3A_970 = arith.mulf %max3A_959, %get3A_969 : vector<16xf32>
        %add3A_971 = arith.addf %add3A_933, %mul3A_970 : vector<16xf32>
        %get3A_972 = arith.constant 2 : i32
        %get3A_973 = arith.index_cast %get3A_972 : i32 to index
        %get3A_974 = arith.constant 64 : index
        %get3A_975 = tpu.vector_load %arg25[%get3A_973, %get3A_974] {strides = array<i32>} : memref<4x128xf32, #tpu.memory_space<vmem>>, vector<16xf32>,
        %mul3A_976 = arith.mulf %max3A_959, %get3A_975 : vector<16xf32>
        %add3A_977 = arith.addf %add3A_939, %mul3A_976 : vector<16xf32>
        %get3A_978 = arith.constant 3 : i32
        %get3A_979 = arith.index_cast %get3A_978 : i32 to index
        %get3A_980 = arith.constant 64 : index
        %get3A_981 = tpu.vector_load %arg25[%get3A_979, %get3A_980] {strides = array<i32>} : memref<4x128xf32, #tpu.memory_space<vmem>>, vector<16xf32>,
        %mul3A_982 = arith.mulf %max3A_959, %get3A_981 : vector<16xf32>
        %add3A_983 = arith.addf %add3A_945, %mul3A_982 : vector<16xf32>
        %get3A_984 = arith.index_cast %add3A_797 : i32 to index
        %get3A_985 = arith.constant 80 : index
        %get3A_986 = tpu.vector_load %arg18[%get3A_984, %get3A_985] {strides = array<i32>} : memref<128x128xf32, #tpu.memory_space<vmem>>, vector<16xf32>,
        %get3A_987 = arith.index_cast %add3A_797 : i32 to index
        %get3A_988 = arith.constant 80 : index
        %get3A_989 = tpu.vector_load %arg19[%get3A_987, %get3A_988] {strides = array<i32>} : memref<128x128xf32, #tpu.memory_space<vmem>>, vector<16xf32>,
        %add3A_990 = arith.addf %get3A_986, %get3A_989 : vector<16xf32>
        %get3A_991 = arith.index_cast %add3A_797 : i32 to index
        %get3A_992 = arith.constant 80 : index
        %get3A_993 = tpu.vector_load %arg14[%get3A_991, %get3A_992] {strides = array<i32>} : memref<128x128xf32, #tpu.memory_space<vmem>>, vector<16xf32>,
        %add3A_994 = arith.addf %add3A_990, %get3A_993 : vector<16xf32>
        %max3A_995 = arith.constant 0.000000e+00 : f32
        %max3A_996 = vector.broadcast %max3A_995 : f32 to vector<16xf32>
        %max3A_997 = arith.maximumf %add3A_994, %max3A_996 : vector<16xf32>
        %get3A_998 = arith.constant 0 : i32
        %get3A_999 = arith.index_cast %get3A_998 : i32 to index
        %get3A_1000 = arith.constant 80 : index
        %get3A_1001 = tpu.vector_load %arg25[%get3A_999, %get3A_1000] {strides = array<i32>} : memref<4x128xf32, #tpu.memory_space<vmem>>, vector<16xf32>,
        %mul3A_1002 = arith.mulf %max3A_997, %get3A_1001 : vector<16xf32>
        %add3A_1003 = arith.addf %add3A_965, %mul3A_1002 : vector<16xf32>
        %get3A_1004 = arith.constant 1 : i32
        %get3A_1005 = arith.index_cast %get3A_1004 : i32 to index
        %get3A_1006 = arith.constant 80 : index
        %get3A_1007 = tpu.vector_load %arg25[%get3A_1005, %get3A_1006] {strides = array<i32>} : memref<4x128xf32, #tpu.memory_space<vmem>>, vector<16xf32>,
        %mul3A_1008 = arith.mulf %max3A_997, %get3A_1007 : vector<16xf32>
        %add3A_1009 = arith.addf %add3A_971, %mul3A_1008 : vector<16xf32>
        %get3A_1010 = arith.constant 2 : i32
        %get3A_1011 = arith.index_cast %get3A_1010 : i32 to index
        %get3A_1012 = arith.constant 80 : index
        %get3A_1013 = tpu.vector_load %arg25[%get3A_1011, %get3A_1012] {strides = array<i32>} : memref<4x128xf32, #tpu.memory_space<vmem>>, vector<16xf32>,
        %mul3A_1014 = arith.mulf %max3A_997, %get3A_1013 : vector<16xf32>
        %add3A_1015 = arith.addf %add3A_977, %mul3A_1014 : vector<16xf32>
        %get3A_1016 = arith.constant 3 : i32
        %get3A_1017 = arith.index_cast %get3A_1016 : i32 to index
        %get3A_1018 = arith.constant 80 : index
        %get3A_1019 = tpu.vector_load %arg25[%get3A_1017, %get3A_1018] {strides = array<i32>} : memref<4x128xf32, #tpu.memory_space<vmem>>, vector<16xf32>,
        %mul3A_1020 = arith.mulf %max3A_997, %get3A_1019 : vector<16xf32>
        %add3A_1021 = arith.addf %add3A_983, %mul3A_1020 : vector<16xf32>
        %get3A_1022 = arith.index_cast %add3A_797 : i32 to index
        %get3A_1023 = arith.constant 96 : index
        %get3A_1024 = tpu.vector_load %arg18[%get3A_1022, %get3A_1023] {strides = array<i32>} : memref<128x128xf32, #tpu.memory_space<vmem>>, vector<16xf32>,
        %get3A_1025 = arith.index_cast %add3A_797 : i32 to index
        %get3A_1026 = arith.constant 96 : index
        %get3A_1027 = tpu.vector_load %arg19[%get3A_1025, %get3A_1026] {strides = array<i32>} : memref<128x128xf32, #tpu.memory_space<vmem>>, vector<16xf32>,
        %add3A_1028 = arith.addf %get3A_1024, %get3A_1027 : vector<16xf32>
        %get3A_1029 = arith.index_cast %add3A_797 : i32 to index
        %get3A_1030 = arith.constant 96 : index
        %get3A_1031 = tpu.vector_load %arg14[%get3A_1029, %get3A_1030] {strides = array<i32>} : memref<128x128xf32, #tpu.memory_space<vmem>>, vector<16xf32>,
        %add3A_1032 = arith.addf %add3A_1028, %get3A_1031 : vector<16xf32>
        %max3A_1033 = arith.constant 0.000000e+00 : f32
        %max3A_1034 = vector.broadcast %max3A_1033 : f32 to vector<16xf32>
        %max3A_1035 = arith.maximumf %add3A_1032, %max3A_1034 : vector<16xf32>
        %get3A_1036 = arith.constant 0 : i32
        %get3A_1037 = arith.index_cast %get3A_1036 : i32 to index
        %get3A_1038 = arith.constant 96 : index
        %get3A_1039 = tpu.vector_load %arg25[%get3A_1037, %get3A_1038] {strides = array<i32>} : memref<4x128xf32, #tpu.memory_space<vmem>>, vector<16xf32>,
        %mul3A_1040 = arith.mulf %max3A_1035, %get3A_1039 : vector<16xf32>
        %add3A_1041 = arith.addf %add3A_1003, %mul3A_1040 : vector<16xf32>
        %get3A_1042 = arith.constant 1 : i32
        %get3A_1043 = arith.index_cast %get3A_1042 : i32 to index
        %get3A_1044 = arith.constant 96 : index
        %get3A_1045 = tpu.vector_load %arg25[%get3A_1043, %get3A_1044] {strides = array<i32>} : memref<4x128xf32, #tpu.memory_space<vmem>>, vector<16xf32>,
        %mul3A_1046 = arith.mulf %max3A_1035, %get3A_1045 : vector<16xf32>
        %add3A_1047 = arith.addf %add3A_1009, %mul3A_1046 : vector<16xf32>
        %get3A_1048 = arith.constant 2 : i32
        %get3A_1049 = arith.index_cast %get3A_1048 : i32 to index
        %get3A_1050 = arith.constant 96 : index
        %get3A_1051 = tpu.vector_load %arg25[%get3A_1049, %get3A_1050] {strides = array<i32>} : memref<4x128xf32, #tpu.memory_space<vmem>>, vector<16xf32>,
        %mul3A_1052 = arith.mulf %max3A_1035, %get3A_1051 : vector<16xf32>
        %add3A_1053 = arith.addf %add3A_1015, %mul3A_1052 : vector<16xf32>
        %get3A_1054 = arith.constant 3 : i32
        %get3A_1055 = arith.index_cast %get3A_1054 : i32 to index
        %get3A_1056 = arith.constant 96 : index
        %get3A_1057 = tpu.vector_load %arg25[%get3A_1055, %get3A_1056] {strides = array<i32>} : memref<4x128xf32, #tpu.memory_space<vmem>>, vector<16xf32>,
        %mul3A_1058 = arith.mulf %max3A_1035, %get3A_1057 : vector<16xf32>
        %add3A_1059 = arith.addf %add3A_1021, %mul3A_1058 : vector<16xf32>
        %get3A_1060 = arith.index_cast %add3A_797 : i32 to index
        %get3A_1061 = arith.constant 112 : index
        %get3A_1062 = tpu.vector_load %arg18[%get3A_1060, %get3A_1061] {strides = array<i32>} : memref<128x128xf32, #tpu.memory_space<vmem>>, vector<16xf32>,
        %get3A_1063 = arith.index_cast %add3A_797 : i32 to index
        %get3A_1064 = arith.constant 112 : index
        %get3A_1065 = tpu.vector_load %arg19[%get3A_1063, %get3A_1064] {strides = array<i32>} : memref<128x128xf32, #tpu.memory_space<vmem>>, vector<16xf32>,
        %add3A_1066 = arith.addf %get3A_1062, %get3A_1065 : vector<16xf32>
        %get3A_1067 = arith.index_cast %add3A_797 : i32 to index
        %get3A_1068 = arith.constant 112 : index
        %get3A_1069 = tpu.vector_load %arg14[%get3A_1067, %get3A_1068] {strides = array<i32>} : memref<128x128xf32, #tpu.memory_space<vmem>>, vector<16xf32>,
        %add3A_1070 = arith.addf %add3A_1066, %get3A_1069 : vector<16xf32>
        %max3A_1071 = arith.constant 0.000000e+00 : f32
        %max3A_1072 = vector.broadcast %max3A_1071 : f32 to vector<16xf32>
        %max3A_1073 = arith.maximumf %add3A_1070, %max3A_1072 : vector<16xf32>
        %get3A_1074 = arith.constant 0 : i32
        %get3A_1075 = arith.index_cast %get3A_1074 : i32 to index
        %get3A_1076 = arith.constant 112 : index
        %get3A_1077 = tpu.vector_load %arg25[%get3A_1075, %get3A_1076] {strides = array<i32>} : memref<4x128xf32, #tpu.memory_space<vmem>>, vector<16xf32>,
        %mul3A_1078 = arith.mulf %max3A_1073, %get3A_1077 : vector<16xf32>
        %add3A_1079 = arith.addf %add3A_1041, %mul3A_1078 : vector<16xf32>
        %get3A_1080 = arith.constant 1 : i32
        %get3A_1081 = arith.index_cast %get3A_1080 : i32 to index
        %get3A_1082 = arith.constant 112 : index
        %get3A_1083 = tpu.vector_load %arg25[%get3A_1081, %get3A_1082] {strides = array<i32>} : memref<4x128xf32, #tpu.memory_space<vmem>>, vector<16xf32>,
        %mul3A_1084 = arith.mulf %max3A_1073, %get3A_1083 : vector<16xf32>
        %add3A_1085 = arith.addf %add3A_1047, %mul3A_1084 : vector<16xf32>
        %get3A_1086 = arith.constant 2 : i32
        %get3A_1087 = arith.index_cast %get3A_1086 : i32 to index
        %get3A_1088 = arith.constant 112 : index
        %get3A_1089 = tpu.vector_load %arg25[%get3A_1087, %get3A_1088] {strides = array<i32>} : memref<4x128xf32, #tpu.memory_space<vmem>>, vector<16xf32>,
        %mul3A_1090 = arith.mulf %max3A_1073, %get3A_1089 : vector<16xf32>
        %add3A_1091 = arith.addf %add3A_1053, %mul3A_1090 : vector<16xf32>
        %get3A_1092 = arith.constant 3 : i32
        %get3A_1093 = arith.index_cast %get3A_1092 : i32 to index
        %get3A_1094 = arith.constant 112 : index
        %get3A_1095 = tpu.vector_load %arg25[%get3A_1093, %get3A_1094] {strides = array<i32>} : memref<4x128xf32, #tpu.memory_space<vmem>>, vector<16xf32>,
        %mul3A_1096 = arith.mulf %max3A_1073, %get3A_1095 : vector<16xf32>
        %add3A_1097 = arith.addf %add3A_1059, %mul3A_1096 : vector<16xf32>
        %eq3A_1098 = arith.constant 4 : i32
        %eq3A_1099 = vector.broadcast %eq3A_1098 : i32 to vector<16xi32>
        %eq3A_1100 = arith.cmpi eq, %iota3A, %eq3A_1099 : vector<16xi32>
        %reduce_sum3A_1101 = arith.constant true
        %reduce_sum3A_1102 = vector.broadcast %reduce_sum3A_1101 : i1 to vector<16xi1>
        %reduce_sum3A_1103 = tpu.scan <sum>, %add3A_1079 masked %reduce_sum3A_1102 : vector<16xf32>, vector<16xi1> -> vector<16xf32>
        %reduce_sum3A_1104 = vector.extract %reduce_sum3A_1103[15] : f32 from vector<16xf32>
        %add3A_1105 = vector.broadcast %reduce_sum3A_1104 : f32 to vector<16xf32>
        %add3A_1106 = arith.addf %add3A_1105, %select_n3A_793 : vector<16xf32>
        %select_n3A_1107 = arith.select %eq3A_1100, %add3A_1106, %select_n3A_793 : vector<16xi1>, vector<16xf32>
        %eq3A_1108 = arith.constant 5 : i32
        %eq3A_1109 = vector.broadcast %eq3A_1108 : i32 to vector<16xi32>
        %eq3A_1110 = arith.cmpi eq, %iota3A, %eq3A_1109 : vector<16xi32>
        %reduce_sum3A_1111 = arith.constant true
        %reduce_sum3A_1112 = vector.broadcast %reduce_sum3A_1111 : i1 to vector<16xi1>
        %reduce_sum3A_1113 = tpu.scan <sum>, %add3A_1085 masked %reduce_sum3A_1112 : vector<16xf32>, vector<16xi1> -> vector<16xf32>
        %reduce_sum3A_1114 = vector.extract %reduce_sum3A_1113[15] : f32 from vector<16xf32>
        %add3A_1115 = vector.broadcast %reduce_sum3A_1114 : f32 to vector<16xf32>
        %add3A_1116 = arith.addf %add3A_1115, %select_n3A_1107 : vector<16xf32>
        %select_n3A_1117 = arith.select %eq3A_1110, %add3A_1116, %select_n3A_1107 : vector<16xi1>, vector<16xf32>
        %eq3A_1118 = arith.constant 6 : i32
        %eq3A_1119 = vector.broadcast %eq3A_1118 : i32 to vector<16xi32>
        %eq3A_1120 = arith.cmpi eq, %iota3A, %eq3A_1119 : vector<16xi32>
        %reduce_sum3A_1121 = arith.constant true
        %reduce_sum3A_1122 = vector.broadcast %reduce_sum3A_1121 : i1 to vector<16xi1>
        %reduce_sum3A_1123 = tpu.scan <sum>, %add3A_1091 masked %reduce_sum3A_1122 : vector<16xf32>, vector<16xi1> -> vector<16xf32>
        %reduce_sum3A_1124 = vector.extract %reduce_sum3A_1123[15] : f32 from vector<16xf32>
        %add3A_1125 = vector.broadcast %reduce_sum3A_1124 : f32 to vector<16xf32>
        %add3A_1126 = arith.addf %add3A_1125, %select_n3A_1117 : vector<16xf32>
        %select_n3A_1127 = arith.select %eq3A_1120, %add3A_1126, %select_n3A_1117 : vector<16xi1>, vector<16xf32>
        %eq3A_1128 = arith.constant 7 : i32
        %eq3A_1129 = vector.broadcast %eq3A_1128 : i32 to vector<16xi32>
        %eq3A_1130 = arith.cmpi eq, %iota3A, %eq3A_1129 : vector<16xi32>
        %reduce_sum3A_1131 = arith.constant true
        %reduce_sum3A_1132 = vector.broadcast %reduce_sum3A_1131 : i1 to vector<16xi1>
        %reduce_sum3A_1133 = tpu.scan <sum>, %add3A_1097 masked %reduce_sum3A_1132 : vector<16xf32>, vector<16xi1> -> vector<16xf32>
        %reduce_sum3A_1134 = vector.extract %reduce_sum3A_1133[15] : f32 from vector<16xf32>
        %add3A_1135 = vector.broadcast %reduce_sum3A_1134 : f32 to vector<16xf32>
        %add3A_1136 = arith.addf %add3A_1135, %select_n3A_1127 : vector<16xf32>
        %select_n3A_1137 = arith.select %eq3A_1130, %add3A_1136, %select_n3A_1127 : vector<16xi1>, vector<16xf32>
        %mul3A_1138 = arith.constant 4 : i32
        %mul3A_1139 = arith.muli %scan3A_451, %mul3A_1138 : i32
        %add3A_1140 = arith.constant 2 : i32
        %add3A_1141 = arith.addi %mul3A_1139, %add3A_1140 : i32
        %get3A_1142 = arith.index_cast %add3A_1141 : i32 to index
        %get3A_1143 = arith.constant 0 : index
        %get3A_1144 = tpu.vector_load %arg18[%get3A_1142, %get3A_1143] {strides = array<i32>} : memref<128x128xf32, #tpu.memory_space<vmem>>, vector<16xf32>,
        %get3A_1145 = arith.index_cast %add3A_1141 : i32 to index
        %get3A_1146 = arith.constant 0 : index
        %get3A_1147 = tpu.vector_load %arg19[%get3A_1145, %get3A_1146] {strides = array<i32>} : memref<128x128xf32, #tpu.memory_space<vmem>>, vector<16xf32>,
        %add3A_1148 = arith.addf %get3A_1144, %get3A_1147 : vector<16xf32>
        %get3A_1149 = arith.index_cast %add3A_1141 : i32 to index
        %get3A_1150 = arith.constant 0 : index
        %get3A_1151 = tpu.vector_load %arg14[%get3A_1149, %get3A_1150] {strides = array<i32>} : memref<128x128xf32, #tpu.memory_space<vmem>>, vector<16xf32>,
        %add3A_1152 = arith.addf %add3A_1148, %get3A_1151 : vector<16xf32>
        %max3A_1153 = arith.constant 0.000000e+00 : f32
        %max3A_1154 = vector.broadcast %max3A_1153 : f32 to vector<16xf32>
        %max3A_1155 = arith.maximumf %add3A_1152, %max3A_1154 : vector<16xf32>
        %get3A_1156 = arith.constant 0 : i32
        %get3A_1157 = arith.index_cast %get3A_1156 : i32 to index
        %get3A_1158 = arith.constant 0 : index
        %get3A_1159 = tpu.vector_load %arg25[%get3A_1157, %get3A_1158] {strides = array<i32>} : memref<4x128xf32, #tpu.memory_space<vmem>>, vector<16xf32>,
        %mul3A_1160 = arith.mulf %max3A_1155, %get3A_1159 : vector<16xf32>
        %get3A_1161 = arith.constant 1 : i32
        %get3A_1162 = arith.index_cast %get3A_1161 : i32 to index
        %get3A_1163 = arith.constant 0 : index
        %get3A_1164 = tpu.vector_load %arg25[%get3A_1162, %get3A_1163] {strides = array<i32>} : memref<4x128xf32, #tpu.memory_space<vmem>>, vector<16xf32>,
        %mul3A_1165 = arith.mulf %max3A_1155, %get3A_1164 : vector<16xf32>
        %get3A_1166 = arith.constant 2 : i32
        %get3A_1167 = arith.index_cast %get3A_1166 : i32 to index
        %get3A_1168 = arith.constant 0 : index
        %get3A_1169 = tpu.vector_load %arg25[%get3A_1167, %get3A_1168] {strides = array<i32>} : memref<4x128xf32, #tpu.memory_space<vmem>>, vector<16xf32>,
        %mul3A_1170 = arith.mulf %max3A_1155, %get3A_1169 : vector<16xf32>
        %get3A_1171 = arith.constant 3 : i32
        %get3A_1172 = arith.index_cast %get3A_1171 : i32 to index
        %get3A_1173 = arith.constant 0 : index
        %get3A_1174 = tpu.vector_load %arg25[%get3A_1172, %get3A_1173] {strides = array<i32>} : memref<4x128xf32, #tpu.memory_space<vmem>>, vector<16xf32>,
        %mul3A_1175 = arith.mulf %max3A_1155, %get3A_1174 : vector<16xf32>
        %get3A_1176 = arith.index_cast %add3A_1141 : i32 to index
        %get3A_1177 = arith.constant 16 : index
        %get3A_1178 = tpu.vector_load %arg18[%get3A_1176, %get3A_1177] {strides = array<i32>} : memref<128x128xf32, #tpu.memory_space<vmem>>, vector<16xf32>,
        %get3A_1179 = arith.index_cast %add3A_1141 : i32 to index
        %get3A_1180 = arith.constant 16 : index
        %get3A_1181 = tpu.vector_load %arg19[%get3A_1179, %get3A_1180] {strides = array<i32>} : memref<128x128xf32, #tpu.memory_space<vmem>>, vector<16xf32>,
        %add3A_1182 = arith.addf %get3A_1178, %get3A_1181 : vector<16xf32>
        %get3A_1183 = arith.index_cast %add3A_1141 : i32 to index
        %get3A_1184 = arith.constant 16 : index
        %get3A_1185 = tpu.vector_load %arg14[%get3A_1183, %get3A_1184] {strides = array<i32>} : memref<128x128xf32, #tpu.memory_space<vmem>>, vector<16xf32>,
        %add3A_1186 = arith.addf %add3A_1182, %get3A_1185 : vector<16xf32>
        %max3A_1187 = arith.constant 0.000000e+00 : f32
        %max3A_1188 = vector.broadcast %max3A_1187 : f32 to vector<16xf32>
        %max3A_1189 = arith.maximumf %add3A_1186, %max3A_1188 : vector<16xf32>
        %get3A_1190 = arith.constant 0 : i32
        %get3A_1191 = arith.index_cast %get3A_1190 : i32 to index
        %get3A_1192 = arith.constant 16 : index
        %get3A_1193 = tpu.vector_load %arg25[%get3A_1191, %get3A_1192] {strides = array<i32>} : memref<4x128xf32, #tpu.memory_space<vmem>>, vector<16xf32>,
        %mul3A_1194 = arith.mulf %max3A_1189, %get3A_1193 : vector<16xf32>
        %add3A_1195 = arith.addf %mul3A_1160, %mul3A_1194 : vector<16xf32>
        %get3A_1196 = arith.constant 1 : i32
        %get3A_1197 = arith.index_cast %get3A_1196 : i32 to index
        %get3A_1198 = arith.constant 16 : index
        %get3A_1199 = tpu.vector_load %arg25[%get3A_1197, %get3A_1198] {strides = array<i32>} : memref<4x128xf32, #tpu.memory_space<vmem>>, vector<16xf32>,
        %mul3A_1200 = arith.mulf %max3A_1189, %get3A_1199 : vector<16xf32>
        %add3A_1201 = arith.addf %mul3A_1165, %mul3A_1200 : vector<16xf32>
        %get3A_1202 = arith.constant 2 : i32
        %get3A_1203 = arith.index_cast %get3A_1202 : i32 to index
        %get3A_1204 = arith.constant 16 : index
        %get3A_1205 = tpu.vector_load %arg25[%get3A_1203, %get3A_1204] {strides = array<i32>} : memref<4x128xf32, #tpu.memory_space<vmem>>, vector<16xf32>,
        %mul3A_1206 = arith.mulf %max3A_1189, %get3A_1205 : vector<16xf32>
        %add3A_1207 = arith.addf %mul3A_1170, %mul3A_1206 : vector<16xf32>
        %get3A_1208 = arith.constant 3 : i32
        %get3A_1209 = arith.index_cast %get3A_1208 : i32 to index
        %get3A_1210 = arith.constant 16 : index
        %get3A_1211 = tpu.vector_load %arg25[%get3A_1209, %get3A_1210] {strides = array<i32>} : memref<4x128xf32, #tpu.memory_space<vmem>>, vector<16xf32>,
        %mul3A_1212 = arith.mulf %max3A_1189, %get3A_1211 : vector<16xf32>
        %add3A_1213 = arith.addf %mul3A_1175, %mul3A_1212 : vector<16xf32>
        %get3A_1214 = arith.index_cast %add3A_1141 : i32 to index
        %get3A_1215 = arith.constant 32 : index
        %get3A_1216 = tpu.vector_load %arg18[%get3A_1214, %get3A_1215] {strides = array<i32>} : memref<128x128xf32, #tpu.memory_space<vmem>>, vector<16xf32>,
        %get3A_1217 = arith.index_cast %add3A_1141 : i32 to index
        %get3A_1218 = arith.constant 32 : index
        %get3A_1219 = tpu.vector_load %arg19[%get3A_1217, %get3A_1218] {strides = array<i32>} : memref<128x128xf32, #tpu.memory_space<vmem>>, vector<16xf32>,
        %add3A_1220 = arith.addf %get3A_1216, %get3A_1219 : vector<16xf32>
        %get3A_1221 = arith.index_cast %add3A_1141 : i32 to index
        %get3A_1222 = arith.constant 32 : index
        %get3A_1223 = tpu.vector_load %arg14[%get3A_1221, %get3A_1222] {strides = array<i32>} : memref<128x128xf32, #tpu.memory_space<vmem>>, vector<16xf32>,
        %add3A_1224 = arith.addf %add3A_1220, %get3A_1223 : vector<16xf32>
        %max3A_1225 = arith.constant 0.000000e+00 : f32
        %max3A_1226 = vector.broadcast %max3A_1225 : f32 to vector<16xf32>
        %max3A_1227 = arith.maximumf %add3A_1224, %max3A_1226 : vector<16xf32>
        %get3A_1228 = arith.constant 0 : i32
        %get3A_1229 = arith.index_cast %get3A_1228 : i32 to index
        %get3A_1230 = arith.constant 32 : index
        %get3A_1231 = tpu.vector_load %arg25[%get3A_1229, %get3A_1230] {strides = array<i32>} : memref<4x128xf32, #tpu.memory_space<vmem>>, vector<16xf32>,
        %mul3A_1232 = arith.mulf %max3A_1227, %get3A_1231 : vector<16xf32>
        %add3A_1233 = arith.addf %add3A_1195, %mul3A_1232 : vector<16xf32>
        %get3A_1234 = arith.constant 1 : i32
        %get3A_1235 = arith.index_cast %get3A_1234 : i32 to index
        %get3A_1236 = arith.constant 32 : index
        %get3A_1237 = tpu.vector_load %arg25[%get3A_1235, %get3A_1236] {strides = array<i32>} : memref<4x128xf32, #tpu.memory_space<vmem>>, vector<16xf32>,
        %mul3A_1238 = arith.mulf %max3A_1227, %get3A_1237 : vector<16xf32>
        %add3A_1239 = arith.addf %add3A_1201, %mul3A_1238 : vector<16xf32>
        %get3A_1240 = arith.constant 2 : i32
        %get3A_1241 = arith.index_cast %get3A_1240 : i32 to index
        %get3A_1242 = arith.constant 32 : index
        %get3A_1243 = tpu.vector_load %arg25[%get3A_1241, %get3A_1242] {strides = array<i32>} : memref<4x128xf32, #tpu.memory_space<vmem>>, vector<16xf32>,
        %mul3A_1244 = arith.mulf %max3A_1227, %get3A_1243 : vector<16xf32>
        %add3A_1245 = arith.addf %add3A_1207, %mul3A_1244 : vector<16xf32>
        %get3A_1246 = arith.constant 3 : i32
        %get3A_1247 = arith.index_cast %get3A_1246 : i32 to index
        %get3A_1248 = arith.constant 32 : index
        %get3A_1249 = tpu.vector_load %arg25[%get3A_1247, %get3A_1248] {strides = array<i32>} : memref<4x128xf32, #tpu.memory_space<vmem>>, vector<16xf32>,
        %mul3A_1250 = arith.mulf %max3A_1227, %get3A_1249 : vector<16xf32>
        %add3A_1251 = arith.addf %add3A_1213, %mul3A_1250 : vector<16xf32>
        %get3A_1252 = arith.index_cast %add3A_1141 : i32 to index
        %get3A_1253 = arith.constant 48 : index
        %get3A_1254 = tpu.vector_load %arg18[%get3A_1252, %get3A_1253] {strides = array<i32>} : memref<128x128xf32, #tpu.memory_space<vmem>>, vector<16xf32>,
        %get3A_1255 = arith.index_cast %add3A_1141 : i32 to index
        %get3A_1256 = arith.constant 48 : index
        %get3A_1257 = tpu.vector_load %arg19[%get3A_1255, %get3A_1256] {strides = array<i32>} : memref<128x128xf32, #tpu.memory_space<vmem>>, vector<16xf32>,
        %add3A_1258 = arith.addf %get3A_1254, %get3A_1257 : vector<16xf32>
        %get3A_1259 = arith.index_cast %add3A_1141 : i32 to index
        %get3A_1260 = arith.constant 48 : index
        %get3A_1261 = tpu.vector_load %arg14[%get3A_1259, %get3A_1260] {strides = array<i32>} : memref<128x128xf32, #tpu.memory_space<vmem>>, vector<16xf32>,
        %add3A_1262 = arith.addf %add3A_1258, %get3A_1261 : vector<16xf32>
        %max3A_1263 = arith.constant 0.000000e+00 : f32
        %max3A_1264 = vector.broadcast %max3A_1263 : f32 to vector<16xf32>
        %max3A_1265 = arith.maximumf %add3A_1262, %max3A_1264 : vector<16xf32>
        %get3A_1266 = arith.constant 0 : i32
        %get3A_1267 = arith.index_cast %get3A_1266 : i32 to index
        %get3A_1268 = arith.constant 48 : index
        %get3A_1269 = tpu.vector_load %arg25[%get3A_1267, %get3A_1268] {strides = array<i32>} : memref<4x128xf32, #tpu.memory_space<vmem>>, vector<16xf32>,
        %mul3A_1270 = arith.mulf %max3A_1265, %get3A_1269 : vector<16xf32>
        %add3A_1271 = arith.addf %add3A_1233, %mul3A_1270 : vector<16xf32>
        %get3A_1272 = arith.constant 1 : i32
        %get3A_1273 = arith.index_cast %get3A_1272 : i32 to index
        %get3A_1274 = arith.constant 48 : index
        %get3A_1275 = tpu.vector_load %arg25[%get3A_1273, %get3A_1274] {strides = array<i32>} : memref<4x128xf32, #tpu.memory_space<vmem>>, vector<16xf32>,
        %mul3A_1276 = arith.mulf %max3A_1265, %get3A_1275 : vector<16xf32>
        %add3A_1277 = arith.addf %add3A_1239, %mul3A_1276 : vector<16xf32>
        %get3A_1278 = arith.constant 2 : i32
        %get3A_1279 = arith.index_cast %get3A_1278 : i32 to index
        %get3A_1280 = arith.constant 48 : index
        %get3A_1281 = tpu.vector_load %arg25[%get3A_1279, %get3A_1280] {strides = array<i32>} : memref<4x128xf32, #tpu.memory_space<vmem>>, vector<16xf32>,
        %mul3A_1282 = arith.mulf %max3A_1265, %get3A_1281 : vector<16xf32>
        %add3A_1283 = arith.addf %add3A_1245, %mul3A_1282 : vector<16xf32>
        %get3A_1284 = arith.constant 3 : i32
        %get3A_1285 = arith.index_cast %get3A_1284 : i32 to index
        %get3A_1286 = arith.constant 48 : index
        %get3A_1287 = tpu.vector_load %arg25[%get3A_1285, %get3A_1286] {strides = array<i32>} : memref<4x128xf32, #tpu.memory_space<vmem>>, vector<16xf32>,
        %mul3A_1288 = arith.mulf %max3A_1265, %get3A_1287 : vector<16xf32>
        %add3A_1289 = arith.addf %add3A_1251, %mul3A_1288 : vector<16xf32>
        %get3A_1290 = arith.index_cast %add3A_1141 : i32 to index
        %get3A_1291 = arith.constant 64 : index
        %get3A_1292 = tpu.vector_load %arg18[%get3A_1290, %get3A_1291] {strides = array<i32>} : memref<128x128xf32, #tpu.memory_space<vmem>>, vector<16xf32>,
        %get3A_1293 = arith.index_cast %add3A_1141 : i32 to index
        %get3A_1294 = arith.constant 64 : index
        %get3A_1295 = tpu.vector_load %arg19[%get3A_1293, %get3A_1294] {strides = array<i32>} : memref<128x128xf32, #tpu.memory_space<vmem>>, vector<16xf32>,
        %add3A_1296 = arith.addf %get3A_1292, %get3A_1295 : vector<16xf32>
        %get3A_1297 = arith.index_cast %add3A_1141 : i32 to index
        %get3A_1298 = arith.constant 64 : index
        %get3A_1299 = tpu.vector_load %arg14[%get3A_1297, %get3A_1298] {strides = array<i32>} : memref<128x128xf32, #tpu.memory_space<vmem>>, vector<16xf32>,
        %add3A_1300 = arith.addf %add3A_1296, %get3A_1299 : vector<16xf32>
        %max3A_1301 = arith.constant 0.000000e+00 : f32
        %max3A_1302 = vector.broadcast %max3A_1301 : f32 to vector<16xf32>
        %max3A_1303 = arith.maximumf %add3A_1300, %max3A_1302 : vector<16xf32>
        %get3A_1304 = arith.constant 0 : i32
        %get3A_1305 = arith.index_cast %get3A_1304 : i32 to index
        %get3A_1306 = arith.constant 64 : index
        %get3A_1307 = tpu.vector_load %arg25[%get3A_1305, %get3A_1306] {strides = array<i32>} : memref<4x128xf32, #tpu.memory_space<vmem>>, vector<16xf32>,
        %mul3A_1308 = arith.mulf %max3A_1303, %get3A_1307 : vector<16xf32>
        %add3A_1309 = arith.addf %add3A_1271, %mul3A_1308 : vector<16xf32>
        %get3A_1310 = arith.constant 1 : i32
        %get3A_1311 = arith.index_cast %get3A_1310 : i32 to index
        %get3A_1312 = arith.constant 64 : index
        %get3A_1313 = tpu.vector_load %arg25[%get3A_1311, %get3A_1312] {strides = array<i32>} : memref<4x128xf32, #tpu.memory_space<vmem>>, vector<16xf32>,
        %mul3A_1314 = arith.mulf %max3A_1303, %get3A_1313 : vector<16xf32>
        %add3A_1315 = arith.addf %add3A_1277, %mul3A_1314 : vector<16xf32>
        %get3A_1316 = arith.constant 2 : i32
        %get3A_1317 = arith.index_cast %get3A_1316 : i32 to index
        %get3A_1318 = arith.constant 64 : index
        %get3A_1319 = tpu.vector_load %arg25[%get3A_1317, %get3A_1318] {strides = array<i32>} : memref<4x128xf32, #tpu.memory_space<vmem>>, vector<16xf32>,
        %mul3A_1320 = arith.mulf %max3A_1303, %get3A_1319 : vector<16xf32>
        %add3A_1321 = arith.addf %add3A_1283, %mul3A_1320 : vector<16xf32>
        %get3A_1322 = arith.constant 3 : i32
        %get3A_1323 = arith.index_cast %get3A_1322 : i32 to index
        %get3A_1324 = arith.constant 64 : index
        %get3A_1325 = tpu.vector_load %arg25[%get3A_1323, %get3A_1324] {strides = array<i32>} : memref<4x128xf32, #tpu.memory_space<vmem>>, vector<16xf32>,
        %mul3A_1326 = arith.mulf %max3A_1303, %get3A_1325 : vector<16xf32>
        %add3A_1327 = arith.addf %add3A_1289, %mul3A_1326 : vector<16xf32>
        %get3A_1328 = arith.index_cast %add3A_1141 : i32 to index
        %get3A_1329 = arith.constant 80 : index
        %get3A_1330 = tpu.vector_load %arg18[%get3A_1328, %get3A_1329] {strides = array<i32>} : memref<128x128xf32, #tpu.memory_space<vmem>>, vector<16xf32>,
        %get3A_1331 = arith.index_cast %add3A_1141 : i32 to index
        %get3A_1332 = arith.constant 80 : index
        %get3A_1333 = tpu.vector_load %arg19[%get3A_1331, %get3A_1332] {strides = array<i32>} : memref<128x128xf32, #tpu.memory_space<vmem>>, vector<16xf32>,
        %add3A_1334 = arith.addf %get3A_1330, %get3A_1333 : vector<16xf32>
        %get3A_1335 = arith.index_cast %add3A_1141 : i32 to index
        %get3A_1336 = arith.constant 80 : index
        %get3A_1337 = tpu.vector_load %arg14[%get3A_1335, %get3A_1336] {strides = array<i32>} : memref<128x128xf32, #tpu.memory_space<vmem>>, vector<16xf32>,
        %add3A_1338 = arith.addf %add3A_1334, %get3A_1337 : vector<16xf32>
        %max3A_1339 = arith.constant 0.000000e+00 : f32
        %max3A_1340 = vector.broadcast %max3A_1339 : f32 to vector<16xf32>
        %max3A_1341 = arith.maximumf %add3A_1338, %max3A_1340 : vector<16xf32>
        %get3A_1342 = arith.constant 0 : i32
        %get3A_1343 = arith.index_cast %get3A_1342 : i32 to index
        %get3A_1344 = arith.constant 80 : index
        %get3A_1345 = tpu.vector_load %arg25[%get3A_1343, %get3A_1344] {strides = array<i32>} : memref<4x128xf32, #tpu.memory_space<vmem>>, vector<16xf32>,
        %mul3A_1346 = arith.mulf %max3A_1341, %get3A_1345 : vector<16xf32>
        %add3A_1347 = arith.addf %add3A_1309, %mul3A_1346 : vector<16xf32>
        %get3A_1348 = arith.constant 1 : i32
        %get3A_1349 = arith.index_cast %get3A_1348 : i32 to index
        %get3A_1350 = arith.constant 80 : index
        %get3A_1351 = tpu.vector_load %arg25[%get3A_1349, %get3A_1350] {strides = array<i32>} : memref<4x128xf32, #tpu.memory_space<vmem>>, vector<16xf32>,
        %mul3A_1352 = arith.mulf %max3A_1341, %get3A_1351 : vector<16xf32>
        %add3A_1353 = arith.addf %add3A_1315, %mul3A_1352 : vector<16xf32>
        %get3A_1354 = arith.constant 2 : i32
        %get3A_1355 = arith.index_cast %get3A_1354 : i32 to index
        %get3A_1356 = arith.constant 80 : index
        %get3A_1357 = tpu.vector_load %arg25[%get3A_1355, %get3A_1356] {strides = array<i32>} : memref<4x128xf32, #tpu.memory_space<vmem>>, vector<16xf32>,
        %mul3A_1358 = arith.mulf %max3A_1341, %get3A_1357 : vector<16xf32>
        %add3A_1359 = arith.addf %add3A_1321, %mul3A_1358 : vector<16xf32>
        %get3A_1360 = arith.constant 3 : i32
        %get3A_1361 = arith.index_cast %get3A_1360 : i32 to index
        %get3A_1362 = arith.constant 80 : index
        %get3A_1363 = tpu.vector_load %arg25[%get3A_1361, %get3A_1362] {strides = array<i32>} : memref<4x128xf32, #tpu.memory_space<vmem>>, vector<16xf32>,
        %mul3A_1364 = arith.mulf %max3A_1341, %get3A_1363 : vector<16xf32>
        %add3A_1365 = arith.addf %add3A_1327, %mul3A_1364 : vector<16xf32>
        %get3A_1366 = arith.index_cast %add3A_1141 : i32 to index
        %get3A_1367 = arith.constant 96 : index
        %get3A_1368 = tpu.vector_load %arg18[%get3A_1366, %get3A_1367] {strides = array<i32>} : memref<128x128xf32, #tpu.memory_space<vmem>>, vector<16xf32>,
        %get3A_1369 = arith.index_cast %add3A_1141 : i32 to index
        %get3A_1370 = arith.constant 96 : index
        %get3A_1371 = tpu.vector_load %arg19[%get3A_1369, %get3A_1370] {strides = array<i32>} : memref<128x128xf32, #tpu.memory_space<vmem>>, vector<16xf32>,
        %add3A_1372 = arith.addf %get3A_1368, %get3A_1371 : vector<16xf32>
        %get3A_1373 = arith.index_cast %add3A_1141 : i32 to index
        %get3A_1374 = arith.constant 96 : index
        %get3A_1375 = tpu.vector_load %arg14[%get3A_1373, %get3A_1374] {strides = array<i32>} : memref<128x128xf32, #tpu.memory_space<vmem>>, vector<16xf32>,
        %add3A_1376 = arith.addf %add3A_1372, %get3A_1375 : vector<16xf32>
        %max3A_1377 = arith.constant 0.000000e+00 : f32
        %max3A_1378 = vector.broadcast %max3A_1377 : f32 to vector<16xf32>
        %max3A_1379 = arith.maximumf %add3A_1376, %max3A_1378 : vector<16xf32>
        %get3A_1380 = arith.constant 0 : i32
        %get3A_1381 = arith.index_cast %get3A_1380 : i32 to index
        %get3A_1382 = arith.constant 96 : index
        %get3A_1383 = tpu.vector_load %arg25[%get3A_1381, %get3A_1382] {strides = array<i32>} : memref<4x128xf32, #tpu.memory_space<vmem>>, vector<16xf32>,
        %mul3A_1384 = arith.mulf %max3A_1379, %get3A_1383 : vector<16xf32>
        %add3A_1385 = arith.addf %add3A_1347, %mul3A_1384 : vector<16xf32>
        %get3A_1386 = arith.constant 1 : i32
        %get3A_1387 = arith.index_cast %get3A_1386 : i32 to index
        %get3A_1388 = arith.constant 96 : index
        %get3A_1389 = tpu.vector_load %arg25[%get3A_1387, %get3A_1388] {strides = array<i32>} : memref<4x128xf32, #tpu.memory_space<vmem>>, vector<16xf32>,
        %mul3A_1390 = arith.mulf %max3A_1379, %get3A_1389 : vector<16xf32>
        %add3A_1391 = arith.addf %add3A_1353, %mul3A_1390 : vector<16xf32>
        %get3A_1392 = arith.constant 2 : i32
        %get3A_1393 = arith.index_cast %get3A_1392 : i32 to index
        %get3A_1394 = arith.constant 96 : index
        %get3A_1395 = tpu.vector_load %arg25[%get3A_1393, %get3A_1394] {strides = array<i32>} : memref<4x128xf32, #tpu.memory_space<vmem>>, vector<16xf32>,
        %mul3A_1396 = arith.mulf %max3A_1379, %get3A_1395 : vector<16xf32>
        %add3A_1397 = arith.addf %add3A_1359, %mul3A_1396 : vector<16xf32>
        %get3A_1398 = arith.constant 3 : i32
        %get3A_1399 = arith.index_cast %get3A_1398 : i32 to index
        %get3A_1400 = arith.constant 96 : index
        %get3A_1401 = tpu.vector_load %arg25[%get3A_1399, %get3A_1400] {strides = array<i32>} : memref<4x128xf32, #tpu.memory_space<vmem>>, vector<16xf32>,
        %mul3A_1402 = arith.mulf %max3A_1379, %get3A_1401 : vector<16xf32>
        %add3A_1403 = arith.addf %add3A_1365, %mul3A_1402 : vector<16xf32>
        %get3A_1404 = arith.index_cast %add3A_1141 : i32 to index
        %get3A_1405 = arith.constant 112 : index
        %get3A_1406 = tpu.vector_load %arg18[%get3A_1404, %get3A_1405] {strides = array<i32>} : memref<128x128xf32, #tpu.memory_space<vmem>>, vector<16xf32>,
        %get3A_1407 = arith.index_cast %add3A_1141 : i32 to index
        %get3A_1408 = arith.constant 112 : index
        %get3A_1409 = tpu.vector_load %arg19[%get3A_1407, %get3A_1408] {strides = array<i32>} : memref<128x128xf32, #tpu.memory_space<vmem>>, vector<16xf32>,
        %add3A_1410 = arith.addf %get3A_1406, %get3A_1409 : vector<16xf32>
        %get3A_1411 = arith.index_cast %add3A_1141 : i32 to index
        %get3A_1412 = arith.constant 112 : index
        %get3A_1413 = tpu.vector_load %arg14[%get3A_1411, %get3A_1412] {strides = array<i32>} : memref<128x128xf32, #tpu.memory_space<vmem>>, vector<16xf32>,
        %add3A_1414 = arith.addf %add3A_1410, %get3A_1413 : vector<16xf32>
        %max3A_1415 = arith.constant 0.000000e+00 : f32
        %max3A_1416 = vector.broadcast %max3A_1415 : f32 to vector<16xf32>
        %max3A_1417 = arith.maximumf %add3A_1414, %max3A_1416 : vector<16xf32>
        %get3A_1418 = arith.constant 0 : i32
        %get3A_1419 = arith.index_cast %get3A_1418 : i32 to index
        %get3A_1420 = arith.constant 112 : index
        %get3A_1421 = tpu.vector_load %arg25[%get3A_1419, %get3A_1420] {strides = array<i32>} : memref<4x128xf32, #tpu.memory_space<vmem>>, vector<16xf32>,
        %mul3A_1422 = arith.mulf %max3A_1417, %get3A_1421 : vector<16xf32>
        %add3A_1423 = arith.addf %add3A_1385, %mul3A_1422 : vector<16xf32>
        %get3A_1424 = arith.constant 1 : i32
        %get3A_1425 = arith.index_cast %get3A_1424 : i32 to index
        %get3A_1426 = arith.constant 112 : index
        %get3A_1427 = tpu.vector_load %arg25[%get3A_1425, %get3A_1426] {strides = array<i32>} : memref<4x128xf32, #tpu.memory_space<vmem>>, vector<16xf32>,
        %mul3A_1428 = arith.mulf %max3A_1417, %get3A_1427 : vector<16xf32>
        %add3A_1429 = arith.addf %add3A_1391, %mul3A_1428 : vector<16xf32>
        %get3A_1430 = arith.constant 2 : i32
        %get3A_1431 = arith.index_cast %get3A_1430 : i32 to index
        %get3A_1432 = arith.constant 112 : index
        %get3A_1433 = tpu.vector_load %arg25[%get3A_1431, %get3A_1432] {strides = array<i32>} : memref<4x128xf32, #tpu.memory_space<vmem>>, vector<16xf32>,
        %mul3A_1434 = arith.mulf %max3A_1417, %get3A_1433 : vector<16xf32>
        %add3A_1435 = arith.addf %add3A_1397, %mul3A_1434 : vector<16xf32>
        %get3A_1436 = arith.constant 3 : i32
        %get3A_1437 = arith.index_cast %get3A_1436 : i32 to index
        %get3A_1438 = arith.constant 112 : index
        %get3A_1439 = tpu.vector_load %arg25[%get3A_1437, %get3A_1438] {strides = array<i32>} : memref<4x128xf32, #tpu.memory_space<vmem>>, vector<16xf32>,
        %mul3A_1440 = arith.mulf %max3A_1417, %get3A_1439 : vector<16xf32>
        %add3A_1441 = arith.addf %add3A_1403, %mul3A_1440 : vector<16xf32>
        %eq3A_1442 = arith.constant 8 : i32
        %eq3A_1443 = vector.broadcast %eq3A_1442 : i32 to vector<16xi32>
        %eq3A_1444 = arith.cmpi eq, %iota3A, %eq3A_1443 : vector<16xi32>
        %reduce_sum3A_1445 = arith.constant true
        %reduce_sum3A_1446 = vector.broadcast %reduce_sum3A_1445 : i1 to vector<16xi1>
        %reduce_sum3A_1447 = tpu.scan <sum>, %add3A_1423 masked %reduce_sum3A_1446 : vector<16xf32>, vector<16xi1> -> vector<16xf32>
        %reduce_sum3A_1448 = vector.extract %reduce_sum3A_1447[15] : f32 from vector<16xf32>
        %add3A_1449 = vector.broadcast %reduce_sum3A_1448 : f32 to vector<16xf32>
        %add3A_1450 = arith.addf %add3A_1449, %select_n3A_1137 : vector<16xf32>
        %select_n3A_1451 = arith.select %eq3A_1444, %add3A_1450, %select_n3A_1137 : vector<16xi1>, vector<16xf32>
        %eq3A_1452 = arith.constant 9 : i32
        %eq3A_1453 = vector.broadcast %eq3A_1452 : i32 to vector<16xi32>
        %eq3A_1454 = arith.cmpi eq, %iota3A, %eq3A_1453 : vector<16xi32>
        %reduce_sum3A_1455 = arith.constant true
        %reduce_sum3A_1456 = vector.broadcast %reduce_sum3A_1455 : i1 to vector<16xi1>
        %reduce_sum3A_1457 = tpu.scan <sum>, %add3A_1429 masked %reduce_sum3A_1456 : vector<16xf32>, vector<16xi1> -> vector<16xf32>
        %reduce_sum3A_1458 = vector.extract %reduce_sum3A_1457[15] : f32 from vector<16xf32>
        %add3A_1459 = vector.broadcast %reduce_sum3A_1458 : f32 to vector<16xf32>
        %add3A_1460 = arith.addf %add3A_1459, %select_n3A_1451 : vector<16xf32>
        %select_n3A_1461 = arith.select %eq3A_1454, %add3A_1460, %select_n3A_1451 : vector<16xi1>, vector<16xf32>
        %eq3A_1462 = arith.constant 10 : i32
        %eq3A_1463 = vector.broadcast %eq3A_1462 : i32 to vector<16xi32>
        %eq3A_1464 = arith.cmpi eq, %iota3A, %eq3A_1463 : vector<16xi32>
        %reduce_sum3A_1465 = arith.constant true
        %reduce_sum3A_1466 = vector.broadcast %reduce_sum3A_1465 : i1 to vector<16xi1>
        %reduce_sum3A_1467 = tpu.scan <sum>, %add3A_1435 masked %reduce_sum3A_1466 : vector<16xf32>, vector<16xi1> -> vector<16xf32>
        %reduce_sum3A_1468 = vector.extract %reduce_sum3A_1467[15] : f32 from vector<16xf32>
        %add3A_1469 = vector.broadcast %reduce_sum3A_1468 : f32 to vector<16xf32>
        %add3A_1470 = arith.addf %add3A_1469, %select_n3A_1461 : vector<16xf32>
        %select_n3A_1471 = arith.select %eq3A_1464, %add3A_1470, %select_n3A_1461 : vector<16xi1>, vector<16xf32>
        %eq3A_1472 = arith.constant 11 : i32
        %eq3A_1473 = vector.broadcast %eq3A_1472 : i32 to vector<16xi32>
        %eq3A_1474 = arith.cmpi eq, %iota3A, %eq3A_1473 : vector<16xi32>
        %reduce_sum3A_1475 = arith.constant true
        %reduce_sum3A_1476 = vector.broadcast %reduce_sum3A_1475 : i1 to vector<16xi1>
        %reduce_sum3A_1477 = tpu.scan <sum>, %add3A_1441 masked %reduce_sum3A_1476 : vector<16xf32>, vector<16xi1> -> vector<16xf32>
        %reduce_sum3A_1478 = vector.extract %reduce_sum3A_1477[15] : f32 from vector<16xf32>
        %add3A_1479 = vector.broadcast %reduce_sum3A_1478 : f32 to vector<16xf32>
        %add3A_1480 = arith.addf %add3A_1479, %select_n3A_1471 : vector<16xf32>
        %select_n3A_1481 = arith.select %eq3A_1474, %add3A_1480, %select_n3A_1471 : vector<16xi1>, vector<16xf32>
        %mul3A_1482 = arith.constant 4 : i32
        %mul3A_1483 = arith.muli %scan3A_451, %mul3A_1482 : i32
        %add3A_1484 = arith.constant 3 : i32
        %add3A_1485 = arith.addi %mul3A_1483, %add3A_1484 : i32
        %get3A_1486 = arith.index_cast %add3A_1485 : i32 to index
        %get3A_1487 = arith.constant 0 : index
        %get3A_1488 = tpu.vector_load %arg18[%get3A_1486, %get3A_1487] {strides = array<i32>} : memref<128x128xf32, #tpu.memory_space<vmem>>, vector<16xf32>,
        %get3A_1489 = arith.index_cast %add3A_1485 : i32 to index
        %get3A_1490 = arith.constant 0 : index
        %get3A_1491 = tpu.vector_load %arg19[%get3A_1489, %get3A_1490] {strides = array<i32>} : memref<128x128xf32, #tpu.memory_space<vmem>>, vector<16xf32>,
        %add3A_1492 = arith.addf %get3A_1488, %get3A_1491 : vector<16xf32>
        %get3A_1493 = arith.index_cast %add3A_1485 : i32 to index
        %get3A_1494 = arith.constant 0 : index
        %get3A_1495 = tpu.vector_load %arg14[%get3A_1493, %get3A_1494] {strides = array<i32>} : memref<128x128xf32, #tpu.memory_space<vmem>>, vector<16xf32>,
        %add3A_1496 = arith.addf %add3A_1492, %get3A_1495 : vector<16xf32>
        %max3A_1497 = arith.constant 0.000000e+00 : f32
        %max3A_1498 = vector.broadcast %max3A_1497 : f32 to vector<16xf32>
        %max3A_1499 = arith.maximumf %add3A_1496, %max3A_1498 : vector<16xf32>
        %get3A_1500 = arith.constant 0 : i32
        %get3A_1501 = arith.index_cast %get3A_1500 : i32 to index
        %get3A_1502 = arith.constant 0 : index
        %get3A_1503 = tpu.vector_load %arg25[%get3A_1501, %get3A_1502] {strides = array<i32>} : memref<4x128xf32, #tpu.memory_space<vmem>>, vector<16xf32>,
        %mul3A_1504 = arith.mulf %max3A_1499, %get3A_1503 : vector<16xf32>
        %get3A_1505 = arith.constant 1 : i32
        %get3A_1506 = arith.index_cast %get3A_1505 : i32 to index
        %get3A_1507 = arith.constant 0 : index
        %get3A_1508 = tpu.vector_load %arg25[%get3A_1506, %get3A_1507] {strides = array<i32>} : memref<4x128xf32, #tpu.memory_space<vmem>>, vector<16xf32>,
        %mul3A_1509 = arith.mulf %max3A_1499, %get3A_1508 : vector<16xf32>
        %get3A_1510 = arith.constant 2 : i32
        %get3A_1511 = arith.index_cast %get3A_1510 : i32 to index
        %get3A_1512 = arith.constant 0 : index
        %get3A_1513 = tpu.vector_load %arg25[%get3A_1511, %get3A_1512] {strides = array<i32>} : memref<4x128xf32, #tpu.memory_space<vmem>>, vector<16xf32>,
        %mul3A_1514 = arith.mulf %max3A_1499, %get3A_1513 : vector<16xf32>
        %get3A_1515 = arith.constant 3 : i32
        %get3A_1516 = arith.index_cast %get3A_1515 : i32 to index
        %get3A_1517 = arith.constant 0 : index
        %get3A_1518 = tpu.vector_load %arg25[%get3A_1516, %get3A_1517] {strides = array<i32>} : memref<4x128xf32, #tpu.memory_space<vmem>>, vector<16xf32>,
        %mul3A_1519 = arith.mulf %max3A_1499, %get3A_1518 : vector<16xf32>
        %get3A_1520 = arith.index_cast %add3A_1485 : i32 to index
        %get3A_1521 = arith.constant 16 : index
        %get3A_1522 = tpu.vector_load %arg18[%get3A_1520, %get3A_1521] {strides = array<i32>} : memref<128x128xf32, #tpu.memory_space<vmem>>, vector<16xf32>,
        %get3A_1523 = arith.index_cast %add3A_1485 : i32 to index
        %get3A_1524 = arith.constant 16 : index
        %get3A_1525 = tpu.vector_load %arg19[%get3A_1523, %get3A_1524] {strides = array<i32>} : memref<128x128xf32, #tpu.memory_space<vmem>>, vector<16xf32>,
        %add3A_1526 = arith.addf %get3A_1522, %get3A_1525 : vector<16xf32>
        %get3A_1527 = arith.index_cast %add3A_1485 : i32 to index
        %get3A_1528 = arith.constant 16 : index
        %get3A_1529 = tpu.vector_load %arg14[%get3A_1527, %get3A_1528] {strides = array<i32>} : memref<128x128xf32, #tpu.memory_space<vmem>>, vector<16xf32>,
        %add3A_1530 = arith.addf %add3A_1526, %get3A_1529 : vector<16xf32>
        %max3A_1531 = arith.constant 0.000000e+00 : f32
        %max3A_1532 = vector.broadcast %max3A_1531 : f32 to vector<16xf32>
        %max3A_1533 = arith.maximumf %add3A_1530, %max3A_1532 : vector<16xf32>
        %get3A_1534 = arith.constant 0 : i32
        %get3A_1535 = arith.index_cast %get3A_1534 : i32 to index
        %get3A_1536 = arith.constant 16 : index
        %get3A_1537 = tpu.vector_load %arg25[%get3A_1535, %get3A_1536] {strides = array<i32>} : memref<4x128xf32, #tpu.memory_space<vmem>>, vector<16xf32>,
        %mul3A_1538 = arith.mulf %max3A_1533, %get3A_1537 : vector<16xf32>
        %add3A_1539 = arith.addf %mul3A_1504, %mul3A_1538 : vector<16xf32>
        %get3A_1540 = arith.constant 1 : i32
        %get3A_1541 = arith.index_cast %get3A_1540 : i32 to index
        %get3A_1542 = arith.constant 16 : index
        %get3A_1543 = tpu.vector_load %arg25[%get3A_1541, %get3A_1542] {strides = array<i32>} : memref<4x128xf32, #tpu.memory_space<vmem>>, vector<16xf32>,
        %mul3A_1544 = arith.mulf %max3A_1533, %get3A_1543 : vector<16xf32>
        %add3A_1545 = arith.addf %mul3A_1509, %mul3A_1544 : vector<16xf32>
        %get3A_1546 = arith.constant 2 : i32
        %get3A_1547 = arith.index_cast %get3A_1546 : i32 to index
        %get3A_1548 = arith.constant 16 : index
        %get3A_1549 = tpu.vector_load %arg25[%get3A_1547, %get3A_1548] {strides = array<i32>} : memref<4x128xf32, #tpu.memory_space<vmem>>, vector<16xf32>,
        %mul3A_1550 = arith.mulf %max3A_1533, %get3A_1549 : vector<16xf32>
        %add3A_1551 = arith.addf %mul3A_1514, %mul3A_1550 : vector<16xf32>
        %get3A_1552 = arith.constant 3 : i32
        %get3A_1553 = arith.index_cast %get3A_1552 : i32 to index
        %get3A_1554 = arith.constant 16 : index
        %get3A_1555 = tpu.vector_load %arg25[%get3A_1553, %get3A_1554] {strides = array<i32>} : memref<4x128xf32, #tpu.memory_space<vmem>>, vector<16xf32>,
        %mul3A_1556 = arith.mulf %max3A_1533, %get3A_1555 : vector<16xf32>
        %add3A_1557 = arith.addf %mul3A_1519, %mul3A_1556 : vector<16xf32>
        %get3A_1558 = arith.index_cast %add3A_1485 : i32 to index
        %get3A_1559 = arith.constant 32 : index
        %get3A_1560 = tpu.vector_load %arg18[%get3A_1558, %get3A_1559] {strides = array<i32>} : memref<128x128xf32, #tpu.memory_space<vmem>>, vector<16xf32>,
        %get3A_1561 = arith.index_cast %add3A_1485 : i32 to index
        %get3A_1562 = arith.constant 32 : index
        %get3A_1563 = tpu.vector_load %arg19[%get3A_1561, %get3A_1562] {strides = array<i32>} : memref<128x128xf32, #tpu.memory_space<vmem>>, vector<16xf32>,
        %add3A_1564 = arith.addf %get3A_1560, %get3A_1563 : vector<16xf32>
        %get3A_1565 = arith.index_cast %add3A_1485 : i32 to index
        %get3A_1566 = arith.constant 32 : index
        %get3A_1567 = tpu.vector_load %arg14[%get3A_1565, %get3A_1566] {strides = array<i32>} : memref<128x128xf32, #tpu.memory_space<vmem>>, vector<16xf32>,
        %add3A_1568 = arith.addf %add3A_1564, %get3A_1567 : vector<16xf32>
        %max3A_1569 = arith.constant 0.000000e+00 : f32
        %max3A_1570 = vector.broadcast %max3A_1569 : f32 to vector<16xf32>
        %max3A_1571 = arith.maximumf %add3A_1568, %max3A_1570 : vector<16xf32>
        %get3A_1572 = arith.constant 0 : i32
        %get3A_1573 = arith.index_cast %get3A_1572 : i32 to index
        %get3A_1574 = arith.constant 32 : index
        %get3A_1575 = tpu.vector_load %arg25[%get3A_1573, %get3A_1574] {strides = array<i32>} : memref<4x128xf32, #tpu.memory_space<vmem>>, vector<16xf32>,
        %mul3A_1576 = arith.mulf %max3A_1571, %get3A_1575 : vector<16xf32>
        %add3A_1577 = arith.addf %add3A_1539, %mul3A_1576 : vector<16xf32>
        %get3A_1578 = arith.constant 1 : i32
        %get3A_1579 = arith.index_cast %get3A_1578 : i32 to index
        %get3A_1580 = arith.constant 32 : index
        %get3A_1581 = tpu.vector_load %arg25[%get3A_1579, %get3A_1580] {strides = array<i32>} : memref<4x128xf32, #tpu.memory_space<vmem>>, vector<16xf32>,
        %mul3A_1582 = arith.mulf %max3A_1571, %get3A_1581 : vector<16xf32>
        %add3A_1583 = arith.addf %add3A_1545, %mul3A_1582 : vector<16xf32>
        %get3A_1584 = arith.constant 2 : i32
        %get3A_1585 = arith.index_cast %get3A_1584 : i32 to index
        %get3A_1586 = arith.constant 32 : index
        %get3A_1587 = tpu.vector_load %arg25[%get3A_1585, %get3A_1586] {strides = array<i32>} : memref<4x128xf32, #tpu.memory_space<vmem>>, vector<16xf32>,
        %mul3A_1588 = arith.mulf %max3A_1571, %get3A_1587 : vector<16xf32>
        %add3A_1589 = arith.addf %add3A_1551, %mul3A_1588 : vector<16xf32>
        %get3A_1590 = arith.constant 3 : i32
        %get3A_1591 = arith.index_cast %get3A_1590 : i32 to index
        %get3A_1592 = arith.constant 32 : index
        %get3A_1593 = tpu.vector_load %arg25[%get3A_1591, %get3A_1592] {strides = array<i32>} : memref<4x128xf32, #tpu.memory_space<vmem>>, vector<16xf32>,
        %mul3A_1594 = arith.mulf %max3A_1571, %get3A_1593 : vector<16xf32>
        %add3A_1595 = arith.addf %add3A_1557, %mul3A_1594 : vector<16xf32>
        %get3A_1596 = arith.index_cast %add3A_1485 : i32 to index
        %get3A_1597 = arith.constant 48 : index
        %get3A_1598 = tpu.vector_load %arg18[%get3A_1596, %get3A_1597] {strides = array<i32>} : memref<128x128xf32, #tpu.memory_space<vmem>>, vector<16xf32>,
        %get3A_1599 = arith.index_cast %add3A_1485 : i32 to index
        %get3A_1600 = arith.constant 48 : index
        %get3A_1601 = tpu.vector_load %arg19[%get3A_1599, %get3A_1600] {strides = array<i32>} : memref<128x128xf32, #tpu.memory_space<vmem>>, vector<16xf32>,
        %add3A_1602 = arith.addf %get3A_1598, %get3A_1601 : vector<16xf32>
        %get3A_1603 = arith.index_cast %add3A_1485 : i32 to index
        %get3A_1604 = arith.constant 48 : index
        %get3A_1605 = tpu.vector_load %arg14[%get3A_1603, %get3A_1604] {strides = array<i32>} : memref<128x128xf32, #tpu.memory_space<vmem>>, vector<16xf32>,
        %add3A_1606 = arith.addf %add3A_1602, %get3A_1605 : vector<16xf32>
        %max3A_1607 = arith.constant 0.000000e+00 : f32
        %max3A_1608 = vector.broadcast %max3A_1607 : f32 to vector<16xf32>
        %max3A_1609 = arith.maximumf %add3A_1606, %max3A_1608 : vector<16xf32>
        %get3A_1610 = arith.constant 0 : i32
        %get3A_1611 = arith.index_cast %get3A_1610 : i32 to index
        %get3A_1612 = arith.constant 48 : index
        %get3A_1613 = tpu.vector_load %arg25[%get3A_1611, %get3A_1612] {strides = array<i32>} : memref<4x128xf32, #tpu.memory_space<vmem>>, vector<16xf32>,
        %mul3A_1614 = arith.mulf %max3A_1609, %get3A_1613 : vector<16xf32>
        %add3A_1615 = arith.addf %add3A_1577, %mul3A_1614 : vector<16xf32>
        %get3A_1616 = arith.constant 1 : i32
        %get3A_1617 = arith.index_cast %get3A_1616 : i32 to index
        %get3A_1618 = arith.constant 48 : index
        %get3A_1619 = tpu.vector_load %arg25[%get3A_1617, %get3A_1618] {strides = array<i32>} : memref<4x128xf32, #tpu.memory_space<vmem>>, vector<16xf32>,
        %mul3A_1620 = arith.mulf %max3A_1609, %get3A_1619 : vector<16xf32>
        %add3A_1621 = arith.addf %add3A_1583, %mul3A_1620 : vector<16xf32>
        %get3A_1622 = arith.constant 2 : i32
        %get3A_1623 = arith.index_cast %get3A_1622 : i32 to index
        %get3A_1624 = arith.constant 48 : index
        %get3A_1625 = tpu.vector_load %arg25[%get3A_1623, %get3A_1624] {strides = array<i32>} : memref<4x128xf32, #tpu.memory_space<vmem>>, vector<16xf32>,
        %mul3A_1626 = arith.mulf %max3A_1609, %get3A_1625 : vector<16xf32>
        %add3A_1627 = arith.addf %add3A_1589, %mul3A_1626 : vector<16xf32>
        %get3A_1628 = arith.constant 3 : i32
        %get3A_1629 = arith.index_cast %get3A_1628 : i32 to index
        %get3A_1630 = arith.constant 48 : index
        %get3A_1631 = tpu.vector_load %arg25[%get3A_1629, %get3A_1630] {strides = array<i32>} : memref<4x128xf32, #tpu.memory_space<vmem>>, vector<16xf32>,
        %mul3A_1632 = arith.mulf %max3A_1609, %get3A_1631 : vector<16xf32>
        %add3A_1633 = arith.addf %add3A_1595, %mul3A_1632 : vector<16xf32>
        %get3A_1634 = arith.index_cast %add3A_1485 : i32 to index
        %get3A_1635 = arith.constant 64 : index
        %get3A_1636 = tpu.vector_load %arg18[%get3A_1634, %get3A_1635] {strides = array<i32>} : memref<128x128xf32, #tpu.memory_space<vmem>>, vector<16xf32>,
        %get3A_1637 = arith.index_cast %add3A_1485 : i32 to index
        %get3A_1638 = arith.constant 64 : index
        %get3A_1639 = tpu.vector_load %arg19[%get3A_1637, %get3A_1638] {strides = array<i32>} : memref<128x128xf32, #tpu.memory_space<vmem>>, vector<16xf32>,
        %add3A_1640 = arith.addf %get3A_1636, %get3A_1639 : vector<16xf32>
        %get3A_1641 = arith.index_cast %add3A_1485 : i32 to index
        %get3A_1642 = arith.constant 64 : index
        %get3A_1643 = tpu.vector_load %arg14[%get3A_1641, %get3A_1642] {strides = array<i32>} : memref<128x128xf32, #tpu.memory_space<vmem>>, vector<16xf32>,
        %add3A_1644 = arith.addf %add3A_1640, %get3A_1643 : vector<16xf32>
        %max3A_1645 = arith.constant 0.000000e+00 : f32
        %max3A_1646 = vector.broadcast %max3A_1645 : f32 to vector<16xf32>
        %max3A_1647 = arith.maximumf %add3A_1644, %max3A_1646 : vector<16xf32>
        %get3A_1648 = arith.constant 0 : i32
        %get3A_1649 = arith.index_cast %get3A_1648 : i32 to index
        %get3A_1650 = arith.constant 64 : index
        %get3A_1651 = tpu.vector_load %arg25[%get3A_1649, %get3A_1650] {strides = array<i32>} : memref<4x128xf32, #tpu.memory_space<vmem>>, vector<16xf32>,
        %mul3A_1652 = arith.mulf %max3A_1647, %get3A_1651 : vector<16xf32>
        %add3A_1653 = arith.addf %add3A_1615, %mul3A_1652 : vector<16xf32>
        %get3A_1654 = arith.constant 1 : i32
        %get3A_1655 = arith.index_cast %get3A_1654 : i32 to index
        %get3A_1656 = arith.constant 64 : index
        %get3A_1657 = tpu.vector_load %arg25[%get3A_1655, %get3A_1656] {strides = array<i32>} : memref<4x128xf32, #tpu.memory_space<vmem>>, vector<16xf32>,
        %mul3A_1658 = arith.mulf %max3A_1647, %get3A_1657 : vector<16xf32>
        %add3A_1659 = arith.addf %add3A_1621, %mul3A_1658 : vector<16xf32>
        %get3A_1660 = arith.constant 2 : i32
        %get3A_1661 = arith.index_cast %get3A_1660 : i32 to index
        %get3A_1662 = arith.constant 64 : index
        %get3A_1663 = tpu.vector_load %arg25[%get3A_1661, %get3A_1662] {strides = array<i32>} : memref<4x128xf32, #tpu.memory_space<vmem>>, vector<16xf32>,
        %mul3A_1664 = arith.mulf %max3A_1647, %get3A_1663 : vector<16xf32>
        %add3A_1665 = arith.addf %add3A_1627, %mul3A_1664 : vector<16xf32>
        %get3A_1666 = arith.constant 3 : i32
        %get3A_1667 = arith.index_cast %get3A_1666 : i32 to index
        %get3A_1668 = arith.constant 64 : index
        %get3A_1669 = tpu.vector_load %arg25[%get3A_1667, %get3A_1668] {strides = array<i32>} : memref<4x128xf32, #tpu.memory_space<vmem>>, vector<16xf32>,
        %mul3A_1670 = arith.mulf %max3A_1647, %get3A_1669 : vector<16xf32>
        %add3A_1671 = arith.addf %add3A_1633, %mul3A_1670 : vector<16xf32>
        %get3A_1672 = arith.index_cast %add3A_1485 : i32 to index
        %get3A_1673 = arith.constant 80 : index
        %get3A_1674 = tpu.vector_load %arg18[%get3A_1672, %get3A_1673] {strides = array<i32>} : memref<128x128xf32, #tpu.memory_space<vmem>>, vector<16xf32>,
        %get3A_1675 = arith.index_cast %add3A_1485 : i32 to index
        %get3A_1676 = arith.constant 80 : index
        %get3A_1677 = tpu.vector_load %arg19[%get3A_1675, %get3A_1676] {strides = array<i32>} : memref<128x128xf32, #tpu.memory_space<vmem>>, vector<16xf32>,
        %add3A_1678 = arith.addf %get3A_1674, %get3A_1677 : vector<16xf32>
        %get3A_1679 = arith.index_cast %add3A_1485 : i32 to index
        %get3A_1680 = arith.constant 80 : index
        %get3A_1681 = tpu.vector_load %arg14[%get3A_1679, %get3A_1680] {strides = array<i32>} : memref<128x128xf32, #tpu.memory_space<vmem>>, vector<16xf32>,
        %add3A_1682 = arith.addf %add3A_1678, %get3A_1681 : vector<16xf32>
        %max3A_1683 = arith.constant 0.000000e+00 : f32
        %max3A_1684 = vector.broadcast %max3A_1683 : f32 to vector<16xf32>
        %max3A_1685 = arith.maximumf %add3A_1682, %max3A_1684 : vector<16xf32>
        %get3A_1686 = arith.constant 0 : i32
        %get3A_1687 = arith.index_cast %get3A_1686 : i32 to index
        %get3A_1688 = arith.constant 80 : index
        %get3A_1689 = tpu.vector_load %arg25[%get3A_1687, %get3A_1688] {strides = array<i32>} : memref<4x128xf32, #tpu.memory_space<vmem>>, vector<16xf32>,
        %mul3A_1690 = arith.mulf %max3A_1685, %get3A_1689 : vector<16xf32>
        %add3A_1691 = arith.addf %add3A_1653, %mul3A_1690 : vector<16xf32>
        %get3A_1692 = arith.constant 1 : i32
        %get3A_1693 = arith.index_cast %get3A_1692 : i32 to index
        %get3A_1694 = arith.constant 80 : index
        %get3A_1695 = tpu.vector_load %arg25[%get3A_1693, %get3A_1694] {strides = array<i32>} : memref<4x128xf32, #tpu.memory_space<vmem>>, vector<16xf32>,
        %mul3A_1696 = arith.mulf %max3A_1685, %get3A_1695 : vector<16xf32>
        %add3A_1697 = arith.addf %add3A_1659, %mul3A_1696 : vector<16xf32>
        %get3A_1698 = arith.constant 2 : i32
        %get3A_1699 = arith.index_cast %get3A_1698 : i32 to index
        %get3A_1700 = arith.constant 80 : index
        %get3A_1701 = tpu.vector_load %arg25[%get3A_1699, %get3A_1700] {strides = array<i32>} : memref<4x128xf32, #tpu.memory_space<vmem>>, vector<16xf32>,
        %mul3A_1702 = arith.mulf %max3A_1685, %get3A_1701 : vector<16xf32>
        %add3A_1703 = arith.addf %add3A_1665, %mul3A_1702 : vector<16xf32>
        %get3A_1704 = arith.constant 3 : i32
        %get3A_1705 = arith.index_cast %get3A_1704 : i32 to index
        %get3A_1706 = arith.constant 80 : index
        %get3A_1707 = tpu.vector_load %arg25[%get3A_1705, %get3A_1706] {strides = array<i32>} : memref<4x128xf32, #tpu.memory_space<vmem>>, vector<16xf32>,
        %mul3A_1708 = arith.mulf %max3A_1685, %get3A_1707 : vector<16xf32>
        %add3A_1709 = arith.addf %add3A_1671, %mul3A_1708 : vector<16xf32>
        %get3A_1710 = arith.index_cast %add3A_1485 : i32 to index
        %get3A_1711 = arith.constant 96 : index
        %get3A_1712 = tpu.vector_load %arg18[%get3A_1710, %get3A_1711] {strides = array<i32>} : memref<128x128xf32, #tpu.memory_space<vmem>>, vector<16xf32>,
        %get3A_1713 = arith.index_cast %add3A_1485 : i32 to index
        %get3A_1714 = arith.constant 96 : index
        %get3A_1715 = tpu.vector_load %arg19[%get3A_1713, %get3A_1714] {strides = array<i32>} : memref<128x128xf32, #tpu.memory_space<vmem>>, vector<16xf32>,
        %add3A_1716 = arith.addf %get3A_1712, %get3A_1715 : vector<16xf32>
        %get3A_1717 = arith.index_cast %add3A_1485 : i32 to index
        %get3A_1718 = arith.constant 96 : index
        %get3A_1719 = tpu.vector_load %arg14[%get3A_1717, %get3A_1718] {strides = array<i32>} : memref<128x128xf32, #tpu.memory_space<vmem>>, vector<16xf32>,
        %add3A_1720 = arith.addf %add3A_1716, %get3A_1719 : vector<16xf32>
        %max3A_1721 = arith.constant 0.000000e+00 : f32
        %max3A_1722 = vector.broadcast %max3A_1721 : f32 to vector<16xf32>
        %max3A_1723 = arith.maximumf %add3A_1720, %max3A_1722 : vector<16xf32>
        %get3A_1724 = arith.constant 0 : i32
        %get3A_1725 = arith.index_cast %get3A_1724 : i32 to index
        %get3A_1726 = arith.constant 96 : index
        %get3A_1727 = tpu.vector_load %arg25[%get3A_1725, %get3A_1726] {strides = array<i32>} : memref<4x128xf32, #tpu.memory_space<vmem>>, vector<16xf32>,
        %mul3A_1728 = arith.mulf %max3A_1723, %get3A_1727 : vector<16xf32>
        %add3A_1729 = arith.addf %add3A_1691, %mul3A_1728 : vector<16xf32>
        %get3A_1730 = arith.constant 1 : i32
        %get3A_1731 = arith.index_cast %get3A_1730 : i32 to index
        %get3A_1732 = arith.constant 96 : index
        %get3A_1733 = tpu.vector_load %arg25[%get3A_1731, %get3A_1732] {strides = array<i32>} : memref<4x128xf32, #tpu.memory_space<vmem>>, vector<16xf32>,
        %mul3A_1734 = arith.mulf %max3A_1723, %get3A_1733 : vector<16xf32>
        %add3A_1735 = arith.addf %add3A_1697, %mul3A_1734 : vector<16xf32>
        %get3A_1736 = arith.constant 2 : i32
        %get3A_1737 = arith.index_cast %get3A_1736 : i32 to index
        %get3A_1738 = arith.constant 96 : index
        %get3A_1739 = tpu.vector_load %arg25[%get3A_1737, %get3A_1738] {strides = array<i32>} : memref<4x128xf32, #tpu.memory_space<vmem>>, vector<16xf32>,
        %mul3A_1740 = arith.mulf %max3A_1723, %get3A_1739 : vector<16xf32>
        %add3A_1741 = arith.addf %add3A_1703, %mul3A_1740 : vector<16xf32>
        %get3A_1742 = arith.constant 3 : i32
        %get3A_1743 = arith.index_cast %get3A_1742 : i32 to index
        %get3A_1744 = arith.constant 96 : index
        %get3A_1745 = tpu.vector_load %arg25[%get3A_1743, %get3A_1744] {strides = array<i32>} : memref<4x128xf32, #tpu.memory_space<vmem>>, vector<16xf32>,
        %mul3A_1746 = arith.mulf %max3A_1723, %get3A_1745 : vector<16xf32>
        %add3A_1747 = arith.addf %add3A_1709, %mul3A_1746 : vector<16xf32>
        %get3A_1748 = arith.index_cast %add3A_1485 : i32 to index
        %get3A_1749 = arith.constant 112 : index
        %get3A_1750 = tpu.vector_load %arg18[%get3A_1748, %get3A_1749] {strides = array<i32>} : memref<128x128xf32, #tpu.memory_space<vmem>>, vector<16xf32>,
        %get3A_1751 = arith.index_cast %add3A_1485 : i32 to index
        %get3A_1752 = arith.constant 112 : index
        %get3A_1753 = tpu.vector_load %arg19[%get3A_1751, %get3A_1752] {strides = array<i32>} : memref<128x128xf32, #tpu.memory_space<vmem>>, vector<16xf32>,
        %add3A_1754 = arith.addf %get3A_1750, %get3A_1753 : vector<16xf32>
        %get3A_1755 = arith.index_cast %add3A_1485 : i32 to index
        %get3A_1756 = arith.constant 112 : index
        %get3A_1757 = tpu.vector_load %arg14[%get3A_1755, %get3A_1756] {strides = array<i32>} : memref<128x128xf32, #tpu.memory_space<vmem>>, vector<16xf32>,
        %add3A_1758 = arith.addf %add3A_1754, %get3A_1757 : vector<16xf32>
        %max3A_1759 = arith.constant 0.000000e+00 : f32
        %max3A_1760 = vector.broadcast %max3A_1759 : f32 to vector<16xf32>
        %max3A_1761 = arith.maximumf %add3A_1758, %max3A_1760 : vector<16xf32>
        %get3A_1762 = arith.constant 0 : i32
        %get3A_1763 = arith.index_cast %get3A_1762 : i32 to index
        %get3A_1764 = arith.constant 112 : index
        %get3A_1765 = tpu.vector_load %arg25[%get3A_1763, %get3A_1764] {strides = array<i32>} : memref<4x128xf32, #tpu.memory_space<vmem>>, vector<16xf32>,
        %mul3A_1766 = arith.mulf %max3A_1761, %get3A_1765 : vector<16xf32>
        %add3A_1767 = arith.addf %add3A_1729, %mul3A_1766 : vector<16xf32>
        %get3A_1768 = arith.constant 1 : i32
        %get3A_1769 = arith.index_cast %get3A_1768 : i32 to index
        %get3A_1770 = arith.constant 112 : index
        %get3A_1771 = tpu.vector_load %arg25[%get3A_1769, %get3A_1770] {strides = array<i32>} : memref<4x128xf32, #tpu.memory_space<vmem>>, vector<16xf32>,
        %mul3A_1772 = arith.mulf %max3A_1761, %get3A_1771 : vector<16xf32>
        %add3A_1773 = arith.addf %add3A_1735, %mul3A_1772 : vector<16xf32>
        %get3A_1774 = arith.constant 2 : i32
        %get3A_1775 = arith.index_cast %get3A_1774 : i32 to index
        %get3A_1776 = arith.constant 112 : index
        %get3A_1777 = tpu.vector_load %arg25[%get3A_1775, %get3A_1776] {strides = array<i32>} : memref<4x128xf32, #tpu.memory_space<vmem>>, vector<16xf32>,
        %mul3A_1778 = arith.mulf %max3A_1761, %get3A_1777 : vector<16xf32>
        %add3A_1779 = arith.addf %add3A_1741, %mul3A_1778 : vector<16xf32>
        %get3A_1780 = arith.constant 3 : i32
        %get3A_1781 = arith.index_cast %get3A_1780 : i32 to index
        %get3A_1782 = arith.constant 112 : index
        %get3A_1783 = tpu.vector_load %arg25[%get3A_1781, %get3A_1782] {strides = array<i32>} : memref<4x128xf32, #tpu.memory_space<vmem>>, vector<16xf32>,
        %mul3A_1784 = arith.mulf %max3A_1761, %get3A_1783 : vector<16xf32>
        %add3A_1785 = arith.addf %add3A_1747, %mul3A_1784 : vector<16xf32>
        %eq3A_1786 = arith.constant 12 : i32
        %eq3A_1787 = vector.broadcast %eq3A_1786 : i32 to vector<16xi32>
        %eq3A_1788 = arith.cmpi eq, %iota3A, %eq3A_1787 : vector<16xi32>
        %reduce_sum3A_1789 = arith.constant true
        %reduce_sum3A_1790 = vector.broadcast %reduce_sum3A_1789 : i1 to vector<16xi1>
        %reduce_sum3A_1791 = tpu.scan <sum>, %add3A_1767 masked %reduce_sum3A_1790 : vector<16xf32>, vector<16xi1> -> vector<16xf32>
        %reduce_sum3A_1792 = vector.extract %reduce_sum3A_1791[15] : f32 from vector<16xf32>
        %add3A_1793 = vector.broadcast %reduce_sum3A_1792 : f32 to vector<16xf32>
        %add3A_1794 = arith.addf %add3A_1793, %select_n3A_1481 : vector<16xf32>
        %select_n3A_1795 = arith.select %eq3A_1788, %add3A_1794, %select_n3A_1481 : vector<16xi1>, vector<16xf32>
        %eq3A_1796 = arith.constant 13 : i32
        %eq3A_1797 = vector.broadcast %eq3A_1796 : i32 to vector<16xi32>
        %eq3A_1798 = arith.cmpi eq, %iota3A, %eq3A_1797 : vector<16xi32>
        %reduce_sum3A_1799 = arith.constant true
        %reduce_sum3A_1800 = vector.broadcast %reduce_sum3A_1799 : i1 to vector<16xi1>
        %reduce_sum3A_1801 = tpu.scan <sum>, %add3A_1773 masked %reduce_sum3A_1800 : vector<16xf32>, vector<16xi1> -> vector<16xf32>
        %reduce_sum3A_1802 = vector.extract %reduce_sum3A_1801[15] : f32 from vector<16xf32>
        %add3A_1803 = vector.broadcast %reduce_sum3A_1802 : f32 to vector<16xf32>
        %add3A_1804 = arith.addf %add3A_1803, %select_n3A_1795 : vector<16xf32>
        %select_n3A_1805 = arith.select %eq3A_1798, %add3A_1804, %select_n3A_1795 : vector<16xi1>, vector<16xf32>
        %eq3A_1806 = arith.constant 14 : i32
        %eq3A_1807 = vector.broadcast %eq3A_1806 : i32 to vector<16xi32>
        %eq3A_1808 = arith.cmpi eq, %iota3A, %eq3A_1807 : vector<16xi32>
        %reduce_sum3A_1809 = arith.constant true
        %reduce_sum3A_1810 = vector.broadcast %reduce_sum3A_1809 : i1 to vector<16xi1>
        %reduce_sum3A_1811 = tpu.scan <sum>, %add3A_1779 masked %reduce_sum3A_1810 : vector<16xf32>, vector<16xi1> -> vector<16xf32>
        %reduce_sum3A_1812 = vector.extract %reduce_sum3A_1811[15] : f32 from vector<16xf32>
        %add3A_1813 = vector.broadcast %reduce_sum3A_1812 : f32 to vector<16xf32>
        %add3A_1814 = arith.addf %add3A_1813, %select_n3A_1805 : vector<16xf32>
        %select_n3A_1815 = arith.select %eq3A_1808, %add3A_1814, %select_n3A_1805 : vector<16xi1>, vector<16xf32>
        %eq3A_1816 = arith.constant 15 : i32
        %eq3A_1817 = vector.broadcast %eq3A_1816 : i32 to vector<16xi32>
        %eq3A_1818 = arith.cmpi eq, %iota3A, %eq3A_1817 : vector<16xi32>
        %reduce_sum3A_1819 = arith.constant true
        %reduce_sum3A_1820 = vector.broadcast %reduce_sum3A_1819 : i1 to vector<16xi1>
        %reduce_sum3A_1821 = tpu.scan <sum>, %add3A_1785 masked %reduce_sum3A_1820 : vector<16xf32>, vector<16xi1> -> vector<16xf32>
        %reduce_sum3A_1822 = vector.extract %reduce_sum3A_1821[15] : f32 from vector<16xf32>
        %add3A_1823 = vector.broadcast %reduce_sum3A_1822 : f32 to vector<16xf32>
        %add3A_1824 = arith.addf %add3A_1823, %select_n3A_1815 : vector<16xf32>
        %select_n3A_1825 = arith.select %eq3A_1818, %add3A_1824, %select_n3A_1815 : vector<16xi1>, vector<16xf32>
        %mul3A_1826 = arith.constant 4 : i32
        %mul3A_1827 = arith.muli %scan3A_451, %mul3A_1826 : i32
        %add3A_1828 = vector.broadcast %mul3A_1827 : i32 to vector<16xi32>
        %add3A_1829 = arith.addi %add3A_1828, %select_n3A : vector<16xi32>
        tpu.vector_store_idx %arg22[%add3A_1829, %select_n3A_43], %select_n3A_1825 : memref<128x4xf32, #tpu.memory_space<vmem>>[vector<16xi32>, vector<16xi32>], vector<16xf32>,
        %mul3A_1830 = arith.constant 4 : i32
        %mul3A_1831 = arith.muli %scan3A_451, %mul3A_1830 : i32
        %add3A_1832 = vector.broadcast %mul3A_1831 : i32 to vector<16xi32>
        %add3A_1833 = arith.addi %add3A_1832, %select_n3A : vector<16xi32>
        tpu.vector_store_idx %arg24[%add3A_1833, %select_n3A_43], %select_n3A_1825 : memref<128x8xf32, #tpu.memory_space<vmem>>[vector<16xi32>, vector<16xi32>], vector<16xf32>,
      }
      %scan3A_405 = arith.constant 32 : i32
      %mul3A_406 = arith.constant 32 : i32
      %mul3A_407 = arith.muli %mul3A_366, %mul3A_406 : i32
      %add3A_408 = arith.addi %add3A, %mul3A_407 : i32
      %mul3A_409 = arith.constant 128 : i32
      %mul3A_410 = arith.muli %add3A_408, %mul3A_409 : i32
      %dma_start3A_411 = arith.constant 0 : i32
      %dma_start3A_412 = tpu.memref_slice %arg10[%mul3A_410, %dma_start3A_411] : memref<320000x4xf32, #tpu.memory_space<hbm>> -> memref<128x4xf32, #tpu.memory_space<hbm>>
      %dma_start3A_413 = arith.constant 0 : i32
      %dma_start3A_414 = tpu.memref_slice %arg10[%mul3A_410, %dma_start3A_413] : memref<320000x4xf32, #tpu.memory_space<hbm>> -> memref<128x4xf32, #tpu.memory_space<hbm>>
      tpu.enqueue_dma source(%arg22 : memref<128x4xf32, #tpu.memory_space<vmem>>) target(%dma_start3A_414 : memref<128x4xf32, #tpu.memory_space<hbm>>) target_semaphore(%arg35 : memref<!tpu.dma_semaphore, #tpu.memory_space<semaphore_mem>>)
      "tpu.region"() ({
        %run_scoped3A = tpu.sem_alloc : memref<!tpu.dma_semaphore, #tpu.memory_space<semaphore_mem>>
        %dma_start3A_451 = arith.constant 0 : i32
        %dma_start3A_452 = arith.constant 0 : i32
        %dma_start3A_453 = tpu.memref_slice %arg28[%dma_start3A_451, %dma_start3A_452] : memref<10240x8xf32, #tpu.memory_space<vmem_shared>> -> memref<10240x8xf32, #tpu.memory_space<vmem_shared>>
        tpu.enqueue_indirect_dma source(%arg24 : memref<128x8xf32, #tpu.memory_space<vmem>>) target(%dma_start3A_453 : memref<10240x8xf32, #tpu.memory_space<vmem_shared>>) offsets(%arg12 : memref<128xi32, #tpu.memory_space<vmem>>) semaphore(%run_scoped3A : memref<!tpu.dma_semaphore, #tpu.memory_space<semaphore_mem>>) {add = true}
        %dma_wait3A_454 = arith.constant 0 : i32
        %dma_wait3A_455 = arith.constant 0 : i32
        %dma_wait3A_456 = tpu.memref_slice %arg28[%dma_wait3A_454, %dma_wait3A_455] : memref<10240x8xf32, #tpu.memory_space<vmem_shared>> -> memref<10240x8xf32, #tpu.memory_space<vmem_shared>>
        tpu.wait_indirect_dma semaphore(%run_scoped3A : memref<!tpu.dma_semaphore, #tpu.memory_space<semaphore_mem>>) src(%arg24 : memref<128x8xf32, #tpu.memory_space<vmem>>) dst(%dma_wait3A_456 : memref<10240x8xf32, #tpu.memory_space<vmem_shared>>)
        tpu.yield
      }) : () -> ()
      %lt3A_415 = arith.constant 38 : i32
      %lt3A_416 = arith.cmpi slt, %scan3A_364, %lt3A_415 : i32
      %convert_element_type3A_417 = arith.extui %lt3A_416 : i1 to i32
      %cond3A_418 = arith.constant 0 : i32
      %cond3A_419 = arith.cmpi ne, %convert_element_type3A_417, %cond3A_418 : i32
      scf.if %cond3A_419 {
        %add3A_451 = arith.constant 2 : i32
        %add3A_452 = arith.addi %mul3A_366, %add3A_451 : i32
        %mul3A_453 = arith.constant 32 : i32
        %mul3A_454 = arith.muli %add3A_452, %mul3A_453 : i32
        %add3A_455 = arith.addi %add3A, %mul3A_454 : i32
        %mul3A_456 = arith.constant 128 : i32
        %mul3A_457 = arith.muli %add3A_455, %mul3A_456 : i32
        %dma_start3A_458 = tpu.memref_slice %arg4[%mul3A_457] : memref<320000xi32, #tpu.memory_space<hbm>> -> memref<128xi32, #tpu.memory_space<hbm>>
        %dma_start3A_459 = tpu.memref_slice %arg4[%mul3A_457] : memref<320000xi32, #tpu.memory_space<hbm>> -> memref<128xi32, #tpu.memory_space<hbm>>
        tpu.enqueue_dma source(%dma_start3A_459 : memref<128xi32, #tpu.memory_space<hbm>>) target(%arg12 : memref<128xi32, #tpu.memory_space<vmem>>) target_semaphore(%arg29 : memref<!tpu.dma_semaphore, #tpu.memory_space<semaphore_mem>>)
        %dma_start3A_460 = tpu.memref_slice %arg5[%mul3A_457] : memref<320000xi32, #tpu.memory_space<hbm>> -> memref<128xi32, #tpu.memory_space<hbm>>
        %dma_start3A_461 = tpu.memref_slice %arg5[%mul3A_457] : memref<320000xi32, #tpu.memory_space<hbm>> -> memref<128xi32, #tpu.memory_space<hbm>>
        tpu.enqueue_dma source(%dma_start3A_461 : memref<128xi32, #tpu.memory_space<hbm>>) target(%arg13 : memref<128xi32, #tpu.memory_space<vmem>>) target_semaphore(%arg29 : memref<!tpu.dma_semaphore, #tpu.memory_space<semaphore_mem>>)
        %dma_start3A_462 = arith.constant 0 : i32
        %dma_start3A_463 = tpu.memref_slice %arg6[%mul3A_457, %dma_start3A_462] : memref<320000x128xf32, #tpu.memory_space<hbm>> -> memref<128x128xf32, #tpu.memory_space<hbm>>
        %dma_start3A_464 = arith.constant 0 : i32
        %dma_start3A_465 = tpu.memref_slice %arg6[%mul3A_457, %dma_start3A_464] : memref<320000x128xf32, #tpu.memory_space<hbm>> -> memref<128x128xf32, #tpu.memory_space<hbm>>
        tpu.enqueue_dma source(%dma_start3A_465 : memref<128x128xf32, #tpu.memory_space<hbm>>) target(%arg14 : memref<128x128xf32, #tpu.memory_space<vmem>>) target_semaphore(%arg29 : memref<!tpu.dma_semaphore, #tpu.memory_space<semaphore_mem>>)
        %add3A_466 = arith.constant 2 : i32
        %add3A_467 = arith.addi %mul3A_366, %add3A_466 : i32
        %mul3A_468 = arith.constant 32 : i32
        %mul3A_469 = arith.muli %add3A_467, %mul3A_468 : i32
        %add3A_470 = arith.addi %add3A, %mul3A_469 : i32
        %mul3A_471 = arith.constant 128 : i32
        %mul3A_472 = arith.muli %add3A_470, %mul3A_471 : i32
        %dma_wait3A_473 = tpu.memref_slice %arg4[%mul3A_472] : memref<320000xi32, #tpu.memory_space<hbm>> -> memref<128xi32, #tpu.memory_space<hbm>>
        %dma_wait3A_474 = tpu.memref_slice %arg4[%mul3A_472] : memref<320000xi32, #tpu.memory_space<hbm>> -> memref<128xi32, #tpu.memory_space<hbm>>
        tpu.wait_dma2 semaphore(%arg29 : memref<!tpu.dma_semaphore, #tpu.memory_space<semaphore_mem>>) src(%dma_wait3A_474 : memref<128xi32, #tpu.memory_space<hbm>>) dst(%arg12 : memref<128xi32, #tpu.memory_space<vmem>>)
        %dma_wait3A_475 = tpu.memref_slice %arg5[%mul3A_472] : memref<320000xi32, #tpu.memory_space<hbm>> -> memref<128xi32, #tpu.memory_space<hbm>>
        %dma_wait3A_476 = tpu.memref_slice %arg5[%mul3A_472] : memref<320000xi32, #tpu.memory_space<hbm>> -> memref<128xi32, #tpu.memory_space<hbm>>
        tpu.wait_dma2 semaphore(%arg29 : memref<!tpu.dma_semaphore, #tpu.memory_space<semaphore_mem>>) src(%dma_wait3A_476 : memref<128xi32, #tpu.memory_space<hbm>>) dst(%arg13 : memref<128xi32, #tpu.memory_space<vmem>>)
        %dma_wait3A_477 = arith.constant 0 : i32
        %dma_wait3A_478 = tpu.memref_slice %arg6[%mul3A_472, %dma_wait3A_477] : memref<320000x128xf32, #tpu.memory_space<hbm>> -> memref<128x128xf32, #tpu.memory_space<hbm>>
        %dma_wait3A_479 = arith.constant 0 : i32
        %dma_wait3A_480 = tpu.memref_slice %arg6[%mul3A_472, %dma_wait3A_479] : memref<320000x128xf32, #tpu.memory_space<hbm>> -> memref<128x128xf32, #tpu.memory_space<hbm>>
        tpu.wait_dma2 semaphore(%arg29 : memref<!tpu.dma_semaphore, #tpu.memory_space<semaphore_mem>>) src(%dma_wait3A_480 : memref<128x128xf32, #tpu.memory_space<hbm>>) dst(%arg14 : memref<128x128xf32, #tpu.memory_space<vmem>>)
        %dma_start3A_481 = arith.constant 0 : i32
        %dma_start3A_482 = arith.constant 0 : i32
        %dma_start3A_483 = tpu.memref_slice %arg2[%dma_start3A_481, %dma_start3A_482] : memref<10000x128xf32, #tpu.memory_space<hbm>> -> memref<10000x128xf32, #tpu.memory_space<hbm>>
        tpu.enqueue_indirect_dma source(%dma_start3A_483 : memref<10000x128xf32, #tpu.memory_space<hbm>>) target(%arg18 : memref<128x128xf32, #tpu.memory_space<vmem>>) offsets(%arg12 : memref<128xi32, #tpu.memory_space<vmem>>) semaphore(%arg31 : memref<!tpu.dma_semaphore, #tpu.memory_space<semaphore_mem>>)
        %dma_start3A_484 = arith.constant 0 : i32
        %dma_start3A_485 = arith.constant 0 : i32
        %dma_start3A_486 = tpu.memref_slice %arg3[%dma_start3A_484, %dma_start3A_485] : memref<10000x128xf32, #tpu.memory_space<hbm>> -> memref<10000x128xf32, #tpu.memory_space<hbm>>
        tpu.enqueue_indirect_dma source(%dma_start3A_486 : memref<10000x128xf32, #tpu.memory_space<hbm>>) target(%arg19 : memref<128x128xf32, #tpu.memory_space<vmem>>) offsets(%arg13 : memref<128xi32, #tpu.memory_space<vmem>>) semaphore(%arg32 : memref<!tpu.dma_semaphore, #tpu.memory_space<semaphore_mem>>)
      } else {
      }
      %dma_wait3A_420 = arith.constant 0 : i32
      %dma_wait3A_421 = arith.constant 0 : i32
      %dma_wait3A_422 = tpu.memref_slice %arg2[%dma_wait3A_420, %dma_wait3A_421] : memref<10000x128xf32, #tpu.memory_space<hbm>> -> memref<10000x128xf32, #tpu.memory_space<hbm>>
      tpu.wait_indirect_dma semaphore(%arg33 : memref<!tpu.dma_semaphore, #tpu.memory_space<semaphore_mem>>) src(%dma_wait3A_422 : memref<10000x128xf32, #tpu.memory_space<hbm>>) dst(%arg20 : memref<128x128xf32, #tpu.memory_space<vmem>>)
      %dma_wait3A_423 = arith.constant 0 : i32
      %dma_wait3A_424 = arith.constant 0 : i32
      %dma_wait3A_425 = tpu.memref_slice %arg3[%dma_wait3A_423, %dma_wait3A_424] : memref<10000x128xf32, #tpu.memory_space<hbm>> -> memref<10000x128xf32, #tpu.memory_space<hbm>>
      tpu.wait_indirect_dma semaphore(%arg34 : memref<!tpu.dma_semaphore, #tpu.memory_space<semaphore_mem>>) src(%dma_wait3A_425 : memref<10000x128xf32, #tpu.memory_space<hbm>>) dst(%arg21 : memref<128x128xf32, #tpu.memory_space<vmem>>)
      %gt3A_426 = arith.constant 0 : i32
      %gt3A_427 = arith.cmpi sgt, %scan3A_364, %gt3A_426 : i32
      %convert_element_type3A_428 = arith.extui %gt3A_427 : i1 to i32
      %cond3A_429 = arith.constant 0 : i32
      %cond3A_430 = arith.cmpi ne, %convert_element_type3A_428, %cond3A_429 : i32
      scf.if %cond3A_430 {
        %sub3A_451 = arith.constant 2 : i32
        %sub3A_452 = arith.subi %add3A_370, %sub3A_451 : i32
        %mul3A_453 = arith.constant 32 : i32
        %mul3A_454 = arith.muli %sub3A_452, %mul3A_453 : i32
        %add3A_455 = arith.addi %add3A, %mul3A_454 : i32
        %mul3A_456 = arith.constant 128 : i32
        %mul3A_457 = arith.muli %add3A_455, %mul3A_456 : i32
        %dma_wait3A_458 = arith.constant 0 : i32
        %dma_wait3A_459 = tpu.memref_slice %arg10[%mul3A_457, %dma_wait3A_458] : memref<320000x4xf32, #tpu.memory_space<hbm>> -> memref<128x4xf32, #tpu.memory_space<hbm>>
        %dma_wait3A_460 = arith.constant 0 : i32
        %dma_wait3A_461 = tpu.memref_slice %arg10[%mul3A_457, %dma_wait3A_460] : memref<320000x4xf32, #tpu.memory_space<hbm>> -> memref<128x4xf32, #tpu.memory_space<hbm>>
        tpu.wait_dma2 semaphore(%arg36 : memref<!tpu.dma_semaphore, #tpu.memory_space<semaphore_mem>>) src(%arg23 : memref<128x4xf32, #tpu.memory_space<vmem>>) dst(%dma_wait3A_461 : memref<128x4xf32, #tpu.memory_space<hbm>>)
      } else {
      }
      %scan3A_431 = arith.constant 0 : i32
      %scan3A_432 = arith.constant 0 : i32
      %scan3A_433 = arith.constant 32 : i32
      %scan3A_434 = arith.addi %scan3A_432, %scan3A_433 : i32
      %scan3A_435 = arith.constant 1 : i32
      scf.for %scan3A_451 = %scan3A_432 to %scan3A_434 step %scan3A_435  : i32 {
        %mul3A_452 = arith.constant 4 : i32
        %mul3A_453 = arith.muli %scan3A_451, %mul3A_452 : i32
        %add3A_454 = arith.constant 0 : i32
        %add3A_455 = arith.addi %mul3A_453, %add3A_454 : i32
        %get3A_456 = arith.index_cast %add3A_455 : i32 to index
        %get3A_457 = arith.constant 0 : index
        %get3A_458 = tpu.vector_load %arg20[%get3A_456, %get3A_457] {strides = array<i32>} : memref<128x128xf32, #tpu.memory_space<vmem>>, vector<16xf32>,
        %get3A_459 = arith.index_cast %add3A_455 : i32 to index
        %get3A_460 = arith.constant 0 : index
        %get3A_461 = tpu.vector_load %arg21[%get3A_459, %get3A_460] {strides = array<i32>} : memref<128x128xf32, #tpu.memory_space<vmem>>, vector<16xf32>,
        %add3A_462 = arith.addf %get3A_458, %get3A_461 : vector<16xf32>
        %get3A_463 = arith.index_cast %add3A_455 : i32 to index
        %get3A_464 = arith.constant 0 : index
        %get3A_465 = tpu.vector_load %arg17[%get3A_463, %get3A_464] {strides = array<i32>} : memref<128x128xf32, #tpu.memory_space<vmem>>, vector<16xf32>,
        %add3A_466 = arith.addf %add3A_462, %get3A_465 : vector<16xf32>
        %max3A = arith.constant 0.000000e+00 : f32
        %max3A_467 = vector.broadcast %max3A : f32 to vector<16xf32>
        %max3A_468 = arith.maximumf %add3A_466, %max3A_467 : vector<16xf32>
        %get3A_469 = arith.constant 0 : i32
        %get3A_470 = arith.index_cast %get3A_469 : i32 to index
        %get3A_471 = arith.constant 0 : index
        %get3A_472 = tpu.vector_load %arg25[%get3A_470, %get3A_471] {strides = array<i32>} : memref<4x128xf32, #tpu.memory_space<vmem>>, vector<16xf32>,
        %mul3A_473 = arith.mulf %max3A_468, %get3A_472 : vector<16xf32>
        %get3A_474 = arith.constant 1 : i32
        %get3A_475 = arith.index_cast %get3A_474 : i32 to index
        %get3A_476 = arith.constant 0 : index
        %get3A_477 = tpu.vector_load %arg25[%get3A_475, %get3A_476] {strides = array<i32>} : memref<4x128xf32, #tpu.memory_space<vmem>>, vector<16xf32>,
        %mul3A_478 = arith.mulf %max3A_468, %get3A_477 : vector<16xf32>
        %get3A_479 = arith.constant 2 : i32
        %get3A_480 = arith.index_cast %get3A_479 : i32 to index
        %get3A_481 = arith.constant 0 : index
        %get3A_482 = tpu.vector_load %arg25[%get3A_480, %get3A_481] {strides = array<i32>} : memref<4x128xf32, #tpu.memory_space<vmem>>, vector<16xf32>,
        %mul3A_483 = arith.mulf %max3A_468, %get3A_482 : vector<16xf32>
        %get3A_484 = arith.constant 3 : i32
        %get3A_485 = arith.index_cast %get3A_484 : i32 to index
        %get3A_486 = arith.constant 0 : index
        %get3A_487 = tpu.vector_load %arg25[%get3A_485, %get3A_486] {strides = array<i32>} : memref<4x128xf32, #tpu.memory_space<vmem>>, vector<16xf32>,
        %mul3A_488 = arith.mulf %max3A_468, %get3A_487 : vector<16xf32>
        %get3A_489 = arith.index_cast %add3A_455 : i32 to index
        %get3A_490 = arith.constant 16 : index
        %get3A_491 = tpu.vector_load %arg20[%get3A_489, %get3A_490] {strides = array<i32>} : memref<128x128xf32, #tpu.memory_space<vmem>>, vector<16xf32>,
        %get3A_492 = arith.index_cast %add3A_455 : i32 to index
        %get3A_493 = arith.constant 16 : index
        %get3A_494 = tpu.vector_load %arg21[%get3A_492, %get3A_493] {strides = array<i32>} : memref<128x128xf32, #tpu.memory_space<vmem>>, vector<16xf32>,
        %add3A_495 = arith.addf %get3A_491, %get3A_494 : vector<16xf32>
        %get3A_496 = arith.index_cast %add3A_455 : i32 to index
        %get3A_497 = arith.constant 16 : index
        %get3A_498 = tpu.vector_load %arg17[%get3A_496, %get3A_497] {strides = array<i32>} : memref<128x128xf32, #tpu.memory_space<vmem>>, vector<16xf32>,
        %add3A_499 = arith.addf %add3A_495, %get3A_498 : vector<16xf32>
        %max3A_500 = arith.constant 0.000000e+00 : f32
        %max3A_501 = vector.broadcast %max3A_500 : f32 to vector<16xf32>
        %max3A_502 = arith.maximumf %add3A_499, %max3A_501 : vector<16xf32>
        %get3A_503 = arith.constant 0 : i32
        %get3A_504 = arith.index_cast %get3A_503 : i32 to index
        %get3A_505 = arith.constant 16 : index
        %get3A_506 = tpu.vector_load %arg25[%get3A_504, %get3A_505] {strides = array<i32>} : memref<4x128xf32, #tpu.memory_space<vmem>>, vector<16xf32>,
        %mul3A_507 = arith.mulf %max3A_502, %get3A_506 : vector<16xf32>
        %add3A_508 = arith.addf %mul3A_473, %mul3A_507 : vector<16xf32>
        %get3A_509 = arith.constant 1 : i32
        %get3A_510 = arith.index_cast %get3A_509 : i32 to index
        %get3A_511 = arith.constant 16 : index
        %get3A_512 = tpu.vector_load %arg25[%get3A_510, %get3A_511] {strides = array<i32>} : memref<4x128xf32, #tpu.memory_space<vmem>>, vector<16xf32>,
        %mul3A_513 = arith.mulf %max3A_502, %get3A_512 : vector<16xf32>
        %add3A_514 = arith.addf %mul3A_478, %mul3A_513 : vector<16xf32>
        %get3A_515 = arith.constant 2 : i32
        %get3A_516 = arith.index_cast %get3A_515 : i32 to index
        %get3A_517 = arith.constant 16 : index
        %get3A_518 = tpu.vector_load %arg25[%get3A_516, %get3A_517] {strides = array<i32>} : memref<4x128xf32, #tpu.memory_space<vmem>>, vector<16xf32>,
        %mul3A_519 = arith.mulf %max3A_502, %get3A_518 : vector<16xf32>
        %add3A_520 = arith.addf %mul3A_483, %mul3A_519 : vector<16xf32>
        %get3A_521 = arith.constant 3 : i32
        %get3A_522 = arith.index_cast %get3A_521 : i32 to index
        %get3A_523 = arith.constant 16 : index
        %get3A_524 = tpu.vector_load %arg25[%get3A_522, %get3A_523] {strides = array<i32>} : memref<4x128xf32, #tpu.memory_space<vmem>>, vector<16xf32>,
        %mul3A_525 = arith.mulf %max3A_502, %get3A_524 : vector<16xf32>
        %add3A_526 = arith.addf %mul3A_488, %mul3A_525 : vector<16xf32>
        %get3A_527 = arith.index_cast %add3A_455 : i32 to index
        %get3A_528 = arith.constant 32 : index
        %get3A_529 = tpu.vector_load %arg20[%get3A_527, %get3A_528] {strides = array<i32>} : memref<128x128xf32, #tpu.memory_space<vmem>>, vector<16xf32>,
        %get3A_530 = arith.index_cast %add3A_455 : i32 to index
        %get3A_531 = arith.constant 32 : index
        %get3A_532 = tpu.vector_load %arg21[%get3A_530, %get3A_531] {strides = array<i32>} : memref<128x128xf32, #tpu.memory_space<vmem>>, vector<16xf32>,
        %add3A_533 = arith.addf %get3A_529, %get3A_532 : vector<16xf32>
        %get3A_534 = arith.index_cast %add3A_455 : i32 to index
        %get3A_535 = arith.constant 32 : index
        %get3A_536 = tpu.vector_load %arg17[%get3A_534, %get3A_535] {strides = array<i32>} : memref<128x128xf32, #tpu.memory_space<vmem>>, vector<16xf32>,
        %add3A_537 = arith.addf %add3A_533, %get3A_536 : vector<16xf32>
        %max3A_538 = arith.constant 0.000000e+00 : f32
        %max3A_539 = vector.broadcast %max3A_538 : f32 to vector<16xf32>
        %max3A_540 = arith.maximumf %add3A_537, %max3A_539 : vector<16xf32>
        %get3A_541 = arith.constant 0 : i32
        %get3A_542 = arith.index_cast %get3A_541 : i32 to index
        %get3A_543 = arith.constant 32 : index
        %get3A_544 = tpu.vector_load %arg25[%get3A_542, %get3A_543] {strides = array<i32>} : memref<4x128xf32, #tpu.memory_space<vmem>>, vector<16xf32>,
        %mul3A_545 = arith.mulf %max3A_540, %get3A_544 : vector<16xf32>
        %add3A_546 = arith.addf %add3A_508, %mul3A_545 : vector<16xf32>
        %get3A_547 = arith.constant 1 : i32
        %get3A_548 = arith.index_cast %get3A_547 : i32 to index
        %get3A_549 = arith.constant 32 : index
        %get3A_550 = tpu.vector_load %arg25[%get3A_548, %get3A_549] {strides = array<i32>} : memref<4x128xf32, #tpu.memory_space<vmem>>, vector<16xf32>,
        %mul3A_551 = arith.mulf %max3A_540, %get3A_550 : vector<16xf32>
        %add3A_552 = arith.addf %add3A_514, %mul3A_551 : vector<16xf32>
        %get3A_553 = arith.constant 2 : i32
        %get3A_554 = arith.index_cast %get3A_553 : i32 to index
        %get3A_555 = arith.constant 32 : index
        %get3A_556 = tpu.vector_load %arg25[%get3A_554, %get3A_555] {strides = array<i32>} : memref<4x128xf32, #tpu.memory_space<vmem>>, vector<16xf32>,
        %mul3A_557 = arith.mulf %max3A_540, %get3A_556 : vector<16xf32>
        %add3A_558 = arith.addf %add3A_520, %mul3A_557 : vector<16xf32>
        %get3A_559 = arith.constant 3 : i32
        %get3A_560 = arith.index_cast %get3A_559 : i32 to index
        %get3A_561 = arith.constant 32 : index
        %get3A_562 = tpu.vector_load %arg25[%get3A_560, %get3A_561] {strides = array<i32>} : memref<4x128xf32, #tpu.memory_space<vmem>>, vector<16xf32>,
        %mul3A_563 = arith.mulf %max3A_540, %get3A_562 : vector<16xf32>
        %add3A_564 = arith.addf %add3A_526, %mul3A_563 : vector<16xf32>
        %get3A_565 = arith.index_cast %add3A_455 : i32 to index
        %get3A_566 = arith.constant 48 : index
        %get3A_567 = tpu.vector_load %arg20[%get3A_565, %get3A_566] {strides = array<i32>} : memref<128x128xf32, #tpu.memory_space<vmem>>, vector<16xf32>,
        %get3A_568 = arith.index_cast %add3A_455 : i32 to index
        %get3A_569 = arith.constant 48 : index
        %get3A_570 = tpu.vector_load %arg21[%get3A_568, %get3A_569] {strides = array<i32>} : memref<128x128xf32, #tpu.memory_space<vmem>>, vector<16xf32>,
        %add3A_571 = arith.addf %get3A_567, %get3A_570 : vector<16xf32>
        %get3A_572 = arith.index_cast %add3A_455 : i32 to index
        %get3A_573 = arith.constant 48 : index
        %get3A_574 = tpu.vector_load %arg17[%get3A_572, %get3A_573] {strides = array<i32>} : memref<128x128xf32, #tpu.memory_space<vmem>>, vector<16xf32>,
        %add3A_575 = arith.addf %add3A_571, %get3A_574 : vector<16xf32>
        %max3A_576 = arith.constant 0.000000e+00 : f32
        %max3A_577 = vector.broadcast %max3A_576 : f32 to vector<16xf32>
        %max3A_578 = arith.maximumf %add3A_575, %max3A_577 : vector<16xf32>
        %get3A_579 = arith.constant 0 : i32
        %get3A_580 = arith.index_cast %get3A_579 : i32 to index
        %get3A_581 = arith.constant 48 : index
        %get3A_582 = tpu.vector_load %arg25[%get3A_580, %get3A_581] {strides = array<i32>} : memref<4x128xf32, #tpu.memory_space<vmem>>, vector<16xf32>,
        %mul3A_583 = arith.mulf %max3A_578, %get3A_582 : vector<16xf32>
        %add3A_584 = arith.addf %add3A_546, %mul3A_583 : vector<16xf32>
        %get3A_585 = arith.constant 1 : i32
        %get3A_586 = arith.index_cast %get3A_585 : i32 to index
        %get3A_587 = arith.constant 48 : index
        %get3A_588 = tpu.vector_load %arg25[%get3A_586, %get3A_587] {strides = array<i32>} : memref<4x128xf32, #tpu.memory_space<vmem>>, vector<16xf32>,
        %mul3A_589 = arith.mulf %max3A_578, %get3A_588 : vector<16xf32>
        %add3A_590 = arith.addf %add3A_552, %mul3A_589 : vector<16xf32>
        %get3A_591 = arith.constant 2 : i32
        %get3A_592 = arith.index_cast %get3A_591 : i32 to index
        %get3A_593 = arith.constant 48 : index
        %get3A_594 = tpu.vector_load %arg25[%get3A_592, %get3A_593] {strides = array<i32>} : memref<4x128xf32, #tpu.memory_space<vmem>>, vector<16xf32>,
        %mul3A_595 = arith.mulf %max3A_578, %get3A_594 : vector<16xf32>
        %add3A_596 = arith.addf %add3A_558, %mul3A_595 : vector<16xf32>
        %get3A_597 = arith.constant 3 : i32
        %get3A_598 = arith.index_cast %get3A_597 : i32 to index
        %get3A_599 = arith.constant 48 : index
        %get3A_600 = tpu.vector_load %arg25[%get3A_598, %get3A_599] {strides = array<i32>} : memref<4x128xf32, #tpu.memory_space<vmem>>, vector<16xf32>,
        %mul3A_601 = arith.mulf %max3A_578, %get3A_600 : vector<16xf32>
        %add3A_602 = arith.addf %add3A_564, %mul3A_601 : vector<16xf32>
        %get3A_603 = arith.index_cast %add3A_455 : i32 to index
        %get3A_604 = arith.constant 64 : index
        %get3A_605 = tpu.vector_load %arg20[%get3A_603, %get3A_604] {strides = array<i32>} : memref<128x128xf32, #tpu.memory_space<vmem>>, vector<16xf32>,
        %get3A_606 = arith.index_cast %add3A_455 : i32 to index
        %get3A_607 = arith.constant 64 : index
        %get3A_608 = tpu.vector_load %arg21[%get3A_606, %get3A_607] {strides = array<i32>} : memref<128x128xf32, #tpu.memory_space<vmem>>, vector<16xf32>,
        %add3A_609 = arith.addf %get3A_605, %get3A_608 : vector<16xf32>
        %get3A_610 = arith.index_cast %add3A_455 : i32 to index
        %get3A_611 = arith.constant 64 : index
        %get3A_612 = tpu.vector_load %arg17[%get3A_610, %get3A_611] {strides = array<i32>} : memref<128x128xf32, #tpu.memory_space<vmem>>, vector<16xf32>,
        %add3A_613 = arith.addf %add3A_609, %get3A_612 : vector<16xf32>
        %max3A_614 = arith.constant 0.000000e+00 : f32
        %max3A_615 = vector.broadcast %max3A_614 : f32 to vector<16xf32>
        %max3A_616 = arith.maximumf %add3A_613, %max3A_615 : vector<16xf32>
        %get3A_617 = arith.constant 0 : i32
        %get3A_618 = arith.index_cast %get3A_617 : i32 to index
        %get3A_619 = arith.constant 64 : index
        %get3A_620 = tpu.vector_load %arg25[%get3A_618, %get3A_619] {strides = array<i32>} : memref<4x128xf32, #tpu.memory_space<vmem>>, vector<16xf32>,
        %mul3A_621 = arith.mulf %max3A_616, %get3A_620 : vector<16xf32>
        %add3A_622 = arith.addf %add3A_584, %mul3A_621 : vector<16xf32>
        %get3A_623 = arith.constant 1 : i32
        %get3A_624 = arith.index_cast %get3A_623 : i32 to index
        %get3A_625 = arith.constant 64 : index
        %get3A_626 = tpu.vector_load %arg25[%get3A_624, %get3A_625] {strides = array<i32>} : memref<4x128xf32, #tpu.memory_space<vmem>>, vector<16xf32>,
        %mul3A_627 = arith.mulf %max3A_616, %get3A_626 : vector<16xf32>
        %add3A_628 = arith.addf %add3A_590, %mul3A_627 : vector<16xf32>
        %get3A_629 = arith.constant 2 : i32
        %get3A_630 = arith.index_cast %get3A_629 : i32 to index
        %get3A_631 = arith.constant 64 : index
        %get3A_632 = tpu.vector_load %arg25[%get3A_630, %get3A_631] {strides = array<i32>} : memref<4x128xf32, #tpu.memory_space<vmem>>, vector<16xf32>,
        %mul3A_633 = arith.mulf %max3A_616, %get3A_632 : vector<16xf32>
        %add3A_634 = arith.addf %add3A_596, %mul3A_633 : vector<16xf32>
        %get3A_635 = arith.constant 3 : i32
        %get3A_636 = arith.index_cast %get3A_635 : i32 to index
        %get3A_637 = arith.constant 64 : index
        %get3A_638 = tpu.vector_load %arg25[%get3A_636, %get3A_637] {strides = array<i32>} : memref<4x128xf32, #tpu.memory_space<vmem>>, vector<16xf32>,
        %mul3A_639 = arith.mulf %max3A_616, %get3A_638 : vector<16xf32>
        %add3A_640 = arith.addf %add3A_602, %mul3A_639 : vector<16xf32>
        %get3A_641 = arith.index_cast %add3A_455 : i32 to index
        %get3A_642 = arith.constant 80 : index
        %get3A_643 = tpu.vector_load %arg20[%get3A_641, %get3A_642] {strides = array<i32>} : memref<128x128xf32, #tpu.memory_space<vmem>>, vector<16xf32>,
        %get3A_644 = arith.index_cast %add3A_455 : i32 to index
        %get3A_645 = arith.constant 80 : index
        %get3A_646 = tpu.vector_load %arg21[%get3A_644, %get3A_645] {strides = array<i32>} : memref<128x128xf32, #tpu.memory_space<vmem>>, vector<16xf32>,
        %add3A_647 = arith.addf %get3A_643, %get3A_646 : vector<16xf32>
        %get3A_648 = arith.index_cast %add3A_455 : i32 to index
        %get3A_649 = arith.constant 80 : index
        %get3A_650 = tpu.vector_load %arg17[%get3A_648, %get3A_649] {strides = array<i32>} : memref<128x128xf32, #tpu.memory_space<vmem>>, vector<16xf32>,
        %add3A_651 = arith.addf %add3A_647, %get3A_650 : vector<16xf32>
        %max3A_652 = arith.constant 0.000000e+00 : f32
        %max3A_653 = vector.broadcast %max3A_652 : f32 to vector<16xf32>
        %max3A_654 = arith.maximumf %add3A_651, %max3A_653 : vector<16xf32>
        %get3A_655 = arith.constant 0 : i32
        %get3A_656 = arith.index_cast %get3A_655 : i32 to index
        %get3A_657 = arith.constant 80 : index
        %get3A_658 = tpu.vector_load %arg25[%get3A_656, %get3A_657] {strides = array<i32>} : memref<4x128xf32, #tpu.memory_space<vmem>>, vector<16xf32>,
        %mul3A_659 = arith.mulf %max3A_654, %get3A_658 : vector<16xf32>
        %add3A_660 = arith.addf %add3A_622, %mul3A_659 : vector<16xf32>
        %get3A_661 = arith.constant 1 : i32
        %get3A_662 = arith.index_cast %get3A_661 : i32 to index
        %get3A_663 = arith.constant 80 : index
        %get3A_664 = tpu.vector_load %arg25[%get3A_662, %get3A_663] {strides = array<i32>} : memref<4x128xf32, #tpu.memory_space<vmem>>, vector<16xf32>,
        %mul3A_665 = arith.mulf %max3A_654, %get3A_664 : vector<16xf32>
        %add3A_666 = arith.addf %add3A_628, %mul3A_665 : vector<16xf32>
        %get3A_667 = arith.constant 2 : i32
        %get3A_668 = arith.index_cast %get3A_667 : i32 to index
        %get3A_669 = arith.constant 80 : index
        %get3A_670 = tpu.vector_load %arg25[%get3A_668, %get3A_669] {strides = array<i32>} : memref<4x128xf32, #tpu.memory_space<vmem>>, vector<16xf32>,
        %mul3A_671 = arith.mulf %max3A_654, %get3A_670 : vector<16xf32>
        %add3A_672 = arith.addf %add3A_634, %mul3A_671 : vector<16xf32>
        %get3A_673 = arith.constant 3 : i32
        %get3A_674 = arith.index_cast %get3A_673 : i32 to index
        %get3A_675 = arith.constant 80 : index
        %get3A_676 = tpu.vector_load %arg25[%get3A_674, %get3A_675] {strides = array<i32>} : memref<4x128xf32, #tpu.memory_space<vmem>>, vector<16xf32>,
        %mul3A_677 = arith.mulf %max3A_654, %get3A_676 : vector<16xf32>
        %add3A_678 = arith.addf %add3A_640, %mul3A_677 : vector<16xf32>
        %get3A_679 = arith.index_cast %add3A_455 : i32 to index
        %get3A_680 = arith.constant 96 : index
        %get3A_681 = tpu.vector_load %arg20[%get3A_679, %get3A_680] {strides = array<i32>} : memref<128x128xf32, #tpu.memory_space<vmem>>, vector<16xf32>,
        %get3A_682 = arith.index_cast %add3A_455 : i32 to index
        %get3A_683 = arith.constant 96 : index
        %get3A_684 = tpu.vector_load %arg21[%get3A_682, %get3A_683] {strides = array<i32>} : memref<128x128xf32, #tpu.memory_space<vmem>>, vector<16xf32>,
        %add3A_685 = arith.addf %get3A_681, %get3A_684 : vector<16xf32>
        %get3A_686 = arith.index_cast %add3A_455 : i32 to index
        %get3A_687 = arith.constant 96 : index
        %get3A_688 = tpu.vector_load %arg17[%get3A_686, %get3A_687] {strides = array<i32>} : memref<128x128xf32, #tpu.memory_space<vmem>>, vector<16xf32>,
        %add3A_689 = arith.addf %add3A_685, %get3A_688 : vector<16xf32>
        %max3A_690 = arith.constant 0.000000e+00 : f32
        %max3A_691 = vector.broadcast %max3A_690 : f32 to vector<16xf32>
        %max3A_692 = arith.maximumf %add3A_689, %max3A_691 : vector<16xf32>
        %get3A_693 = arith.constant 0 : i32
        %get3A_694 = arith.index_cast %get3A_693 : i32 to index
        %get3A_695 = arith.constant 96 : index
        %get3A_696 = tpu.vector_load %arg25[%get3A_694, %get3A_695] {strides = array<i32>} : memref<4x128xf32, #tpu.memory_space<vmem>>, vector<16xf32>,
        %mul3A_697 = arith.mulf %max3A_692, %get3A_696 : vector<16xf32>
        %add3A_698 = arith.addf %add3A_660, %mul3A_697 : vector<16xf32>
        %get3A_699 = arith.constant 1 : i32
        %get3A_700 = arith.index_cast %get3A_699 : i32 to index
        %get3A_701 = arith.constant 96 : index
        %get3A_702 = tpu.vector_load %arg25[%get3A_700, %get3A_701] {strides = array<i32>} : memref<4x128xf32, #tpu.memory_space<vmem>>, vector<16xf32>,
        %mul3A_703 = arith.mulf %max3A_692, %get3A_702 : vector<16xf32>
        %add3A_704 = arith.addf %add3A_666, %mul3A_703 : vector<16xf32>
        %get3A_705 = arith.constant 2 : i32
        %get3A_706 = arith.index_cast %get3A_705 : i32 to index
        %get3A_707 = arith.constant 96 : index
        %get3A_708 = tpu.vector_load %arg25[%get3A_706, %get3A_707] {strides = array<i32>} : memref<4x128xf32, #tpu.memory_space<vmem>>, vector<16xf32>,
        %mul3A_709 = arith.mulf %max3A_692, %get3A_708 : vector<16xf32>
        %add3A_710 = arith.addf %add3A_672, %mul3A_709 : vector<16xf32>
        %get3A_711 = arith.constant 3 : i32
        %get3A_712 = arith.index_cast %get3A_711 : i32 to index
        %get3A_713 = arith.constant 96 : index
        %get3A_714 = tpu.vector_load %arg25[%get3A_712, %get3A_713] {strides = array<i32>} : memref<4x128xf32, #tpu.memory_space<vmem>>, vector<16xf32>,
        %mul3A_715 = arith.mulf %max3A_692, %get3A_714 : vector<16xf32>
        %add3A_716 = arith.addf %add3A_678, %mul3A_715 : vector<16xf32>
        %get3A_717 = arith.index_cast %add3A_455 : i32 to index
        %get3A_718 = arith.constant 112 : index
        %get3A_719 = tpu.vector_load %arg20[%get3A_717, %get3A_718] {strides = array<i32>} : memref<128x128xf32, #tpu.memory_space<vmem>>, vector<16xf32>,
        %get3A_720 = arith.index_cast %add3A_455 : i32 to index
        %get3A_721 = arith.constant 112 : index
        %get3A_722 = tpu.vector_load %arg21[%get3A_720, %get3A_721] {strides = array<i32>} : memref<128x128xf32, #tpu.memory_space<vmem>>, vector<16xf32>,
        %add3A_723 = arith.addf %get3A_719, %get3A_722 : vector<16xf32>
        %get3A_724 = arith.index_cast %add3A_455 : i32 to index
        %get3A_725 = arith.constant 112 : index
        %get3A_726 = tpu.vector_load %arg17[%get3A_724, %get3A_725] {strides = array<i32>} : memref<128x128xf32, #tpu.memory_space<vmem>>, vector<16xf32>,
        %add3A_727 = arith.addf %add3A_723, %get3A_726 : vector<16xf32>
        %max3A_728 = arith.constant 0.000000e+00 : f32
        %max3A_729 = vector.broadcast %max3A_728 : f32 to vector<16xf32>
        %max3A_730 = arith.maximumf %add3A_727, %max3A_729 : vector<16xf32>
        %get3A_731 = arith.constant 0 : i32
        %get3A_732 = arith.index_cast %get3A_731 : i32 to index
        %get3A_733 = arith.constant 112 : index
        %get3A_734 = tpu.vector_load %arg25[%get3A_732, %get3A_733] {strides = array<i32>} : memref<4x128xf32, #tpu.memory_space<vmem>>, vector<16xf32>,
        %mul3A_735 = arith.mulf %max3A_730, %get3A_734 : vector<16xf32>
        %add3A_736 = arith.addf %add3A_698, %mul3A_735 : vector<16xf32>
        %get3A_737 = arith.constant 1 : i32
        %get3A_738 = arith.index_cast %get3A_737 : i32 to index
        %get3A_739 = arith.constant 112 : index
        %get3A_740 = tpu.vector_load %arg25[%get3A_738, %get3A_739] {strides = array<i32>} : memref<4x128xf32, #tpu.memory_space<vmem>>, vector<16xf32>,
        %mul3A_741 = arith.mulf %max3A_730, %get3A_740 : vector<16xf32>
        %add3A_742 = arith.addf %add3A_704, %mul3A_741 : vector<16xf32>
        %get3A_743 = arith.constant 2 : i32
        %get3A_744 = arith.index_cast %get3A_743 : i32 to index
        %get3A_745 = arith.constant 112 : index
        %get3A_746 = tpu.vector_load %arg25[%get3A_744, %get3A_745] {strides = array<i32>} : memref<4x128xf32, #tpu.memory_space<vmem>>, vector<16xf32>,
        %mul3A_747 = arith.mulf %max3A_730, %get3A_746 : vector<16xf32>
        %add3A_748 = arith.addf %add3A_710, %mul3A_747 : vector<16xf32>
        %get3A_749 = arith.constant 3 : i32
        %get3A_750 = arith.index_cast %get3A_749 : i32 to index
        %get3A_751 = arith.constant 112 : index
        %get3A_752 = tpu.vector_load %arg25[%get3A_750, %get3A_751] {strides = array<i32>} : memref<4x128xf32, #tpu.memory_space<vmem>>, vector<16xf32>,
        %mul3A_753 = arith.mulf %max3A_730, %get3A_752 : vector<16xf32>
        %add3A_754 = arith.addf %add3A_716, %mul3A_753 : vector<16xf32>
        %eq3A_755 = arith.constant 0 : i32
        %eq3A_756 = vector.broadcast %eq3A_755 : i32 to vector<16xi32>
        %eq3A_757 = arith.cmpi eq, %iota3A, %eq3A_756 : vector<16xi32>
        %reduce_sum3A = arith.constant true
        %reduce_sum3A_758 = vector.broadcast %reduce_sum3A : i1 to vector<16xi1>
        %reduce_sum3A_759 = tpu.scan <sum>, %add3A_736 masked %reduce_sum3A_758 : vector<16xf32>, vector<16xi1> -> vector<16xf32>
        %reduce_sum3A_760 = vector.extract %reduce_sum3A_759[15] : f32 from vector<16xf32>
        %add3A_761 = vector.broadcast %reduce_sum3A_760 : f32 to vector<16xf32>
        %add3A_762 = arith.addf %add3A_761, %get3A_298 : vector<16xf32>
        %select_n3A_763 = arith.select %eq3A_757, %add3A_762, %get3A_298 : vector<16xi1>, vector<16xf32>
        %eq3A_764 = arith.constant 1 : i32
        %eq3A_765 = vector.broadcast %eq3A_764 : i32 to vector<16xi32>
        %eq3A_766 = arith.cmpi eq, %iota3A, %eq3A_765 : vector<16xi32>
        %reduce_sum3A_767 = arith.constant true
        %reduce_sum3A_768 = vector.broadcast %reduce_sum3A_767 : i1 to vector<16xi1>
        %reduce_sum3A_769 = tpu.scan <sum>, %add3A_742 masked %reduce_sum3A_768 : vector<16xf32>, vector<16xi1> -> vector<16xf32>
        %reduce_sum3A_770 = vector.extract %reduce_sum3A_769[15] : f32 from vector<16xf32>
        %add3A_771 = vector.broadcast %reduce_sum3A_770 : f32 to vector<16xf32>
        %add3A_772 = arith.addf %add3A_771, %select_n3A_763 : vector<16xf32>
        %select_n3A_773 = arith.select %eq3A_766, %add3A_772, %select_n3A_763 : vector<16xi1>, vector<16xf32>
        %eq3A_774 = arith.constant 2 : i32
        %eq3A_775 = vector.broadcast %eq3A_774 : i32 to vector<16xi32>
        %eq3A_776 = arith.cmpi eq, %iota3A, %eq3A_775 : vector<16xi32>
        %reduce_sum3A_777 = arith.constant true
        %reduce_sum3A_778 = vector.broadcast %reduce_sum3A_777 : i1 to vector<16xi1>
        %reduce_sum3A_779 = tpu.scan <sum>, %add3A_748 masked %reduce_sum3A_778 : vector<16xf32>, vector<16xi1> -> vector<16xf32>
        %reduce_sum3A_780 = vector.extract %reduce_sum3A_779[15] : f32 from vector<16xf32>
        %add3A_781 = vector.broadcast %reduce_sum3A_780 : f32 to vector<16xf32>
        %add3A_782 = arith.addf %add3A_781, %select_n3A_773 : vector<16xf32>
        %select_n3A_783 = arith.select %eq3A_776, %add3A_782, %select_n3A_773 : vector<16xi1>, vector<16xf32>
        %eq3A_784 = arith.constant 3 : i32
        %eq3A_785 = vector.broadcast %eq3A_784 : i32 to vector<16xi32>
        %eq3A_786 = arith.cmpi eq, %iota3A, %eq3A_785 : vector<16xi32>
        %reduce_sum3A_787 = arith.constant true
        %reduce_sum3A_788 = vector.broadcast %reduce_sum3A_787 : i1 to vector<16xi1>
        %reduce_sum3A_789 = tpu.scan <sum>, %add3A_754 masked %reduce_sum3A_788 : vector<16xf32>, vector<16xi1> -> vector<16xf32>
        %reduce_sum3A_790 = vector.extract %reduce_sum3A_789[15] : f32 from vector<16xf32>
        %add3A_791 = vector.broadcast %reduce_sum3A_790 : f32 to vector<16xf32>
        %add3A_792 = arith.addf %add3A_791, %select_n3A_783 : vector<16xf32>
        %select_n3A_793 = arith.select %eq3A_786, %add3A_792, %select_n3A_783 : vector<16xi1>, vector<16xf32>
        %mul3A_794 = arith.constant 4 : i32
        %mul3A_795 = arith.muli %scan3A_451, %mul3A_794 : i32
        %add3A_796 = arith.constant 1 : i32
        %add3A_797 = arith.addi %mul3A_795, %add3A_796 : i32
        %get3A_798 = arith.index_cast %add3A_797 : i32 to index
        %get3A_799 = arith.constant 0 : index
        %get3A_800 = tpu.vector_load %arg20[%get3A_798, %get3A_799] {strides = array<i32>} : memref<128x128xf32, #tpu.memory_space<vmem>>, vector<16xf32>,
        %get3A_801 = arith.index_cast %add3A_797 : i32 to index
        %get3A_802 = arith.constant 0 : index
        %get3A_803 = tpu.vector_load %arg21[%get3A_801, %get3A_802] {strides = array<i32>} : memref<128x128xf32, #tpu.memory_space<vmem>>, vector<16xf32>,
        %add3A_804 = arith.addf %get3A_800, %get3A_803 : vector<16xf32>
        %get3A_805 = arith.index_cast %add3A_797 : i32 to index
        %get3A_806 = arith.constant 0 : index
        %get3A_807 = tpu.vector_load %arg17[%get3A_805, %get3A_806] {strides = array<i32>} : memref<128x128xf32, #tpu.memory_space<vmem>>, vector<16xf32>,
        %add3A_808 = arith.addf %add3A_804, %get3A_807 : vector<16xf32>
        %max3A_809 = arith.constant 0.000000e+00 : f32
        %max3A_810 = vector.broadcast %max3A_809 : f32 to vector<16xf32>
        %max3A_811 = arith.maximumf %add3A_808, %max3A_810 : vector<16xf32>
        %get3A_812 = arith.constant 0 : i32
        %get3A_813 = arith.index_cast %get3A_812 : i32 to index
        %get3A_814 = arith.constant 0 : index
        %get3A_815 = tpu.vector_load %arg25[%get3A_813, %get3A_814] {strides = array<i32>} : memref<4x128xf32, #tpu.memory_space<vmem>>, vector<16xf32>,
        %mul3A_816 = arith.mulf %max3A_811, %get3A_815 : vector<16xf32>
        %get3A_817 = arith.constant 1 : i32
        %get3A_818 = arith.index_cast %get3A_817 : i32 to index
        %get3A_819 = arith.constant 0 : index
        %get3A_820 = tpu.vector_load %arg25[%get3A_818, %get3A_819] {strides = array<i32>} : memref<4x128xf32, #tpu.memory_space<vmem>>, vector<16xf32>,
        %mul3A_821 = arith.mulf %max3A_811, %get3A_820 : vector<16xf32>
        %get3A_822 = arith.constant 2 : i32
        %get3A_823 = arith.index_cast %get3A_822 : i32 to index
        %get3A_824 = arith.constant 0 : index
        %get3A_825 = tpu.vector_load %arg25[%get3A_823, %get3A_824] {strides = array<i32>} : memref<4x128xf32, #tpu.memory_space<vmem>>, vector<16xf32>,
        %mul3A_826 = arith.mulf %max3A_811, %get3A_825 : vector<16xf32>
        %get3A_827 = arith.constant 3 : i32
        %get3A_828 = arith.index_cast %get3A_827 : i32 to index
        %get3A_829 = arith.constant 0 : index
        %get3A_830 = tpu.vector_load %arg25[%get3A_828, %get3A_829] {strides = array<i32>} : memref<4x128xf32, #tpu.memory_space<vmem>>, vector<16xf32>,
        %mul3A_831 = arith.mulf %max3A_811, %get3A_830 : vector<16xf32>
        %get3A_832 = arith.index_cast %add3A_797 : i32 to index
        %get3A_833 = arith.constant 16 : index
        %get3A_834 = tpu.vector_load %arg20[%get3A_832, %get3A_833] {strides = array<i32>} : memref<128x128xf32, #tpu.memory_space<vmem>>, vector<16xf32>,
        %get3A_835 = arith.index_cast %add3A_797 : i32 to index
        %get3A_836 = arith.constant 16 : index
        %get3A_837 = tpu.vector_load %arg21[%get3A_835, %get3A_836] {strides = array<i32>} : memref<128x128xf32, #tpu.memory_space<vmem>>, vector<16xf32>,
        %add3A_838 = arith.addf %get3A_834, %get3A_837 : vector<16xf32>
        %get3A_839 = arith.index_cast %add3A_797 : i32 to index
        %get3A_840 = arith.constant 16 : index
        %get3A_841 = tpu.vector_load %arg17[%get3A_839, %get3A_840] {strides = array<i32>} : memref<128x128xf32, #tpu.memory_space<vmem>>, vector<16xf32>,
        %add3A_842 = arith.addf %add3A_838, %get3A_841 : vector<16xf32>
        %max3A_843 = arith.constant 0.000000e+00 : f32
        %max3A_844 = vector.broadcast %max3A_843 : f32 to vector<16xf32>
        %max3A_845 = arith.maximumf %add3A_842, %max3A_844 : vector<16xf32>
        %get3A_846 = arith.constant 0 : i32
        %get3A_847 = arith.index_cast %get3A_846 : i32 to index
        %get3A_848 = arith.constant 16 : index
        %get3A_849 = tpu.vector_load %arg25[%get3A_847, %get3A_848] {strides = array<i32>} : memref<4x128xf32, #tpu.memory_space<vmem>>, vector<16xf32>,
        %mul3A_850 = arith.mulf %max3A_845, %get3A_849 : vector<16xf32>
        %add3A_851 = arith.addf %mul3A_816, %mul3A_850 : vector<16xf32>
        %get3A_852 = arith.constant 1 : i32
        %get3A_853 = arith.index_cast %get3A_852 : i32 to index
        %get3A_854 = arith.constant 16 : index
        %get3A_855 = tpu.vector_load %arg25[%get3A_853, %get3A_854] {strides = array<i32>} : memref<4x128xf32, #tpu.memory_space<vmem>>, vector<16xf32>,
        %mul3A_856 = arith.mulf %max3A_845, %get3A_855 : vector<16xf32>
        %add3A_857 = arith.addf %mul3A_821, %mul3A_856 : vector<16xf32>
        %get3A_858 = arith.constant 2 : i32
        %get3A_859 = arith.index_cast %get3A_858 : i32 to index
        %get3A_860 = arith.constant 16 : index
        %get3A_861 = tpu.vector_load %arg25[%get3A_859, %get3A_860] {strides = array<i32>} : memref<4x128xf32, #tpu.memory_space<vmem>>, vector<16xf32>,
        %mul3A_862 = arith.mulf %max3A_845, %get3A_861 : vector<16xf32>
        %add3A_863 = arith.addf %mul3A_826, %mul3A_862 : vector<16xf32>
        %get3A_864 = arith.constant 3 : i32
        %get3A_865 = arith.index_cast %get3A_864 : i32 to index
        %get3A_866 = arith.constant 16 : index
        %get3A_867 = tpu.vector_load %arg25[%get3A_865, %get3A_866] {strides = array<i32>} : memref<4x128xf32, #tpu.memory_space<vmem>>, vector<16xf32>,
        %mul3A_868 = arith.mulf %max3A_845, %get3A_867 : vector<16xf32>
        %add3A_869 = arith.addf %mul3A_831, %mul3A_868 : vector<16xf32>
        %get3A_870 = arith.index_cast %add3A_797 : i32 to index
        %get3A_871 = arith.constant 32 : index
        %get3A_872 = tpu.vector_load %arg20[%get3A_870, %get3A_871] {strides = array<i32>} : memref<128x128xf32, #tpu.memory_space<vmem>>, vector<16xf32>,
        %get3A_873 = arith.index_cast %add3A_797 : i32 to index
        %get3A_874 = arith.constant 32 : index
        %get3A_875 = tpu.vector_load %arg21[%get3A_873, %get3A_874] {strides = array<i32>} : memref<128x128xf32, #tpu.memory_space<vmem>>, vector<16xf32>,
        %add3A_876 = arith.addf %get3A_872, %get3A_875 : vector<16xf32>
        %get3A_877 = arith.index_cast %add3A_797 : i32 to index
        %get3A_878 = arith.constant 32 : index
        %get3A_879 = tpu.vector_load %arg17[%get3A_877, %get3A_878] {strides = array<i32>} : memref<128x128xf32, #tpu.memory_space<vmem>>, vector<16xf32>,
        %add3A_880 = arith.addf %add3A_876, %get3A_879 : vector<16xf32>
        %max3A_881 = arith.constant 0.000000e+00 : f32
        %max3A_882 = vector.broadcast %max3A_881 : f32 to vector<16xf32>
        %max3A_883 = arith.maximumf %add3A_880, %max3A_882 : vector<16xf32>
        %get3A_884 = arith.constant 0 : i32
        %get3A_885 = arith.index_cast %get3A_884 : i32 to index
        %get3A_886 = arith.constant 32 : index
        %get3A_887 = tpu.vector_load %arg25[%get3A_885, %get3A_886] {strides = array<i32>} : memref<4x128xf32, #tpu.memory_space<vmem>>, vector<16xf32>,
        %mul3A_888 = arith.mulf %max3A_883, %get3A_887 : vector<16xf32>
        %add3A_889 = arith.addf %add3A_851, %mul3A_888 : vector<16xf32>
        %get3A_890 = arith.constant 1 : i32
        %get3A_891 = arith.index_cast %get3A_890 : i32 to index
        %get3A_892 = arith.constant 32 : index
        %get3A_893 = tpu.vector_load %arg25[%get3A_891, %get3A_892] {strides = array<i32>} : memref<4x128xf32, #tpu.memory_space<vmem>>, vector<16xf32>,
        %mul3A_894 = arith.mulf %max3A_883, %get3A_893 : vector<16xf32>
        %add3A_895 = arith.addf %add3A_857, %mul3A_894 : vector<16xf32>
        %get3A_896 = arith.constant 2 : i32
        %get3A_897 = arith.index_cast %get3A_896 : i32 to index
        %get3A_898 = arith.constant 32 : index
        %get3A_899 = tpu.vector_load %arg25[%get3A_897, %get3A_898] {strides = array<i32>} : memref<4x128xf32, #tpu.memory_space<vmem>>, vector<16xf32>,
        %mul3A_900 = arith.mulf %max3A_883, %get3A_899 : vector<16xf32>
        %add3A_901 = arith.addf %add3A_863, %mul3A_900 : vector<16xf32>
        %get3A_902 = arith.constant 3 : i32
        %get3A_903 = arith.index_cast %get3A_902 : i32 to index
        %get3A_904 = arith.constant 32 : index
        %get3A_905 = tpu.vector_load %arg25[%get3A_903, %get3A_904] {strides = array<i32>} : memref<4x128xf32, #tpu.memory_space<vmem>>, vector<16xf32>,
        %mul3A_906 = arith.mulf %max3A_883, %get3A_905 : vector<16xf32>
        %add3A_907 = arith.addf %add3A_869, %mul3A_906 : vector<16xf32>
        %get3A_908 = arith.index_cast %add3A_797 : i32 to index
        %get3A_909 = arith.constant 48 : index
        %get3A_910 = tpu.vector_load %arg20[%get3A_908, %get3A_909] {strides = array<i32>} : memref<128x128xf32, #tpu.memory_space<vmem>>, vector<16xf32>,
        %get3A_911 = arith.index_cast %add3A_797 : i32 to index
        %get3A_912 = arith.constant 48 : index
        %get3A_913 = tpu.vector_load %arg21[%get3A_911, %get3A_912] {strides = array<i32>} : memref<128x128xf32, #tpu.memory_space<vmem>>, vector<16xf32>,
        %add3A_914 = arith.addf %get3A_910, %get3A_913 : vector<16xf32>
        %get3A_915 = arith.index_cast %add3A_797 : i32 to index
        %get3A_916 = arith.constant 48 : index
        %get3A_917 = tpu.vector_load %arg17[%get3A_915, %get3A_916] {strides = array<i32>} : memref<128x128xf32, #tpu.memory_space<vmem>>, vector<16xf32>,
        %add3A_918 = arith.addf %add3A_914, %get3A_917 : vector<16xf32>
        %max3A_919 = arith.constant 0.000000e+00 : f32
        %max3A_920 = vector.broadcast %max3A_919 : f32 to vector<16xf32>
        %max3A_921 = arith.maximumf %add3A_918, %max3A_920 : vector<16xf32>
        %get3A_922 = arith.constant 0 : i32
        %get3A_923 = arith.index_cast %get3A_922 : i32 to index
        %get3A_924 = arith.constant 48 : index
        %get3A_925 = tpu.vector_load %arg25[%get3A_923, %get3A_924] {strides = array<i32>} : memref<4x128xf32, #tpu.memory_space<vmem>>, vector<16xf32>,
        %mul3A_926 = arith.mulf %max3A_921, %get3A_925 : vector<16xf32>
        %add3A_927 = arith.addf %add3A_889, %mul3A_926 : vector<16xf32>
        %get3A_928 = arith.constant 1 : i32
        %get3A_929 = arith.index_cast %get3A_928 : i32 to index
        %get3A_930 = arith.constant 48 : index
        %get3A_931 = tpu.vector_load %arg25[%get3A_929, %get3A_930] {strides = array<i32>} : memref<4x128xf32, #tpu.memory_space<vmem>>, vector<16xf32>,
        %mul3A_932 = arith.mulf %max3A_921, %get3A_931 : vector<16xf32>
        %add3A_933 = arith.addf %add3A_895, %mul3A_932 : vector<16xf32>
        %get3A_934 = arith.constant 2 : i32
        %get3A_935 = arith.index_cast %get3A_934 : i32 to index
        %get3A_936 = arith.constant 48 : index
        %get3A_937 = tpu.vector_load %arg25[%get3A_935, %get3A_936] {strides = array<i32>} : memref<4x128xf32, #tpu.memory_space<vmem>>, vector<16xf32>,
        %mul3A_938 = arith.mulf %max3A_921, %get3A_937 : vector<16xf32>
        %add3A_939 = arith.addf %add3A_901, %mul3A_938 : vector<16xf32>
        %get3A_940 = arith.constant 3 : i32
        %get3A_941 = arith.index_cast %get3A_940 : i32 to index
        %get3A_942 = arith.constant 48 : index
        %get3A_943 = tpu.vector_load %arg25[%get3A_941, %get3A_942] {strides = array<i32>} : memref<4x128xf32, #tpu.memory_space<vmem>>, vector<16xf32>,
        %mul3A_944 = arith.mulf %max3A_921, %get3A_943 : vector<16xf32>
        %add3A_945 = arith.addf %add3A_907, %mul3A_944 : vector<16xf32>
        %get3A_946 = arith.index_cast %add3A_797 : i32 to index
        %get3A_947 = arith.constant 64 : index
        %get3A_948 = tpu.vector_load %arg20[%get3A_946, %get3A_947] {strides = array<i32>} : memref<128x128xf32, #tpu.memory_space<vmem>>, vector<16xf32>,
        %get3A_949 = arith.index_cast %add3A_797 : i32 to index
        %get3A_950 = arith.constant 64 : index
        %get3A_951 = tpu.vector_load %arg21[%get3A_949, %get3A_950] {strides = array<i32>} : memref<128x128xf32, #tpu.memory_space<vmem>>, vector<16xf32>,
        %add3A_952 = arith.addf %get3A_948, %get3A_951 : vector<16xf32>
        %get3A_953 = arith.index_cast %add3A_797 : i32 to index
        %get3A_954 = arith.constant 64 : index
        %get3A_955 = tpu.vector_load %arg17[%get3A_953, %get3A_954] {strides = array<i32>} : memref<128x128xf32, #tpu.memory_space<vmem>>, vector<16xf32>,
        %add3A_956 = arith.addf %add3A_952, %get3A_955 : vector<16xf32>
        %max3A_957 = arith.constant 0.000000e+00 : f32
        %max3A_958 = vector.broadcast %max3A_957 : f32 to vector<16xf32>
        %max3A_959 = arith.maximumf %add3A_956, %max3A_958 : vector<16xf32>
        %get3A_960 = arith.constant 0 : i32
        %get3A_961 = arith.index_cast %get3A_960 : i32 to index
        %get3A_962 = arith.constant 64 : index
        %get3A_963 = tpu.vector_load %arg25[%get3A_961, %get3A_962] {strides = array<i32>} : memref<4x128xf32, #tpu.memory_space<vmem>>, vector<16xf32>,
        %mul3A_964 = arith.mulf %max3A_959, %get3A_963 : vector<16xf32>
        %add3A_965 = arith.addf %add3A_927, %mul3A_964 : vector<16xf32>
        %get3A_966 = arith.constant 1 : i32
        %get3A_967 = arith.index_cast %get3A_966 : i32 to index
        %get3A_968 = arith.constant 64 : index
        %get3A_969 = tpu.vector_load %arg25[%get3A_967, %get3A_968] {strides = array<i32>} : memref<4x128xf32, #tpu.memory_space<vmem>>, vector<16xf32>,
        %mul3A_970 = arith.mulf %max3A_959, %get3A_969 : vector<16xf32>
        %add3A_971 = arith.addf %add3A_933, %mul3A_970 : vector<16xf32>
        %get3A_972 = arith.constant 2 : i32
        %get3A_973 = arith.index_cast %get3A_972 : i32 to index
        %get3A_974 = arith.constant 64 : index
        %get3A_975 = tpu.vector_load %arg25[%get3A_973, %get3A_974] {strides = array<i32>} : memref<4x128xf32, #tpu.memory_space<vmem>>, vector<16xf32>,
        %mul3A_976 = arith.mulf %max3A_959, %get3A_975 : vector<16xf32>
        %add3A_977 = arith.addf %add3A_939, %mul3A_976 : vector<16xf32>
        %get3A_978 = arith.constant 3 : i32
        %get3A_979 = arith.index_cast %get3A_978 : i32 to index
        %get3A_980 = arith.constant 64 : index
        %get3A_981 = tpu.vector_load %arg25[%get3A_979, %get3A_980] {strides = array<i32>} : memref<4x128xf32, #tpu.memory_space<vmem>>, vector<16xf32>,
        %mul3A_982 = arith.mulf %max3A_959, %get3A_981 : vector<16xf32>
        %add3A_983 = arith.addf %add3A_945, %mul3A_982 : vector<16xf32>
        %get3A_984 = arith.index_cast %add3A_797 : i32 to index
        %get3A_985 = arith.constant 80 : index
        %get3A_986 = tpu.vector_load %arg20[%get3A_984, %get3A_985] {strides = array<i32>} : memref<128x128xf32, #tpu.memory_space<vmem>>, vector<16xf32>,
        %get3A_987 = arith.index_cast %add3A_797 : i32 to index
        %get3A_988 = arith.constant 80 : index
        %get3A_989 = tpu.vector_load %arg21[%get3A_987, %get3A_988] {strides = array<i32>} : memref<128x128xf32, #tpu.memory_space<vmem>>, vector<16xf32>,
        %add3A_990 = arith.addf %get3A_986, %get3A_989 : vector<16xf32>
        %get3A_991 = arith.index_cast %add3A_797 : i32 to index
        %get3A_992 = arith.constant 80 : index
        %get3A_993 = tpu.vector_load %arg17[%get3A_991, %get3A_992] {strides = array<i32>} : memref<128x128xf32, #tpu.memory_space<vmem>>, vector<16xf32>,
        %add3A_994 = arith.addf %add3A_990, %get3A_993 : vector<16xf32>
        %max3A_995 = arith.constant 0.000000e+00 : f32
        %max3A_996 = vector.broadcast %max3A_995 : f32 to vector<16xf32>
        %max3A_997 = arith.maximumf %add3A_994, %max3A_996 : vector<16xf32>
        %get3A_998 = arith.constant 0 : i32
        %get3A_999 = arith.index_cast %get3A_998 : i32 to index
        %get3A_1000 = arith.constant 80 : index
        %get3A_1001 = tpu.vector_load %arg25[%get3A_999, %get3A_1000] {strides = array<i32>} : memref<4x128xf32, #tpu.memory_space<vmem>>, vector<16xf32>,
        %mul3A_1002 = arith.mulf %max3A_997, %get3A_1001 : vector<16xf32>
        %add3A_1003 = arith.addf %add3A_965, %mul3A_1002 : vector<16xf32>
        %get3A_1004 = arith.constant 1 : i32
        %get3A_1005 = arith.index_cast %get3A_1004 : i32 to index
        %get3A_1006 = arith.constant 80 : index
        %get3A_1007 = tpu.vector_load %arg25[%get3A_1005, %get3A_1006] {strides = array<i32>} : memref<4x128xf32, #tpu.memory_space<vmem>>, vector<16xf32>,
        %mul3A_1008 = arith.mulf %max3A_997, %get3A_1007 : vector<16xf32>
        %add3A_1009 = arith.addf %add3A_971, %mul3A_1008 : vector<16xf32>
        %get3A_1010 = arith.constant 2 : i32
        %get3A_1011 = arith.index_cast %get3A_1010 : i32 to index
        %get3A_1012 = arith.constant 80 : index
        %get3A_1013 = tpu.vector_load %arg25[%get3A_1011, %get3A_1012] {strides = array<i32>} : memref<4x128xf32, #tpu.memory_space<vmem>>, vector<16xf32>,
        %mul3A_1014 = arith.mulf %max3A_997, %get3A_1013 : vector<16xf32>
        %add3A_1015 = arith.addf %add3A_977, %mul3A_1014 : vector<16xf32>
        %get3A_1016 = arith.constant 3 : i32
        %get3A_1017 = arith.index_cast %get3A_1016 : i32 to index
        %get3A_1018 = arith.constant 80 : index
        %get3A_1019 = tpu.vector_load %arg25[%get3A_1017, %get3A_1018] {strides = array<i32>} : memref<4x128xf32, #tpu.memory_space<vmem>>, vector<16xf32>,
        %mul3A_1020 = arith.mulf %max3A_997, %get3A_1019 : vector<16xf32>
        %add3A_1021 = arith.addf %add3A_983, %mul3A_1020 : vector<16xf32>
        %get3A_1022 = arith.index_cast %add3A_797 : i32 to index
        %get3A_1023 = arith.constant 96 : index
        %get3A_1024 = tpu.vector_load %arg20[%get3A_1022, %get3A_1023] {strides = array<i32>} : memref<128x128xf32, #tpu.memory_space<vmem>>, vector<16xf32>,
        %get3A_1025 = arith.index_cast %add3A_797 : i32 to index
        %get3A_1026 = arith.constant 96 : index
        %get3A_1027 = tpu.vector_load %arg21[%get3A_1025, %get3A_1026] {strides = array<i32>} : memref<128x128xf32, #tpu.memory_space<vmem>>, vector<16xf32>,
        %add3A_1028 = arith.addf %get3A_1024, %get3A_1027 : vector<16xf32>
        %get3A_1029 = arith.index_cast %add3A_797 : i32 to index
        %get3A_1030 = arith.constant 96 : index
        %get3A_1031 = tpu.vector_load %arg17[%get3A_1029, %get3A_1030] {strides = array<i32>} : memref<128x128xf32, #tpu.memory_space<vmem>>, vector<16xf32>,
        %add3A_1032 = arith.addf %add3A_1028, %get3A_1031 : vector<16xf32>
        %max3A_1033 = arith.constant 0.000000e+00 : f32
        %max3A_1034 = vector.broadcast %max3A_1033 : f32 to vector<16xf32>
        %max3A_1035 = arith.maximumf %add3A_1032, %max3A_1034 : vector<16xf32>
        %get3A_1036 = arith.constant 0 : i32
        %get3A_1037 = arith.index_cast %get3A_1036 : i32 to index
        %get3A_1038 = arith.constant 96 : index
        %get3A_1039 = tpu.vector_load %arg25[%get3A_1037, %get3A_1038] {strides = array<i32>} : memref<4x128xf32, #tpu.memory_space<vmem>>, vector<16xf32>,
        %mul3A_1040 = arith.mulf %max3A_1035, %get3A_1039 : vector<16xf32>
        %add3A_1041 = arith.addf %add3A_1003, %mul3A_1040 : vector<16xf32>
        %get3A_1042 = arith.constant 1 : i32
        %get3A_1043 = arith.index_cast %get3A_1042 : i32 to index
        %get3A_1044 = arith.constant 96 : index
        %get3A_1045 = tpu.vector_load %arg25[%get3A_1043, %get3A_1044] {strides = array<i32>} : memref<4x128xf32, #tpu.memory_space<vmem>>, vector<16xf32>,
        %mul3A_1046 = arith.mulf %max3A_1035, %get3A_1045 : vector<16xf32>
        %add3A_1047 = arith.addf %add3A_1009, %mul3A_1046 : vector<16xf32>
        %get3A_1048 = arith.constant 2 : i32
        %get3A_1049 = arith.index_cast %get3A_1048 : i32 to index
        %get3A_1050 = arith.constant 96 : index
        %get3A_1051 = tpu.vector_load %arg25[%get3A_1049, %get3A_1050] {strides = array<i32>} : memref<4x128xf32, #tpu.memory_space<vmem>>, vector<16xf32>,
        %mul3A_1052 = arith.mulf %max3A_1035, %get3A_1051 : vector<16xf32>
        %add3A_1053 = arith.addf %add3A_1015, %mul3A_1052 : vector<16xf32>
        %get3A_1054 = arith.constant 3 : i32
        %get3A_1055 = arith.index_cast %get3A_1054 : i32 to index
        %get3A_1056 = arith.constant 96 : index
        %get3A_1057 = tpu.vector_load %arg25[%get3A_1055, %get3A_1056] {strides = array<i32>} : memref<4x128xf32, #tpu.memory_space<vmem>>, vector<16xf32>,
        %mul3A_1058 = arith.mulf %max3A_1035, %get3A_1057 : vector<16xf32>
        %add3A_1059 = arith.addf %add3A_1021, %mul3A_1058 : vector<16xf32>
        %get3A_1060 = arith.index_cast %add3A_797 : i32 to index
        %get3A_1061 = arith.constant 112 : index
        %get3A_1062 = tpu.vector_load %arg20[%get3A_1060, %get3A_1061] {strides = array<i32>} : memref<128x128xf32, #tpu.memory_space<vmem>>, vector<16xf32>,
        %get3A_1063 = arith.index_cast %add3A_797 : i32 to index
        %get3A_1064 = arith.constant 112 : index
        %get3A_1065 = tpu.vector_load %arg21[%get3A_1063, %get3A_1064] {strides = array<i32>} : memref<128x128xf32, #tpu.memory_space<vmem>>, vector<16xf32>,
        %add3A_1066 = arith.addf %get3A_1062, %get3A_1065 : vector<16xf32>
        %get3A_1067 = arith.index_cast %add3A_797 : i32 to index
        %get3A_1068 = arith.constant 112 : index
        %get3A_1069 = tpu.vector_load %arg17[%get3A_1067, %get3A_1068] {strides = array<i32>} : memref<128x128xf32, #tpu.memory_space<vmem>>, vector<16xf32>,
        %add3A_1070 = arith.addf %add3A_1066, %get3A_1069 : vector<16xf32>
        %max3A_1071 = arith.constant 0.000000e+00 : f32
        %max3A_1072 = vector.broadcast %max3A_1071 : f32 to vector<16xf32>
        %max3A_1073 = arith.maximumf %add3A_1070, %max3A_1072 : vector<16xf32>
        %get3A_1074 = arith.constant 0 : i32
        %get3A_1075 = arith.index_cast %get3A_1074 : i32 to index
        %get3A_1076 = arith.constant 112 : index
        %get3A_1077 = tpu.vector_load %arg25[%get3A_1075, %get3A_1076] {strides = array<i32>} : memref<4x128xf32, #tpu.memory_space<vmem>>, vector<16xf32>,
        %mul3A_1078 = arith.mulf %max3A_1073, %get3A_1077 : vector<16xf32>
        %add3A_1079 = arith.addf %add3A_1041, %mul3A_1078 : vector<16xf32>
        %get3A_1080 = arith.constant 1 : i32
        %get3A_1081 = arith.index_cast %get3A_1080 : i32 to index
        %get3A_1082 = arith.constant 112 : index
        %get3A_1083 = tpu.vector_load %arg25[%get3A_1081, %get3A_1082] {strides = array<i32>} : memref<4x128xf32, #tpu.memory_space<vmem>>, vector<16xf32>,
        %mul3A_1084 = arith.mulf %max3A_1073, %get3A_1083 : vector<16xf32>
        %add3A_1085 = arith.addf %add3A_1047, %mul3A_1084 : vector<16xf32>
        %get3A_1086 = arith.constant 2 : i32
        %get3A_1087 = arith.index_cast %get3A_1086 : i32 to index
        %get3A_1088 = arith.constant 112 : index
        %get3A_1089 = tpu.vector_load %arg25[%get3A_1087, %get3A_1088] {strides = array<i32>} : memref<4x128xf32, #tpu.memory_space<vmem>>, vector<16xf32>,
        %mul3A_1090 = arith.mulf %max3A_1073, %get3A_1089 : vector<16xf32>
        %add3A_1091 = arith.addf %add3A_1053, %mul3A_1090 : vector<16xf32>
        %get3A_1092 = arith.constant 3 : i32
        %get3A_1093 = arith.index_cast %get3A_1092 : i32 to index
        %get3A_1094 = arith.constant 112 : index
        %get3A_1095 = tpu.vector_load %arg25[%get3A_1093, %get3A_1094] {strides = array<i32>} : memref<4x128xf32, #tpu.memory_space<vmem>>, vector<16xf32>,
        %mul3A_1096 = arith.mulf %max3A_1073, %get3A_1095 : vector<16xf32>
        %add3A_1097 = arith.addf %add3A_1059, %mul3A_1096 : vector<16xf32>
        %eq3A_1098 = arith.constant 4 : i32
        %eq3A_1099 = vector.broadcast %eq3A_1098 : i32 to vector<16xi32>
        %eq3A_1100 = arith.cmpi eq, %iota3A, %eq3A_1099 : vector<16xi32>
        %reduce_sum3A_1101 = arith.constant true
        %reduce_sum3A_1102 = vector.broadcast %reduce_sum3A_1101 : i1 to vector<16xi1>
        %reduce_sum3A_1103 = tpu.scan <sum>, %add3A_1079 masked %reduce_sum3A_1102 : vector<16xf32>, vector<16xi1> -> vector<16xf32>
        %reduce_sum3A_1104 = vector.extract %reduce_sum3A_1103[15] : f32 from vector<16xf32>
        %add3A_1105 = vector.broadcast %reduce_sum3A_1104 : f32 to vector<16xf32>
        %add3A_1106 = arith.addf %add3A_1105, %select_n3A_793 : vector<16xf32>
        %select_n3A_1107 = arith.select %eq3A_1100, %add3A_1106, %select_n3A_793 : vector<16xi1>, vector<16xf32>
        %eq3A_1108 = arith.constant 5 : i32
        %eq3A_1109 = vector.broadcast %eq3A_1108 : i32 to vector<16xi32>
        %eq3A_1110 = arith.cmpi eq, %iota3A, %eq3A_1109 : vector<16xi32>
        %reduce_sum3A_1111 = arith.constant true
        %reduce_sum3A_1112 = vector.broadcast %reduce_sum3A_1111 : i1 to vector<16xi1>
        %reduce_sum3A_1113 = tpu.scan <sum>, %add3A_1085 masked %reduce_sum3A_1112 : vector<16xf32>, vector<16xi1> -> vector<16xf32>
        %reduce_sum3A_1114 = vector.extract %reduce_sum3A_1113[15] : f32 from vector<16xf32>
        %add3A_1115 = vector.broadcast %reduce_sum3A_1114 : f32 to vector<16xf32>
        %add3A_1116 = arith.addf %add3A_1115, %select_n3A_1107 : vector<16xf32>
        %select_n3A_1117 = arith.select %eq3A_1110, %add3A_1116, %select_n3A_1107 : vector<16xi1>, vector<16xf32>
        %eq3A_1118 = arith.constant 6 : i32
        %eq3A_1119 = vector.broadcast %eq3A_1118 : i32 to vector<16xi32>
        %eq3A_1120 = arith.cmpi eq, %iota3A, %eq3A_1119 : vector<16xi32>
        %reduce_sum3A_1121 = arith.constant true
        %reduce_sum3A_1122 = vector.broadcast %reduce_sum3A_1121 : i1 to vector<16xi1>
        %reduce_sum3A_1123 = tpu.scan <sum>, %add3A_1091 masked %reduce_sum3A_1122 : vector<16xf32>, vector<16xi1> -> vector<16xf32>
        %reduce_sum3A_1124 = vector.extract %reduce_sum3A_1123[15] : f32 from vector<16xf32>
        %add3A_1125 = vector.broadcast %reduce_sum3A_1124 : f32 to vector<16xf32>
        %add3A_1126 = arith.addf %add3A_1125, %select_n3A_1117 : vector<16xf32>
        %select_n3A_1127 = arith.select %eq3A_1120, %add3A_1126, %select_n3A_1117 : vector<16xi1>, vector<16xf32>
        %eq3A_1128 = arith.constant 7 : i32
        %eq3A_1129 = vector.broadcast %eq3A_1128 : i32 to vector<16xi32>
        %eq3A_1130 = arith.cmpi eq, %iota3A, %eq3A_1129 : vector<16xi32>
        %reduce_sum3A_1131 = arith.constant true
        %reduce_sum3A_1132 = vector.broadcast %reduce_sum3A_1131 : i1 to vector<16xi1>
        %reduce_sum3A_1133 = tpu.scan <sum>, %add3A_1097 masked %reduce_sum3A_1132 : vector<16xf32>, vector<16xi1> -> vector<16xf32>
        %reduce_sum3A_1134 = vector.extract %reduce_sum3A_1133[15] : f32 from vector<16xf32>
        %add3A_1135 = vector.broadcast %reduce_sum3A_1134 : f32 to vector<16xf32>
        %add3A_1136 = arith.addf %add3A_1135, %select_n3A_1127 : vector<16xf32>
        %select_n3A_1137 = arith.select %eq3A_1130, %add3A_1136, %select_n3A_1127 : vector<16xi1>, vector<16xf32>
        %mul3A_1138 = arith.constant 4 : i32
        %mul3A_1139 = arith.muli %scan3A_451, %mul3A_1138 : i32
        %add3A_1140 = arith.constant 2 : i32
        %add3A_1141 = arith.addi %mul3A_1139, %add3A_1140 : i32
        %get3A_1142 = arith.index_cast %add3A_1141 : i32 to index
        %get3A_1143 = arith.constant 0 : index
        %get3A_1144 = tpu.vector_load %arg20[%get3A_1142, %get3A_1143] {strides = array<i32>} : memref<128x128xf32, #tpu.memory_space<vmem>>, vector<16xf32>,
        %get3A_1145 = arith.index_cast %add3A_1141 : i32 to index
        %get3A_1146 = arith.constant 0 : index
        %get3A_1147 = tpu.vector_load %arg21[%get3A_1145, %get3A_1146] {strides = array<i32>} : memref<128x128xf32, #tpu.memory_space<vmem>>, vector<16xf32>,
        %add3A_1148 = arith.addf %get3A_1144, %get3A_1147 : vector<16xf32>
        %get3A_1149 = arith.index_cast %add3A_1141 : i32 to index
        %get3A_1150 = arith.constant 0 : index
        %get3A_1151 = tpu.vector_load %arg17[%get3A_1149, %get3A_1150] {strides = array<i32>} : memref<128x128xf32, #tpu.memory_space<vmem>>, vector<16xf32>,
        %add3A_1152 = arith.addf %add3A_1148, %get3A_1151 : vector<16xf32>
        %max3A_1153 = arith.constant 0.000000e+00 : f32
        %max3A_1154 = vector.broadcast %max3A_1153 : f32 to vector<16xf32>
        %max3A_1155 = arith.maximumf %add3A_1152, %max3A_1154 : vector<16xf32>
        %get3A_1156 = arith.constant 0 : i32
        %get3A_1157 = arith.index_cast %get3A_1156 : i32 to index
        %get3A_1158 = arith.constant 0 : index
        %get3A_1159 = tpu.vector_load %arg25[%get3A_1157, %get3A_1158] {strides = array<i32>} : memref<4x128xf32, #tpu.memory_space<vmem>>, vector<16xf32>,
        %mul3A_1160 = arith.mulf %max3A_1155, %get3A_1159 : vector<16xf32>
        %get3A_1161 = arith.constant 1 : i32
        %get3A_1162 = arith.index_cast %get3A_1161 : i32 to index
        %get3A_1163 = arith.constant 0 : index
        %get3A_1164 = tpu.vector_load %arg25[%get3A_1162, %get3A_1163] {strides = array<i32>} : memref<4x128xf32, #tpu.memory_space<vmem>>, vector<16xf32>,
        %mul3A_1165 = arith.mulf %max3A_1155, %get3A_1164 : vector<16xf32>
        %get3A_1166 = arith.constant 2 : i32
        %get3A_1167 = arith.index_cast %get3A_1166 : i32 to index
        %get3A_1168 = arith.constant 0 : index
        %get3A_1169 = tpu.vector_load %arg25[%get3A_1167, %get3A_1168] {strides = array<i32>} : memref<4x128xf32, #tpu.memory_space<vmem>>, vector<16xf32>,
        %mul3A_1170 = arith.mulf %max3A_1155, %get3A_1169 : vector<16xf32>
        %get3A_1171 = arith.constant 3 : i32
        %get3A_1172 = arith.index_cast %get3A_1171 : i32 to index
        %get3A_1173 = arith.constant 0 : index
        %get3A_1174 = tpu.vector_load %arg25[%get3A_1172, %get3A_1173] {strides = array<i32>} : memref<4x128xf32, #tpu.memory_space<vmem>>, vector<16xf32>,
        %mul3A_1175 = arith.mulf %max3A_1155, %get3A_1174 : vector<16xf32>
        %get3A_1176 = arith.index_cast %add3A_1141 : i32 to index
        %get3A_1177 = arith.constant 16 : index
        %get3A_1178 = tpu.vector_load %arg20[%get3A_1176, %get3A_1177] {strides = array<i32>} : memref<128x128xf32, #tpu.memory_space<vmem>>, vector<16xf32>,
        %get3A_1179 = arith.index_cast %add3A_1141 : i32 to index
        %get3A_1180 = arith.constant 16 : index
        %get3A_1181 = tpu.vector_load %arg21[%get3A_1179, %get3A_1180] {strides = array<i32>} : memref<128x128xf32, #tpu.memory_space<vmem>>, vector<16xf32>,
        %add3A_1182 = arith.addf %get3A_1178, %get3A_1181 : vector<16xf32>
        %get3A_1183 = arith.index_cast %add3A_1141 : i32 to index
        %get3A_1184 = arith.constant 16 : index
        %get3A_1185 = tpu.vector_load %arg17[%get3A_1183, %get3A_1184] {strides = array<i32>} : memref<128x128xf32, #tpu.memory_space<vmem>>, vector<16xf32>,
        %add3A_1186 = arith.addf %add3A_1182, %get3A_1185 : vector<16xf32>
        %max3A_1187 = arith.constant 0.000000e+00 : f32
        %max3A_1188 = vector.broadcast %max3A_1187 : f32 to vector<16xf32>
        %max3A_1189 = arith.maximumf %add3A_1186, %max3A_1188 : vector<16xf32>
        %get3A_1190 = arith.constant 0 : i32
        %get3A_1191 = arith.index_cast %get3A_1190 : i32 to index
        %get3A_1192 = arith.constant 16 : index
        %get3A_1193 = tpu.vector_load %arg25[%get3A_1191, %get3A_1192] {strides = array<i32>} : memref<4x128xf32, #tpu.memory_space<vmem>>, vector<16xf32>,
        %mul3A_1194 = arith.mulf %max3A_1189, %get3A_1193 : vector<16xf32>
        %add3A_1195 = arith.addf %mul3A_1160, %mul3A_1194 : vector<16xf32>
        %get3A_1196 = arith.constant 1 : i32
        %get3A_1197 = arith.index_cast %get3A_1196 : i32 to index
        %get3A_1198 = arith.constant 16 : index
        %get3A_1199 = tpu.vector_load %arg25[%get3A_1197, %get3A_1198] {strides = array<i32>} : memref<4x128xf32, #tpu.memory_space<vmem>>, vector<16xf32>,
        %mul3A_1200 = arith.mulf %max3A_1189, %get3A_1199 : vector<16xf32>
        %add3A_1201 = arith.addf %mul3A_1165, %mul3A_1200 : vector<16xf32>
        %get3A_1202 = arith.constant 2 : i32
        %get3A_1203 = arith.index_cast %get3A_1202 : i32 to index
        %get3A_1204 = arith.constant 16 : index
        %get3A_1205 = tpu.vector_load %arg25[%get3A_1203, %get3A_1204] {strides = array<i32>} : memref<4x128xf32, #tpu.memory_space<vmem>>, vector<16xf32>,
        %mul3A_1206 = arith.mulf %max3A_1189, %get3A_1205 : vector<16xf32>
        %add3A_1207 = arith.addf %mul3A_1170, %mul3A_1206 : vector<16xf32>
        %get3A_1208 = arith.constant 3 : i32
        %get3A_1209 = arith.index_cast %get3A_1208 : i32 to index
        %get3A_1210 = arith.constant 16 : index
        %get3A_1211 = tpu.vector_load %arg25[%get3A_1209, %get3A_1210] {strides = array<i32>} : memref<4x128xf32, #tpu.memory_space<vmem>>, vector<16xf32>,
        %mul3A_1212 = arith.mulf %max3A_1189, %get3A_1211 : vector<16xf32>
        %add3A_1213 = arith.addf %mul3A_1175, %mul3A_1212 : vector<16xf32>
        %get3A_1214 = arith.index_cast %add3A_1141 : i32 to index
        %get3A_1215 = arith.constant 32 : index
        %get3A_1216 = tpu.vector_load %arg20[%get3A_1214, %get3A_1215] {strides = array<i32>} : memref<128x128xf32, #tpu.memory_space<vmem>>, vector<16xf32>,
        %get3A_1217 = arith.index_cast %add3A_1141 : i32 to index
        %get3A_1218 = arith.constant 32 : index
        %get3A_1219 = tpu.vector_load %arg21[%get3A_1217, %get3A_1218] {strides = array<i32>} : memref<128x128xf32, #tpu.memory_space<vmem>>, vector<16xf32>,
        %add3A_1220 = arith.addf %get3A_1216, %get3A_1219 : vector<16xf32>
        %get3A_1221 = arith.index_cast %add3A_1141 : i32 to index
        %get3A_1222 = arith.constant 32 : index
        %get3A_1223 = tpu.vector_load %arg17[%get3A_1221, %get3A_1222] {strides = array<i32>} : memref<128x128xf32, #tpu.memory_space<vmem>>, vector<16xf32>,
        %add3A_1224 = arith.addf %add3A_1220, %get3A_1223 : vector<16xf32>
        %max3A_1225 = arith.constant 0.000000e+00 : f32
        %max3A_1226 = vector.broadcast %max3A_1225 : f32 to vector<16xf32>
        %max3A_1227 = arith.maximumf %add3A_1224, %max3A_1226 : vector<16xf32>
        %get3A_1228 = arith.constant 0 : i32
        %get3A_1229 = arith.index_cast %get3A_1228 : i32 to index
        %get3A_1230 = arith.constant 32 : index
        %get3A_1231 = tpu.vector_load %arg25[%get3A_1229, %get3A_1230] {strides = array<i32>} : memref<4x128xf32, #tpu.memory_space<vmem>>, vector<16xf32>,
        %mul3A_1232 = arith.mulf %max3A_1227, %get3A_1231 : vector<16xf32>
        %add3A_1233 = arith.addf %add3A_1195, %mul3A_1232 : vector<16xf32>
        %get3A_1234 = arith.constant 1 : i32
        %get3A_1235 = arith.index_cast %get3A_1234 : i32 to index
        %get3A_1236 = arith.constant 32 : index
        %get3A_1237 = tpu.vector_load %arg25[%get3A_1235, %get3A_1236] {strides = array<i32>} : memref<4x128xf32, #tpu.memory_space<vmem>>, vector<16xf32>,
        %mul3A_1238 = arith.mulf %max3A_1227, %get3A_1237 : vector<16xf32>
        %add3A_1239 = arith.addf %add3A_1201, %mul3A_1238 : vector<16xf32>
        %get3A_1240 = arith.constant 2 : i32
        %get3A_1241 = arith.index_cast %get3A_1240 : i32 to index
        %get3A_1242 = arith.constant 32 : index
        %get3A_1243 = tpu.vector_load %arg25[%get3A_1241, %get3A_1242] {strides = array<i32>} : memref<4x128xf32, #tpu.memory_space<vmem>>, vector<16xf32>,
        %mul3A_1244 = arith.mulf %max3A_1227, %get3A_1243 : vector<16xf32>
        %add3A_1245 = arith.addf %add3A_1207, %mul3A_1244 : vector<16xf32>
        %get3A_1246 = arith.constant 3 : i32
        %get3A_1247 = arith.index_cast %get3A_1246 : i32 to index
        %get3A_1248 = arith.constant 32 : index
        %get3A_1249 = tpu.vector_load %arg25[%get3A_1247, %get3A_1248] {strides = array<i32>} : memref<4x128xf32, #tpu.memory_space<vmem>>, vector<16xf32>,
        %mul3A_1250 = arith.mulf %max3A_1227, %get3A_1249 : vector<16xf32>
        %add3A_1251 = arith.addf %add3A_1213, %mul3A_1250 : vector<16xf32>
        %get3A_1252 = arith.index_cast %add3A_1141 : i32 to index
        %get3A_1253 = arith.constant 48 : index
        %get3A_1254 = tpu.vector_load %arg20[%get3A_1252, %get3A_1253] {strides = array<i32>} : memref<128x128xf32, #tpu.memory_space<vmem>>, vector<16xf32>,
        %get3A_1255 = arith.index_cast %add3A_1141 : i32 to index
        %get3A_1256 = arith.constant 48 : index
        %get3A_1257 = tpu.vector_load %arg21[%get3A_1255, %get3A_1256] {strides = array<i32>} : memref<128x128xf32, #tpu.memory_space<vmem>>, vector<16xf32>,
        %add3A_1258 = arith.addf %get3A_1254, %get3A_1257 : vector<16xf32>
        %get3A_1259 = arith.index_cast %add3A_1141 : i32 to index
        %get3A_1260 = arith.constant 48 : index
        %get3A_1261 = tpu.vector_load %arg17[%get3A_1259, %get3A_1260] {strides = array<i32>} : memref<128x128xf32, #tpu.memory_space<vmem>>, vector<16xf32>,
        %add3A_1262 = arith.addf %add3A_1258, %get3A_1261 : vector<16xf32>
        %max3A_1263 = arith.constant 0.000000e+00 : f32
        %max3A_1264 = vector.broadcast %max3A_1263 : f32 to vector<16xf32>
        %max3A_1265 = arith.maximumf %add3A_1262, %max3A_1264 : vector<16xf32>
        %get3A_1266 = arith.constant 0 : i32
        %get3A_1267 = arith.index_cast %get3A_1266 : i32 to index
        %get3A_1268 = arith.constant 48 : index
        %get3A_1269 = tpu.vector_load %arg25[%get3A_1267, %get3A_1268] {strides = array<i32>} : memref<4x128xf32, #tpu.memory_space<vmem>>, vector<16xf32>,
        %mul3A_1270 = arith.mulf %max3A_1265, %get3A_1269 : vector<16xf32>
        %add3A_1271 = arith.addf %add3A_1233, %mul3A_1270 : vector<16xf32>
        %get3A_1272 = arith.constant 1 : i32
        %get3A_1273 = arith.index_cast %get3A_1272 : i32 to index
        %get3A_1274 = arith.constant 48 : index
        %get3A_1275 = tpu.vector_load %arg25[%get3A_1273, %get3A_1274] {strides = array<i32>} : memref<4x128xf32, #tpu.memory_space<vmem>>, vector<16xf32>,
        %mul3A_1276 = arith.mulf %max3A_1265, %get3A_1275 : vector<16xf32>
        %add3A_1277 = arith.addf %add3A_1239, %mul3A_1276 : vector<16xf32>
        %get3A_1278 = arith.constant 2 : i32
        %get3A_1279 = arith.index_cast %get3A_1278 : i32 to index
        %get3A_1280 = arith.constant 48 : index
        %get3A_1281 = tpu.vector_load %arg25[%get3A_1279, %get3A_1280] {strides = array<i32>} : memref<4x128xf32, #tpu.memory_space<vmem>>, vector<16xf32>,
        %mul3A_1282 = arith.mulf %max3A_1265, %get3A_1281 : vector<16xf32>
        %add3A_1283 = arith.addf %add3A_1245, %mul3A_1282 : vector<16xf32>
        %get3A_1284 = arith.constant 3 : i32
        %get3A_1285 = arith.index_cast %get3A_1284 : i32 to index
        %get3A_1286 = arith.constant 48 : index
        %get3A_1287 = tpu.vector_load %arg25[%get3A_1285, %get3A_1286] {strides = array<i32>} : memref<4x128xf32, #tpu.memory_space<vmem>>, vector<16xf32>,
        %mul3A_1288 = arith.mulf %max3A_1265, %get3A_1287 : vector<16xf32>
        %add3A_1289 = arith.addf %add3A_1251, %mul3A_1288 : vector<16xf32>
        %get3A_1290 = arith.index_cast %add3A_1141 : i32 to index
        %get3A_1291 = arith.constant 64 : index
        %get3A_1292 = tpu.vector_load %arg20[%get3A_1290, %get3A_1291] {strides = array<i32>} : memref<128x128xf32, #tpu.memory_space<vmem>>, vector<16xf32>,
        %get3A_1293 = arith.index_cast %add3A_1141 : i32 to index
        %get3A_1294 = arith.constant 64 : index
        %get3A_1295 = tpu.vector_load %arg21[%get3A_1293, %get3A_1294] {strides = array<i32>} : memref<128x128xf32, #tpu.memory_space<vmem>>, vector<16xf32>,
        %add3A_1296 = arith.addf %get3A_1292, %get3A_1295 : vector<16xf32>
        %get3A_1297 = arith.index_cast %add3A_1141 : i32 to index
        %get3A_1298 = arith.constant 64 : index
        %get3A_1299 = tpu.vector_load %arg17[%get3A_1297, %get3A_1298] {strides = array<i32>} : memref<128x128xf32, #tpu.memory_space<vmem>>, vector<16xf32>,
        %add3A_1300 = arith.addf %add3A_1296, %get3A_1299 : vector<16xf32>
        %max3A_1301 = arith.constant 0.000000e+00 : f32
        %max3A_1302 = vector.broadcast %max3A_1301 : f32 to vector<16xf32>
        %max3A_1303 = arith.maximumf %add3A_1300, %max3A_1302 : vector<16xf32>
        %get3A_1304 = arith.constant 0 : i32
        %get3A_1305 = arith.index_cast %get3A_1304 : i32 to index
        %get3A_1306 = arith.constant 64 : index
        %get3A_1307 = tpu.vector_load %arg25[%get3A_1305, %get3A_1306] {strides = array<i32>} : memref<4x128xf32, #tpu.memory_space<vmem>>, vector<16xf32>,
        %mul3A_1308 = arith.mulf %max3A_1303, %get3A_1307 : vector<16xf32>
        %add3A_1309 = arith.addf %add3A_1271, %mul3A_1308 : vector<16xf32>
        %get3A_1310 = arith.constant 1 : i32
        %get3A_1311 = arith.index_cast %get3A_1310 : i32 to index
        %get3A_1312 = arith.constant 64 : index
        %get3A_1313 = tpu.vector_load %arg25[%get3A_1311, %get3A_1312] {strides = array<i32>} : memref<4x128xf32, #tpu.memory_space<vmem>>, vector<16xf32>,
        %mul3A_1314 = arith.mulf %max3A_1303, %get3A_1313 : vector<16xf32>
        %add3A_1315 = arith.addf %add3A_1277, %mul3A_1314 : vector<16xf32>
        %get3A_1316 = arith.constant 2 : i32
        %get3A_1317 = arith.index_cast %get3A_1316 : i32 to index
        %get3A_1318 = arith.constant 64 : index
        %get3A_1319 = tpu.vector_load %arg25[%get3A_1317, %get3A_1318] {strides = array<i32>} : memref<4x128xf32, #tpu.memory_space<vmem>>, vector<16xf32>,
        %mul3A_1320 = arith.mulf %max3A_1303, %get3A_1319 : vector<16xf32>
        %add3A_1321 = arith.addf %add3A_1283, %mul3A_1320 : vector<16xf32>
        %get3A_1322 = arith.constant 3 : i32
        %get3A_1323 = arith.index_cast %get3A_1322 : i32 to index
        %get3A_1324 = arith.constant 64 : index
        %get3A_1325 = tpu.vector_load %arg25[%get3A_1323, %get3A_1324] {strides = array<i32>} : memref<4x128xf32, #tpu.memory_space<vmem>>, vector<16xf32>,
        %mul3A_1326 = arith.mulf %max3A_1303, %get3A_1325 : vector<16xf32>
        %add3A_1327 = arith.addf %add3A_1289, %mul3A_1326 : vector<16xf32>
        %get3A_1328 = arith.index_cast %add3A_1141 : i32 to index
        %get3A_1329 = arith.constant 80 : index
        %get3A_1330 = tpu.vector_load %arg20[%get3A_1328, %get3A_1329] {strides = array<i32>} : memref<128x128xf32, #tpu.memory_space<vmem>>, vector<16xf32>,
        %get3A_1331 = arith.index_cast %add3A_1141 : i32 to index
        %get3A_1332 = arith.constant 80 : index
        %get3A_1333 = tpu.vector_load %arg21[%get3A_1331, %get3A_1332] {strides = array<i32>} : memref<128x128xf32, #tpu.memory_space<vmem>>, vector<16xf32>,
        %add3A_1334 = arith.addf %get3A_1330, %get3A_1333 : vector<16xf32>
        %get3A_1335 = arith.index_cast %add3A_1141 : i32 to index
        %get3A_1336 = arith.constant 80 : index
        %get3A_1337 = tpu.vector_load %arg17[%get3A_1335, %get3A_1336] {strides = array<i32>} : memref<128x128xf32, #tpu.memory_space<vmem>>, vector<16xf32>,
        %add3A_1338 = arith.addf %add3A_1334, %get3A_1337 : vector<16xf32>
        %max3A_1339 = arith.constant 0.000000e+00 : f32
        %max3A_1340 = vector.broadcast %max3A_1339 : f32 to vector<16xf32>
        %max3A_1341 = arith.maximumf %add3A_1338, %max3A_1340 : vector<16xf32>
        %get3A_1342 = arith.constant 0 : i32
        %get3A_1343 = arith.index_cast %get3A_1342 : i32 to index
        %get3A_1344 = arith.constant 80 : index
        %get3A_1345 = tpu.vector_load %arg25[%get3A_1343, %get3A_1344] {strides = array<i32>} : memref<4x128xf32, #tpu.memory_space<vmem>>, vector<16xf32>,
        %mul3A_1346 = arith.mulf %max3A_1341, %get3A_1345 : vector<16xf32>
        %add3A_1347 = arith.addf %add3A_1309, %mul3A_1346 : vector<16xf32>
        %get3A_1348 = arith.constant 1 : i32
        %get3A_1349 = arith.index_cast %get3A_1348 : i32 to index
        %get3A_1350 = arith.constant 80 : index
        %get3A_1351 = tpu.vector_load %arg25[%get3A_1349, %get3A_1350] {strides = array<i32>} : memref<4x128xf32, #tpu.memory_space<vmem>>, vector<16xf32>,
        %mul3A_1352 = arith.mulf %max3A_1341, %get3A_1351 : vector<16xf32>
        %add3A_1353 = arith.addf %add3A_1315, %mul3A_1352 : vector<16xf32>
        %get3A_1354 = arith.constant 2 : i32
        %get3A_1355 = arith.index_cast %get3A_1354 : i32 to index
        %get3A_1356 = arith.constant 80 : index
        %get3A_1357 = tpu.vector_load %arg25[%get3A_1355, %get3A_1356] {strides = array<i32>} : memref<4x128xf32, #tpu.memory_space<vmem>>, vector<16xf32>,
        %mul3A_1358 = arith.mulf %max3A_1341, %get3A_1357 : vector<16xf32>
        %add3A_1359 = arith.addf %add3A_1321, %mul3A_1358 : vector<16xf32>
        %get3A_1360 = arith.constant 3 : i32
        %get3A_1361 = arith.index_cast %get3A_1360 : i32 to index
        %get3A_1362 = arith.constant 80 : index
        %get3A_1363 = tpu.vector_load %arg25[%get3A_1361, %get3A_1362] {strides = array<i32>} : memref<4x128xf32, #tpu.memory_space<vmem>>, vector<16xf32>,
        %mul3A_1364 = arith.mulf %max3A_1341, %get3A_1363 : vector<16xf32>
        %add3A_1365 = arith.addf %add3A_1327, %mul3A_1364 : vector<16xf32>
        %get3A_1366 = arith.index_cast %add3A_1141 : i32 to index
        %get3A_1367 = arith.constant 96 : index
        %get3A_1368 = tpu.vector_load %arg20[%get3A_1366, %get3A_1367] {strides = array<i32>} : memref<128x128xf32, #tpu.memory_space<vmem>>, vector<16xf32>,
        %get3A_1369 = arith.index_cast %add3A_1141 : i32 to index
        %get3A_1370 = arith.constant 96 : index
        %get3A_1371 = tpu.vector_load %arg21[%get3A_1369, %get3A_1370] {strides = array<i32>} : memref<128x128xf32, #tpu.memory_space<vmem>>, vector<16xf32>,
        %add3A_1372 = arith.addf %get3A_1368, %get3A_1371 : vector<16xf32>
        %get3A_1373 = arith.index_cast %add3A_1141 : i32 to index
        %get3A_1374 = arith.constant 96 : index
        %get3A_1375 = tpu.vector_load %arg17[%get3A_1373, %get3A_1374] {strides = array<i32>} : memref<128x128xf32, #tpu.memory_space<vmem>>, vector<16xf32>,
        %add3A_1376 = arith.addf %add3A_1372, %get3A_1375 : vector<16xf32>
        %max3A_1377 = arith.constant 0.000000e+00 : f32
        %max3A_1378 = vector.broadcast %max3A_1377 : f32 to vector<16xf32>
        %max3A_1379 = arith.maximumf %add3A_1376, %max3A_1378 : vector<16xf32>
        %get3A_1380 = arith.constant 0 : i32
        %get3A_1381 = arith.index_cast %get3A_1380 : i32 to index
        %get3A_1382 = arith.constant 96 : index
        %get3A_1383 = tpu.vector_load %arg25[%get3A_1381, %get3A_1382] {strides = array<i32>} : memref<4x128xf32, #tpu.memory_space<vmem>>, vector<16xf32>,
        %mul3A_1384 = arith.mulf %max3A_1379, %get3A_1383 : vector<16xf32>
        %add3A_1385 = arith.addf %add3A_1347, %mul3A_1384 : vector<16xf32>
        %get3A_1386 = arith.constant 1 : i32
        %get3A_1387 = arith.index_cast %get3A_1386 : i32 to index
        %get3A_1388 = arith.constant 96 : index
        %get3A_1389 = tpu.vector_load %arg25[%get3A_1387, %get3A_1388] {strides = array<i32>} : memref<4x128xf32, #tpu.memory_space<vmem>>, vector<16xf32>,
        %mul3A_1390 = arith.mulf %max3A_1379, %get3A_1389 : vector<16xf32>
        %add3A_1391 = arith.addf %add3A_1353, %mul3A_1390 : vector<16xf32>
        %get3A_1392 = arith.constant 2 : i32
        %get3A_1393 = arith.index_cast %get3A_1392 : i32 to index
        %get3A_1394 = arith.constant 96 : index
        %get3A_1395 = tpu.vector_load %arg25[%get3A_1393, %get3A_1394] {strides = array<i32>} : memref<4x128xf32, #tpu.memory_space<vmem>>, vector<16xf32>,
        %mul3A_1396 = arith.mulf %max3A_1379, %get3A_1395 : vector<16xf32>
        %add3A_1397 = arith.addf %add3A_1359, %mul3A_1396 : vector<16xf32>
        %get3A_1398 = arith.constant 3 : i32
        %get3A_1399 = arith.index_cast %get3A_1398 : i32 to index
        %get3A_1400 = arith.constant 96 : index
        %get3A_1401 = tpu.vector_load %arg25[%get3A_1399, %get3A_1400] {strides = array<i32>} : memref<4x128xf32, #tpu.memory_space<vmem>>, vector<16xf32>,
        %mul3A_1402 = arith.mulf %max3A_1379, %get3A_1401 : vector<16xf32>
        %add3A_1403 = arith.addf %add3A_1365, %mul3A_1402 : vector<16xf32>
        %get3A_1404 = arith.index_cast %add3A_1141 : i32 to index
        %get3A_1405 = arith.constant 112 : index
        %get3A_1406 = tpu.vector_load %arg20[%get3A_1404, %get3A_1405] {strides = array<i32>} : memref<128x128xf32, #tpu.memory_space<vmem>>, vector<16xf32>,
        %get3A_1407 = arith.index_cast %add3A_1141 : i32 to index
        %get3A_1408 = arith.constant 112 : index
        %get3A_1409 = tpu.vector_load %arg21[%get3A_1407, %get3A_1408] {strides = array<i32>} : memref<128x128xf32, #tpu.memory_space<vmem>>, vector<16xf32>,
        %add3A_1410 = arith.addf %get3A_1406, %get3A_1409 : vector<16xf32>
        %get3A_1411 = arith.index_cast %add3A_1141 : i32 to index
        %get3A_1412 = arith.constant 112 : index
        %get3A_1413 = tpu.vector_load %arg17[%get3A_1411, %get3A_1412] {strides = array<i32>} : memref<128x128xf32, #tpu.memory_space<vmem>>, vector<16xf32>,
        %add3A_1414 = arith.addf %add3A_1410, %get3A_1413 : vector<16xf32>
        %max3A_1415 = arith.constant 0.000000e+00 : f32
        %max3A_1416 = vector.broadcast %max3A_1415 : f32 to vector<16xf32>
        %max3A_1417 = arith.maximumf %add3A_1414, %max3A_1416 : vector<16xf32>
        %get3A_1418 = arith.constant 0 : i32
        %get3A_1419 = arith.index_cast %get3A_1418 : i32 to index
        %get3A_1420 = arith.constant 112 : index
        %get3A_1421 = tpu.vector_load %arg25[%get3A_1419, %get3A_1420] {strides = array<i32>} : memref<4x128xf32, #tpu.memory_space<vmem>>, vector<16xf32>,
        %mul3A_1422 = arith.mulf %max3A_1417, %get3A_1421 : vector<16xf32>
        %add3A_1423 = arith.addf %add3A_1385, %mul3A_1422 : vector<16xf32>
        %get3A_1424 = arith.constant 1 : i32
        %get3A_1425 = arith.index_cast %get3A_1424 : i32 to index
        %get3A_1426 = arith.constant 112 : index
        %get3A_1427 = tpu.vector_load %arg25[%get3A_1425, %get3A_1426] {strides = array<i32>} : memref<4x128xf32, #tpu.memory_space<vmem>>, vector<16xf32>,
        %mul3A_1428 = arith.mulf %max3A_1417, %get3A_1427 : vector<16xf32>
        %add3A_1429 = arith.addf %add3A_1391, %mul3A_1428 : vector<16xf32>
        %get3A_1430 = arith.constant 2 : i32
        %get3A_1431 = arith.index_cast %get3A_1430 : i32 to index
        %get3A_1432 = arith.constant 112 : index
        %get3A_1433 = tpu.vector_load %arg25[%get3A_1431, %get3A_1432] {strides = array<i32>} : memref<4x128xf32, #tpu.memory_space<vmem>>, vector<16xf32>,
        %mul3A_1434 = arith.mulf %max3A_1417, %get3A_1433 : vector<16xf32>
        %add3A_1435 = arith.addf %add3A_1397, %mul3A_1434 : vector<16xf32>
        %get3A_1436 = arith.constant 3 : i32
        %get3A_1437 = arith.index_cast %get3A_1436 : i32 to index
        %get3A_1438 = arith.constant 112 : index
        %get3A_1439 = tpu.vector_load %arg25[%get3A_1437, %get3A_1438] {strides = array<i32>} : memref<4x128xf32, #tpu.memory_space<vmem>>, vector<16xf32>,
        %mul3A_1440 = arith.mulf %max3A_1417, %get3A_1439 : vector<16xf32>
        %add3A_1441 = arith.addf %add3A_1403, %mul3A_1440 : vector<16xf32>
        %eq3A_1442 = arith.constant 8 : i32
        %eq3A_1443 = vector.broadcast %eq3A_1442 : i32 to vector<16xi32>
        %eq3A_1444 = arith.cmpi eq, %iota3A, %eq3A_1443 : vector<16xi32>
        %reduce_sum3A_1445 = arith.constant true
        %reduce_sum3A_1446 = vector.broadcast %reduce_sum3A_1445 : i1 to vector<16xi1>
        %reduce_sum3A_1447 = tpu.scan <sum>, %add3A_1423 masked %reduce_sum3A_1446 : vector<16xf32>, vector<16xi1> -> vector<16xf32>
        %reduce_sum3A_1448 = vector.extract %reduce_sum3A_1447[15] : f32 from vector<16xf32>
        %add3A_1449 = vector.broadcast %reduce_sum3A_1448 : f32 to vector<16xf32>
        %add3A_1450 = arith.addf %add3A_1449, %select_n3A_1137 : vector<16xf32>
        %select_n3A_1451 = arith.select %eq3A_1444, %add3A_1450, %select_n3A_1137 : vector<16xi1>, vector<16xf32>
        %eq3A_1452 = arith.constant 9 : i32
        %eq3A_1453 = vector.broadcast %eq3A_1452 : i32 to vector<16xi32>
        %eq3A_1454 = arith.cmpi eq, %iota3A, %eq3A_1453 : vector<16xi32>
        %reduce_sum3A_1455 = arith.constant true
        %reduce_sum3A_1456 = vector.broadcast %reduce_sum3A_1455 : i1 to vector<16xi1>
        %reduce_sum3A_1457 = tpu.scan <sum>, %add3A_1429 masked %reduce_sum3A_1456 : vector<16xf32>, vector<16xi1> -> vector<16xf32>
        %reduce_sum3A_1458 = vector.extract %reduce_sum3A_1457[15] : f32 from vector<16xf32>
        %add3A_1459 = vector.broadcast %reduce_sum3A_1458 : f32 to vector<16xf32>
        %add3A_1460 = arith.addf %add3A_1459, %select_n3A_1451 : vector<16xf32>
        %select_n3A_1461 = arith.select %eq3A_1454, %add3A_1460, %select_n3A_1451 : vector<16xi1>, vector<16xf32>
        %eq3A_1462 = arith.constant 10 : i32
        %eq3A_1463 = vector.broadcast %eq3A_1462 : i32 to vector<16xi32>
        %eq3A_1464 = arith.cmpi eq, %iota3A, %eq3A_1463 : vector<16xi32>
        %reduce_sum3A_1465 = arith.constant true
        %reduce_sum3A_1466 = vector.broadcast %reduce_sum3A_1465 : i1 to vector<16xi1>
        %reduce_sum3A_1467 = tpu.scan <sum>, %add3A_1435 masked %reduce_sum3A_1466 : vector<16xf32>, vector<16xi1> -> vector<16xf32>
        %reduce_sum3A_1468 = vector.extract %reduce_sum3A_1467[15] : f32 from vector<16xf32>
        %add3A_1469 = vector.broadcast %reduce_sum3A_1468 : f32 to vector<16xf32>
        %add3A_1470 = arith.addf %add3A_1469, %select_n3A_1461 : vector<16xf32>
        %select_n3A_1471 = arith.select %eq3A_1464, %add3A_1470, %select_n3A_1461 : vector<16xi1>, vector<16xf32>
        %eq3A_1472 = arith.constant 11 : i32
        %eq3A_1473 = vector.broadcast %eq3A_1472 : i32 to vector<16xi32>
        %eq3A_1474 = arith.cmpi eq, %iota3A, %eq3A_1473 : vector<16xi32>
        %reduce_sum3A_1475 = arith.constant true
        %reduce_sum3A_1476 = vector.broadcast %reduce_sum3A_1475 : i1 to vector<16xi1>
        %reduce_sum3A_1477 = tpu.scan <sum>, %add3A_1441 masked %reduce_sum3A_1476 : vector<16xf32>, vector<16xi1> -> vector<16xf32>
        %reduce_sum3A_1478 = vector.extract %reduce_sum3A_1477[15] : f32 from vector<16xf32>
        %add3A_1479 = vector.broadcast %reduce_sum3A_1478 : f32 to vector<16xf32>
        %add3A_1480 = arith.addf %add3A_1479, %select_n3A_1471 : vector<16xf32>
        %select_n3A_1481 = arith.select %eq3A_1474, %add3A_1480, %select_n3A_1471 : vector<16xi1>, vector<16xf32>
        %mul3A_1482 = arith.constant 4 : i32
        %mul3A_1483 = arith.muli %scan3A_451, %mul3A_1482 : i32
        %add3A_1484 = arith.constant 3 : i32
        %add3A_1485 = arith.addi %mul3A_1483, %add3A_1484 : i32
        %get3A_1486 = arith.index_cast %add3A_1485 : i32 to index
        %get3A_1487 = arith.constant 0 : index
        %get3A_1488 = tpu.vector_load %arg20[%get3A_1486, %get3A_1487] {strides = array<i32>} : memref<128x128xf32, #tpu.memory_space<vmem>>, vector<16xf32>,
        %get3A_1489 = arith.index_cast %add3A_1485 : i32 to index
        %get3A_1490 = arith.constant 0 : index
        %get3A_1491 = tpu.vector_load %arg21[%get3A_1489, %get3A_1490] {strides = array<i32>} : memref<128x128xf32, #tpu.memory_space<vmem>>, vector<16xf32>,
        %add3A_1492 = arith.addf %get3A_1488, %get3A_1491 : vector<16xf32>
        %get3A_1493 = arith.index_cast %add3A_1485 : i32 to index
        %get3A_1494 = arith.constant 0 : index
        %get3A_1495 = tpu.vector_load %arg17[%get3A_1493, %get3A_1494] {strides = array<i32>} : memref<128x128xf32, #tpu.memory_space<vmem>>, vector<16xf32>,
        %add3A_1496 = arith.addf %add3A_1492, %get3A_1495 : vector<16xf32>
        %max3A_1497 = arith.constant 0.000000e+00 : f32
        %max3A_1498 = vector.broadcast %max3A_1497 : f32 to vector<16xf32>
        %max3A_1499 = arith.maximumf %add3A_1496, %max3A_1498 : vector<16xf32>
        %get3A_1500 = arith.constant 0 : i32
        %get3A_1501 = arith.index_cast %get3A_1500 : i32 to index
        %get3A_1502 = arith.constant 0 : index
        %get3A_1503 = tpu.vector_load %arg25[%get3A_1501, %get3A_1502] {strides = array<i32>} : memref<4x128xf32, #tpu.memory_space<vmem>>, vector<16xf32>,
        %mul3A_1504 = arith.mulf %max3A_1499, %get3A_1503 : vector<16xf32>
        %get3A_1505 = arith.constant 1 : i32
        %get3A_1506 = arith.index_cast %get3A_1505 : i32 to index
        %get3A_1507 = arith.constant 0 : index
        %get3A_1508 = tpu.vector_load %arg25[%get3A_1506, %get3A_1507] {strides = array<i32>} : memref<4x128xf32, #tpu.memory_space<vmem>>, vector<16xf32>,
        %mul3A_1509 = arith.mulf %max3A_1499, %get3A_1508 : vector<16xf32>
        %get3A_1510 = arith.constant 2 : i32
        %get3A_1511 = arith.index_cast %get3A_1510 : i32 to index
        %get3A_1512 = arith.constant 0 : index
        %get3A_1513 = tpu.vector_load %arg25[%get3A_1511, %get3A_1512] {strides = array<i32>} : memref<4x128xf32, #tpu.memory_space<vmem>>, vector<16xf32>,
        %mul3A_1514 = arith.mulf %max3A_1499, %get3A_1513 : vector<16xf32>
        %get3A_1515 = arith.constant 3 : i32
        %get3A_1516 = arith.index_cast %get3A_1515 : i32 to index
        %get3A_1517 = arith.constant 0 : index
        %get3A_1518 = tpu.vector_load %arg25[%get3A_1516, %get3A_1517] {strides = array<i32>} : memref<4x128xf32, #tpu.memory_space<vmem>>, vector<16xf32>,
        %mul3A_1519 = arith.mulf %max3A_1499, %get3A_1518 : vector<16xf32>
        %get3A_1520 = arith.index_cast %add3A_1485 : i32 to index
        %get3A_1521 = arith.constant 16 : index
        %get3A_1522 = tpu.vector_load %arg20[%get3A_1520, %get3A_1521] {strides = array<i32>} : memref<128x128xf32, #tpu.memory_space<vmem>>, vector<16xf32>,
        %get3A_1523 = arith.index_cast %add3A_1485 : i32 to index
        %get3A_1524 = arith.constant 16 : index
        %get3A_1525 = tpu.vector_load %arg21[%get3A_1523, %get3A_1524] {strides = array<i32>} : memref<128x128xf32, #tpu.memory_space<vmem>>, vector<16xf32>,
        %add3A_1526 = arith.addf %get3A_1522, %get3A_1525 : vector<16xf32>
        %get3A_1527 = arith.index_cast %add3A_1485 : i32 to index
        %get3A_1528 = arith.constant 16 : index
        %get3A_1529 = tpu.vector_load %arg17[%get3A_1527, %get3A_1528] {strides = array<i32>} : memref<128x128xf32, #tpu.memory_space<vmem>>, vector<16xf32>,
        %add3A_1530 = arith.addf %add3A_1526, %get3A_1529 : vector<16xf32>
        %max3A_1531 = arith.constant 0.000000e+00 : f32
        %max3A_1532 = vector.broadcast %max3A_1531 : f32 to vector<16xf32>
        %max3A_1533 = arith.maximumf %add3A_1530, %max3A_1532 : vector<16xf32>
        %get3A_1534 = arith.constant 0 : i32
        %get3A_1535 = arith.index_cast %get3A_1534 : i32 to index
        %get3A_1536 = arith.constant 16 : index
        %get3A_1537 = tpu.vector_load %arg25[%get3A_1535, %get3A_1536] {strides = array<i32>} : memref<4x128xf32, #tpu.memory_space<vmem>>, vector<16xf32>,
        %mul3A_1538 = arith.mulf %max3A_1533, %get3A_1537 : vector<16xf32>
        %add3A_1539 = arith.addf %mul3A_1504, %mul3A_1538 : vector<16xf32>
        %get3A_1540 = arith.constant 1 : i32
        %get3A_1541 = arith.index_cast %get3A_1540 : i32 to index
        %get3A_1542 = arith.constant 16 : index
        %get3A_1543 = tpu.vector_load %arg25[%get3A_1541, %get3A_1542] {strides = array<i32>} : memref<4x128xf32, #tpu.memory_space<vmem>>, vector<16xf32>,
        %mul3A_1544 = arith.mulf %max3A_1533, %get3A_1543 : vector<16xf32>
        %add3A_1545 = arith.addf %mul3A_1509, %mul3A_1544 : vector<16xf32>
        %get3A_1546 = arith.constant 2 : i32
        %get3A_1547 = arith.index_cast %get3A_1546 : i32 to index
        %get3A_1548 = arith.constant 16 : index
        %get3A_1549 = tpu.vector_load %arg25[%get3A_1547, %get3A_1548] {strides = array<i32>} : memref<4x128xf32, #tpu.memory_space<vmem>>, vector<16xf32>,
        %mul3A_1550 = arith.mulf %max3A_1533, %get3A_1549 : vector<16xf32>
        %add3A_1551 = arith.addf %mul3A_1514, %mul3A_1550 : vector<16xf32>
        %get3A_1552 = arith.constant 3 : i32
        %get3A_1553 = arith.index_cast %get3A_1552 : i32 to index
        %get3A_1554 = arith.constant 16 : index
        %get3A_1555 = tpu.vector_load %arg25[%get3A_1553, %get3A_1554] {strides = array<i32>} : memref<4x128xf32, #tpu.memory_space<vmem>>, vector<16xf32>,
        %mul3A_1556 = arith.mulf %max3A_1533, %get3A_1555 : vector<16xf32>
        %add3A_1557 = arith.addf %mul3A_1519, %mul3A_1556 : vector<16xf32>
        %get3A_1558 = arith.index_cast %add3A_1485 : i32 to index
        %get3A_1559 = arith.constant 32 : index
        %get3A_1560 = tpu.vector_load %arg20[%get3A_1558, %get3A_1559] {strides = array<i32>} : memref<128x128xf32, #tpu.memory_space<vmem>>, vector<16xf32>,
        %get3A_1561 = arith.index_cast %add3A_1485 : i32 to index
        %get3A_1562 = arith.constant 32 : index
        %get3A_1563 = tpu.vector_load %arg21[%get3A_1561, %get3A_1562] {strides = array<i32>} : memref<128x128xf32, #tpu.memory_space<vmem>>, vector<16xf32>,
        %add3A_1564 = arith.addf %get3A_1560, %get3A_1563 : vector<16xf32>
        %get3A_1565 = arith.index_cast %add3A_1485 : i32 to index
        %get3A_1566 = arith.constant 32 : index
        %get3A_1567 = tpu.vector_load %arg17[%get3A_1565, %get3A_1566] {strides = array<i32>} : memref<128x128xf32, #tpu.memory_space<vmem>>, vector<16xf32>,
        %add3A_1568 = arith.addf %add3A_1564, %get3A_1567 : vector<16xf32>
        %max3A_1569 = arith.constant 0.000000e+00 : f32
        %max3A_1570 = vector.broadcast %max3A_1569 : f32 to vector<16xf32>
        %max3A_1571 = arith.maximumf %add3A_1568, %max3A_1570 : vector<16xf32>
        %get3A_1572 = arith.constant 0 : i32
        %get3A_1573 = arith.index_cast %get3A_1572 : i32 to index
        %get3A_1574 = arith.constant 32 : index
        %get3A_1575 = tpu.vector_load %arg25[%get3A_1573, %get3A_1574] {strides = array<i32>} : memref<4x128xf32, #tpu.memory_space<vmem>>, vector<16xf32>,
        %mul3A_1576 = arith.mulf %max3A_1571, %get3A_1575 : vector<16xf32>
        %add3A_1577 = arith.addf %add3A_1539, %mul3A_1576 : vector<16xf32>
        %get3A_1578 = arith.constant 1 : i32
        %get3A_1579 = arith.index_cast %get3A_1578 : i32 to index
        %get3A_1580 = arith.constant 32 : index
        %get3A_1581 = tpu.vector_load %arg25[%get3A_1579, %get3A_1580] {strides = array<i32>} : memref<4x128xf32, #tpu.memory_space<vmem>>, vector<16xf32>,
        %mul3A_1582 = arith.mulf %max3A_1571, %get3A_1581 : vector<16xf32>
        %add3A_1583 = arith.addf %add3A_1545, %mul3A_1582 : vector<16xf32>
        %get3A_1584 = arith.constant 2 : i32
        %get3A_1585 = arith.index_cast %get3A_1584 : i32 to index
        %get3A_1586 = arith.constant 32 : index
        %get3A_1587 = tpu.vector_load %arg25[%get3A_1585, %get3A_1586] {strides = array<i32>} : memref<4x128xf32, #tpu.memory_space<vmem>>, vector<16xf32>,
        %mul3A_1588 = arith.mulf %max3A_1571, %get3A_1587 : vector<16xf32>
        %add3A_1589 = arith.addf %add3A_1551, %mul3A_1588 : vector<16xf32>
        %get3A_1590 = arith.constant 3 : i32
        %get3A_1591 = arith.index_cast %get3A_1590 : i32 to index
        %get3A_1592 = arith.constant 32 : index
        %get3A_1593 = tpu.vector_load %arg25[%get3A_1591, %get3A_1592] {strides = array<i32>} : memref<4x128xf32, #tpu.memory_space<vmem>>, vector<16xf32>,
        %mul3A_1594 = arith.mulf %max3A_1571, %get3A_1593 : vector<16xf32>
        %add3A_1595 = arith.addf %add3A_1557, %mul3A_1594 : vector<16xf32>
        %get3A_1596 = arith.index_cast %add3A_1485 : i32 to index
        %get3A_1597 = arith.constant 48 : index
        %get3A_1598 = tpu.vector_load %arg20[%get3A_1596, %get3A_1597] {strides = array<i32>} : memref<128x128xf32, #tpu.memory_space<vmem>>, vector<16xf32>,
        %get3A_1599 = arith.index_cast %add3A_1485 : i32 to index
        %get3A_1600 = arith.constant 48 : index
        %get3A_1601 = tpu.vector_load %arg21[%get3A_1599, %get3A_1600] {strides = array<i32>} : memref<128x128xf32, #tpu.memory_space<vmem>>, vector<16xf32>,
        %add3A_1602 = arith.addf %get3A_1598, %get3A_1601 : vector<16xf32>
        %get3A_1603 = arith.index_cast %add3A_1485 : i32 to index
        %get3A_1604 = arith.constant 48 : index
        %get3A_1605 = tpu.vector_load %arg17[%get3A_1603, %get3A_1604] {strides = array<i32>} : memref<128x128xf32, #tpu.memory_space<vmem>>, vector<16xf32>,
        %add3A_1606 = arith.addf %add3A_1602, %get3A_1605 : vector<16xf32>
        %max3A_1607 = arith.constant 0.000000e+00 : f32
        %max3A_1608 = vector.broadcast %max3A_1607 : f32 to vector<16xf32>
        %max3A_1609 = arith.maximumf %add3A_1606, %max3A_1608 : vector<16xf32>
        %get3A_1610 = arith.constant 0 : i32
        %get3A_1611 = arith.index_cast %get3A_1610 : i32 to index
        %get3A_1612 = arith.constant 48 : index
        %get3A_1613 = tpu.vector_load %arg25[%get3A_1611, %get3A_1612] {strides = array<i32>} : memref<4x128xf32, #tpu.memory_space<vmem>>, vector<16xf32>,
        %mul3A_1614 = arith.mulf %max3A_1609, %get3A_1613 : vector<16xf32>
        %add3A_1615 = arith.addf %add3A_1577, %mul3A_1614 : vector<16xf32>
        %get3A_1616 = arith.constant 1 : i32
        %get3A_1617 = arith.index_cast %get3A_1616 : i32 to index
        %get3A_1618 = arith.constant 48 : index
        %get3A_1619 = tpu.vector_load %arg25[%get3A_1617, %get3A_1618] {strides = array<i32>} : memref<4x128xf32, #tpu.memory_space<vmem>>, vector<16xf32>,
        %mul3A_1620 = arith.mulf %max3A_1609, %get3A_1619 : vector<16xf32>
        %add3A_1621 = arith.addf %add3A_1583, %mul3A_1620 : vector<16xf32>
        %get3A_1622 = arith.constant 2 : i32
        %get3A_1623 = arith.index_cast %get3A_1622 : i32 to index
        %get3A_1624 = arith.constant 48 : index
        %get3A_1625 = tpu.vector_load %arg25[%get3A_1623, %get3A_1624] {strides = array<i32>} : memref<4x128xf32, #tpu.memory_space<vmem>>, vector<16xf32>,
        %mul3A_1626 = arith.mulf %max3A_1609, %get3A_1625 : vector<16xf32>
        %add3A_1627 = arith.addf %add3A_1589, %mul3A_1626 : vector<16xf32>
        %get3A_1628 = arith.constant 3 : i32
        %get3A_1629 = arith.index_cast %get3A_1628 : i32 to index
        %get3A_1630 = arith.constant 48 : index
        %get3A_1631 = tpu.vector_load %arg25[%get3A_1629, %get3A_1630] {strides = array<i32>} : memref<4x128xf32, #tpu.memory_space<vmem>>, vector<16xf32>,
        %mul3A_1632 = arith.mulf %max3A_1609, %get3A_1631 : vector<16xf32>
        %add3A_1633 = arith.addf %add3A_1595, %mul3A_1632 : vector<16xf32>
        %get3A_1634 = arith.index_cast %add3A_1485 : i32 to index
        %get3A_1635 = arith.constant 64 : index
        %get3A_1636 = tpu.vector_load %arg20[%get3A_1634, %get3A_1635] {strides = array<i32>} : memref<128x128xf32, #tpu.memory_space<vmem>>, vector<16xf32>,
        %get3A_1637 = arith.index_cast %add3A_1485 : i32 to index
        %get3A_1638 = arith.constant 64 : index
        %get3A_1639 = tpu.vector_load %arg21[%get3A_1637, %get3A_1638] {strides = array<i32>} : memref<128x128xf32, #tpu.memory_space<vmem>>, vector<16xf32>,
        %add3A_1640 = arith.addf %get3A_1636, %get3A_1639 : vector<16xf32>
        %get3A_1641 = arith.index_cast %add3A_1485 : i32 to index
        %get3A_1642 = arith.constant 64 : index
        %get3A_1643 = tpu.vector_load %arg17[%get3A_1641, %get3A_1642] {strides = array<i32>} : memref<128x128xf32, #tpu.memory_space<vmem>>, vector<16xf32>,
        %add3A_1644 = arith.addf %add3A_1640, %get3A_1643 : vector<16xf32>
        %max3A_1645 = arith.constant 0.000000e+00 : f32
        %max3A_1646 = vector.broadcast %max3A_1645 : f32 to vector<16xf32>
        %max3A_1647 = arith.maximumf %add3A_1644, %max3A_1646 : vector<16xf32>
        %get3A_1648 = arith.constant 0 : i32
        %get3A_1649 = arith.index_cast %get3A_1648 : i32 to index
        %get3A_1650 = arith.constant 64 : index
        %get3A_1651 = tpu.vector_load %arg25[%get3A_1649, %get3A_1650] {strides = array<i32>} : memref<4x128xf32, #tpu.memory_space<vmem>>, vector<16xf32>,
        %mul3A_1652 = arith.mulf %max3A_1647, %get3A_1651 : vector<16xf32>
        %add3A_1653 = arith.addf %add3A_1615, %mul3A_1652 : vector<16xf32>
        %get3A_1654 = arith.constant 1 : i32
        %get3A_1655 = arith.index_cast %get3A_1654 : i32 to index
        %get3A_1656 = arith.constant 64 : index
        %get3A_1657 = tpu.vector_load %arg25[%get3A_1655, %get3A_1656] {strides = array<i32>} : memref<4x128xf32, #tpu.memory_space<vmem>>, vector<16xf32>,
        %mul3A_1658 = arith.mulf %max3A_1647, %get3A_1657 : vector<16xf32>
        %add3A_1659 = arith.addf %add3A_1621, %mul3A_1658 : vector<16xf32>
        %get3A_1660 = arith.constant 2 : i32
        %get3A_1661 = arith.index_cast %get3A_1660 : i32 to index
        %get3A_1662 = arith.constant 64 : index
        %get3A_1663 = tpu.vector_load %arg25[%get3A_1661, %get3A_1662] {strides = array<i32>} : memref<4x128xf32, #tpu.memory_space<vmem>>, vector<16xf32>,
        %mul3A_1664 = arith.mulf %max3A_1647, %get3A_1663 : vector<16xf32>
        %add3A_1665 = arith.addf %add3A_1627, %mul3A_1664 : vector<16xf32>
        %get3A_1666 = arith.constant 3 : i32
        %get3A_1667 = arith.index_cast %get3A_1666 : i32 to index
        %get3A_1668 = arith.constant 64 : index
        %get3A_1669 = tpu.vector_load %arg25[%get3A_1667, %get3A_1668] {strides = array<i32>} : memref<4x128xf32, #tpu.memory_space<vmem>>, vector<16xf32>,
        %mul3A_1670 = arith.mulf %max3A_1647, %get3A_1669 : vector<16xf32>
        %add3A_1671 = arith.addf %add3A_1633, %mul3A_1670 : vector<16xf32>
        %get3A_1672 = arith.index_cast %add3A_1485 : i32 to index
        %get3A_1673 = arith.constant 80 : index
        %get3A_1674 = tpu.vector_load %arg20[%get3A_1672, %get3A_1673] {strides = array<i32>} : memref<128x128xf32, #tpu.memory_space<vmem>>, vector<16xf32>,
        %get3A_1675 = arith.index_cast %add3A_1485 : i32 to index
        %get3A_1676 = arith.constant 80 : index
        %get3A_1677 = tpu.vector_load %arg21[%get3A_1675, %get3A_1676] {strides = array<i32>} : memref<128x128xf32, #tpu.memory_space<vmem>>, vector<16xf32>,
        %add3A_1678 = arith.addf %get3A_1674, %get3A_1677 : vector<16xf32>
        %get3A_1679 = arith.index_cast %add3A_1485 : i32 to index
        %get3A_1680 = arith.constant 80 : index
        %get3A_1681 = tpu.vector_load %arg17[%get3A_1679, %get3A_1680] {strides = array<i32>} : memref<128x128xf32, #tpu.memory_space<vmem>>, vector<16xf32>,
        %add3A_1682 = arith.addf %add3A_1678, %get3A_1681 : vector<16xf32>
        %max3A_1683 = arith.constant 0.000000e+00 : f32
        %max3A_1684 = vector.broadcast %max3A_1683 : f32 to vector<16xf32>
        %max3A_1685 = arith.maximumf %add3A_1682, %max3A_1684 : vector<16xf32>
        %get3A_1686 = arith.constant 0 : i32
        %get3A_1687 = arith.index_cast %get3A_1686 : i32 to index
        %get3A_1688 = arith.constant 80 : index
        %get3A_1689 = tpu.vector_load %arg25[%get3A_1687, %get3A_1688] {strides = array<i32>} : memref<4x128xf32, #tpu.memory_space<vmem>>, vector<16xf32>,
        %mul3A_1690 = arith.mulf %max3A_1685, %get3A_1689 : vector<16xf32>
        %add3A_1691 = arith.addf %add3A_1653, %mul3A_1690 : vector<16xf32>
        %get3A_1692 = arith.constant 1 : i32
        %get3A_1693 = arith.index_cast %get3A_1692 : i32 to index
        %get3A_1694 = arith.constant 80 : index
        %get3A_1695 = tpu.vector_load %arg25[%get3A_1693, %get3A_1694] {strides = array<i32>} : memref<4x128xf32, #tpu.memory_space<vmem>>, vector<16xf32>,
        %mul3A_1696 = arith.mulf %max3A_1685, %get3A_1695 : vector<16xf32>
        %add3A_1697 = arith.addf %add3A_1659, %mul3A_1696 : vector<16xf32>
        %get3A_1698 = arith.constant 2 : i32
        %get3A_1699 = arith.index_cast %get3A_1698 : i32 to index
        %get3A_1700 = arith.constant 80 : index
        %get3A_1701 = tpu.vector_load %arg25[%get3A_1699, %get3A_1700] {strides = array<i32>} : memref<4x128xf32, #tpu.memory_space<vmem>>, vector<16xf32>,
        %mul3A_1702 = arith.mulf %max3A_1685, %get3A_1701 : vector<16xf32>
        %add3A_1703 = arith.addf %add3A_1665, %mul3A_1702 : vector<16xf32>
        %get3A_1704 = arith.constant 3 : i32
        %get3A_1705 = arith.index_cast %get3A_1704 : i32 to index
        %get3A_1706 = arith.constant 80 : index
        %get3A_1707 = tpu.vector_load %arg25[%get3A_1705, %get3A_1706] {strides = array<i32>} : memref<4x128xf32, #tpu.memory_space<vmem>>, vector<16xf32>,
        %mul3A_1708 = arith.mulf %max3A_1685, %get3A_1707 : vector<16xf32>
        %add3A_1709 = arith.addf %add3A_1671, %mul3A_1708 : vector<16xf32>
        %get3A_1710 = arith.index_cast %add3A_1485 : i32 to index
        %get3A_1711 = arith.constant 96 : index
        %get3A_1712 = tpu.vector_load %arg20[%get3A_1710, %get3A_1711] {strides = array<i32>} : memref<128x128xf32, #tpu.memory_space<vmem>>, vector<16xf32>,
        %get3A_1713 = arith.index_cast %add3A_1485 : i32 to index
        %get3A_1714 = arith.constant 96 : index
        %get3A_1715 = tpu.vector_load %arg21[%get3A_1713, %get3A_1714] {strides = array<i32>} : memref<128x128xf32, #tpu.memory_space<vmem>>, vector<16xf32>,
        %add3A_1716 = arith.addf %get3A_1712, %get3A_1715 : vector<16xf32>
        %get3A_1717 = arith.index_cast %add3A_1485 : i32 to index
        %get3A_1718 = arith.constant 96 : index
        %get3A_1719 = tpu.vector_load %arg17[%get3A_1717, %get3A_1718] {strides = array<i32>} : memref<128x128xf32, #tpu.memory_space<vmem>>, vector<16xf32>,
        %add3A_1720 = arith.addf %add3A_1716, %get3A_1719 : vector<16xf32>
        %max3A_1721 = arith.constant 0.000000e+00 : f32
        %max3A_1722 = vector.broadcast %max3A_1721 : f32 to vector<16xf32>
        %max3A_1723 = arith.maximumf %add3A_1720, %max3A_1722 : vector<16xf32>
        %get3A_1724 = arith.constant 0 : i32
        %get3A_1725 = arith.index_cast %get3A_1724 : i32 to index
        %get3A_1726 = arith.constant 96 : index
        %get3A_1727 = tpu.vector_load %arg25[%get3A_1725, %get3A_1726] {strides = array<i32>} : memref<4x128xf32, #tpu.memory_space<vmem>>, vector<16xf32>,
        %mul3A_1728 = arith.mulf %max3A_1723, %get3A_1727 : vector<16xf32>
        %add3A_1729 = arith.addf %add3A_1691, %mul3A_1728 : vector<16xf32>
        %get3A_1730 = arith.constant 1 : i32
        %get3A_1731 = arith.index_cast %get3A_1730 : i32 to index
        %get3A_1732 = arith.constant 96 : index
        %get3A_1733 = tpu.vector_load %arg25[%get3A_1731, %get3A_1732] {strides = array<i32>} : memref<4x128xf32, #tpu.memory_space<vmem>>, vector<16xf32>,
        %mul3A_1734 = arith.mulf %max3A_1723, %get3A_1733 : vector<16xf32>
        %add3A_1735 = arith.addf %add3A_1697, %mul3A_1734 : vector<16xf32>
        %get3A_1736 = arith.constant 2 : i32
        %get3A_1737 = arith.index_cast %get3A_1736 : i32 to index
        %get3A_1738 = arith.constant 96 : index
        %get3A_1739 = tpu.vector_load %arg25[%get3A_1737, %get3A_1738] {strides = array<i32>} : memref<4x128xf32, #tpu.memory_space<vmem>>, vector<16xf32>,
        %mul3A_1740 = arith.mulf %max3A_1723, %get3A_1739 : vector<16xf32>
        %add3A_1741 = arith.addf %add3A_1703, %mul3A_1740 : vector<16xf32>
        %get3A_1742 = arith.constant 3 : i32
        %get3A_1743 = arith.index_cast %get3A_1742 : i32 to index
        %get3A_1744 = arith.constant 96 : index
        %get3A_1745 = tpu.vector_load %arg25[%get3A_1743, %get3A_1744] {strides = array<i32>} : memref<4x128xf32, #tpu.memory_space<vmem>>, vector<16xf32>,
        %mul3A_1746 = arith.mulf %max3A_1723, %get3A_1745 : vector<16xf32>
        %add3A_1747 = arith.addf %add3A_1709, %mul3A_1746 : vector<16xf32>
        %get3A_1748 = arith.index_cast %add3A_1485 : i32 to index
        %get3A_1749 = arith.constant 112 : index
        %get3A_1750 = tpu.vector_load %arg20[%get3A_1748, %get3A_1749] {strides = array<i32>} : memref<128x128xf32, #tpu.memory_space<vmem>>, vector<16xf32>,
        %get3A_1751 = arith.index_cast %add3A_1485 : i32 to index
        %get3A_1752 = arith.constant 112 : index
        %get3A_1753 = tpu.vector_load %arg21[%get3A_1751, %get3A_1752] {strides = array<i32>} : memref<128x128xf32, #tpu.memory_space<vmem>>, vector<16xf32>,
        %add3A_1754 = arith.addf %get3A_1750, %get3A_1753 : vector<16xf32>
        %get3A_1755 = arith.index_cast %add3A_1485 : i32 to index
        %get3A_1756 = arith.constant 112 : index
        %get3A_1757 = tpu.vector_load %arg17[%get3A_1755, %get3A_1756] {strides = array<i32>} : memref<128x128xf32, #tpu.memory_space<vmem>>, vector<16xf32>,
        %add3A_1758 = arith.addf %add3A_1754, %get3A_1757 : vector<16xf32>
        %max3A_1759 = arith.constant 0.000000e+00 : f32
        %max3A_1760 = vector.broadcast %max3A_1759 : f32 to vector<16xf32>
        %max3A_1761 = arith.maximumf %add3A_1758, %max3A_1760 : vector<16xf32>
        %get3A_1762 = arith.constant 0 : i32
        %get3A_1763 = arith.index_cast %get3A_1762 : i32 to index
        %get3A_1764 = arith.constant 112 : index
        %get3A_1765 = tpu.vector_load %arg25[%get3A_1763, %get3A_1764] {strides = array<i32>} : memref<4x128xf32, #tpu.memory_space<vmem>>, vector<16xf32>,
        %mul3A_1766 = arith.mulf %max3A_1761, %get3A_1765 : vector<16xf32>
        %add3A_1767 = arith.addf %add3A_1729, %mul3A_1766 : vector<16xf32>
        %get3A_1768 = arith.constant 1 : i32
        %get3A_1769 = arith.index_cast %get3A_1768 : i32 to index
        %get3A_1770 = arith.constant 112 : index
        %get3A_1771 = tpu.vector_load %arg25[%get3A_1769, %get3A_1770] {strides = array<i32>} : memref<4x128xf32, #tpu.memory_space<vmem>>, vector<16xf32>,
        %mul3A_1772 = arith.mulf %max3A_1761, %get3A_1771 : vector<16xf32>
        %add3A_1773 = arith.addf %add3A_1735, %mul3A_1772 : vector<16xf32>
        %get3A_1774 = arith.constant 2 : i32
        %get3A_1775 = arith.index_cast %get3A_1774 : i32 to index
        %get3A_1776 = arith.constant 112 : index
        %get3A_1777 = tpu.vector_load %arg25[%get3A_1775, %get3A_1776] {strides = array<i32>} : memref<4x128xf32, #tpu.memory_space<vmem>>, vector<16xf32>,
        %mul3A_1778 = arith.mulf %max3A_1761, %get3A_1777 : vector<16xf32>
        %add3A_1779 = arith.addf %add3A_1741, %mul3A_1778 : vector<16xf32>
        %get3A_1780 = arith.constant 3 : i32
        %get3A_1781 = arith.index_cast %get3A_1780 : i32 to index
        %get3A_1782 = arith.constant 112 : index
        %get3A_1783 = tpu.vector_load %arg25[%get3A_1781, %get3A_1782] {strides = array<i32>} : memref<4x128xf32, #tpu.memory_space<vmem>>, vector<16xf32>,
        %mul3A_1784 = arith.mulf %max3A_1761, %get3A_1783 : vector<16xf32>
        %add3A_1785 = arith.addf %add3A_1747, %mul3A_1784 : vector<16xf32>
        %eq3A_1786 = arith.constant 12 : i32
        %eq3A_1787 = vector.broadcast %eq3A_1786 : i32 to vector<16xi32>
        %eq3A_1788 = arith.cmpi eq, %iota3A, %eq3A_1787 : vector<16xi32>
        %reduce_sum3A_1789 = arith.constant true
        %reduce_sum3A_1790 = vector.broadcast %reduce_sum3A_1789 : i1 to vector<16xi1>
        %reduce_sum3A_1791 = tpu.scan <sum>, %add3A_1767 masked %reduce_sum3A_1790 : vector<16xf32>, vector<16xi1> -> vector<16xf32>
        %reduce_sum3A_1792 = vector.extract %reduce_sum3A_1791[15] : f32 from vector<16xf32>
        %add3A_1793 = vector.broadcast %reduce_sum3A_1792 : f32 to vector<16xf32>
        %add3A_1794 = arith.addf %add3A_1793, %select_n3A_1481 : vector<16xf32>
        %select_n3A_1795 = arith.select %eq3A_1788, %add3A_1794, %select_n3A_1481 : vector<16xi1>, vector<16xf32>
        %eq3A_1796 = arith.constant 13 : i32
        %eq3A_1797 = vector.broadcast %eq3A_1796 : i32 to vector<16xi32>
        %eq3A_1798 = arith.cmpi eq, %iota3A, %eq3A_1797 : vector<16xi32>
        %reduce_sum3A_1799 = arith.constant true
        %reduce_sum3A_1800 = vector.broadcast %reduce_sum3A_1799 : i1 to vector<16xi1>
        %reduce_sum3A_1801 = tpu.scan <sum>, %add3A_1773 masked %reduce_sum3A_1800 : vector<16xf32>, vector<16xi1> -> vector<16xf32>
        %reduce_sum3A_1802 = vector.extract %reduce_sum3A_1801[15] : f32 from vector<16xf32>
        %add3A_1803 = vector.broadcast %reduce_sum3A_1802 : f32 to vector<16xf32>
        %add3A_1804 = arith.addf %add3A_1803, %select_n3A_1795 : vector<16xf32>
        %select_n3A_1805 = arith.select %eq3A_1798, %add3A_1804, %select_n3A_1795 : vector<16xi1>, vector<16xf32>
        %eq3A_1806 = arith.constant 14 : i32
        %eq3A_1807 = vector.broadcast %eq3A_1806 : i32 to vector<16xi32>
        %eq3A_1808 = arith.cmpi eq, %iota3A, %eq3A_1807 : vector<16xi32>
        %reduce_sum3A_1809 = arith.constant true
        %reduce_sum3A_1810 = vector.broadcast %reduce_sum3A_1809 : i1 to vector<16xi1>
        %reduce_sum3A_1811 = tpu.scan <sum>, %add3A_1779 masked %reduce_sum3A_1810 : vector<16xf32>, vector<16xi1> -> vector<16xf32>
        %reduce_sum3A_1812 = vector.extract %reduce_sum3A_1811[15] : f32 from vector<16xf32>
        %add3A_1813 = vector.broadcast %reduce_sum3A_1812 : f32 to vector<16xf32>
        %add3A_1814 = arith.addf %add3A_1813, %select_n3A_1805 : vector<16xf32>
        %select_n3A_1815 = arith.select %eq3A_1808, %add3A_1814, %select_n3A_1805 : vector<16xi1>, vector<16xf32>
        %eq3A_1816 = arith.constant 15 : i32
        %eq3A_1817 = vector.broadcast %eq3A_1816 : i32 to vector<16xi32>
        %eq3A_1818 = arith.cmpi eq, %iota3A, %eq3A_1817 : vector<16xi32>
        %reduce_sum3A_1819 = arith.constant true
        %reduce_sum3A_1820 = vector.broadcast %reduce_sum3A_1819 : i1 to vector<16xi1>
        %reduce_sum3A_1821 = tpu.scan <sum>, %add3A_1785 masked %reduce_sum3A_1820 : vector<16xf32>, vector<16xi1> -> vector<16xf32>
        %reduce_sum3A_1822 = vector.extract %reduce_sum3A_1821[15] : f32 from vector<16xf32>
        %add3A_1823 = vector.broadcast %reduce_sum3A_1822 : f32 to vector<16xf32>
        %add3A_1824 = arith.addf %add3A_1823, %select_n3A_1815 : vector<16xf32>
        %select_n3A_1825 = arith.select %eq3A_1818, %add3A_1824, %select_n3A_1815 : vector<16xi1>, vector<16xf32>
        %mul3A_1826 = arith.constant 4 : i32
        %mul3A_1827 = arith.muli %scan3A_451, %mul3A_1826 : i32
        %add3A_1828 = vector.broadcast %mul3A_1827 : i32 to vector<16xi32>
        %add3A_1829 = arith.addi %add3A_1828, %select_n3A : vector<16xi32>
        tpu.vector_store_idx %arg23[%add3A_1829, %select_n3A_43], %select_n3A_1825 : memref<128x4xf32, #tpu.memory_space<vmem>>[vector<16xi32>, vector<16xi32>], vector<16xf32>,
        %mul3A_1830 = arith.constant 4 : i32
        %mul3A_1831 = arith.muli %scan3A_451, %mul3A_1830 : i32
        %add3A_1832 = vector.broadcast %mul3A_1831 : i32 to vector<16xi32>
        %add3A_1833 = arith.addi %add3A_1832, %select_n3A : vector<16xi32>
        tpu.vector_store_idx %arg24[%add3A_1833, %select_n3A_43], %select_n3A_1825 : memref<128x8xf32, #tpu.memory_space<vmem>>[vector<16xi32>, vector<16xi32>], vector<16xf32>,
      }
      %scan3A_436 = arith.constant 32 : i32
      %mul3A_437 = arith.constant 32 : i32
      %mul3A_438 = arith.muli %add3A_370, %mul3A_437 : i32
      %add3A_439 = arith.addi %add3A, %mul3A_438 : i32
      %mul3A_440 = arith.constant 128 : i32
      %mul3A_441 = arith.muli %add3A_439, %mul3A_440 : i32
      %dma_start3A_442 = arith.constant 0 : i32
      %dma_start3A_443 = tpu.memref_slice %arg10[%mul3A_441, %dma_start3A_442] : memref<320000x4xf32, #tpu.memory_space<hbm>> -> memref<128x4xf32, #tpu.memory_space<hbm>>
      %dma_start3A_444 = arith.constant 0 : i32
      %dma_start3A_445 = tpu.memref_slice %arg10[%mul3A_441, %dma_start3A_444] : memref<320000x4xf32, #tpu.memory_space<hbm>> -> memref<128x4xf32, #tpu.memory_space<hbm>>
      tpu.enqueue_dma source(%arg23 : memref<128x4xf32, #tpu.memory_space<vmem>>) target(%dma_start3A_445 : memref<128x4xf32, #tpu.memory_space<hbm>>) target_semaphore(%arg36 : memref<!tpu.dma_semaphore, #tpu.memory_space<semaphore_mem>>)
      "tpu.region"() ({
        %run_scoped3A = tpu.sem_alloc : memref<!tpu.dma_semaphore, #tpu.memory_space<semaphore_mem>>
        %dma_start3A_451 = arith.constant 0 : i32
        %dma_start3A_452 = arith.constant 0 : i32
        %dma_start3A_453 = tpu.memref_slice %arg28[%dma_start3A_451, %dma_start3A_452] : memref<10240x8xf32, #tpu.memory_space<vmem_shared>> -> memref<10240x8xf32, #tpu.memory_space<vmem_shared>>
        tpu.enqueue_indirect_dma source(%arg24 : memref<128x8xf32, #tpu.memory_space<vmem>>) target(%dma_start3A_453 : memref<10240x8xf32, #tpu.memory_space<vmem_shared>>) offsets(%arg15 : memref<128xi32, #tpu.memory_space<vmem>>) semaphore(%run_scoped3A : memref<!tpu.dma_semaphore, #tpu.memory_space<semaphore_mem>>) {add = true}
        %dma_wait3A_454 = arith.constant 0 : i32
        %dma_wait3A_455 = arith.constant 0 : i32
        %dma_wait3A_456 = tpu.memref_slice %arg28[%dma_wait3A_454, %dma_wait3A_455] : memref<10240x8xf32, #tpu.memory_space<vmem_shared>> -> memref<10240x8xf32, #tpu.memory_space<vmem_shared>>
        tpu.wait_indirect_dma semaphore(%run_scoped3A : memref<!tpu.dma_semaphore, #tpu.memory_space<semaphore_mem>>) src(%arg24 : memref<128x8xf32, #tpu.memory_space<vmem>>) dst(%dma_wait3A_456 : memref<10240x8xf32, #tpu.memory_space<vmem_shared>>)
        tpu.yield
      }) : () -> ()
      %lt3A_446 = arith.constant 38 : i32
      %lt3A_447 = arith.cmpi slt, %scan3A_364, %lt3A_446 : i32
      %convert_element_type3A_448 = arith.extui %lt3A_447 : i1 to i32
      %cond3A_449 = arith.constant 0 : i32
      %cond3A_450 = arith.cmpi ne, %convert_element_type3A_448, %cond3A_449 : i32
      scf.if %cond3A_450 {
        %add3A_451 = arith.constant 2 : i32
        %add3A_452 = arith.addi %add3A_370, %add3A_451 : i32
        %mul3A_453 = arith.constant 32 : i32
        %mul3A_454 = arith.muli %add3A_452, %mul3A_453 : i32
        %add3A_455 = arith.addi %add3A, %mul3A_454 : i32
        %mul3A_456 = arith.constant 128 : i32
        %mul3A_457 = arith.muli %add3A_455, %mul3A_456 : i32
        %dma_start3A_458 = tpu.memref_slice %arg4[%mul3A_457] : memref<320000xi32, #tpu.memory_space<hbm>> -> memref<128xi32, #tpu.memory_space<hbm>>
        %dma_start3A_459 = tpu.memref_slice %arg4[%mul3A_457] : memref<320000xi32, #tpu.memory_space<hbm>> -> memref<128xi32, #tpu.memory_space<hbm>>
        tpu.enqueue_dma source(%dma_start3A_459 : memref<128xi32, #tpu.memory_space<hbm>>) target(%arg15 : memref<128xi32, #tpu.memory_space<vmem>>) target_semaphore(%arg30 : memref<!tpu.dma_semaphore, #tpu.memory_space<semaphore_mem>>)
        %dma_start3A_460 = tpu.memref_slice %arg5[%mul3A_457] : memref<320000xi32, #tpu.memory_space<hbm>> -> memref<128xi32, #tpu.memory_space<hbm>>
        %dma_start3A_461 = tpu.memref_slice %arg5[%mul3A_457] : memref<320000xi32, #tpu.memory_space<hbm>> -> memref<128xi32, #tpu.memory_space<hbm>>
        tpu.enqueue_dma source(%dma_start3A_461 : memref<128xi32, #tpu.memory_space<hbm>>) target(%arg16 : memref<128xi32, #tpu.memory_space<vmem>>) target_semaphore(%arg30 : memref<!tpu.dma_semaphore, #tpu.memory_space<semaphore_mem>>)
        %dma_start3A_462 = arith.constant 0 : i32
        %dma_start3A_463 = tpu.memref_slice %arg6[%mul3A_457, %dma_start3A_462] : memref<320000x128xf32, #tpu.memory_space<hbm>> -> memref<128x128xf32, #tpu.memory_space<hbm>>
        %dma_start3A_464 = arith.constant 0 : i32
        %dma_start3A_465 = tpu.memref_slice %arg6[%mul3A_457, %dma_start3A_464] : memref<320000x128xf32, #tpu.memory_space<hbm>> -> memref<128x128xf32, #tpu.memory_space<hbm>>
        tpu.enqueue_dma source(%dma_start3A_465 : memref<128x128xf32, #tpu.memory_space<hbm>>) target(%arg17 : memref<128x128xf32, #tpu.memory_space<vmem>>) target_semaphore(%arg30 : memref<!tpu.dma_semaphore, #tpu.memory_space<semaphore_mem>>)
      } else {
      }
    }
    %scan3A_343 = arith.constant 39 : i32
    %add3A_344 = arith.constant 2432 : i32
    %add3A_345 = arith.addi %add3A, %add3A_344 : i32
    %mul3A_346 = arith.constant 128 : i32
    %mul3A_347 = arith.muli %add3A_345, %mul3A_346 : i32
    %dma_wait3A_348 = arith.constant 0 : i32
    %dma_wait3A_349 = tpu.memref_slice %arg10[%mul3A_347, %dma_wait3A_348] : memref<320000x4xf32, #tpu.memory_space<hbm>> -> memref<128x4xf32, #tpu.memory_space<hbm>>
    %dma_wait3A_350 = arith.constant 0 : i32
    %dma_wait3A_351 = tpu.memref_slice %arg10[%mul3A_347, %dma_wait3A_350] : memref<320000x4xf32, #tpu.memory_space<hbm>> -> memref<128x4xf32, #tpu.memory_space<hbm>>
    tpu.wait_dma2 semaphore(%arg35 : memref<!tpu.dma_semaphore, #tpu.memory_space<semaphore_mem>>) src(%arg22 : memref<128x4xf32, #tpu.memory_space<vmem>>) dst(%dma_wait3A_351 : memref<128x4xf32, #tpu.memory_space<hbm>>)
    %add3A_352 = arith.constant 2464 : i32
    %add3A_353 = arith.addi %add3A, %add3A_352 : i32
    %mul3A_354 = arith.constant 128 : i32
    %mul3A_355 = arith.muli %add3A_353, %mul3A_354 : i32
    %dma_wait3A_356 = arith.constant 0 : i32
    %dma_wait3A_357 = tpu.memref_slice %arg10[%mul3A_355, %dma_wait3A_356] : memref<320000x4xf32, #tpu.memory_space<hbm>> -> memref<128x4xf32, #tpu.memory_space<hbm>>
    %dma_wait3A_358 = arith.constant 0 : i32
    %dma_wait3A_359 = tpu.memref_slice %arg10[%mul3A_355, %dma_wait3A_358] : memref<320000x4xf32, #tpu.memory_space<hbm>> -> memref<128x4xf32, #tpu.memory_space<hbm>>
    tpu.wait_dma2 semaphore(%arg36 : memref<!tpu.dma_semaphore, #tpu.memory_space<semaphore_mem>>) src(%arg23 : memref<128x4xf32, #tpu.memory_space<vmem>>) dst(%dma_wait3A_359 : memref<128x4xf32, #tpu.memory_space<hbm>>)
    %lt3A_360 = arith.constant 4 : i32
    %lt3A_361 = arith.cmpi slt, %add3A, %lt3A_360 : i32
    %convert_element_type3A = arith.extui %lt3A_361 : i1 to i32
    %cond3A = arith.constant 0 : i32
    %cond3A_362 = arith.cmpi ne, %convert_element_type3A, %cond3A : i32
    scf.if %cond3A_362 {
      %add3A_364 = arith.constant 2496 : i32
      %add3A_365 = arith.addi %add3A, %add3A_364 : i32
      %mul3A_366 = arith.constant 128 : i32
      %mul3A_367 = arith.muli %add3A_365, %mul3A_366 : i32
      %dma_start3A_368 = tpu.memref_slice %arg4[%mul3A_367] : memref<320000xi32, #tpu.memory_space<hbm>> -> memref<128xi32, #tpu.memory_space<hbm>>
      %dma_start3A_369 = tpu.memref_slice %arg4[%mul3A_367] : memref<320000xi32, #tpu.memory_space<hbm>> -> memref<128xi32, #tpu.memory_space<hbm>>
      tpu.enqueue_dma source(%dma_start3A_369 : memref<128xi32, #tpu.memory_space<hbm>>) target(%arg12 : memref<128xi32, #tpu.memory_space<vmem>>) target_semaphore(%arg29 : memref<!tpu.dma_semaphore, #tpu.memory_space<semaphore_mem>>)
      %dma_start3A_370 = tpu.memref_slice %arg5[%mul3A_367] : memref<320000xi32, #tpu.memory_space<hbm>> -> memref<128xi32, #tpu.memory_space<hbm>>
      %dma_start3A_371 = tpu.memref_slice %arg5[%mul3A_367] : memref<320000xi32, #tpu.memory_space<hbm>> -> memref<128xi32, #tpu.memory_space<hbm>>
      tpu.enqueue_dma source(%dma_start3A_371 : memref<128xi32, #tpu.memory_space<hbm>>) target(%arg13 : memref<128xi32, #tpu.memory_space<vmem>>) target_semaphore(%arg29 : memref<!tpu.dma_semaphore, #tpu.memory_space<semaphore_mem>>)
      %dma_start3A_372 = arith.constant 0 : i32
      %dma_start3A_373 = tpu.memref_slice %arg6[%mul3A_367, %dma_start3A_372] : memref<320000x128xf32, #tpu.memory_space<hbm>> -> memref<128x128xf32, #tpu.memory_space<hbm>>
      %dma_start3A_374 = arith.constant 0 : i32
      %dma_start3A_375 = tpu.memref_slice %arg6[%mul3A_367, %dma_start3A_374] : memref<320000x128xf32, #tpu.memory_space<hbm>> -> memref<128x128xf32, #tpu.memory_space<hbm>>
      tpu.enqueue_dma source(%dma_start3A_375 : memref<128x128xf32, #tpu.memory_space<hbm>>) target(%arg14 : memref<128x128xf32, #tpu.memory_space<vmem>>) target_semaphore(%arg29 : memref<!tpu.dma_semaphore, #tpu.memory_space<semaphore_mem>>)
      %add3A_376 = arith.constant 2496 : i32
      %add3A_377 = arith.addi %add3A, %add3A_376 : i32
      %mul3A_378 = arith.constant 128 : i32
      %mul3A_379 = arith.muli %add3A_377, %mul3A_378 : i32
      %dma_wait3A_380 = tpu.memref_slice %arg4[%mul3A_379] : memref<320000xi32, #tpu.memory_space<hbm>> -> memref<128xi32, #tpu.memory_space<hbm>>
      %dma_wait3A_381 = tpu.memref_slice %arg4[%mul3A_379] : memref<320000xi32, #tpu.memory_space<hbm>> -> memref<128xi32, #tpu.memory_space<hbm>>
      tpu.wait_dma2 semaphore(%arg29 : memref<!tpu.dma_semaphore, #tpu.memory_space<semaphore_mem>>) src(%dma_wait3A_381 : memref<128xi32, #tpu.memory_space<hbm>>) dst(%arg12 : memref<128xi32, #tpu.memory_space<vmem>>)
      %dma_wait3A_382 = tpu.memref_slice %arg5[%mul3A_379] : memref<320000xi32, #tpu.memory_space<hbm>> -> memref<128xi32, #tpu.memory_space<hbm>>
      %dma_wait3A_383 = tpu.memref_slice %arg5[%mul3A_379] : memref<320000xi32, #tpu.memory_space<hbm>> -> memref<128xi32, #tpu.memory_space<hbm>>
      tpu.wait_dma2 semaphore(%arg29 : memref<!tpu.dma_semaphore, #tpu.memory_space<semaphore_mem>>) src(%dma_wait3A_383 : memref<128xi32, #tpu.memory_space<hbm>>) dst(%arg13 : memref<128xi32, #tpu.memory_space<vmem>>)
      %dma_wait3A_384 = arith.constant 0 : i32
      %dma_wait3A_385 = tpu.memref_slice %arg6[%mul3A_379, %dma_wait3A_384] : memref<320000x128xf32, #tpu.memory_space<hbm>> -> memref<128x128xf32, #tpu.memory_space<hbm>>
      %dma_wait3A_386 = arith.constant 0 : i32
      %dma_wait3A_387 = tpu.memref_slice %arg6[%mul3A_379, %dma_wait3A_386] : memref<320000x128xf32, #tpu.memory_space<hbm>> -> memref<128x128xf32, #tpu.memory_space<hbm>>
      tpu.wait_dma2 semaphore(%arg29 : memref<!tpu.dma_semaphore, #tpu.memory_space<semaphore_mem>>) src(%dma_wait3A_387 : memref<128x128xf32, #tpu.memory_space<hbm>>) dst(%arg14 : memref<128x128xf32, #tpu.memory_space<vmem>>)
      %dma_start3A_388 = arith.constant 0 : i32
      %dma_start3A_389 = arith.constant 0 : i32
      %dma_start3A_390 = tpu.memref_slice %arg2[%dma_start3A_388, %dma_start3A_389] : memref<10000x128xf32, #tpu.memory_space<hbm>> -> memref<10000x128xf32, #tpu.memory_space<hbm>>
      tpu.enqueue_indirect_dma source(%dma_start3A_390 : memref<10000x128xf32, #tpu.memory_space<hbm>>) target(%arg18 : memref<128x128xf32, #tpu.memory_space<vmem>>) offsets(%arg12 : memref<128xi32, #tpu.memory_space<vmem>>) semaphore(%arg31 : memref<!tpu.dma_semaphore, #tpu.memory_space<semaphore_mem>>)
      %dma_start3A_391 = arith.constant 0 : i32
      %dma_start3A_392 = arith.constant 0 : i32
      %dma_start3A_393 = tpu.memref_slice %arg3[%dma_start3A_391, %dma_start3A_392] : memref<10000x128xf32, #tpu.memory_space<hbm>> -> memref<10000x128xf32, #tpu.memory_space<hbm>>
      tpu.enqueue_indirect_dma source(%dma_start3A_393 : memref<10000x128xf32, #tpu.memory_space<hbm>>) target(%arg19 : memref<128x128xf32, #tpu.memory_space<vmem>>) offsets(%arg13 : memref<128xi32, #tpu.memory_space<vmem>>) semaphore(%arg32 : memref<!tpu.dma_semaphore, #tpu.memory_space<semaphore_mem>>)
      %dma_wait3A_394 = arith.constant 0 : i32
      %dma_wait3A_395 = arith.constant 0 : i32
      %dma_wait3A_396 = tpu.memref_slice %arg2[%dma_wait3A_394, %dma_wait3A_395] : memref<10000x128xf32, #tpu.memory_space<hbm>> -> memref<10000x128xf32, #tpu.memory_space<hbm>>
      tpu.wait_indirect_dma semaphore(%arg31 : memref<!tpu.dma_semaphore, #tpu.memory_space<semaphore_mem>>) src(%dma_wait3A_396 : memref<10000x128xf32, #tpu.memory_space<hbm>>) dst(%arg18 : memref<128x128xf32, #tpu.memory_space<vmem>>)
      %dma_wait3A_397 = arith.constant 0 : i32
      %dma_wait3A_398 = arith.constant 0 : i32
      %dma_wait3A_399 = tpu.memref_slice %arg3[%dma_wait3A_397, %dma_wait3A_398] : memref<10000x128xf32, #tpu.memory_space<hbm>> -> memref<10000x128xf32, #tpu.memory_space<hbm>>
      tpu.wait_indirect_dma semaphore(%arg32 : memref<!tpu.dma_semaphore, #tpu.memory_space<semaphore_mem>>) src(%dma_wait3A_399 : memref<10000x128xf32, #tpu.memory_space<hbm>>) dst(%arg19 : memref<128x128xf32, #tpu.memory_space<vmem>>)
      %scan3A_400 = arith.constant 0 : i32
      %scan3A_401 = arith.constant 0 : i32
      %scan3A_402 = arith.constant 32 : i32
      %scan3A_403 = arith.addi %scan3A_401, %scan3A_402 : i32
      %scan3A_404 = arith.constant 1 : i32
      scf.for %scan3A_410 = %scan3A_401 to %scan3A_403 step %scan3A_404  : i32 {
        %mul3A_411 = arith.constant 4 : i32
        %mul3A_412 = arith.muli %scan3A_410, %mul3A_411 : i32
        %add3A_413 = arith.constant 0 : i32
        %add3A_414 = arith.addi %mul3A_412, %add3A_413 : i32
        %get3A_415 = arith.index_cast %add3A_414 : i32 to index
        %get3A_416 = arith.constant 0 : index
        %get3A_417 = tpu.vector_load %arg18[%get3A_415, %get3A_416] {strides = array<i32>} : memref<128x128xf32, #tpu.memory_space<vmem>>, vector<16xf32>,
        %get3A_418 = arith.index_cast %add3A_414 : i32 to index
        %get3A_419 = arith.constant 0 : index
        %get3A_420 = tpu.vector_load %arg19[%get3A_418, %get3A_419] {strides = array<i32>} : memref<128x128xf32, #tpu.memory_space<vmem>>, vector<16xf32>,
        %add3A_421 = arith.addf %get3A_417, %get3A_420 : vector<16xf32>
        %get3A_422 = arith.index_cast %add3A_414 : i32 to index
        %get3A_423 = arith.constant 0 : index
        %get3A_424 = tpu.vector_load %arg14[%get3A_422, %get3A_423] {strides = array<i32>} : memref<128x128xf32, #tpu.memory_space<vmem>>, vector<16xf32>,
        %add3A_425 = arith.addf %add3A_421, %get3A_424 : vector<16xf32>
        %max3A = arith.constant 0.000000e+00 : f32
        %max3A_426 = vector.broadcast %max3A : f32 to vector<16xf32>
        %max3A_427 = arith.maximumf %add3A_425, %max3A_426 : vector<16xf32>
        %get3A_428 = arith.constant 0 : i32
        %get3A_429 = arith.index_cast %get3A_428 : i32 to index
        %get3A_430 = arith.constant 0 : index
        %get3A_431 = tpu.vector_load %arg25[%get3A_429, %get3A_430] {strides = array<i32>} : memref<4x128xf32, #tpu.memory_space<vmem>>, vector<16xf32>,
        %mul3A_432 = arith.mulf %max3A_427, %get3A_431 : vector<16xf32>
        %get3A_433 = arith.constant 1 : i32
        %get3A_434 = arith.index_cast %get3A_433 : i32 to index
        %get3A_435 = arith.constant 0 : index
        %get3A_436 = tpu.vector_load %arg25[%get3A_434, %get3A_435] {strides = array<i32>} : memref<4x128xf32, #tpu.memory_space<vmem>>, vector<16xf32>,
        %mul3A_437 = arith.mulf %max3A_427, %get3A_436 : vector<16xf32>
        %get3A_438 = arith.constant 2 : i32
        %get3A_439 = arith.index_cast %get3A_438 : i32 to index
        %get3A_440 = arith.constant 0 : index
        %get3A_441 = tpu.vector_load %arg25[%get3A_439, %get3A_440] {strides = array<i32>} : memref<4x128xf32, #tpu.memory_space<vmem>>, vector<16xf32>,
        %mul3A_442 = arith.mulf %max3A_427, %get3A_441 : vector<16xf32>
        %get3A_443 = arith.constant 3 : i32
        %get3A_444 = arith.index_cast %get3A_443 : i32 to index
        %get3A_445 = arith.constant 0 : index
        %get3A_446 = tpu.vector_load %arg25[%get3A_444, %get3A_445] {strides = array<i32>} : memref<4x128xf32, #tpu.memory_space<vmem>>, vector<16xf32>,
        %mul3A_447 = arith.mulf %max3A_427, %get3A_446 : vector<16xf32>
        %get3A_448 = arith.index_cast %add3A_414 : i32 to index
        %get3A_449 = arith.constant 16 : index
        %get3A_450 = tpu.vector_load %arg18[%get3A_448, %get3A_449] {strides = array<i32>} : memref<128x128xf32, #tpu.memory_space<vmem>>, vector<16xf32>,
        %get3A_451 = arith.index_cast %add3A_414 : i32 to index
        %get3A_452 = arith.constant 16 : index
        %get3A_453 = tpu.vector_load %arg19[%get3A_451, %get3A_452] {strides = array<i32>} : memref<128x128xf32, #tpu.memory_space<vmem>>, vector<16xf32>,
        %add3A_454 = arith.addf %get3A_450, %get3A_453 : vector<16xf32>
        %get3A_455 = arith.index_cast %add3A_414 : i32 to index
        %get3A_456 = arith.constant 16 : index
        %get3A_457 = tpu.vector_load %arg14[%get3A_455, %get3A_456] {strides = array<i32>} : memref<128x128xf32, #tpu.memory_space<vmem>>, vector<16xf32>,
        %add3A_458 = arith.addf %add3A_454, %get3A_457 : vector<16xf32>
        %max3A_459 = arith.constant 0.000000e+00 : f32
        %max3A_460 = vector.broadcast %max3A_459 : f32 to vector<16xf32>
        %max3A_461 = arith.maximumf %add3A_458, %max3A_460 : vector<16xf32>
        %get3A_462 = arith.constant 0 : i32
        %get3A_463 = arith.index_cast %get3A_462 : i32 to index
        %get3A_464 = arith.constant 16 : index
        %get3A_465 = tpu.vector_load %arg25[%get3A_463, %get3A_464] {strides = array<i32>} : memref<4x128xf32, #tpu.memory_space<vmem>>, vector<16xf32>,
        %mul3A_466 = arith.mulf %max3A_461, %get3A_465 : vector<16xf32>
        %add3A_467 = arith.addf %mul3A_432, %mul3A_466 : vector<16xf32>
        %get3A_468 = arith.constant 1 : i32
        %get3A_469 = arith.index_cast %get3A_468 : i32 to index
        %get3A_470 = arith.constant 16 : index
        %get3A_471 = tpu.vector_load %arg25[%get3A_469, %get3A_470] {strides = array<i32>} : memref<4x128xf32, #tpu.memory_space<vmem>>, vector<16xf32>,
        %mul3A_472 = arith.mulf %max3A_461, %get3A_471 : vector<16xf32>
        %add3A_473 = arith.addf %mul3A_437, %mul3A_472 : vector<16xf32>
        %get3A_474 = arith.constant 2 : i32
        %get3A_475 = arith.index_cast %get3A_474 : i32 to index
        %get3A_476 = arith.constant 16 : index
        %get3A_477 = tpu.vector_load %arg25[%get3A_475, %get3A_476] {strides = array<i32>} : memref<4x128xf32, #tpu.memory_space<vmem>>, vector<16xf32>,
        %mul3A_478 = arith.mulf %max3A_461, %get3A_477 : vector<16xf32>
        %add3A_479 = arith.addf %mul3A_442, %mul3A_478 : vector<16xf32>
        %get3A_480 = arith.constant 3 : i32
        %get3A_481 = arith.index_cast %get3A_480 : i32 to index
        %get3A_482 = arith.constant 16 : index
        %get3A_483 = tpu.vector_load %arg25[%get3A_481, %get3A_482] {strides = array<i32>} : memref<4x128xf32, #tpu.memory_space<vmem>>, vector<16xf32>,
        %mul3A_484 = arith.mulf %max3A_461, %get3A_483 : vector<16xf32>
        %add3A_485 = arith.addf %mul3A_447, %mul3A_484 : vector<16xf32>
        %get3A_486 = arith.index_cast %add3A_414 : i32 to index
        %get3A_487 = arith.constant 32 : index
        %get3A_488 = tpu.vector_load %arg18[%get3A_486, %get3A_487] {strides = array<i32>} : memref<128x128xf32, #tpu.memory_space<vmem>>, vector<16xf32>,
        %get3A_489 = arith.index_cast %add3A_414 : i32 to index
        %get3A_490 = arith.constant 32 : index
        %get3A_491 = tpu.vector_load %arg19[%get3A_489, %get3A_490] {strides = array<i32>} : memref<128x128xf32, #tpu.memory_space<vmem>>, vector<16xf32>,
        %add3A_492 = arith.addf %get3A_488, %get3A_491 : vector<16xf32>
        %get3A_493 = arith.index_cast %add3A_414 : i32 to index
        %get3A_494 = arith.constant 32 : index
        %get3A_495 = tpu.vector_load %arg14[%get3A_493, %get3A_494] {strides = array<i32>} : memref<128x128xf32, #tpu.memory_space<vmem>>, vector<16xf32>,
        %add3A_496 = arith.addf %add3A_492, %get3A_495 : vector<16xf32>
        %max3A_497 = arith.constant 0.000000e+00 : f32
        %max3A_498 = vector.broadcast %max3A_497 : f32 to vector<16xf32>
        %max3A_499 = arith.maximumf %add3A_496, %max3A_498 : vector<16xf32>
        %get3A_500 = arith.constant 0 : i32
        %get3A_501 = arith.index_cast %get3A_500 : i32 to index
        %get3A_502 = arith.constant 32 : index
        %get3A_503 = tpu.vector_load %arg25[%get3A_501, %get3A_502] {strides = array<i32>} : memref<4x128xf32, #tpu.memory_space<vmem>>, vector<16xf32>,
        %mul3A_504 = arith.mulf %max3A_499, %get3A_503 : vector<16xf32>
        %add3A_505 = arith.addf %add3A_467, %mul3A_504 : vector<16xf32>
        %get3A_506 = arith.constant 1 : i32
        %get3A_507 = arith.index_cast %get3A_506 : i32 to index
        %get3A_508 = arith.constant 32 : index
        %get3A_509 = tpu.vector_load %arg25[%get3A_507, %get3A_508] {strides = array<i32>} : memref<4x128xf32, #tpu.memory_space<vmem>>, vector<16xf32>,
        %mul3A_510 = arith.mulf %max3A_499, %get3A_509 : vector<16xf32>
        %add3A_511 = arith.addf %add3A_473, %mul3A_510 : vector<16xf32>
        %get3A_512 = arith.constant 2 : i32
        %get3A_513 = arith.index_cast %get3A_512 : i32 to index
        %get3A_514 = arith.constant 32 : index
        %get3A_515 = tpu.vector_load %arg25[%get3A_513, %get3A_514] {strides = array<i32>} : memref<4x128xf32, #tpu.memory_space<vmem>>, vector<16xf32>,
        %mul3A_516 = arith.mulf %max3A_499, %get3A_515 : vector<16xf32>
        %add3A_517 = arith.addf %add3A_479, %mul3A_516 : vector<16xf32>
        %get3A_518 = arith.constant 3 : i32
        %get3A_519 = arith.index_cast %get3A_518 : i32 to index
        %get3A_520 = arith.constant 32 : index
        %get3A_521 = tpu.vector_load %arg25[%get3A_519, %get3A_520] {strides = array<i32>} : memref<4x128xf32, #tpu.memory_space<vmem>>, vector<16xf32>,
        %mul3A_522 = arith.mulf %max3A_499, %get3A_521 : vector<16xf32>
        %add3A_523 = arith.addf %add3A_485, %mul3A_522 : vector<16xf32>
        %get3A_524 = arith.index_cast %add3A_414 : i32 to index
        %get3A_525 = arith.constant 48 : index
        %get3A_526 = tpu.vector_load %arg18[%get3A_524, %get3A_525] {strides = array<i32>} : memref<128x128xf32, #tpu.memory_space<vmem>>, vector<16xf32>,
        %get3A_527 = arith.index_cast %add3A_414 : i32 to index
        %get3A_528 = arith.constant 48 : index
        %get3A_529 = tpu.vector_load %arg19[%get3A_527, %get3A_528] {strides = array<i32>} : memref<128x128xf32, #tpu.memory_space<vmem>>, vector<16xf32>,
        %add3A_530 = arith.addf %get3A_526, %get3A_529 : vector<16xf32>
        %get3A_531 = arith.index_cast %add3A_414 : i32 to index
        %get3A_532 = arith.constant 48 : index
        %get3A_533 = tpu.vector_load %arg14[%get3A_531, %get3A_532] {strides = array<i32>} : memref<128x128xf32, #tpu.memory_space<vmem>>, vector<16xf32>,
        %add3A_534 = arith.addf %add3A_530, %get3A_533 : vector<16xf32>
        %max3A_535 = arith.constant 0.000000e+00 : f32
        %max3A_536 = vector.broadcast %max3A_535 : f32 to vector<16xf32>
        %max3A_537 = arith.maximumf %add3A_534, %max3A_536 : vector<16xf32>
        %get3A_538 = arith.constant 0 : i32
        %get3A_539 = arith.index_cast %get3A_538 : i32 to index
        %get3A_540 = arith.constant 48 : index
        %get3A_541 = tpu.vector_load %arg25[%get3A_539, %get3A_540] {strides = array<i32>} : memref<4x128xf32, #tpu.memory_space<vmem>>, vector<16xf32>,
        %mul3A_542 = arith.mulf %max3A_537, %get3A_541 : vector<16xf32>
        %add3A_543 = arith.addf %add3A_505, %mul3A_542 : vector<16xf32>
        %get3A_544 = arith.constant 1 : i32
        %get3A_545 = arith.index_cast %get3A_544 : i32 to index
        %get3A_546 = arith.constant 48 : index
        %get3A_547 = tpu.vector_load %arg25[%get3A_545, %get3A_546] {strides = array<i32>} : memref<4x128xf32, #tpu.memory_space<vmem>>, vector<16xf32>,
        %mul3A_548 = arith.mulf %max3A_537, %get3A_547 : vector<16xf32>
        %add3A_549 = arith.addf %add3A_511, %mul3A_548 : vector<16xf32>
        %get3A_550 = arith.constant 2 : i32
        %get3A_551 = arith.index_cast %get3A_550 : i32 to index
        %get3A_552 = arith.constant 48 : index
        %get3A_553 = tpu.vector_load %arg25[%get3A_551, %get3A_552] {strides = array<i32>} : memref<4x128xf32, #tpu.memory_space<vmem>>, vector<16xf32>,
        %mul3A_554 = arith.mulf %max3A_537, %get3A_553 : vector<16xf32>
        %add3A_555 = arith.addf %add3A_517, %mul3A_554 : vector<16xf32>
        %get3A_556 = arith.constant 3 : i32
        %get3A_557 = arith.index_cast %get3A_556 : i32 to index
        %get3A_558 = arith.constant 48 : index
        %get3A_559 = tpu.vector_load %arg25[%get3A_557, %get3A_558] {strides = array<i32>} : memref<4x128xf32, #tpu.memory_space<vmem>>, vector<16xf32>,
        %mul3A_560 = arith.mulf %max3A_537, %get3A_559 : vector<16xf32>
        %add3A_561 = arith.addf %add3A_523, %mul3A_560 : vector<16xf32>
        %get3A_562 = arith.index_cast %add3A_414 : i32 to index
        %get3A_563 = arith.constant 64 : index
        %get3A_564 = tpu.vector_load %arg18[%get3A_562, %get3A_563] {strides = array<i32>} : memref<128x128xf32, #tpu.memory_space<vmem>>, vector<16xf32>,
        %get3A_565 = arith.index_cast %add3A_414 : i32 to index
        %get3A_566 = arith.constant 64 : index
        %get3A_567 = tpu.vector_load %arg19[%get3A_565, %get3A_566] {strides = array<i32>} : memref<128x128xf32, #tpu.memory_space<vmem>>, vector<16xf32>,
        %add3A_568 = arith.addf %get3A_564, %get3A_567 : vector<16xf32>
        %get3A_569 = arith.index_cast %add3A_414 : i32 to index
        %get3A_570 = arith.constant 64 : index
        %get3A_571 = tpu.vector_load %arg14[%get3A_569, %get3A_570] {strides = array<i32>} : memref<128x128xf32, #tpu.memory_space<vmem>>, vector<16xf32>,
        %add3A_572 = arith.addf %add3A_568, %get3A_571 : vector<16xf32>
        %max3A_573 = arith.constant 0.000000e+00 : f32
        %max3A_574 = vector.broadcast %max3A_573 : f32 to vector<16xf32>
        %max3A_575 = arith.maximumf %add3A_572, %max3A_574 : vector<16xf32>
        %get3A_576 = arith.constant 0 : i32
        %get3A_577 = arith.index_cast %get3A_576 : i32 to index
        %get3A_578 = arith.constant 64 : index
        %get3A_579 = tpu.vector_load %arg25[%get3A_577, %get3A_578] {strides = array<i32>} : memref<4x128xf32, #tpu.memory_space<vmem>>, vector<16xf32>,
        %mul3A_580 = arith.mulf %max3A_575, %get3A_579 : vector<16xf32>
        %add3A_581 = arith.addf %add3A_543, %mul3A_580 : vector<16xf32>
        %get3A_582 = arith.constant 1 : i32
        %get3A_583 = arith.index_cast %get3A_582 : i32 to index
        %get3A_584 = arith.constant 64 : index
        %get3A_585 = tpu.vector_load %arg25[%get3A_583, %get3A_584] {strides = array<i32>} : memref<4x128xf32, #tpu.memory_space<vmem>>, vector<16xf32>,
        %mul3A_586 = arith.mulf %max3A_575, %get3A_585 : vector<16xf32>
        %add3A_587 = arith.addf %add3A_549, %mul3A_586 : vector<16xf32>
        %get3A_588 = arith.constant 2 : i32
        %get3A_589 = arith.index_cast %get3A_588 : i32 to index
        %get3A_590 = arith.constant 64 : index
        %get3A_591 = tpu.vector_load %arg25[%get3A_589, %get3A_590] {strides = array<i32>} : memref<4x128xf32, #tpu.memory_space<vmem>>, vector<16xf32>,
        %mul3A_592 = arith.mulf %max3A_575, %get3A_591 : vector<16xf32>
        %add3A_593 = arith.addf %add3A_555, %mul3A_592 : vector<16xf32>
        %get3A_594 = arith.constant 3 : i32
        %get3A_595 = arith.index_cast %get3A_594 : i32 to index
        %get3A_596 = arith.constant 64 : index
        %get3A_597 = tpu.vector_load %arg25[%get3A_595, %get3A_596] {strides = array<i32>} : memref<4x128xf32, #tpu.memory_space<vmem>>, vector<16xf32>,
        %mul3A_598 = arith.mulf %max3A_575, %get3A_597 : vector<16xf32>
        %add3A_599 = arith.addf %add3A_561, %mul3A_598 : vector<16xf32>
        %get3A_600 = arith.index_cast %add3A_414 : i32 to index
        %get3A_601 = arith.constant 80 : index
        %get3A_602 = tpu.vector_load %arg18[%get3A_600, %get3A_601] {strides = array<i32>} : memref<128x128xf32, #tpu.memory_space<vmem>>, vector<16xf32>,
        %get3A_603 = arith.index_cast %add3A_414 : i32 to index
        %get3A_604 = arith.constant 80 : index
        %get3A_605 = tpu.vector_load %arg19[%get3A_603, %get3A_604] {strides = array<i32>} : memref<128x128xf32, #tpu.memory_space<vmem>>, vector<16xf32>,
        %add3A_606 = arith.addf %get3A_602, %get3A_605 : vector<16xf32>
        %get3A_607 = arith.index_cast %add3A_414 : i32 to index
        %get3A_608 = arith.constant 80 : index
        %get3A_609 = tpu.vector_load %arg14[%get3A_607, %get3A_608] {strides = array<i32>} : memref<128x128xf32, #tpu.memory_space<vmem>>, vector<16xf32>,
        %add3A_610 = arith.addf %add3A_606, %get3A_609 : vector<16xf32>
        %max3A_611 = arith.constant 0.000000e+00 : f32
        %max3A_612 = vector.broadcast %max3A_611 : f32 to vector<16xf32>
        %max3A_613 = arith.maximumf %add3A_610, %max3A_612 : vector<16xf32>
        %get3A_614 = arith.constant 0 : i32
        %get3A_615 = arith.index_cast %get3A_614 : i32 to index
        %get3A_616 = arith.constant 80 : index
        %get3A_617 = tpu.vector_load %arg25[%get3A_615, %get3A_616] {strides = array<i32>} : memref<4x128xf32, #tpu.memory_space<vmem>>, vector<16xf32>,
        %mul3A_618 = arith.mulf %max3A_613, %get3A_617 : vector<16xf32>
        %add3A_619 = arith.addf %add3A_581, %mul3A_618 : vector<16xf32>
        %get3A_620 = arith.constant 1 : i32
        %get3A_621 = arith.index_cast %get3A_620 : i32 to index
        %get3A_622 = arith.constant 80 : index
        %get3A_623 = tpu.vector_load %arg25[%get3A_621, %get3A_622] {strides = array<i32>} : memref<4x128xf32, #tpu.memory_space<vmem>>, vector<16xf32>,
        %mul3A_624 = arith.mulf %max3A_613, %get3A_623 : vector<16xf32>
        %add3A_625 = arith.addf %add3A_587, %mul3A_624 : vector<16xf32>
        %get3A_626 = arith.constant 2 : i32
        %get3A_627 = arith.index_cast %get3A_626 : i32 to index
        %get3A_628 = arith.constant 80 : index
        %get3A_629 = tpu.vector_load %arg25[%get3A_627, %get3A_628] {strides = array<i32>} : memref<4x128xf32, #tpu.memory_space<vmem>>, vector<16xf32>,
        %mul3A_630 = arith.mulf %max3A_613, %get3A_629 : vector<16xf32>
        %add3A_631 = arith.addf %add3A_593, %mul3A_630 : vector<16xf32>
        %get3A_632 = arith.constant 3 : i32
        %get3A_633 = arith.index_cast %get3A_632 : i32 to index
        %get3A_634 = arith.constant 80 : index
        %get3A_635 = tpu.vector_load %arg25[%get3A_633, %get3A_634] {strides = array<i32>} : memref<4x128xf32, #tpu.memory_space<vmem>>, vector<16xf32>,
        %mul3A_636 = arith.mulf %max3A_613, %get3A_635 : vector<16xf32>
        %add3A_637 = arith.addf %add3A_599, %mul3A_636 : vector<16xf32>
        %get3A_638 = arith.index_cast %add3A_414 : i32 to index
        %get3A_639 = arith.constant 96 : index
        %get3A_640 = tpu.vector_load %arg18[%get3A_638, %get3A_639] {strides = array<i32>} : memref<128x128xf32, #tpu.memory_space<vmem>>, vector<16xf32>,
        %get3A_641 = arith.index_cast %add3A_414 : i32 to index
        %get3A_642 = arith.constant 96 : index
        %get3A_643 = tpu.vector_load %arg19[%get3A_641, %get3A_642] {strides = array<i32>} : memref<128x128xf32, #tpu.memory_space<vmem>>, vector<16xf32>,
        %add3A_644 = arith.addf %get3A_640, %get3A_643 : vector<16xf32>
        %get3A_645 = arith.index_cast %add3A_414 : i32 to index
        %get3A_646 = arith.constant 96 : index
        %get3A_647 = tpu.vector_load %arg14[%get3A_645, %get3A_646] {strides = array<i32>} : memref<128x128xf32, #tpu.memory_space<vmem>>, vector<16xf32>,
        %add3A_648 = arith.addf %add3A_644, %get3A_647 : vector<16xf32>
        %max3A_649 = arith.constant 0.000000e+00 : f32
        %max3A_650 = vector.broadcast %max3A_649 : f32 to vector<16xf32>
        %max3A_651 = arith.maximumf %add3A_648, %max3A_650 : vector<16xf32>
        %get3A_652 = arith.constant 0 : i32
        %get3A_653 = arith.index_cast %get3A_652 : i32 to index
        %get3A_654 = arith.constant 96 : index
        %get3A_655 = tpu.vector_load %arg25[%get3A_653, %get3A_654] {strides = array<i32>} : memref<4x128xf32, #tpu.memory_space<vmem>>, vector<16xf32>,
        %mul3A_656 = arith.mulf %max3A_651, %get3A_655 : vector<16xf32>
        %add3A_657 = arith.addf %add3A_619, %mul3A_656 : vector<16xf32>
        %get3A_658 = arith.constant 1 : i32
        %get3A_659 = arith.index_cast %get3A_658 : i32 to index
        %get3A_660 = arith.constant 96 : index
        %get3A_661 = tpu.vector_load %arg25[%get3A_659, %get3A_660] {strides = array<i32>} : memref<4x128xf32, #tpu.memory_space<vmem>>, vector<16xf32>,
        %mul3A_662 = arith.mulf %max3A_651, %get3A_661 : vector<16xf32>
        %add3A_663 = arith.addf %add3A_625, %mul3A_662 : vector<16xf32>
        %get3A_664 = arith.constant 2 : i32
        %get3A_665 = arith.index_cast %get3A_664 : i32 to index
        %get3A_666 = arith.constant 96 : index
        %get3A_667 = tpu.vector_load %arg25[%get3A_665, %get3A_666] {strides = array<i32>} : memref<4x128xf32, #tpu.memory_space<vmem>>, vector<16xf32>,
        %mul3A_668 = arith.mulf %max3A_651, %get3A_667 : vector<16xf32>
        %add3A_669 = arith.addf %add3A_631, %mul3A_668 : vector<16xf32>
        %get3A_670 = arith.constant 3 : i32
        %get3A_671 = arith.index_cast %get3A_670 : i32 to index
        %get3A_672 = arith.constant 96 : index
        %get3A_673 = tpu.vector_load %arg25[%get3A_671, %get3A_672] {strides = array<i32>} : memref<4x128xf32, #tpu.memory_space<vmem>>, vector<16xf32>,
        %mul3A_674 = arith.mulf %max3A_651, %get3A_673 : vector<16xf32>
        %add3A_675 = arith.addf %add3A_637, %mul3A_674 : vector<16xf32>
        %get3A_676 = arith.index_cast %add3A_414 : i32 to index
        %get3A_677 = arith.constant 112 : index
        %get3A_678 = tpu.vector_load %arg18[%get3A_676, %get3A_677] {strides = array<i32>} : memref<128x128xf32, #tpu.memory_space<vmem>>, vector<16xf32>,
        %get3A_679 = arith.index_cast %add3A_414 : i32 to index
        %get3A_680 = arith.constant 112 : index
        %get3A_681 = tpu.vector_load %arg19[%get3A_679, %get3A_680] {strides = array<i32>} : memref<128x128xf32, #tpu.memory_space<vmem>>, vector<16xf32>,
        %add3A_682 = arith.addf %get3A_678, %get3A_681 : vector<16xf32>
        %get3A_683 = arith.index_cast %add3A_414 : i32 to index
        %get3A_684 = arith.constant 112 : index
        %get3A_685 = tpu.vector_load %arg14[%get3A_683, %get3A_684] {strides = array<i32>} : memref<128x128xf32, #tpu.memory_space<vmem>>, vector<16xf32>,
        %add3A_686 = arith.addf %add3A_682, %get3A_685 : vector<16xf32>
        %max3A_687 = arith.constant 0.000000e+00 : f32
        %max3A_688 = vector.broadcast %max3A_687 : f32 to vector<16xf32>
        %max3A_689 = arith.maximumf %add3A_686, %max3A_688 : vector<16xf32>
        %get3A_690 = arith.constant 0 : i32
        %get3A_691 = arith.index_cast %get3A_690 : i32 to index
        %get3A_692 = arith.constant 112 : index
        %get3A_693 = tpu.vector_load %arg25[%get3A_691, %get3A_692] {strides = array<i32>} : memref<4x128xf32, #tpu.memory_space<vmem>>, vector<16xf32>,
        %mul3A_694 = arith.mulf %max3A_689, %get3A_693 : vector<16xf32>
        %add3A_695 = arith.addf %add3A_657, %mul3A_694 : vector<16xf32>
        %get3A_696 = arith.constant 1 : i32
        %get3A_697 = arith.index_cast %get3A_696 : i32 to index
        %get3A_698 = arith.constant 112 : index
        %get3A_699 = tpu.vector_load %arg25[%get3A_697, %get3A_698] {strides = array<i32>} : memref<4x128xf32, #tpu.memory_space<vmem>>, vector<16xf32>,
        %mul3A_700 = arith.mulf %max3A_689, %get3A_699 : vector<16xf32>
        %add3A_701 = arith.addf %add3A_663, %mul3A_700 : vector<16xf32>
        %get3A_702 = arith.constant 2 : i32
        %get3A_703 = arith.index_cast %get3A_702 : i32 to index
        %get3A_704 = arith.constant 112 : index
        %get3A_705 = tpu.vector_load %arg25[%get3A_703, %get3A_704] {strides = array<i32>} : memref<4x128xf32, #tpu.memory_space<vmem>>, vector<16xf32>,
        %mul3A_706 = arith.mulf %max3A_689, %get3A_705 : vector<16xf32>
        %add3A_707 = arith.addf %add3A_669, %mul3A_706 : vector<16xf32>
        %get3A_708 = arith.constant 3 : i32
        %get3A_709 = arith.index_cast %get3A_708 : i32 to index
        %get3A_710 = arith.constant 112 : index
        %get3A_711 = tpu.vector_load %arg25[%get3A_709, %get3A_710] {strides = array<i32>} : memref<4x128xf32, #tpu.memory_space<vmem>>, vector<16xf32>,
        %mul3A_712 = arith.mulf %max3A_689, %get3A_711 : vector<16xf32>
        %add3A_713 = arith.addf %add3A_675, %mul3A_712 : vector<16xf32>
        %eq3A_714 = arith.constant 0 : i32
        %eq3A_715 = vector.broadcast %eq3A_714 : i32 to vector<16xi32>
        %eq3A_716 = arith.cmpi eq, %iota3A, %eq3A_715 : vector<16xi32>
        %reduce_sum3A = arith.constant true
        %reduce_sum3A_717 = vector.broadcast %reduce_sum3A : i1 to vector<16xi1>
        %reduce_sum3A_718 = tpu.scan <sum>, %add3A_695 masked %reduce_sum3A_717 : vector<16xf32>, vector<16xi1> -> vector<16xf32>
        %reduce_sum3A_719 = vector.extract %reduce_sum3A_718[15] : f32 from vector<16xf32>
        %add3A_720 = vector.broadcast %reduce_sum3A_719 : f32 to vector<16xf32>
        %add3A_721 = arith.addf %add3A_720, %get3A_298 : vector<16xf32>
        %select_n3A_722 = arith.select %eq3A_716, %add3A_721, %get3A_298 : vector<16xi1>, vector<16xf32>
        %eq3A_723 = arith.constant 1 : i32
        %eq3A_724 = vector.broadcast %eq3A_723 : i32 to vector<16xi32>
        %eq3A_725 = arith.cmpi eq, %iota3A, %eq3A_724 : vector<16xi32>
        %reduce_sum3A_726 = arith.constant true
        %reduce_sum3A_727 = vector.broadcast %reduce_sum3A_726 : i1 to vector<16xi1>
        %reduce_sum3A_728 = tpu.scan <sum>, %add3A_701 masked %reduce_sum3A_727 : vector<16xf32>, vector<16xi1> -> vector<16xf32>
        %reduce_sum3A_729 = vector.extract %reduce_sum3A_728[15] : f32 from vector<16xf32>
        %add3A_730 = vector.broadcast %reduce_sum3A_729 : f32 to vector<16xf32>
        %add3A_731 = arith.addf %add3A_730, %select_n3A_722 : vector<16xf32>
        %select_n3A_732 = arith.select %eq3A_725, %add3A_731, %select_n3A_722 : vector<16xi1>, vector<16xf32>
        %eq3A_733 = arith.constant 2 : i32
        %eq3A_734 = vector.broadcast %eq3A_733 : i32 to vector<16xi32>
        %eq3A_735 = arith.cmpi eq, %iota3A, %eq3A_734 : vector<16xi32>
        %reduce_sum3A_736 = arith.constant true
        %reduce_sum3A_737 = vector.broadcast %reduce_sum3A_736 : i1 to vector<16xi1>
        %reduce_sum3A_738 = tpu.scan <sum>, %add3A_707 masked %reduce_sum3A_737 : vector<16xf32>, vector<16xi1> -> vector<16xf32>
        %reduce_sum3A_739 = vector.extract %reduce_sum3A_738[15] : f32 from vector<16xf32>
        %add3A_740 = vector.broadcast %reduce_sum3A_739 : f32 to vector<16xf32>
        %add3A_741 = arith.addf %add3A_740, %select_n3A_732 : vector<16xf32>
        %select_n3A_742 = arith.select %eq3A_735, %add3A_741, %select_n3A_732 : vector<16xi1>, vector<16xf32>
        %eq3A_743 = arith.constant 3 : i32
        %eq3A_744 = vector.broadcast %eq3A_743 : i32 to vector<16xi32>
        %eq3A_745 = arith.cmpi eq, %iota3A, %eq3A_744 : vector<16xi32>
        %reduce_sum3A_746 = arith.constant true
        %reduce_sum3A_747 = vector.broadcast %reduce_sum3A_746 : i1 to vector<16xi1>
        %reduce_sum3A_748 = tpu.scan <sum>, %add3A_713 masked %reduce_sum3A_747 : vector<16xf32>, vector<16xi1> -> vector<16xf32>
        %reduce_sum3A_749 = vector.extract %reduce_sum3A_748[15] : f32 from vector<16xf32>
        %add3A_750 = vector.broadcast %reduce_sum3A_749 : f32 to vector<16xf32>
        %add3A_751 = arith.addf %add3A_750, %select_n3A_742 : vector<16xf32>
        %select_n3A_752 = arith.select %eq3A_745, %add3A_751, %select_n3A_742 : vector<16xi1>, vector<16xf32>
        %mul3A_753 = arith.constant 4 : i32
        %mul3A_754 = arith.muli %scan3A_410, %mul3A_753 : i32
        %add3A_755 = arith.constant 1 : i32
        %add3A_756 = arith.addi %mul3A_754, %add3A_755 : i32
        %get3A_757 = arith.index_cast %add3A_756 : i32 to index
        %get3A_758 = arith.constant 0 : index
        %get3A_759 = tpu.vector_load %arg18[%get3A_757, %get3A_758] {strides = array<i32>} : memref<128x128xf32, #tpu.memory_space<vmem>>, vector<16xf32>,
        %get3A_760 = arith.index_cast %add3A_756 : i32 to index
        %get3A_761 = arith.constant 0 : index
        %get3A_762 = tpu.vector_load %arg19[%get3A_760, %get3A_761] {strides = array<i32>} : memref<128x128xf32, #tpu.memory_space<vmem>>, vector<16xf32>,
        %add3A_763 = arith.addf %get3A_759, %get3A_762 : vector<16xf32>
        %get3A_764 = arith.index_cast %add3A_756 : i32 to index
        %get3A_765 = arith.constant 0 : index
        %get3A_766 = tpu.vector_load %arg14[%get3A_764, %get3A_765] {strides = array<i32>} : memref<128x128xf32, #tpu.memory_space<vmem>>, vector<16xf32>,
        %add3A_767 = arith.addf %add3A_763, %get3A_766 : vector<16xf32>
        %max3A_768 = arith.constant 0.000000e+00 : f32
        %max3A_769 = vector.broadcast %max3A_768 : f32 to vector<16xf32>
        %max3A_770 = arith.maximumf %add3A_767, %max3A_769 : vector<16xf32>
        %get3A_771 = arith.constant 0 : i32
        %get3A_772 = arith.index_cast %get3A_771 : i32 to index
        %get3A_773 = arith.constant 0 : index
        %get3A_774 = tpu.vector_load %arg25[%get3A_772, %get3A_773] {strides = array<i32>} : memref<4x128xf32, #tpu.memory_space<vmem>>, vector<16xf32>,
        %mul3A_775 = arith.mulf %max3A_770, %get3A_774 : vector<16xf32>
        %get3A_776 = arith.constant 1 : i32
        %get3A_777 = arith.index_cast %get3A_776 : i32 to index
        %get3A_778 = arith.constant 0 : index
        %get3A_779 = tpu.vector_load %arg25[%get3A_777, %get3A_778] {strides = array<i32>} : memref<4x128xf32, #tpu.memory_space<vmem>>, vector<16xf32>,
        %mul3A_780 = arith.mulf %max3A_770, %get3A_779 : vector<16xf32>
        %get3A_781 = arith.constant 2 : i32
        %get3A_782 = arith.index_cast %get3A_781 : i32 to index
        %get3A_783 = arith.constant 0 : index
        %get3A_784 = tpu.vector_load %arg25[%get3A_782, %get3A_783] {strides = array<i32>} : memref<4x128xf32, #tpu.memory_space<vmem>>, vector<16xf32>,
        %mul3A_785 = arith.mulf %max3A_770, %get3A_784 : vector<16xf32>
        %get3A_786 = arith.constant 3 : i32
        %get3A_787 = arith.index_cast %get3A_786 : i32 to index
        %get3A_788 = arith.constant 0 : index
        %get3A_789 = tpu.vector_load %arg25[%get3A_787, %get3A_788] {strides = array<i32>} : memref<4x128xf32, #tpu.memory_space<vmem>>, vector<16xf32>,
        %mul3A_790 = arith.mulf %max3A_770, %get3A_789 : vector<16xf32>
        %get3A_791 = arith.index_cast %add3A_756 : i32 to index
        %get3A_792 = arith.constant 16 : index
        %get3A_793 = tpu.vector_load %arg18[%get3A_791, %get3A_792] {strides = array<i32>} : memref<128x128xf32, #tpu.memory_space<vmem>>, vector<16xf32>,
        %get3A_794 = arith.index_cast %add3A_756 : i32 to index
        %get3A_795 = arith.constant 16 : index
        %get3A_796 = tpu.vector_load %arg19[%get3A_794, %get3A_795] {strides = array<i32>} : memref<128x128xf32, #tpu.memory_space<vmem>>, vector<16xf32>,
        %add3A_797 = arith.addf %get3A_793, %get3A_796 : vector<16xf32>
        %get3A_798 = arith.index_cast %add3A_756 : i32 to index
        %get3A_799 = arith.constant 16 : index
        %get3A_800 = tpu.vector_load %arg14[%get3A_798, %get3A_799] {strides = array<i32>} : memref<128x128xf32, #tpu.memory_space<vmem>>, vector<16xf32>,
        %add3A_801 = arith.addf %add3A_797, %get3A_800 : vector<16xf32>
        %max3A_802 = arith.constant 0.000000e+00 : f32
        %max3A_803 = vector.broadcast %max3A_802 : f32 to vector<16xf32>
        %max3A_804 = arith.maximumf %add3A_801, %max3A_803 : vector<16xf32>
        %get3A_805 = arith.constant 0 : i32
        %get3A_806 = arith.index_cast %get3A_805 : i32 to index
        %get3A_807 = arith.constant 16 : index
        %get3A_808 = tpu.vector_load %arg25[%get3A_806, %get3A_807] {strides = array<i32>} : memref<4x128xf32, #tpu.memory_space<vmem>>, vector<16xf32>,
        %mul3A_809 = arith.mulf %max3A_804, %get3A_808 : vector<16xf32>
        %add3A_810 = arith.addf %mul3A_775, %mul3A_809 : vector<16xf32>
        %get3A_811 = arith.constant 1 : i32
        %get3A_812 = arith.index_cast %get3A_811 : i32 to index
        %get3A_813 = arith.constant 16 : index
        %get3A_814 = tpu.vector_load %arg25[%get3A_812, %get3A_813] {strides = array<i32>} : memref<4x128xf32, #tpu.memory_space<vmem>>, vector<16xf32>,
        %mul3A_815 = arith.mulf %max3A_804, %get3A_814 : vector<16xf32>
        %add3A_816 = arith.addf %mul3A_780, %mul3A_815 : vector<16xf32>
        %get3A_817 = arith.constant 2 : i32
        %get3A_818 = arith.index_cast %get3A_817 : i32 to index
        %get3A_819 = arith.constant 16 : index
        %get3A_820 = tpu.vector_load %arg25[%get3A_818, %get3A_819] {strides = array<i32>} : memref<4x128xf32, #tpu.memory_space<vmem>>, vector<16xf32>,
        %mul3A_821 = arith.mulf %max3A_804, %get3A_820 : vector<16xf32>
        %add3A_822 = arith.addf %mul3A_785, %mul3A_821 : vector<16xf32>
        %get3A_823 = arith.constant 3 : i32
        %get3A_824 = arith.index_cast %get3A_823 : i32 to index
        %get3A_825 = arith.constant 16 : index
        %get3A_826 = tpu.vector_load %arg25[%get3A_824, %get3A_825] {strides = array<i32>} : memref<4x128xf32, #tpu.memory_space<vmem>>, vector<16xf32>,
        %mul3A_827 = arith.mulf %max3A_804, %get3A_826 : vector<16xf32>
        %add3A_828 = arith.addf %mul3A_790, %mul3A_827 : vector<16xf32>
        %get3A_829 = arith.index_cast %add3A_756 : i32 to index
        %get3A_830 = arith.constant 32 : index
        %get3A_831 = tpu.vector_load %arg18[%get3A_829, %get3A_830] {strides = array<i32>} : memref<128x128xf32, #tpu.memory_space<vmem>>, vector<16xf32>,
        %get3A_832 = arith.index_cast %add3A_756 : i32 to index
        %get3A_833 = arith.constant 32 : index
        %get3A_834 = tpu.vector_load %arg19[%get3A_832, %get3A_833] {strides = array<i32>} : memref<128x128xf32, #tpu.memory_space<vmem>>, vector<16xf32>,
        %add3A_835 = arith.addf %get3A_831, %get3A_834 : vector<16xf32>
        %get3A_836 = arith.index_cast %add3A_756 : i32 to index
        %get3A_837 = arith.constant 32 : index
        %get3A_838 = tpu.vector_load %arg14[%get3A_836, %get3A_837] {strides = array<i32>} : memref<128x128xf32, #tpu.memory_space<vmem>>, vector<16xf32>,
        %add3A_839 = arith.addf %add3A_835, %get3A_838 : vector<16xf32>
        %max3A_840 = arith.constant 0.000000e+00 : f32
        %max3A_841 = vector.broadcast %max3A_840 : f32 to vector<16xf32>
        %max3A_842 = arith.maximumf %add3A_839, %max3A_841 : vector<16xf32>
        %get3A_843 = arith.constant 0 : i32
        %get3A_844 = arith.index_cast %get3A_843 : i32 to index
        %get3A_845 = arith.constant 32 : index
        %get3A_846 = tpu.vector_load %arg25[%get3A_844, %get3A_845] {strides = array<i32>} : memref<4x128xf32, #tpu.memory_space<vmem>>, vector<16xf32>,
        %mul3A_847 = arith.mulf %max3A_842, %get3A_846 : vector<16xf32>
        %add3A_848 = arith.addf %add3A_810, %mul3A_847 : vector<16xf32>
        %get3A_849 = arith.constant 1 : i32
        %get3A_850 = arith.index_cast %get3A_849 : i32 to index
        %get3A_851 = arith.constant 32 : index
        %get3A_852 = tpu.vector_load %arg25[%get3A_850, %get3A_851] {strides = array<i32>} : memref<4x128xf32, #tpu.memory_space<vmem>>, vector<16xf32>,
        %mul3A_853 = arith.mulf %max3A_842, %get3A_852 : vector<16xf32>
        %add3A_854 = arith.addf %add3A_816, %mul3A_853 : vector<16xf32>
        %get3A_855 = arith.constant 2 : i32
        %get3A_856 = arith.index_cast %get3A_855 : i32 to index
        %get3A_857 = arith.constant 32 : index
        %get3A_858 = tpu.vector_load %arg25[%get3A_856, %get3A_857] {strides = array<i32>} : memref<4x128xf32, #tpu.memory_space<vmem>>, vector<16xf32>,
        %mul3A_859 = arith.mulf %max3A_842, %get3A_858 : vector<16xf32>
        %add3A_860 = arith.addf %add3A_822, %mul3A_859 : vector<16xf32>
        %get3A_861 = arith.constant 3 : i32
        %get3A_862 = arith.index_cast %get3A_861 : i32 to index
        %get3A_863 = arith.constant 32 : index
        %get3A_864 = tpu.vector_load %arg25[%get3A_862, %get3A_863] {strides = array<i32>} : memref<4x128xf32, #tpu.memory_space<vmem>>, vector<16xf32>,
        %mul3A_865 = arith.mulf %max3A_842, %get3A_864 : vector<16xf32>
        %add3A_866 = arith.addf %add3A_828, %mul3A_865 : vector<16xf32>
        %get3A_867 = arith.index_cast %add3A_756 : i32 to index
        %get3A_868 = arith.constant 48 : index
        %get3A_869 = tpu.vector_load %arg18[%get3A_867, %get3A_868] {strides = array<i32>} : memref<128x128xf32, #tpu.memory_space<vmem>>, vector<16xf32>,
        %get3A_870 = arith.index_cast %add3A_756 : i32 to index
        %get3A_871 = arith.constant 48 : index
        %get3A_872 = tpu.vector_load %arg19[%get3A_870, %get3A_871] {strides = array<i32>} : memref<128x128xf32, #tpu.memory_space<vmem>>, vector<16xf32>,
        %add3A_873 = arith.addf %get3A_869, %get3A_872 : vector<16xf32>
        %get3A_874 = arith.index_cast %add3A_756 : i32 to index
        %get3A_875 = arith.constant 48 : index
        %get3A_876 = tpu.vector_load %arg14[%get3A_874, %get3A_875] {strides = array<i32>} : memref<128x128xf32, #tpu.memory_space<vmem>>, vector<16xf32>,
        %add3A_877 = arith.addf %add3A_873, %get3A_876 : vector<16xf32>
        %max3A_878 = arith.constant 0.000000e+00 : f32
        %max3A_879 = vector.broadcast %max3A_878 : f32 to vector<16xf32>
        %max3A_880 = arith.maximumf %add3A_877, %max3A_879 : vector<16xf32>
        %get3A_881 = arith.constant 0 : i32
        %get3A_882 = arith.index_cast %get3A_881 : i32 to index
        %get3A_883 = arith.constant 48 : index
        %get3A_884 = tpu.vector_load %arg25[%get3A_882, %get3A_883] {strides = array<i32>} : memref<4x128xf32, #tpu.memory_space<vmem>>, vector<16xf32>,
        %mul3A_885 = arith.mulf %max3A_880, %get3A_884 : vector<16xf32>
        %add3A_886 = arith.addf %add3A_848, %mul3A_885 : vector<16xf32>
        %get3A_887 = arith.constant 1 : i32
        %get3A_888 = arith.index_cast %get3A_887 : i32 to index
        %get3A_889 = arith.constant 48 : index
        %get3A_890 = tpu.vector_load %arg25[%get3A_888, %get3A_889] {strides = array<i32>} : memref<4x128xf32, #tpu.memory_space<vmem>>, vector<16xf32>,
        %mul3A_891 = arith.mulf %max3A_880, %get3A_890 : vector<16xf32>
        %add3A_892 = arith.addf %add3A_854, %mul3A_891 : vector<16xf32>
        %get3A_893 = arith.constant 2 : i32
        %get3A_894 = arith.index_cast %get3A_893 : i32 to index
        %get3A_895 = arith.constant 48 : index
        %get3A_896 = tpu.vector_load %arg25[%get3A_894, %get3A_895] {strides = array<i32>} : memref<4x128xf32, #tpu.memory_space<vmem>>, vector<16xf32>,
        %mul3A_897 = arith.mulf %max3A_880, %get3A_896 : vector<16xf32>
        %add3A_898 = arith.addf %add3A_860, %mul3A_897 : vector<16xf32>
        %get3A_899 = arith.constant 3 : i32
        %get3A_900 = arith.index_cast %get3A_899 : i32 to index
        %get3A_901 = arith.constant 48 : index
        %get3A_902 = tpu.vector_load %arg25[%get3A_900, %get3A_901] {strides = array<i32>} : memref<4x128xf32, #tpu.memory_space<vmem>>, vector<16xf32>,
        %mul3A_903 = arith.mulf %max3A_880, %get3A_902 : vector<16xf32>
        %add3A_904 = arith.addf %add3A_866, %mul3A_903 : vector<16xf32>
        %get3A_905 = arith.index_cast %add3A_756 : i32 to index
        %get3A_906 = arith.constant 64 : index
        %get3A_907 = tpu.vector_load %arg18[%get3A_905, %get3A_906] {strides = array<i32>} : memref<128x128xf32, #tpu.memory_space<vmem>>, vector<16xf32>,
        %get3A_908 = arith.index_cast %add3A_756 : i32 to index
        %get3A_909 = arith.constant 64 : index
        %get3A_910 = tpu.vector_load %arg19[%get3A_908, %get3A_909] {strides = array<i32>} : memref<128x128xf32, #tpu.memory_space<vmem>>, vector<16xf32>,
        %add3A_911 = arith.addf %get3A_907, %get3A_910 : vector<16xf32>
        %get3A_912 = arith.index_cast %add3A_756 : i32 to index
        %get3A_913 = arith.constant 64 : index
        %get3A_914 = tpu.vector_load %arg14[%get3A_912, %get3A_913] {strides = array<i32>} : memref<128x128xf32, #tpu.memory_space<vmem>>, vector<16xf32>,
        %add3A_915 = arith.addf %add3A_911, %get3A_914 : vector<16xf32>
        %max3A_916 = arith.constant 0.000000e+00 : f32
        %max3A_917 = vector.broadcast %max3A_916 : f32 to vector<16xf32>
        %max3A_918 = arith.maximumf %add3A_915, %max3A_917 : vector<16xf32>
        %get3A_919 = arith.constant 0 : i32
        %get3A_920 = arith.index_cast %get3A_919 : i32 to index
        %get3A_921 = arith.constant 64 : index
        %get3A_922 = tpu.vector_load %arg25[%get3A_920, %get3A_921] {strides = array<i32>} : memref<4x128xf32, #tpu.memory_space<vmem>>, vector<16xf32>,
        %mul3A_923 = arith.mulf %max3A_918, %get3A_922 : vector<16xf32>
        %add3A_924 = arith.addf %add3A_886, %mul3A_923 : vector<16xf32>
        %get3A_925 = arith.constant 1 : i32
        %get3A_926 = arith.index_cast %get3A_925 : i32 to index
        %get3A_927 = arith.constant 64 : index
        %get3A_928 = tpu.vector_load %arg25[%get3A_926, %get3A_927] {strides = array<i32>} : memref<4x128xf32, #tpu.memory_space<vmem>>, vector<16xf32>,
        %mul3A_929 = arith.mulf %max3A_918, %get3A_928 : vector<16xf32>
        %add3A_930 = arith.addf %add3A_892, %mul3A_929 : vector<16xf32>
        %get3A_931 = arith.constant 2 : i32
        %get3A_932 = arith.index_cast %get3A_931 : i32 to index
        %get3A_933 = arith.constant 64 : index
        %get3A_934 = tpu.vector_load %arg25[%get3A_932, %get3A_933] {strides = array<i32>} : memref<4x128xf32, #tpu.memory_space<vmem>>, vector<16xf32>,
        %mul3A_935 = arith.mulf %max3A_918, %get3A_934 : vector<16xf32>
        %add3A_936 = arith.addf %add3A_898, %mul3A_935 : vector<16xf32>
        %get3A_937 = arith.constant 3 : i32
        %get3A_938 = arith.index_cast %get3A_937 : i32 to index
        %get3A_939 = arith.constant 64 : index
        %get3A_940 = tpu.vector_load %arg25[%get3A_938, %get3A_939] {strides = array<i32>} : memref<4x128xf32, #tpu.memory_space<vmem>>, vector<16xf32>,
        %mul3A_941 = arith.mulf %max3A_918, %get3A_940 : vector<16xf32>
        %add3A_942 = arith.addf %add3A_904, %mul3A_941 : vector<16xf32>
        %get3A_943 = arith.index_cast %add3A_756 : i32 to index
        %get3A_944 = arith.constant 80 : index
        %get3A_945 = tpu.vector_load %arg18[%get3A_943, %get3A_944] {strides = array<i32>} : memref<128x128xf32, #tpu.memory_space<vmem>>, vector<16xf32>,
        %get3A_946 = arith.index_cast %add3A_756 : i32 to index
        %get3A_947 = arith.constant 80 : index
        %get3A_948 = tpu.vector_load %arg19[%get3A_946, %get3A_947] {strides = array<i32>} : memref<128x128xf32, #tpu.memory_space<vmem>>, vector<16xf32>,
        %add3A_949 = arith.addf %get3A_945, %get3A_948 : vector<16xf32>
        %get3A_950 = arith.index_cast %add3A_756 : i32 to index
        %get3A_951 = arith.constant 80 : index
        %get3A_952 = tpu.vector_load %arg14[%get3A_950, %get3A_951] {strides = array<i32>} : memref<128x128xf32, #tpu.memory_space<vmem>>, vector<16xf32>,
        %add3A_953 = arith.addf %add3A_949, %get3A_952 : vector<16xf32>
        %max3A_954 = arith.constant 0.000000e+00 : f32
        %max3A_955 = vector.broadcast %max3A_954 : f32 to vector<16xf32>
        %max3A_956 = arith.maximumf %add3A_953, %max3A_955 : vector<16xf32>
        %get3A_957 = arith.constant 0 : i32
        %get3A_958 = arith.index_cast %get3A_957 : i32 to index
        %get3A_959 = arith.constant 80 : index
        %get3A_960 = tpu.vector_load %arg25[%get3A_958, %get3A_959] {strides = array<i32>} : memref<4x128xf32, #tpu.memory_space<vmem>>, vector<16xf32>,
        %mul3A_961 = arith.mulf %max3A_956, %get3A_960 : vector<16xf32>
        %add3A_962 = arith.addf %add3A_924, %mul3A_961 : vector<16xf32>
        %get3A_963 = arith.constant 1 : i32
        %get3A_964 = arith.index_cast %get3A_963 : i32 to index
        %get3A_965 = arith.constant 80 : index
        %get3A_966 = tpu.vector_load %arg25[%get3A_964, %get3A_965] {strides = array<i32>} : memref<4x128xf32, #tpu.memory_space<vmem>>, vector<16xf32>,
        %mul3A_967 = arith.mulf %max3A_956, %get3A_966 : vector<16xf32>
        %add3A_968 = arith.addf %add3A_930, %mul3A_967 : vector<16xf32>
        %get3A_969 = arith.constant 2 : i32
        %get3A_970 = arith.index_cast %get3A_969 : i32 to index
        %get3A_971 = arith.constant 80 : index
        %get3A_972 = tpu.vector_load %arg25[%get3A_970, %get3A_971] {strides = array<i32>} : memref<4x128xf32, #tpu.memory_space<vmem>>, vector<16xf32>,
        %mul3A_973 = arith.mulf %max3A_956, %get3A_972 : vector<16xf32>
        %add3A_974 = arith.addf %add3A_936, %mul3A_973 : vector<16xf32>
        %get3A_975 = arith.constant 3 : i32
        %get3A_976 = arith.index_cast %get3A_975 : i32 to index
        %get3A_977 = arith.constant 80 : index
        %get3A_978 = tpu.vector_load %arg25[%get3A_976, %get3A_977] {strides = array<i32>} : memref<4x128xf32, #tpu.memory_space<vmem>>, vector<16xf32>,
        %mul3A_979 = arith.mulf %max3A_956, %get3A_978 : vector<16xf32>
        %add3A_980 = arith.addf %add3A_942, %mul3A_979 : vector<16xf32>
        %get3A_981 = arith.index_cast %add3A_756 : i32 to index
        %get3A_982 = arith.constant 96 : index
        %get3A_983 = tpu.vector_load %arg18[%get3A_981, %get3A_982] {strides = array<i32>} : memref<128x128xf32, #tpu.memory_space<vmem>>, vector<16xf32>,
        %get3A_984 = arith.index_cast %add3A_756 : i32 to index
        %get3A_985 = arith.constant 96 : index
        %get3A_986 = tpu.vector_load %arg19[%get3A_984, %get3A_985] {strides = array<i32>} : memref<128x128xf32, #tpu.memory_space<vmem>>, vector<16xf32>,
        %add3A_987 = arith.addf %get3A_983, %get3A_986 : vector<16xf32>
        %get3A_988 = arith.index_cast %add3A_756 : i32 to index
        %get3A_989 = arith.constant 96 : index
        %get3A_990 = tpu.vector_load %arg14[%get3A_988, %get3A_989] {strides = array<i32>} : memref<128x128xf32, #tpu.memory_space<vmem>>, vector<16xf32>,
        %add3A_991 = arith.addf %add3A_987, %get3A_990 : vector<16xf32>
        %max3A_992 = arith.constant 0.000000e+00 : f32
        %max3A_993 = vector.broadcast %max3A_992 : f32 to vector<16xf32>
        %max3A_994 = arith.maximumf %add3A_991, %max3A_993 : vector<16xf32>
        %get3A_995 = arith.constant 0 : i32
        %get3A_996 = arith.index_cast %get3A_995 : i32 to index
        %get3A_997 = arith.constant 96 : index
        %get3A_998 = tpu.vector_load %arg25[%get3A_996, %get3A_997] {strides = array<i32>} : memref<4x128xf32, #tpu.memory_space<vmem>>, vector<16xf32>,
        %mul3A_999 = arith.mulf %max3A_994, %get3A_998 : vector<16xf32>
        %add3A_1000 = arith.addf %add3A_962, %mul3A_999 : vector<16xf32>
        %get3A_1001 = arith.constant 1 : i32
        %get3A_1002 = arith.index_cast %get3A_1001 : i32 to index
        %get3A_1003 = arith.constant 96 : index
        %get3A_1004 = tpu.vector_load %arg25[%get3A_1002, %get3A_1003] {strides = array<i32>} : memref<4x128xf32, #tpu.memory_space<vmem>>, vector<16xf32>,
        %mul3A_1005 = arith.mulf %max3A_994, %get3A_1004 : vector<16xf32>
        %add3A_1006 = arith.addf %add3A_968, %mul3A_1005 : vector<16xf32>
        %get3A_1007 = arith.constant 2 : i32
        %get3A_1008 = arith.index_cast %get3A_1007 : i32 to index
        %get3A_1009 = arith.constant 96 : index
        %get3A_1010 = tpu.vector_load %arg25[%get3A_1008, %get3A_1009] {strides = array<i32>} : memref<4x128xf32, #tpu.memory_space<vmem>>, vector<16xf32>,
        %mul3A_1011 = arith.mulf %max3A_994, %get3A_1010 : vector<16xf32>
        %add3A_1012 = arith.addf %add3A_974, %mul3A_1011 : vector<16xf32>
        %get3A_1013 = arith.constant 3 : i32
        %get3A_1014 = arith.index_cast %get3A_1013 : i32 to index
        %get3A_1015 = arith.constant 96 : index
        %get3A_1016 = tpu.vector_load %arg25[%get3A_1014, %get3A_1015] {strides = array<i32>} : memref<4x128xf32, #tpu.memory_space<vmem>>, vector<16xf32>,
        %mul3A_1017 = arith.mulf %max3A_994, %get3A_1016 : vector<16xf32>
        %add3A_1018 = arith.addf %add3A_980, %mul3A_1017 : vector<16xf32>
        %get3A_1019 = arith.index_cast %add3A_756 : i32 to index
        %get3A_1020 = arith.constant 112 : index
        %get3A_1021 = tpu.vector_load %arg18[%get3A_1019, %get3A_1020] {strides = array<i32>} : memref<128x128xf32, #tpu.memory_space<vmem>>, vector<16xf32>,
        %get3A_1022 = arith.index_cast %add3A_756 : i32 to index
        %get3A_1023 = arith.constant 112 : index
        %get3A_1024 = tpu.vector_load %arg19[%get3A_1022, %get3A_1023] {strides = array<i32>} : memref<128x128xf32, #tpu.memory_space<vmem>>, vector<16xf32>,
        %add3A_1025 = arith.addf %get3A_1021, %get3A_1024 : vector<16xf32>
        %get3A_1026 = arith.index_cast %add3A_756 : i32 to index
        %get3A_1027 = arith.constant 112 : index
        %get3A_1028 = tpu.vector_load %arg14[%get3A_1026, %get3A_1027] {strides = array<i32>} : memref<128x128xf32, #tpu.memory_space<vmem>>, vector<16xf32>,
        %add3A_1029 = arith.addf %add3A_1025, %get3A_1028 : vector<16xf32>
        %max3A_1030 = arith.constant 0.000000e+00 : f32
        %max3A_1031 = vector.broadcast %max3A_1030 : f32 to vector<16xf32>
        %max3A_1032 = arith.maximumf %add3A_1029, %max3A_1031 : vector<16xf32>
        %get3A_1033 = arith.constant 0 : i32
        %get3A_1034 = arith.index_cast %get3A_1033 : i32 to index
        %get3A_1035 = arith.constant 112 : index
        %get3A_1036 = tpu.vector_load %arg25[%get3A_1034, %get3A_1035] {strides = array<i32>} : memref<4x128xf32, #tpu.memory_space<vmem>>, vector<16xf32>,
        %mul3A_1037 = arith.mulf %max3A_1032, %get3A_1036 : vector<16xf32>
        %add3A_1038 = arith.addf %add3A_1000, %mul3A_1037 : vector<16xf32>
        %get3A_1039 = arith.constant 1 : i32
        %get3A_1040 = arith.index_cast %get3A_1039 : i32 to index
        %get3A_1041 = arith.constant 112 : index
        %get3A_1042 = tpu.vector_load %arg25[%get3A_1040, %get3A_1041] {strides = array<i32>} : memref<4x128xf32, #tpu.memory_space<vmem>>, vector<16xf32>,
        %mul3A_1043 = arith.mulf %max3A_1032, %get3A_1042 : vector<16xf32>
        %add3A_1044 = arith.addf %add3A_1006, %mul3A_1043 : vector<16xf32>
        %get3A_1045 = arith.constant 2 : i32
        %get3A_1046 = arith.index_cast %get3A_1045 : i32 to index
        %get3A_1047 = arith.constant 112 : index
        %get3A_1048 = tpu.vector_load %arg25[%get3A_1046, %get3A_1047] {strides = array<i32>} : memref<4x128xf32, #tpu.memory_space<vmem>>, vector<16xf32>,
        %mul3A_1049 = arith.mulf %max3A_1032, %get3A_1048 : vector<16xf32>
        %add3A_1050 = arith.addf %add3A_1012, %mul3A_1049 : vector<16xf32>
        %get3A_1051 = arith.constant 3 : i32
        %get3A_1052 = arith.index_cast %get3A_1051 : i32 to index
        %get3A_1053 = arith.constant 112 : index
        %get3A_1054 = tpu.vector_load %arg25[%get3A_1052, %get3A_1053] {strides = array<i32>} : memref<4x128xf32, #tpu.memory_space<vmem>>, vector<16xf32>,
        %mul3A_1055 = arith.mulf %max3A_1032, %get3A_1054 : vector<16xf32>
        %add3A_1056 = arith.addf %add3A_1018, %mul3A_1055 : vector<16xf32>
        %eq3A_1057 = arith.constant 4 : i32
        %eq3A_1058 = vector.broadcast %eq3A_1057 : i32 to vector<16xi32>
        %eq3A_1059 = arith.cmpi eq, %iota3A, %eq3A_1058 : vector<16xi32>
        %reduce_sum3A_1060 = arith.constant true
        %reduce_sum3A_1061 = vector.broadcast %reduce_sum3A_1060 : i1 to vector<16xi1>
        %reduce_sum3A_1062 = tpu.scan <sum>, %add3A_1038 masked %reduce_sum3A_1061 : vector<16xf32>, vector<16xi1> -> vector<16xf32>
        %reduce_sum3A_1063 = vector.extract %reduce_sum3A_1062[15] : f32 from vector<16xf32>
        %add3A_1064 = vector.broadcast %reduce_sum3A_1063 : f32 to vector<16xf32>
        %add3A_1065 = arith.addf %add3A_1064, %select_n3A_752 : vector<16xf32>
        %select_n3A_1066 = arith.select %eq3A_1059, %add3A_1065, %select_n3A_752 : vector<16xi1>, vector<16xf32>
        %eq3A_1067 = arith.constant 5 : i32
        %eq3A_1068 = vector.broadcast %eq3A_1067 : i32 to vector<16xi32>
        %eq3A_1069 = arith.cmpi eq, %iota3A, %eq3A_1068 : vector<16xi32>
        %reduce_sum3A_1070 = arith.constant true
        %reduce_sum3A_1071 = vector.broadcast %reduce_sum3A_1070 : i1 to vector<16xi1>
        %reduce_sum3A_1072 = tpu.scan <sum>, %add3A_1044 masked %reduce_sum3A_1071 : vector<16xf32>, vector<16xi1> -> vector<16xf32>
        %reduce_sum3A_1073 = vector.extract %reduce_sum3A_1072[15] : f32 from vector<16xf32>
        %add3A_1074 = vector.broadcast %reduce_sum3A_1073 : f32 to vector<16xf32>
        %add3A_1075 = arith.addf %add3A_1074, %select_n3A_1066 : vector<16xf32>
        %select_n3A_1076 = arith.select %eq3A_1069, %add3A_1075, %select_n3A_1066 : vector<16xi1>, vector<16xf32>
        %eq3A_1077 = arith.constant 6 : i32
        %eq3A_1078 = vector.broadcast %eq3A_1077 : i32 to vector<16xi32>
        %eq3A_1079 = arith.cmpi eq, %iota3A, %eq3A_1078 : vector<16xi32>
        %reduce_sum3A_1080 = arith.constant true
        %reduce_sum3A_1081 = vector.broadcast %reduce_sum3A_1080 : i1 to vector<16xi1>
        %reduce_sum3A_1082 = tpu.scan <sum>, %add3A_1050 masked %reduce_sum3A_1081 : vector<16xf32>, vector<16xi1> -> vector<16xf32>
        %reduce_sum3A_1083 = vector.extract %reduce_sum3A_1082[15] : f32 from vector<16xf32>
        %add3A_1084 = vector.broadcast %reduce_sum3A_1083 : f32 to vector<16xf32>
        %add3A_1085 = arith.addf %add3A_1084, %select_n3A_1076 : vector<16xf32>
        %select_n3A_1086 = arith.select %eq3A_1079, %add3A_1085, %select_n3A_1076 : vector<16xi1>, vector<16xf32>
        %eq3A_1087 = arith.constant 7 : i32
        %eq3A_1088 = vector.broadcast %eq3A_1087 : i32 to vector<16xi32>
        %eq3A_1089 = arith.cmpi eq, %iota3A, %eq3A_1088 : vector<16xi32>
        %reduce_sum3A_1090 = arith.constant true
        %reduce_sum3A_1091 = vector.broadcast %reduce_sum3A_1090 : i1 to vector<16xi1>
        %reduce_sum3A_1092 = tpu.scan <sum>, %add3A_1056 masked %reduce_sum3A_1091 : vector<16xf32>, vector<16xi1> -> vector<16xf32>
        %reduce_sum3A_1093 = vector.extract %reduce_sum3A_1092[15] : f32 from vector<16xf32>
        %add3A_1094 = vector.broadcast %reduce_sum3A_1093 : f32 to vector<16xf32>
        %add3A_1095 = arith.addf %add3A_1094, %select_n3A_1086 : vector<16xf32>
        %select_n3A_1096 = arith.select %eq3A_1089, %add3A_1095, %select_n3A_1086 : vector<16xi1>, vector<16xf32>
        %mul3A_1097 = arith.constant 4 : i32
        %mul3A_1098 = arith.muli %scan3A_410, %mul3A_1097 : i32
        %add3A_1099 = arith.constant 2 : i32
        %add3A_1100 = arith.addi %mul3A_1098, %add3A_1099 : i32
        %get3A_1101 = arith.index_cast %add3A_1100 : i32 to index
        %get3A_1102 = arith.constant 0 : index
        %get3A_1103 = tpu.vector_load %arg18[%get3A_1101, %get3A_1102] {strides = array<i32>} : memref<128x128xf32, #tpu.memory_space<vmem>>, vector<16xf32>,
        %get3A_1104 = arith.index_cast %add3A_1100 : i32 to index
        %get3A_1105 = arith.constant 0 : index
        %get3A_1106 = tpu.vector_load %arg19[%get3A_1104, %get3A_1105] {strides = array<i32>} : memref<128x128xf32, #tpu.memory_space<vmem>>, vector<16xf32>,
        %add3A_1107 = arith.addf %get3A_1103, %get3A_1106 : vector<16xf32>
        %get3A_1108 = arith.index_cast %add3A_1100 : i32 to index
        %get3A_1109 = arith.constant 0 : index
        %get3A_1110 = tpu.vector_load %arg14[%get3A_1108, %get3A_1109] {strides = array<i32>} : memref<128x128xf32, #tpu.memory_space<vmem>>, vector<16xf32>,
        %add3A_1111 = arith.addf %add3A_1107, %get3A_1110 : vector<16xf32>
        %max3A_1112 = arith.constant 0.000000e+00 : f32
        %max3A_1113 = vector.broadcast %max3A_1112 : f32 to vector<16xf32>
        %max3A_1114 = arith.maximumf %add3A_1111, %max3A_1113 : vector<16xf32>
        %get3A_1115 = arith.constant 0 : i32
        %get3A_1116 = arith.index_cast %get3A_1115 : i32 to index
        %get3A_1117 = arith.constant 0 : index
        %get3A_1118 = tpu.vector_load %arg25[%get3A_1116, %get3A_1117] {strides = array<i32>} : memref<4x128xf32, #tpu.memory_space<vmem>>, vector<16xf32>,
        %mul3A_1119 = arith.mulf %max3A_1114, %get3A_1118 : vector<16xf32>
        %get3A_1120 = arith.constant 1 : i32
        %get3A_1121 = arith.index_cast %get3A_1120 : i32 to index
        %get3A_1122 = arith.constant 0 : index
        %get3A_1123 = tpu.vector_load %arg25[%get3A_1121, %get3A_1122] {strides = array<i32>} : memref<4x128xf32, #tpu.memory_space<vmem>>, vector<16xf32>,
        %mul3A_1124 = arith.mulf %max3A_1114, %get3A_1123 : vector<16xf32>
        %get3A_1125 = arith.constant 2 : i32
        %get3A_1126 = arith.index_cast %get3A_1125 : i32 to index
        %get3A_1127 = arith.constant 0 : index
        %get3A_1128 = tpu.vector_load %arg25[%get3A_1126, %get3A_1127] {strides = array<i32>} : memref<4x128xf32, #tpu.memory_space<vmem>>, vector<16xf32>,
        %mul3A_1129 = arith.mulf %max3A_1114, %get3A_1128 : vector<16xf32>
        %get3A_1130 = arith.constant 3 : i32
        %get3A_1131 = arith.index_cast %get3A_1130 : i32 to index
        %get3A_1132 = arith.constant 0 : index
        %get3A_1133 = tpu.vector_load %arg25[%get3A_1131, %get3A_1132] {strides = array<i32>} : memref<4x128xf32, #tpu.memory_space<vmem>>, vector<16xf32>,
        %mul3A_1134 = arith.mulf %max3A_1114, %get3A_1133 : vector<16xf32>
        %get3A_1135 = arith.index_cast %add3A_1100 : i32 to index
        %get3A_1136 = arith.constant 16 : index
        %get3A_1137 = tpu.vector_load %arg18[%get3A_1135, %get3A_1136] {strides = array<i32>} : memref<128x128xf32, #tpu.memory_space<vmem>>, vector<16xf32>,
        %get3A_1138 = arith.index_cast %add3A_1100 : i32 to index
        %get3A_1139 = arith.constant 16 : index
        %get3A_1140 = tpu.vector_load %arg19[%get3A_1138, %get3A_1139] {strides = array<i32>} : memref<128x128xf32, #tpu.memory_space<vmem>>, vector<16xf32>,
        %add3A_1141 = arith.addf %get3A_1137, %get3A_1140 : vector<16xf32>
        %get3A_1142 = arith.index_cast %add3A_1100 : i32 to index
        %get3A_1143 = arith.constant 16 : index
        %get3A_1144 = tpu.vector_load %arg14[%get3A_1142, %get3A_1143] {strides = array<i32>} : memref<128x128xf32, #tpu.memory_space<vmem>>, vector<16xf32>,
        %add3A_1145 = arith.addf %add3A_1141, %get3A_1144 : vector<16xf32>
        %max3A_1146 = arith.constant 0.000000e+00 : f32
        %max3A_1147 = vector.broadcast %max3A_1146 : f32 to vector<16xf32>
        %max3A_1148 = arith.maximumf %add3A_1145, %max3A_1147 : vector<16xf32>
        %get3A_1149 = arith.constant 0 : i32
        %get3A_1150 = arith.index_cast %get3A_1149 : i32 to index
        %get3A_1151 = arith.constant 16 : index
        %get3A_1152 = tpu.vector_load %arg25[%get3A_1150, %get3A_1151] {strides = array<i32>} : memref<4x128xf32, #tpu.memory_space<vmem>>, vector<16xf32>,
        %mul3A_1153 = arith.mulf %max3A_1148, %get3A_1152 : vector<16xf32>
        %add3A_1154 = arith.addf %mul3A_1119, %mul3A_1153 : vector<16xf32>
        %get3A_1155 = arith.constant 1 : i32
        %get3A_1156 = arith.index_cast %get3A_1155 : i32 to index
        %get3A_1157 = arith.constant 16 : index
        %get3A_1158 = tpu.vector_load %arg25[%get3A_1156, %get3A_1157] {strides = array<i32>} : memref<4x128xf32, #tpu.memory_space<vmem>>, vector<16xf32>,
        %mul3A_1159 = arith.mulf %max3A_1148, %get3A_1158 : vector<16xf32>
        %add3A_1160 = arith.addf %mul3A_1124, %mul3A_1159 : vector<16xf32>
        %get3A_1161 = arith.constant 2 : i32
        %get3A_1162 = arith.index_cast %get3A_1161 : i32 to index
        %get3A_1163 = arith.constant 16 : index
        %get3A_1164 = tpu.vector_load %arg25[%get3A_1162, %get3A_1163] {strides = array<i32>} : memref<4x128xf32, #tpu.memory_space<vmem>>, vector<16xf32>,
        %mul3A_1165 = arith.mulf %max3A_1148, %get3A_1164 : vector<16xf32>
        %add3A_1166 = arith.addf %mul3A_1129, %mul3A_1165 : vector<16xf32>
        %get3A_1167 = arith.constant 3 : i32
        %get3A_1168 = arith.index_cast %get3A_1167 : i32 to index
        %get3A_1169 = arith.constant 16 : index
        %get3A_1170 = tpu.vector_load %arg25[%get3A_1168, %get3A_1169] {strides = array<i32>} : memref<4x128xf32, #tpu.memory_space<vmem>>, vector<16xf32>,
        %mul3A_1171 = arith.mulf %max3A_1148, %get3A_1170 : vector<16xf32>
        %add3A_1172 = arith.addf %mul3A_1134, %mul3A_1171 : vector<16xf32>
        %get3A_1173 = arith.index_cast %add3A_1100 : i32 to index
        %get3A_1174 = arith.constant 32 : index
        %get3A_1175 = tpu.vector_load %arg18[%get3A_1173, %get3A_1174] {strides = array<i32>} : memref<128x128xf32, #tpu.memory_space<vmem>>, vector<16xf32>,
        %get3A_1176 = arith.index_cast %add3A_1100 : i32 to index
        %get3A_1177 = arith.constant 32 : index
        %get3A_1178 = tpu.vector_load %arg19[%get3A_1176, %get3A_1177] {strides = array<i32>} : memref<128x128xf32, #tpu.memory_space<vmem>>, vector<16xf32>,
        %add3A_1179 = arith.addf %get3A_1175, %get3A_1178 : vector<16xf32>
        %get3A_1180 = arith.index_cast %add3A_1100 : i32 to index
        %get3A_1181 = arith.constant 32 : index
        %get3A_1182 = tpu.vector_load %arg14[%get3A_1180, %get3A_1181] {strides = array<i32>} : memref<128x128xf32, #tpu.memory_space<vmem>>, vector<16xf32>,
        %add3A_1183 = arith.addf %add3A_1179, %get3A_1182 : vector<16xf32>
        %max3A_1184 = arith.constant 0.000000e+00 : f32
        %max3A_1185 = vector.broadcast %max3A_1184 : f32 to vector<16xf32>
        %max3A_1186 = arith.maximumf %add3A_1183, %max3A_1185 : vector<16xf32>
        %get3A_1187 = arith.constant 0 : i32
        %get3A_1188 = arith.index_cast %get3A_1187 : i32 to index
        %get3A_1189 = arith.constant 32 : index
        %get3A_1190 = tpu.vector_load %arg25[%get3A_1188, %get3A_1189] {strides = array<i32>} : memref<4x128xf32, #tpu.memory_space<vmem>>, vector<16xf32>,
        %mul3A_1191 = arith.mulf %max3A_1186, %get3A_1190 : vector<16xf32>
        %add3A_1192 = arith.addf %add3A_1154, %mul3A_1191 : vector<16xf32>
        %get3A_1193 = arith.constant 1 : i32
        %get3A_1194 = arith.index_cast %get3A_1193 : i32 to index
        %get3A_1195 = arith.constant 32 : index
        %get3A_1196 = tpu.vector_load %arg25[%get3A_1194, %get3A_1195] {strides = array<i32>} : memref<4x128xf32, #tpu.memory_space<vmem>>, vector<16xf32>,
        %mul3A_1197 = arith.mulf %max3A_1186, %get3A_1196 : vector<16xf32>
        %add3A_1198 = arith.addf %add3A_1160, %mul3A_1197 : vector<16xf32>
        %get3A_1199 = arith.constant 2 : i32
        %get3A_1200 = arith.index_cast %get3A_1199 : i32 to index
        %get3A_1201 = arith.constant 32 : index
        %get3A_1202 = tpu.vector_load %arg25[%get3A_1200, %get3A_1201] {strides = array<i32>} : memref<4x128xf32, #tpu.memory_space<vmem>>, vector<16xf32>,
        %mul3A_1203 = arith.mulf %max3A_1186, %get3A_1202 : vector<16xf32>
        %add3A_1204 = arith.addf %add3A_1166, %mul3A_1203 : vector<16xf32>
        %get3A_1205 = arith.constant 3 : i32
        %get3A_1206 = arith.index_cast %get3A_1205 : i32 to index
        %get3A_1207 = arith.constant 32 : index
        %get3A_1208 = tpu.vector_load %arg25[%get3A_1206, %get3A_1207] {strides = array<i32>} : memref<4x128xf32, #tpu.memory_space<vmem>>, vector<16xf32>,
        %mul3A_1209 = arith.mulf %max3A_1186, %get3A_1208 : vector<16xf32>
        %add3A_1210 = arith.addf %add3A_1172, %mul3A_1209 : vector<16xf32>
        %get3A_1211 = arith.index_cast %add3A_1100 : i32 to index
        %get3A_1212 = arith.constant 48 : index
        %get3A_1213 = tpu.vector_load %arg18[%get3A_1211, %get3A_1212] {strides = array<i32>} : memref<128x128xf32, #tpu.memory_space<vmem>>, vector<16xf32>,
        %get3A_1214 = arith.index_cast %add3A_1100 : i32 to index
        %get3A_1215 = arith.constant 48 : index
        %get3A_1216 = tpu.vector_load %arg19[%get3A_1214, %get3A_1215] {strides = array<i32>} : memref<128x128xf32, #tpu.memory_space<vmem>>, vector<16xf32>,
        %add3A_1217 = arith.addf %get3A_1213, %get3A_1216 : vector<16xf32>
        %get3A_1218 = arith.index_cast %add3A_1100 : i32 to index
        %get3A_1219 = arith.constant 48 : index
        %get3A_1220 = tpu.vector_load %arg14[%get3A_1218, %get3A_1219] {strides = array<i32>} : memref<128x128xf32, #tpu.memory_space<vmem>>, vector<16xf32>,
        %add3A_1221 = arith.addf %add3A_1217, %get3A_1220 : vector<16xf32>
        %max3A_1222 = arith.constant 0.000000e+00 : f32
        %max3A_1223 = vector.broadcast %max3A_1222 : f32 to vector<16xf32>
        %max3A_1224 = arith.maximumf %add3A_1221, %max3A_1223 : vector<16xf32>
        %get3A_1225 = arith.constant 0 : i32
        %get3A_1226 = arith.index_cast %get3A_1225 : i32 to index
        %get3A_1227 = arith.constant 48 : index
        %get3A_1228 = tpu.vector_load %arg25[%get3A_1226, %get3A_1227] {strides = array<i32>} : memref<4x128xf32, #tpu.memory_space<vmem>>, vector<16xf32>,
        %mul3A_1229 = arith.mulf %max3A_1224, %get3A_1228 : vector<16xf32>
        %add3A_1230 = arith.addf %add3A_1192, %mul3A_1229 : vector<16xf32>
        %get3A_1231 = arith.constant 1 : i32
        %get3A_1232 = arith.index_cast %get3A_1231 : i32 to index
        %get3A_1233 = arith.constant 48 : index
        %get3A_1234 = tpu.vector_load %arg25[%get3A_1232, %get3A_1233] {strides = array<i32>} : memref<4x128xf32, #tpu.memory_space<vmem>>, vector<16xf32>,
        %mul3A_1235 = arith.mulf %max3A_1224, %get3A_1234 : vector<16xf32>
        %add3A_1236 = arith.addf %add3A_1198, %mul3A_1235 : vector<16xf32>
        %get3A_1237 = arith.constant 2 : i32
        %get3A_1238 = arith.index_cast %get3A_1237 : i32 to index
        %get3A_1239 = arith.constant 48 : index
        %get3A_1240 = tpu.vector_load %arg25[%get3A_1238, %get3A_1239] {strides = array<i32>} : memref<4x128xf32, #tpu.memory_space<vmem>>, vector<16xf32>,
        %mul3A_1241 = arith.mulf %max3A_1224, %get3A_1240 : vector<16xf32>
        %add3A_1242 = arith.addf %add3A_1204, %mul3A_1241 : vector<16xf32>
        %get3A_1243 = arith.constant 3 : i32
        %get3A_1244 = arith.index_cast %get3A_1243 : i32 to index
        %get3A_1245 = arith.constant 48 : index
        %get3A_1246 = tpu.vector_load %arg25[%get3A_1244, %get3A_1245] {strides = array<i32>} : memref<4x128xf32, #tpu.memory_space<vmem>>, vector<16xf32>,
        %mul3A_1247 = arith.mulf %max3A_1224, %get3A_1246 : vector<16xf32>
        %add3A_1248 = arith.addf %add3A_1210, %mul3A_1247 : vector<16xf32>
        %get3A_1249 = arith.index_cast %add3A_1100 : i32 to index
        %get3A_1250 = arith.constant 64 : index
        %get3A_1251 = tpu.vector_load %arg18[%get3A_1249, %get3A_1250] {strides = array<i32>} : memref<128x128xf32, #tpu.memory_space<vmem>>, vector<16xf32>,
        %get3A_1252 = arith.index_cast %add3A_1100 : i32 to index
        %get3A_1253 = arith.constant 64 : index
        %get3A_1254 = tpu.vector_load %arg19[%get3A_1252, %get3A_1253] {strides = array<i32>} : memref<128x128xf32, #tpu.memory_space<vmem>>, vector<16xf32>,
        %add3A_1255 = arith.addf %get3A_1251, %get3A_1254 : vector<16xf32>
        %get3A_1256 = arith.index_cast %add3A_1100 : i32 to index
        %get3A_1257 = arith.constant 64 : index
        %get3A_1258 = tpu.vector_load %arg14[%get3A_1256, %get3A_1257] {strides = array<i32>} : memref<128x128xf32, #tpu.memory_space<vmem>>, vector<16xf32>,
        %add3A_1259 = arith.addf %add3A_1255, %get3A_1258 : vector<16xf32>
        %max3A_1260 = arith.constant 0.000000e+00 : f32
        %max3A_1261 = vector.broadcast %max3A_1260 : f32 to vector<16xf32>
        %max3A_1262 = arith.maximumf %add3A_1259, %max3A_1261 : vector<16xf32>
        %get3A_1263 = arith.constant 0 : i32
        %get3A_1264 = arith.index_cast %get3A_1263 : i32 to index
        %get3A_1265 = arith.constant 64 : index
        %get3A_1266 = tpu.vector_load %arg25[%get3A_1264, %get3A_1265] {strides = array<i32>} : memref<4x128xf32, #tpu.memory_space<vmem>>, vector<16xf32>,
        %mul3A_1267 = arith.mulf %max3A_1262, %get3A_1266 : vector<16xf32>
        %add3A_1268 = arith.addf %add3A_1230, %mul3A_1267 : vector<16xf32>
        %get3A_1269 = arith.constant 1 : i32
        %get3A_1270 = arith.index_cast %get3A_1269 : i32 to index
        %get3A_1271 = arith.constant 64 : index
        %get3A_1272 = tpu.vector_load %arg25[%get3A_1270, %get3A_1271] {strides = array<i32>} : memref<4x128xf32, #tpu.memory_space<vmem>>, vector<16xf32>,
        %mul3A_1273 = arith.mulf %max3A_1262, %get3A_1272 : vector<16xf32>
        %add3A_1274 = arith.addf %add3A_1236, %mul3A_1273 : vector<16xf32>
        %get3A_1275 = arith.constant 2 : i32
        %get3A_1276 = arith.index_cast %get3A_1275 : i32 to index
        %get3A_1277 = arith.constant 64 : index
        %get3A_1278 = tpu.vector_load %arg25[%get3A_1276, %get3A_1277] {strides = array<i32>} : memref<4x128xf32, #tpu.memory_space<vmem>>, vector<16xf32>,
        %mul3A_1279 = arith.mulf %max3A_1262, %get3A_1278 : vector<16xf32>
        %add3A_1280 = arith.addf %add3A_1242, %mul3A_1279 : vector<16xf32>
        %get3A_1281 = arith.constant 3 : i32
        %get3A_1282 = arith.index_cast %get3A_1281 : i32 to index
        %get3A_1283 = arith.constant 64 : index
        %get3A_1284 = tpu.vector_load %arg25[%get3A_1282, %get3A_1283] {strides = array<i32>} : memref<4x128xf32, #tpu.memory_space<vmem>>, vector<16xf32>,
        %mul3A_1285 = arith.mulf %max3A_1262, %get3A_1284 : vector<16xf32>
        %add3A_1286 = arith.addf %add3A_1248, %mul3A_1285 : vector<16xf32>
        %get3A_1287 = arith.index_cast %add3A_1100 : i32 to index
        %get3A_1288 = arith.constant 80 : index
        %get3A_1289 = tpu.vector_load %arg18[%get3A_1287, %get3A_1288] {strides = array<i32>} : memref<128x128xf32, #tpu.memory_space<vmem>>, vector<16xf32>,
        %get3A_1290 = arith.index_cast %add3A_1100 : i32 to index
        %get3A_1291 = arith.constant 80 : index
        %get3A_1292 = tpu.vector_load %arg19[%get3A_1290, %get3A_1291] {strides = array<i32>} : memref<128x128xf32, #tpu.memory_space<vmem>>, vector<16xf32>,
        %add3A_1293 = arith.addf %get3A_1289, %get3A_1292 : vector<16xf32>
        %get3A_1294 = arith.index_cast %add3A_1100 : i32 to index
        %get3A_1295 = arith.constant 80 : index
        %get3A_1296 = tpu.vector_load %arg14[%get3A_1294, %get3A_1295] {strides = array<i32>} : memref<128x128xf32, #tpu.memory_space<vmem>>, vector<16xf32>,
        %add3A_1297 = arith.addf %add3A_1293, %get3A_1296 : vector<16xf32>
        %max3A_1298 = arith.constant 0.000000e+00 : f32
        %max3A_1299 = vector.broadcast %max3A_1298 : f32 to vector<16xf32>
        %max3A_1300 = arith.maximumf %add3A_1297, %max3A_1299 : vector<16xf32>
        %get3A_1301 = arith.constant 0 : i32
        %get3A_1302 = arith.index_cast %get3A_1301 : i32 to index
        %get3A_1303 = arith.constant 80 : index
        %get3A_1304 = tpu.vector_load %arg25[%get3A_1302, %get3A_1303] {strides = array<i32>} : memref<4x128xf32, #tpu.memory_space<vmem>>, vector<16xf32>,
        %mul3A_1305 = arith.mulf %max3A_1300, %get3A_1304 : vector<16xf32>
        %add3A_1306 = arith.addf %add3A_1268, %mul3A_1305 : vector<16xf32>
        %get3A_1307 = arith.constant 1 : i32
        %get3A_1308 = arith.index_cast %get3A_1307 : i32 to index
        %get3A_1309 = arith.constant 80 : index
        %get3A_1310 = tpu.vector_load %arg25[%get3A_1308, %get3A_1309] {strides = array<i32>} : memref<4x128xf32, #tpu.memory_space<vmem>>, vector<16xf32>,
        %mul3A_1311 = arith.mulf %max3A_1300, %get3A_1310 : vector<16xf32>
        %add3A_1312 = arith.addf %add3A_1274, %mul3A_1311 : vector<16xf32>
        %get3A_1313 = arith.constant 2 : i32
        %get3A_1314 = arith.index_cast %get3A_1313 : i32 to index
        %get3A_1315 = arith.constant 80 : index
        %get3A_1316 = tpu.vector_load %arg25[%get3A_1314, %get3A_1315] {strides = array<i32>} : memref<4x128xf32, #tpu.memory_space<vmem>>, vector<16xf32>,
        %mul3A_1317 = arith.mulf %max3A_1300, %get3A_1316 : vector<16xf32>
        %add3A_1318 = arith.addf %add3A_1280, %mul3A_1317 : vector<16xf32>
        %get3A_1319 = arith.constant 3 : i32
        %get3A_1320 = arith.index_cast %get3A_1319 : i32 to index
        %get3A_1321 = arith.constant 80 : index
        %get3A_1322 = tpu.vector_load %arg25[%get3A_1320, %get3A_1321] {strides = array<i32>} : memref<4x128xf32, #tpu.memory_space<vmem>>, vector<16xf32>,
        %mul3A_1323 = arith.mulf %max3A_1300, %get3A_1322 : vector<16xf32>
        %add3A_1324 = arith.addf %add3A_1286, %mul3A_1323 : vector<16xf32>
        %get3A_1325 = arith.index_cast %add3A_1100 : i32 to index
        %get3A_1326 = arith.constant 96 : index
        %get3A_1327 = tpu.vector_load %arg18[%get3A_1325, %get3A_1326] {strides = array<i32>} : memref<128x128xf32, #tpu.memory_space<vmem>>, vector<16xf32>,
        %get3A_1328 = arith.index_cast %add3A_1100 : i32 to index
        %get3A_1329 = arith.constant 96 : index
        %get3A_1330 = tpu.vector_load %arg19[%get3A_1328, %get3A_1329] {strides = array<i32>} : memref<128x128xf32, #tpu.memory_space<vmem>>, vector<16xf32>,
        %add3A_1331 = arith.addf %get3A_1327, %get3A_1330 : vector<16xf32>
        %get3A_1332 = arith.index_cast %add3A_1100 : i32 to index
        %get3A_1333 = arith.constant 96 : index
        %get3A_1334 = tpu.vector_load %arg14[%get3A_1332, %get3A_1333] {strides = array<i32>} : memref<128x128xf32, #tpu.memory_space<vmem>>, vector<16xf32>,
        %add3A_1335 = arith.addf %add3A_1331, %get3A_1334 : vector<16xf32>
        %max3A_1336 = arith.constant 0.000000e+00 : f32
        %max3A_1337 = vector.broadcast %max3A_1336 : f32 to vector<16xf32>
        %max3A_1338 = arith.maximumf %add3A_1335, %max3A_1337 : vector<16xf32>
        %get3A_1339 = arith.constant 0 : i32
        %get3A_1340 = arith.index_cast %get3A_1339 : i32 to index
        %get3A_1341 = arith.constant 96 : index
        %get3A_1342 = tpu.vector_load %arg25[%get3A_1340, %get3A_1341] {strides = array<i32>} : memref<4x128xf32, #tpu.memory_space<vmem>>, vector<16xf32>,
        %mul3A_1343 = arith.mulf %max3A_1338, %get3A_1342 : vector<16xf32>
        %add3A_1344 = arith.addf %add3A_1306, %mul3A_1343 : vector<16xf32>
        %get3A_1345 = arith.constant 1 : i32
        %get3A_1346 = arith.index_cast %get3A_1345 : i32 to index
        %get3A_1347 = arith.constant 96 : index
        %get3A_1348 = tpu.vector_load %arg25[%get3A_1346, %get3A_1347] {strides = array<i32>} : memref<4x128xf32, #tpu.memory_space<vmem>>, vector<16xf32>,
        %mul3A_1349 = arith.mulf %max3A_1338, %get3A_1348 : vector<16xf32>
        %add3A_1350 = arith.addf %add3A_1312, %mul3A_1349 : vector<16xf32>
        %get3A_1351 = arith.constant 2 : i32
        %get3A_1352 = arith.index_cast %get3A_1351 : i32 to index
        %get3A_1353 = arith.constant 96 : index
        %get3A_1354 = tpu.vector_load %arg25[%get3A_1352, %get3A_1353] {strides = array<i32>} : memref<4x128xf32, #tpu.memory_space<vmem>>, vector<16xf32>,
        %mul3A_1355 = arith.mulf %max3A_1338, %get3A_1354 : vector<16xf32>
        %add3A_1356 = arith.addf %add3A_1318, %mul3A_1355 : vector<16xf32>
        %get3A_1357 = arith.constant 3 : i32
        %get3A_1358 = arith.index_cast %get3A_1357 : i32 to index
        %get3A_1359 = arith.constant 96 : index
        %get3A_1360 = tpu.vector_load %arg25[%get3A_1358, %get3A_1359] {strides = array<i32>} : memref<4x128xf32, #tpu.memory_space<vmem>>, vector<16xf32>,
        %mul3A_1361 = arith.mulf %max3A_1338, %get3A_1360 : vector<16xf32>
        %add3A_1362 = arith.addf %add3A_1324, %mul3A_1361 : vector<16xf32>
        %get3A_1363 = arith.index_cast %add3A_1100 : i32 to index
        %get3A_1364 = arith.constant 112 : index
        %get3A_1365 = tpu.vector_load %arg18[%get3A_1363, %get3A_1364] {strides = array<i32>} : memref<128x128xf32, #tpu.memory_space<vmem>>, vector<16xf32>,
        %get3A_1366 = arith.index_cast %add3A_1100 : i32 to index
        %get3A_1367 = arith.constant 112 : index
        %get3A_1368 = tpu.vector_load %arg19[%get3A_1366, %get3A_1367] {strides = array<i32>} : memref<128x128xf32, #tpu.memory_space<vmem>>, vector<16xf32>,
        %add3A_1369 = arith.addf %get3A_1365, %get3A_1368 : vector<16xf32>
        %get3A_1370 = arith.index_cast %add3A_1100 : i32 to index
        %get3A_1371 = arith.constant 112 : index
        %get3A_1372 = tpu.vector_load %arg14[%get3A_1370, %get3A_1371] {strides = array<i32>} : memref<128x128xf32, #tpu.memory_space<vmem>>, vector<16xf32>,
        %add3A_1373 = arith.addf %add3A_1369, %get3A_1372 : vector<16xf32>
        %max3A_1374 = arith.constant 0.000000e+00 : f32
        %max3A_1375 = vector.broadcast %max3A_1374 : f32 to vector<16xf32>
        %max3A_1376 = arith.maximumf %add3A_1373, %max3A_1375 : vector<16xf32>
        %get3A_1377 = arith.constant 0 : i32
        %get3A_1378 = arith.index_cast %get3A_1377 : i32 to index
        %get3A_1379 = arith.constant 112 : index
        %get3A_1380 = tpu.vector_load %arg25[%get3A_1378, %get3A_1379] {strides = array<i32>} : memref<4x128xf32, #tpu.memory_space<vmem>>, vector<16xf32>,
        %mul3A_1381 = arith.mulf %max3A_1376, %get3A_1380 : vector<16xf32>
        %add3A_1382 = arith.addf %add3A_1344, %mul3A_1381 : vector<16xf32>
        %get3A_1383 = arith.constant 1 : i32
        %get3A_1384 = arith.index_cast %get3A_1383 : i32 to index
        %get3A_1385 = arith.constant 112 : index
        %get3A_1386 = tpu.vector_load %arg25[%get3A_1384, %get3A_1385] {strides = array<i32>} : memref<4x128xf32, #tpu.memory_space<vmem>>, vector<16xf32>,
        %mul3A_1387 = arith.mulf %max3A_1376, %get3A_1386 : vector<16xf32>
        %add3A_1388 = arith.addf %add3A_1350, %mul3A_1387 : vector<16xf32>
        %get3A_1389 = arith.constant 2 : i32
        %get3A_1390 = arith.index_cast %get3A_1389 : i32 to index
        %get3A_1391 = arith.constant 112 : index
        %get3A_1392 = tpu.vector_load %arg25[%get3A_1390, %get3A_1391] {strides = array<i32>} : memref<4x128xf32, #tpu.memory_space<vmem>>, vector<16xf32>,
        %mul3A_1393 = arith.mulf %max3A_1376, %get3A_1392 : vector<16xf32>
        %add3A_1394 = arith.addf %add3A_1356, %mul3A_1393 : vector<16xf32>
        %get3A_1395 = arith.constant 3 : i32
        %get3A_1396 = arith.index_cast %get3A_1395 : i32 to index
        %get3A_1397 = arith.constant 112 : index
        %get3A_1398 = tpu.vector_load %arg25[%get3A_1396, %get3A_1397] {strides = array<i32>} : memref<4x128xf32, #tpu.memory_space<vmem>>, vector<16xf32>,
        %mul3A_1399 = arith.mulf %max3A_1376, %get3A_1398 : vector<16xf32>
        %add3A_1400 = arith.addf %add3A_1362, %mul3A_1399 : vector<16xf32>
        %eq3A_1401 = arith.constant 8 : i32
        %eq3A_1402 = vector.broadcast %eq3A_1401 : i32 to vector<16xi32>
        %eq3A_1403 = arith.cmpi eq, %iota3A, %eq3A_1402 : vector<16xi32>
        %reduce_sum3A_1404 = arith.constant true
        %reduce_sum3A_1405 = vector.broadcast %reduce_sum3A_1404 : i1 to vector<16xi1>
        %reduce_sum3A_1406 = tpu.scan <sum>, %add3A_1382 masked %reduce_sum3A_1405 : vector<16xf32>, vector<16xi1> -> vector<16xf32>
        %reduce_sum3A_1407 = vector.extract %reduce_sum3A_1406[15] : f32 from vector<16xf32>
        %add3A_1408 = vector.broadcast %reduce_sum3A_1407 : f32 to vector<16xf32>
        %add3A_1409 = arith.addf %add3A_1408, %select_n3A_1096 : vector<16xf32>
        %select_n3A_1410 = arith.select %eq3A_1403, %add3A_1409, %select_n3A_1096 : vector<16xi1>, vector<16xf32>
        %eq3A_1411 = arith.constant 9 : i32
        %eq3A_1412 = vector.broadcast %eq3A_1411 : i32 to vector<16xi32>
        %eq3A_1413 = arith.cmpi eq, %iota3A, %eq3A_1412 : vector<16xi32>
        %reduce_sum3A_1414 = arith.constant true
        %reduce_sum3A_1415 = vector.broadcast %reduce_sum3A_1414 : i1 to vector<16xi1>
        %reduce_sum3A_1416 = tpu.scan <sum>, %add3A_1388 masked %reduce_sum3A_1415 : vector<16xf32>, vector<16xi1> -> vector<16xf32>
        %reduce_sum3A_1417 = vector.extract %reduce_sum3A_1416[15] : f32 from vector<16xf32>
        %add3A_1418 = vector.broadcast %reduce_sum3A_1417 : f32 to vector<16xf32>
        %add3A_1419 = arith.addf %add3A_1418, %select_n3A_1410 : vector<16xf32>
        %select_n3A_1420 = arith.select %eq3A_1413, %add3A_1419, %select_n3A_1410 : vector<16xi1>, vector<16xf32>
        %eq3A_1421 = arith.constant 10 : i32
        %eq3A_1422 = vector.broadcast %eq3A_1421 : i32 to vector<16xi32>
        %eq3A_1423 = arith.cmpi eq, %iota3A, %eq3A_1422 : vector<16xi32>
        %reduce_sum3A_1424 = arith.constant true
        %reduce_sum3A_1425 = vector.broadcast %reduce_sum3A_1424 : i1 to vector<16xi1>
        %reduce_sum3A_1426 = tpu.scan <sum>, %add3A_1394 masked %reduce_sum3A_1425 : vector<16xf32>, vector<16xi1> -> vector<16xf32>
        %reduce_sum3A_1427 = vector.extract %reduce_sum3A_1426[15] : f32 from vector<16xf32>
        %add3A_1428 = vector.broadcast %reduce_sum3A_1427 : f32 to vector<16xf32>
        %add3A_1429 = arith.addf %add3A_1428, %select_n3A_1420 : vector<16xf32>
        %select_n3A_1430 = arith.select %eq3A_1423, %add3A_1429, %select_n3A_1420 : vector<16xi1>, vector<16xf32>
        %eq3A_1431 = arith.constant 11 : i32
        %eq3A_1432 = vector.broadcast %eq3A_1431 : i32 to vector<16xi32>
        %eq3A_1433 = arith.cmpi eq, %iota3A, %eq3A_1432 : vector<16xi32>
        %reduce_sum3A_1434 = arith.constant true
        %reduce_sum3A_1435 = vector.broadcast %reduce_sum3A_1434 : i1 to vector<16xi1>
        %reduce_sum3A_1436 = tpu.scan <sum>, %add3A_1400 masked %reduce_sum3A_1435 : vector<16xf32>, vector<16xi1> -> vector<16xf32>
        %reduce_sum3A_1437 = vector.extract %reduce_sum3A_1436[15] : f32 from vector<16xf32>
        %add3A_1438 = vector.broadcast %reduce_sum3A_1437 : f32 to vector<16xf32>
        %add3A_1439 = arith.addf %add3A_1438, %select_n3A_1430 : vector<16xf32>
        %select_n3A_1440 = arith.select %eq3A_1433, %add3A_1439, %select_n3A_1430 : vector<16xi1>, vector<16xf32>
        %mul3A_1441 = arith.constant 4 : i32
        %mul3A_1442 = arith.muli %scan3A_410, %mul3A_1441 : i32
        %add3A_1443 = arith.constant 3 : i32
        %add3A_1444 = arith.addi %mul3A_1442, %add3A_1443 : i32
        %get3A_1445 = arith.index_cast %add3A_1444 : i32 to index
        %get3A_1446 = arith.constant 0 : index
        %get3A_1447 = tpu.vector_load %arg18[%get3A_1445, %get3A_1446] {strides = array<i32>} : memref<128x128xf32, #tpu.memory_space<vmem>>, vector<16xf32>,
        %get3A_1448 = arith.index_cast %add3A_1444 : i32 to index
        %get3A_1449 = arith.constant 0 : index
        %get3A_1450 = tpu.vector_load %arg19[%get3A_1448, %get3A_1449] {strides = array<i32>} : memref<128x128xf32, #tpu.memory_space<vmem>>, vector<16xf32>,
        %add3A_1451 = arith.addf %get3A_1447, %get3A_1450 : vector<16xf32>
        %get3A_1452 = arith.index_cast %add3A_1444 : i32 to index
        %get3A_1453 = arith.constant 0 : index
        %get3A_1454 = tpu.vector_load %arg14[%get3A_1452, %get3A_1453] {strides = array<i32>} : memref<128x128xf32, #tpu.memory_space<vmem>>, vector<16xf32>,
        %add3A_1455 = arith.addf %add3A_1451, %get3A_1454 : vector<16xf32>
        %max3A_1456 = arith.constant 0.000000e+00 : f32
        %max3A_1457 = vector.broadcast %max3A_1456 : f32 to vector<16xf32>
        %max3A_1458 = arith.maximumf %add3A_1455, %max3A_1457 : vector<16xf32>
        %get3A_1459 = arith.constant 0 : i32
        %get3A_1460 = arith.index_cast %get3A_1459 : i32 to index
        %get3A_1461 = arith.constant 0 : index
        %get3A_1462 = tpu.vector_load %arg25[%get3A_1460, %get3A_1461] {strides = array<i32>} : memref<4x128xf32, #tpu.memory_space<vmem>>, vector<16xf32>,
        %mul3A_1463 = arith.mulf %max3A_1458, %get3A_1462 : vector<16xf32>
        %get3A_1464 = arith.constant 1 : i32
        %get3A_1465 = arith.index_cast %get3A_1464 : i32 to index
        %get3A_1466 = arith.constant 0 : index
        %get3A_1467 = tpu.vector_load %arg25[%get3A_1465, %get3A_1466] {strides = array<i32>} : memref<4x128xf32, #tpu.memory_space<vmem>>, vector<16xf32>,
        %mul3A_1468 = arith.mulf %max3A_1458, %get3A_1467 : vector<16xf32>
        %get3A_1469 = arith.constant 2 : i32
        %get3A_1470 = arith.index_cast %get3A_1469 : i32 to index
        %get3A_1471 = arith.constant 0 : index
        %get3A_1472 = tpu.vector_load %arg25[%get3A_1470, %get3A_1471] {strides = array<i32>} : memref<4x128xf32, #tpu.memory_space<vmem>>, vector<16xf32>,
        %mul3A_1473 = arith.mulf %max3A_1458, %get3A_1472 : vector<16xf32>
        %get3A_1474 = arith.constant 3 : i32
        %get3A_1475 = arith.index_cast %get3A_1474 : i32 to index
        %get3A_1476 = arith.constant 0 : index
        %get3A_1477 = tpu.vector_load %arg25[%get3A_1475, %get3A_1476] {strides = array<i32>} : memref<4x128xf32, #tpu.memory_space<vmem>>, vector<16xf32>,
        %mul3A_1478 = arith.mulf %max3A_1458, %get3A_1477 : vector<16xf32>
        %get3A_1479 = arith.index_cast %add3A_1444 : i32 to index
        %get3A_1480 = arith.constant 16 : index
        %get3A_1481 = tpu.vector_load %arg18[%get3A_1479, %get3A_1480] {strides = array<i32>} : memref<128x128xf32, #tpu.memory_space<vmem>>, vector<16xf32>,
        %get3A_1482 = arith.index_cast %add3A_1444 : i32 to index
        %get3A_1483 = arith.constant 16 : index
        %get3A_1484 = tpu.vector_load %arg19[%get3A_1482, %get3A_1483] {strides = array<i32>} : memref<128x128xf32, #tpu.memory_space<vmem>>, vector<16xf32>,
        %add3A_1485 = arith.addf %get3A_1481, %get3A_1484 : vector<16xf32>
        %get3A_1486 = arith.index_cast %add3A_1444 : i32 to index
        %get3A_1487 = arith.constant 16 : index
        %get3A_1488 = tpu.vector_load %arg14[%get3A_1486, %get3A_1487] {strides = array<i32>} : memref<128x128xf32, #tpu.memory_space<vmem>>, vector<16xf32>,
        %add3A_1489 = arith.addf %add3A_1485, %get3A_1488 : vector<16xf32>
        %max3A_1490 = arith.constant 0.000000e+00 : f32
        %max3A_1491 = vector.broadcast %max3A_1490 : f32 to vector<16xf32>
        %max3A_1492 = arith.maximumf %add3A_1489, %max3A_1491 : vector<16xf32>
        %get3A_1493 = arith.constant 0 : i32
        %get3A_1494 = arith.index_cast %get3A_1493 : i32 to index
        %get3A_1495 = arith.constant 16 : index
        %get3A_1496 = tpu.vector_load %arg25[%get3A_1494, %get3A_1495] {strides = array<i32>} : memref<4x128xf32, #tpu.memory_space<vmem>>, vector<16xf32>,
        %mul3A_1497 = arith.mulf %max3A_1492, %get3A_1496 : vector<16xf32>
        %add3A_1498 = arith.addf %mul3A_1463, %mul3A_1497 : vector<16xf32>
        %get3A_1499 = arith.constant 1 : i32
        %get3A_1500 = arith.index_cast %get3A_1499 : i32 to index
        %get3A_1501 = arith.constant 16 : index
        %get3A_1502 = tpu.vector_load %arg25[%get3A_1500, %get3A_1501] {strides = array<i32>} : memref<4x128xf32, #tpu.memory_space<vmem>>, vector<16xf32>,
        %mul3A_1503 = arith.mulf %max3A_1492, %get3A_1502 : vector<16xf32>
        %add3A_1504 = arith.addf %mul3A_1468, %mul3A_1503 : vector<16xf32>
        %get3A_1505 = arith.constant 2 : i32
        %get3A_1506 = arith.index_cast %get3A_1505 : i32 to index
        %get3A_1507 = arith.constant 16 : index
        %get3A_1508 = tpu.vector_load %arg25[%get3A_1506, %get3A_1507] {strides = array<i32>} : memref<4x128xf32, #tpu.memory_space<vmem>>, vector<16xf32>,
        %mul3A_1509 = arith.mulf %max3A_1492, %get3A_1508 : vector<16xf32>
        %add3A_1510 = arith.addf %mul3A_1473, %mul3A_1509 : vector<16xf32>
        %get3A_1511 = arith.constant 3 : i32
        %get3A_1512 = arith.index_cast %get3A_1511 : i32 to index
        %get3A_1513 = arith.constant 16 : index
        %get3A_1514 = tpu.vector_load %arg25[%get3A_1512, %get3A_1513] {strides = array<i32>} : memref<4x128xf32, #tpu.memory_space<vmem>>, vector<16xf32>,
        %mul3A_1515 = arith.mulf %max3A_1492, %get3A_1514 : vector<16xf32>
        %add3A_1516 = arith.addf %mul3A_1478, %mul3A_1515 : vector<16xf32>
        %get3A_1517 = arith.index_cast %add3A_1444 : i32 to index
        %get3A_1518 = arith.constant 32 : index
        %get3A_1519 = tpu.vector_load %arg18[%get3A_1517, %get3A_1518] {strides = array<i32>} : memref<128x128xf32, #tpu.memory_space<vmem>>, vector<16xf32>,
        %get3A_1520 = arith.index_cast %add3A_1444 : i32 to index
        %get3A_1521 = arith.constant 32 : index
        %get3A_1522 = tpu.vector_load %arg19[%get3A_1520, %get3A_1521] {strides = array<i32>} : memref<128x128xf32, #tpu.memory_space<vmem>>, vector<16xf32>,
        %add3A_1523 = arith.addf %get3A_1519, %get3A_1522 : vector<16xf32>
        %get3A_1524 = arith.index_cast %add3A_1444 : i32 to index
        %get3A_1525 = arith.constant 32 : index
        %get3A_1526 = tpu.vector_load %arg14[%get3A_1524, %get3A_1525] {strides = array<i32>} : memref<128x128xf32, #tpu.memory_space<vmem>>, vector<16xf32>,
        %add3A_1527 = arith.addf %add3A_1523, %get3A_1526 : vector<16xf32>
        %max3A_1528 = arith.constant 0.000000e+00 : f32
        %max3A_1529 = vector.broadcast %max3A_1528 : f32 to vector<16xf32>
        %max3A_1530 = arith.maximumf %add3A_1527, %max3A_1529 : vector<16xf32>
        %get3A_1531 = arith.constant 0 : i32
        %get3A_1532 = arith.index_cast %get3A_1531 : i32 to index
        %get3A_1533 = arith.constant 32 : index
        %get3A_1534 = tpu.vector_load %arg25[%get3A_1532, %get3A_1533] {strides = array<i32>} : memref<4x128xf32, #tpu.memory_space<vmem>>, vector<16xf32>,
        %mul3A_1535 = arith.mulf %max3A_1530, %get3A_1534 : vector<16xf32>
        %add3A_1536 = arith.addf %add3A_1498, %mul3A_1535 : vector<16xf32>
        %get3A_1537 = arith.constant 1 : i32
        %get3A_1538 = arith.index_cast %get3A_1537 : i32 to index
        %get3A_1539 = arith.constant 32 : index
        %get3A_1540 = tpu.vector_load %arg25[%get3A_1538, %get3A_1539] {strides = array<i32>} : memref<4x128xf32, #tpu.memory_space<vmem>>, vector<16xf32>,
        %mul3A_1541 = arith.mulf %max3A_1530, %get3A_1540 : vector<16xf32>
        %add3A_1542 = arith.addf %add3A_1504, %mul3A_1541 : vector<16xf32>
        %get3A_1543 = arith.constant 2 : i32
        %get3A_1544 = arith.index_cast %get3A_1543 : i32 to index
        %get3A_1545 = arith.constant 32 : index
        %get3A_1546 = tpu.vector_load %arg25[%get3A_1544, %get3A_1545] {strides = array<i32>} : memref<4x128xf32, #tpu.memory_space<vmem>>, vector<16xf32>,
        %mul3A_1547 = arith.mulf %max3A_1530, %get3A_1546 : vector<16xf32>
        %add3A_1548 = arith.addf %add3A_1510, %mul3A_1547 : vector<16xf32>
        %get3A_1549 = arith.constant 3 : i32
        %get3A_1550 = arith.index_cast %get3A_1549 : i32 to index
        %get3A_1551 = arith.constant 32 : index
        %get3A_1552 = tpu.vector_load %arg25[%get3A_1550, %get3A_1551] {strides = array<i32>} : memref<4x128xf32, #tpu.memory_space<vmem>>, vector<16xf32>,
        %mul3A_1553 = arith.mulf %max3A_1530, %get3A_1552 : vector<16xf32>
        %add3A_1554 = arith.addf %add3A_1516, %mul3A_1553 : vector<16xf32>
        %get3A_1555 = arith.index_cast %add3A_1444 : i32 to index
        %get3A_1556 = arith.constant 48 : index
        %get3A_1557 = tpu.vector_load %arg18[%get3A_1555, %get3A_1556] {strides = array<i32>} : memref<128x128xf32, #tpu.memory_space<vmem>>, vector<16xf32>,
        %get3A_1558 = arith.index_cast %add3A_1444 : i32 to index
        %get3A_1559 = arith.constant 48 : index
        %get3A_1560 = tpu.vector_load %arg19[%get3A_1558, %get3A_1559] {strides = array<i32>} : memref<128x128xf32, #tpu.memory_space<vmem>>, vector<16xf32>,
        %add3A_1561 = arith.addf %get3A_1557, %get3A_1560 : vector<16xf32>
        %get3A_1562 = arith.index_cast %add3A_1444 : i32 to index
        %get3A_1563 = arith.constant 48 : index
        %get3A_1564 = tpu.vector_load %arg14[%get3A_1562, %get3A_1563] {strides = array<i32>} : memref<128x128xf32, #tpu.memory_space<vmem>>, vector<16xf32>,
        %add3A_1565 = arith.addf %add3A_1561, %get3A_1564 : vector<16xf32>
        %max3A_1566 = arith.constant 0.000000e+00 : f32
        %max3A_1567 = vector.broadcast %max3A_1566 : f32 to vector<16xf32>
        %max3A_1568 = arith.maximumf %add3A_1565, %max3A_1567 : vector<16xf32>
        %get3A_1569 = arith.constant 0 : i32
        %get3A_1570 = arith.index_cast %get3A_1569 : i32 to index
        %get3A_1571 = arith.constant 48 : index
        %get3A_1572 = tpu.vector_load %arg25[%get3A_1570, %get3A_1571] {strides = array<i32>} : memref<4x128xf32, #tpu.memory_space<vmem>>, vector<16xf32>,
        %mul3A_1573 = arith.mulf %max3A_1568, %get3A_1572 : vector<16xf32>
        %add3A_1574 = arith.addf %add3A_1536, %mul3A_1573 : vector<16xf32>
        %get3A_1575 = arith.constant 1 : i32
        %get3A_1576 = arith.index_cast %get3A_1575 : i32 to index
        %get3A_1577 = arith.constant 48 : index
        %get3A_1578 = tpu.vector_load %arg25[%get3A_1576, %get3A_1577] {strides = array<i32>} : memref<4x128xf32, #tpu.memory_space<vmem>>, vector<16xf32>,
        %mul3A_1579 = arith.mulf %max3A_1568, %get3A_1578 : vector<16xf32>
        %add3A_1580 = arith.addf %add3A_1542, %mul3A_1579 : vector<16xf32>
        %get3A_1581 = arith.constant 2 : i32
        %get3A_1582 = arith.index_cast %get3A_1581 : i32 to index
        %get3A_1583 = arith.constant 48 : index
        %get3A_1584 = tpu.vector_load %arg25[%get3A_1582, %get3A_1583] {strides = array<i32>} : memref<4x128xf32, #tpu.memory_space<vmem>>, vector<16xf32>,
        %mul3A_1585 = arith.mulf %max3A_1568, %get3A_1584 : vector<16xf32>
        %add3A_1586 = arith.addf %add3A_1548, %mul3A_1585 : vector<16xf32>
        %get3A_1587 = arith.constant 3 : i32
        %get3A_1588 = arith.index_cast %get3A_1587 : i32 to index
        %get3A_1589 = arith.constant 48 : index
        %get3A_1590 = tpu.vector_load %arg25[%get3A_1588, %get3A_1589] {strides = array<i32>} : memref<4x128xf32, #tpu.memory_space<vmem>>, vector<16xf32>,
        %mul3A_1591 = arith.mulf %max3A_1568, %get3A_1590 : vector<16xf32>
        %add3A_1592 = arith.addf %add3A_1554, %mul3A_1591 : vector<16xf32>
        %get3A_1593 = arith.index_cast %add3A_1444 : i32 to index
        %get3A_1594 = arith.constant 64 : index
        %get3A_1595 = tpu.vector_load %arg18[%get3A_1593, %get3A_1594] {strides = array<i32>} : memref<128x128xf32, #tpu.memory_space<vmem>>, vector<16xf32>,
        %get3A_1596 = arith.index_cast %add3A_1444 : i32 to index
        %get3A_1597 = arith.constant 64 : index
        %get3A_1598 = tpu.vector_load %arg19[%get3A_1596, %get3A_1597] {strides = array<i32>} : memref<128x128xf32, #tpu.memory_space<vmem>>, vector<16xf32>,
        %add3A_1599 = arith.addf %get3A_1595, %get3A_1598 : vector<16xf32>
        %get3A_1600 = arith.index_cast %add3A_1444 : i32 to index
        %get3A_1601 = arith.constant 64 : index
        %get3A_1602 = tpu.vector_load %arg14[%get3A_1600, %get3A_1601] {strides = array<i32>} : memref<128x128xf32, #tpu.memory_space<vmem>>, vector<16xf32>,
        %add3A_1603 = arith.addf %add3A_1599, %get3A_1602 : vector<16xf32>
        %max3A_1604 = arith.constant 0.000000e+00 : f32
        %max3A_1605 = vector.broadcast %max3A_1604 : f32 to vector<16xf32>
        %max3A_1606 = arith.maximumf %add3A_1603, %max3A_1605 : vector<16xf32>
        %get3A_1607 = arith.constant 0 : i32
        %get3A_1608 = arith.index_cast %get3A_1607 : i32 to index
        %get3A_1609 = arith.constant 64 : index
        %get3A_1610 = tpu.vector_load %arg25[%get3A_1608, %get3A_1609] {strides = array<i32>} : memref<4x128xf32, #tpu.memory_space<vmem>>, vector<16xf32>,
        %mul3A_1611 = arith.mulf %max3A_1606, %get3A_1610 : vector<16xf32>
        %add3A_1612 = arith.addf %add3A_1574, %mul3A_1611 : vector<16xf32>
        %get3A_1613 = arith.constant 1 : i32
        %get3A_1614 = arith.index_cast %get3A_1613 : i32 to index
        %get3A_1615 = arith.constant 64 : index
        %get3A_1616 = tpu.vector_load %arg25[%get3A_1614, %get3A_1615] {strides = array<i32>} : memref<4x128xf32, #tpu.memory_space<vmem>>, vector<16xf32>,
        %mul3A_1617 = arith.mulf %max3A_1606, %get3A_1616 : vector<16xf32>
        %add3A_1618 = arith.addf %add3A_1580, %mul3A_1617 : vector<16xf32>
        %get3A_1619 = arith.constant 2 : i32
        %get3A_1620 = arith.index_cast %get3A_1619 : i32 to index
        %get3A_1621 = arith.constant 64 : index
        %get3A_1622 = tpu.vector_load %arg25[%get3A_1620, %get3A_1621] {strides = array<i32>} : memref<4x128xf32, #tpu.memory_space<vmem>>, vector<16xf32>,
        %mul3A_1623 = arith.mulf %max3A_1606, %get3A_1622 : vector<16xf32>
        %add3A_1624 = arith.addf %add3A_1586, %mul3A_1623 : vector<16xf32>
        %get3A_1625 = arith.constant 3 : i32
        %get3A_1626 = arith.index_cast %get3A_1625 : i32 to index
        %get3A_1627 = arith.constant 64 : index
        %get3A_1628 = tpu.vector_load %arg25[%get3A_1626, %get3A_1627] {strides = array<i32>} : memref<4x128xf32, #tpu.memory_space<vmem>>, vector<16xf32>,
        %mul3A_1629 = arith.mulf %max3A_1606, %get3A_1628 : vector<16xf32>
        %add3A_1630 = arith.addf %add3A_1592, %mul3A_1629 : vector<16xf32>
        %get3A_1631 = arith.index_cast %add3A_1444 : i32 to index
        %get3A_1632 = arith.constant 80 : index
        %get3A_1633 = tpu.vector_load %arg18[%get3A_1631, %get3A_1632] {strides = array<i32>} : memref<128x128xf32, #tpu.memory_space<vmem>>, vector<16xf32>,
        %get3A_1634 = arith.index_cast %add3A_1444 : i32 to index
        %get3A_1635 = arith.constant 80 : index
        %get3A_1636 = tpu.vector_load %arg19[%get3A_1634, %get3A_1635] {strides = array<i32>} : memref<128x128xf32, #tpu.memory_space<vmem>>, vector<16xf32>,
        %add3A_1637 = arith.addf %get3A_1633, %get3A_1636 : vector<16xf32>
        %get3A_1638 = arith.index_cast %add3A_1444 : i32 to index
        %get3A_1639 = arith.constant 80 : index
        %get3A_1640 = tpu.vector_load %arg14[%get3A_1638, %get3A_1639] {strides = array<i32>} : memref<128x128xf32, #tpu.memory_space<vmem>>, vector<16xf32>,
        %add3A_1641 = arith.addf %add3A_1637, %get3A_1640 : vector<16xf32>
        %max3A_1642 = arith.constant 0.000000e+00 : f32
        %max3A_1643 = vector.broadcast %max3A_1642 : f32 to vector<16xf32>
        %max3A_1644 = arith.maximumf %add3A_1641, %max3A_1643 : vector<16xf32>
        %get3A_1645 = arith.constant 0 : i32
        %get3A_1646 = arith.index_cast %get3A_1645 : i32 to index
        %get3A_1647 = arith.constant 80 : index
        %get3A_1648 = tpu.vector_load %arg25[%get3A_1646, %get3A_1647] {strides = array<i32>} : memref<4x128xf32, #tpu.memory_space<vmem>>, vector<16xf32>,
        %mul3A_1649 = arith.mulf %max3A_1644, %get3A_1648 : vector<16xf32>
        %add3A_1650 = arith.addf %add3A_1612, %mul3A_1649 : vector<16xf32>
        %get3A_1651 = arith.constant 1 : i32
        %get3A_1652 = arith.index_cast %get3A_1651 : i32 to index
        %get3A_1653 = arith.constant 80 : index
        %get3A_1654 = tpu.vector_load %arg25[%get3A_1652, %get3A_1653] {strides = array<i32>} : memref<4x128xf32, #tpu.memory_space<vmem>>, vector<16xf32>,
        %mul3A_1655 = arith.mulf %max3A_1644, %get3A_1654 : vector<16xf32>
        %add3A_1656 = arith.addf %add3A_1618, %mul3A_1655 : vector<16xf32>
        %get3A_1657 = arith.constant 2 : i32
        %get3A_1658 = arith.index_cast %get3A_1657 : i32 to index
        %get3A_1659 = arith.constant 80 : index
        %get3A_1660 = tpu.vector_load %arg25[%get3A_1658, %get3A_1659] {strides = array<i32>} : memref<4x128xf32, #tpu.memory_space<vmem>>, vector<16xf32>,
        %mul3A_1661 = arith.mulf %max3A_1644, %get3A_1660 : vector<16xf32>
        %add3A_1662 = arith.addf %add3A_1624, %mul3A_1661 : vector<16xf32>
        %get3A_1663 = arith.constant 3 : i32
        %get3A_1664 = arith.index_cast %get3A_1663 : i32 to index
        %get3A_1665 = arith.constant 80 : index
        %get3A_1666 = tpu.vector_load %arg25[%get3A_1664, %get3A_1665] {strides = array<i32>} : memref<4x128xf32, #tpu.memory_space<vmem>>, vector<16xf32>,
        %mul3A_1667 = arith.mulf %max3A_1644, %get3A_1666 : vector<16xf32>
        %add3A_1668 = arith.addf %add3A_1630, %mul3A_1667 : vector<16xf32>
        %get3A_1669 = arith.index_cast %add3A_1444 : i32 to index
        %get3A_1670 = arith.constant 96 : index
        %get3A_1671 = tpu.vector_load %arg18[%get3A_1669, %get3A_1670] {strides = array<i32>} : memref<128x128xf32, #tpu.memory_space<vmem>>, vector<16xf32>,
        %get3A_1672 = arith.index_cast %add3A_1444 : i32 to index
        %get3A_1673 = arith.constant 96 : index
        %get3A_1674 = tpu.vector_load %arg19[%get3A_1672, %get3A_1673] {strides = array<i32>} : memref<128x128xf32, #tpu.memory_space<vmem>>, vector<16xf32>,
        %add3A_1675 = arith.addf %get3A_1671, %get3A_1674 : vector<16xf32>
        %get3A_1676 = arith.index_cast %add3A_1444 : i32 to index
        %get3A_1677 = arith.constant 96 : index
        %get3A_1678 = tpu.vector_load %arg14[%get3A_1676, %get3A_1677] {strides = array<i32>} : memref<128x128xf32, #tpu.memory_space<vmem>>, vector<16xf32>,
        %add3A_1679 = arith.addf %add3A_1675, %get3A_1678 : vector<16xf32>
        %max3A_1680 = arith.constant 0.000000e+00 : f32
        %max3A_1681 = vector.broadcast %max3A_1680 : f32 to vector<16xf32>
        %max3A_1682 = arith.maximumf %add3A_1679, %max3A_1681 : vector<16xf32>
        %get3A_1683 = arith.constant 0 : i32
        %get3A_1684 = arith.index_cast %get3A_1683 : i32 to index
        %get3A_1685 = arith.constant 96 : index
        %get3A_1686 = tpu.vector_load %arg25[%get3A_1684, %get3A_1685] {strides = array<i32>} : memref<4x128xf32, #tpu.memory_space<vmem>>, vector<16xf32>,
        %mul3A_1687 = arith.mulf %max3A_1682, %get3A_1686 : vector<16xf32>
        %add3A_1688 = arith.addf %add3A_1650, %mul3A_1687 : vector<16xf32>
        %get3A_1689 = arith.constant 1 : i32
        %get3A_1690 = arith.index_cast %get3A_1689 : i32 to index
        %get3A_1691 = arith.constant 96 : index
        %get3A_1692 = tpu.vector_load %arg25[%get3A_1690, %get3A_1691] {strides = array<i32>} : memref<4x128xf32, #tpu.memory_space<vmem>>, vector<16xf32>,
        %mul3A_1693 = arith.mulf %max3A_1682, %get3A_1692 : vector<16xf32>
        %add3A_1694 = arith.addf %add3A_1656, %mul3A_1693 : vector<16xf32>
        %get3A_1695 = arith.constant 2 : i32
        %get3A_1696 = arith.index_cast %get3A_1695 : i32 to index
        %get3A_1697 = arith.constant 96 : index
        %get3A_1698 = tpu.vector_load %arg25[%get3A_1696, %get3A_1697] {strides = array<i32>} : memref<4x128xf32, #tpu.memory_space<vmem>>, vector<16xf32>,
        %mul3A_1699 = arith.mulf %max3A_1682, %get3A_1698 : vector<16xf32>
        %add3A_1700 = arith.addf %add3A_1662, %mul3A_1699 : vector<16xf32>
        %get3A_1701 = arith.constant 3 : i32
        %get3A_1702 = arith.index_cast %get3A_1701 : i32 to index
        %get3A_1703 = arith.constant 96 : index
        %get3A_1704 = tpu.vector_load %arg25[%get3A_1702, %get3A_1703] {strides = array<i32>} : memref<4x128xf32, #tpu.memory_space<vmem>>, vector<16xf32>,
        %mul3A_1705 = arith.mulf %max3A_1682, %get3A_1704 : vector<16xf32>
        %add3A_1706 = arith.addf %add3A_1668, %mul3A_1705 : vector<16xf32>
        %get3A_1707 = arith.index_cast %add3A_1444 : i32 to index
        %get3A_1708 = arith.constant 112 : index
        %get3A_1709 = tpu.vector_load %arg18[%get3A_1707, %get3A_1708] {strides = array<i32>} : memref<128x128xf32, #tpu.memory_space<vmem>>, vector<16xf32>,
        %get3A_1710 = arith.index_cast %add3A_1444 : i32 to index
        %get3A_1711 = arith.constant 112 : index
        %get3A_1712 = tpu.vector_load %arg19[%get3A_1710, %get3A_1711] {strides = array<i32>} : memref<128x128xf32, #tpu.memory_space<vmem>>, vector<16xf32>,
        %add3A_1713 = arith.addf %get3A_1709, %get3A_1712 : vector<16xf32>
        %get3A_1714 = arith.index_cast %add3A_1444 : i32 to index
        %get3A_1715 = arith.constant 112 : index
        %get3A_1716 = tpu.vector_load %arg14[%get3A_1714, %get3A_1715] {strides = array<i32>} : memref<128x128xf32, #tpu.memory_space<vmem>>, vector<16xf32>,
        %add3A_1717 = arith.addf %add3A_1713, %get3A_1716 : vector<16xf32>
        %max3A_1718 = arith.constant 0.000000e+00 : f32
        %max3A_1719 = vector.broadcast %max3A_1718 : f32 to vector<16xf32>
        %max3A_1720 = arith.maximumf %add3A_1717, %max3A_1719 : vector<16xf32>
        %get3A_1721 = arith.constant 0 : i32
        %get3A_1722 = arith.index_cast %get3A_1721 : i32 to index
        %get3A_1723 = arith.constant 112 : index
        %get3A_1724 = tpu.vector_load %arg25[%get3A_1722, %get3A_1723] {strides = array<i32>} : memref<4x128xf32, #tpu.memory_space<vmem>>, vector<16xf32>,
        %mul3A_1725 = arith.mulf %max3A_1720, %get3A_1724 : vector<16xf32>
        %add3A_1726 = arith.addf %add3A_1688, %mul3A_1725 : vector<16xf32>
        %get3A_1727 = arith.constant 1 : i32
        %get3A_1728 = arith.index_cast %get3A_1727 : i32 to index
        %get3A_1729 = arith.constant 112 : index
        %get3A_1730 = tpu.vector_load %arg25[%get3A_1728, %get3A_1729] {strides = array<i32>} : memref<4x128xf32, #tpu.memory_space<vmem>>, vector<16xf32>,
        %mul3A_1731 = arith.mulf %max3A_1720, %get3A_1730 : vector<16xf32>
        %add3A_1732 = arith.addf %add3A_1694, %mul3A_1731 : vector<16xf32>
        %get3A_1733 = arith.constant 2 : i32
        %get3A_1734 = arith.index_cast %get3A_1733 : i32 to index
        %get3A_1735 = arith.constant 112 : index
        %get3A_1736 = tpu.vector_load %arg25[%get3A_1734, %get3A_1735] {strides = array<i32>} : memref<4x128xf32, #tpu.memory_space<vmem>>, vector<16xf32>,
        %mul3A_1737 = arith.mulf %max3A_1720, %get3A_1736 : vector<16xf32>
        %add3A_1738 = arith.addf %add3A_1700, %mul3A_1737 : vector<16xf32>
        %get3A_1739 = arith.constant 3 : i32
        %get3A_1740 = arith.index_cast %get3A_1739 : i32 to index
        %get3A_1741 = arith.constant 112 : index
        %get3A_1742 = tpu.vector_load %arg25[%get3A_1740, %get3A_1741] {strides = array<i32>} : memref<4x128xf32, #tpu.memory_space<vmem>>, vector<16xf32>,
        %mul3A_1743 = arith.mulf %max3A_1720, %get3A_1742 : vector<16xf32>
        %add3A_1744 = arith.addf %add3A_1706, %mul3A_1743 : vector<16xf32>
        %eq3A_1745 = arith.constant 12 : i32
        %eq3A_1746 = vector.broadcast %eq3A_1745 : i32 to vector<16xi32>
        %eq3A_1747 = arith.cmpi eq, %iota3A, %eq3A_1746 : vector<16xi32>
        %reduce_sum3A_1748 = arith.constant true
        %reduce_sum3A_1749 = vector.broadcast %reduce_sum3A_1748 : i1 to vector<16xi1>
        %reduce_sum3A_1750 = tpu.scan <sum>, %add3A_1726 masked %reduce_sum3A_1749 : vector<16xf32>, vector<16xi1> -> vector<16xf32>
        %reduce_sum3A_1751 = vector.extract %reduce_sum3A_1750[15] : f32 from vector<16xf32>
        %add3A_1752 = vector.broadcast %reduce_sum3A_1751 : f32 to vector<16xf32>
        %add3A_1753 = arith.addf %add3A_1752, %select_n3A_1440 : vector<16xf32>
        %select_n3A_1754 = arith.select %eq3A_1747, %add3A_1753, %select_n3A_1440 : vector<16xi1>, vector<16xf32>
        %eq3A_1755 = arith.constant 13 : i32
        %eq3A_1756 = vector.broadcast %eq3A_1755 : i32 to vector<16xi32>
        %eq3A_1757 = arith.cmpi eq, %iota3A, %eq3A_1756 : vector<16xi32>
        %reduce_sum3A_1758 = arith.constant true
        %reduce_sum3A_1759 = vector.broadcast %reduce_sum3A_1758 : i1 to vector<16xi1>
        %reduce_sum3A_1760 = tpu.scan <sum>, %add3A_1732 masked %reduce_sum3A_1759 : vector<16xf32>, vector<16xi1> -> vector<16xf32>
        %reduce_sum3A_1761 = vector.extract %reduce_sum3A_1760[15] : f32 from vector<16xf32>
        %add3A_1762 = vector.broadcast %reduce_sum3A_1761 : f32 to vector<16xf32>
        %add3A_1763 = arith.addf %add3A_1762, %select_n3A_1754 : vector<16xf32>
        %select_n3A_1764 = arith.select %eq3A_1757, %add3A_1763, %select_n3A_1754 : vector<16xi1>, vector<16xf32>
        %eq3A_1765 = arith.constant 14 : i32
        %eq3A_1766 = vector.broadcast %eq3A_1765 : i32 to vector<16xi32>
        %eq3A_1767 = arith.cmpi eq, %iota3A, %eq3A_1766 : vector<16xi32>
        %reduce_sum3A_1768 = arith.constant true
        %reduce_sum3A_1769 = vector.broadcast %reduce_sum3A_1768 : i1 to vector<16xi1>
        %reduce_sum3A_1770 = tpu.scan <sum>, %add3A_1738 masked %reduce_sum3A_1769 : vector<16xf32>, vector<16xi1> -> vector<16xf32>
        %reduce_sum3A_1771 = vector.extract %reduce_sum3A_1770[15] : f32 from vector<16xf32>
        %add3A_1772 = vector.broadcast %reduce_sum3A_1771 : f32 to vector<16xf32>
        %add3A_1773 = arith.addf %add3A_1772, %select_n3A_1764 : vector<16xf32>
        %select_n3A_1774 = arith.select %eq3A_1767, %add3A_1773, %select_n3A_1764 : vector<16xi1>, vector<16xf32>
        %eq3A_1775 = arith.constant 15 : i32
        %eq3A_1776 = vector.broadcast %eq3A_1775 : i32 to vector<16xi32>
        %eq3A_1777 = arith.cmpi eq, %iota3A, %eq3A_1776 : vector<16xi32>
        %reduce_sum3A_1778 = arith.constant true
        %reduce_sum3A_1779 = vector.broadcast %reduce_sum3A_1778 : i1 to vector<16xi1>
        %reduce_sum3A_1780 = tpu.scan <sum>, %add3A_1744 masked %reduce_sum3A_1779 : vector<16xf32>, vector<16xi1> -> vector<16xf32>
        %reduce_sum3A_1781 = vector.extract %reduce_sum3A_1780[15] : f32 from vector<16xf32>
        %add3A_1782 = vector.broadcast %reduce_sum3A_1781 : f32 to vector<16xf32>
        %add3A_1783 = arith.addf %add3A_1782, %select_n3A_1774 : vector<16xf32>
        %select_n3A_1784 = arith.select %eq3A_1777, %add3A_1783, %select_n3A_1774 : vector<16xi1>, vector<16xf32>
        %mul3A_1785 = arith.constant 4 : i32
        %mul3A_1786 = arith.muli %scan3A_410, %mul3A_1785 : i32
        %add3A_1787 = vector.broadcast %mul3A_1786 : i32 to vector<16xi32>
        %add3A_1788 = arith.addi %add3A_1787, %select_n3A : vector<16xi32>
        tpu.vector_store_idx %arg22[%add3A_1788, %select_n3A_43], %select_n3A_1784 : memref<128x4xf32, #tpu.memory_space<vmem>>[vector<16xi32>, vector<16xi32>], vector<16xf32>,
        %mul3A_1789 = arith.constant 4 : i32
        %mul3A_1790 = arith.muli %scan3A_410, %mul3A_1789 : i32
        %add3A_1791 = vector.broadcast %mul3A_1790 : i32 to vector<16xi32>
        %add3A_1792 = arith.addi %add3A_1791, %select_n3A : vector<16xi32>
        tpu.vector_store_idx %arg24[%add3A_1792, %select_n3A_43], %select_n3A_1784 : memref<128x8xf32, #tpu.memory_space<vmem>>[vector<16xi32>, vector<16xi32>], vector<16xf32>,
      }
      %scan3A_405 = arith.constant 32 : i32
      %add3A_406 = arith.constant 2496 : i32
      %add3A_407 = arith.addi %add3A, %add3A_406 : i32
      %mul3A_408 = arith.constant 128 : i32
      %mul3A_409 = arith.muli %add3A_407, %mul3A_408 : i32
      "tpu.region"() ({
        %run_scoped3A = tpu.sem_alloc : memref<!tpu.dma_semaphore, #tpu.memory_space<semaphore_mem>>
        %dma_start3A_410 = arith.constant 0 : i32
        %dma_start3A_411 = tpu.memref_slice %arg10[%mul3A_409, %dma_start3A_410] : memref<320000x4xf32, #tpu.memory_space<hbm>> -> memref<128x4xf32, #tpu.memory_space<hbm>>
        %dma_start3A_412 = arith.constant 0 : i32
        %dma_start3A_413 = tpu.memref_slice %arg10[%mul3A_409, %dma_start3A_412] : memref<320000x4xf32, #tpu.memory_space<hbm>> -> memref<128x4xf32, #tpu.memory_space<hbm>>
        tpu.enqueue_dma source(%arg22 : memref<128x4xf32, #tpu.memory_space<vmem>>) target(%dma_start3A_413 : memref<128x4xf32, #tpu.memory_space<hbm>>) target_semaphore(%run_scoped3A : memref<!tpu.dma_semaphore, #tpu.memory_space<semaphore_mem>>)
        %dma_wait3A_414 = arith.constant 0 : i32
        %dma_wait3A_415 = tpu.memref_slice %arg10[%mul3A_409, %dma_wait3A_414] : memref<320000x4xf32, #tpu.memory_space<hbm>> -> memref<128x4xf32, #tpu.memory_space<hbm>>
        %dma_wait3A_416 = arith.constant 0 : i32
        %dma_wait3A_417 = tpu.memref_slice %arg10[%mul3A_409, %dma_wait3A_416] : memref<320000x4xf32, #tpu.memory_space<hbm>> -> memref<128x4xf32, #tpu.memory_space<hbm>>
        tpu.wait_dma2 semaphore(%run_scoped3A : memref<!tpu.dma_semaphore, #tpu.memory_space<semaphore_mem>>) src(%arg22 : memref<128x4xf32, #tpu.memory_space<vmem>>) dst(%dma_wait3A_417 : memref<128x4xf32, #tpu.memory_space<hbm>>)
        tpu.yield
      }) : () -> ()
      "tpu.region"() ({
        %run_scoped3A = tpu.sem_alloc : memref<!tpu.dma_semaphore, #tpu.memory_space<semaphore_mem>>
        %dma_start3A_410 = arith.constant 0 : i32
        %dma_start3A_411 = arith.constant 0 : i32
        %dma_start3A_412 = tpu.memref_slice %arg28[%dma_start3A_410, %dma_start3A_411] : memref<10240x8xf32, #tpu.memory_space<vmem_shared>> -> memref<10240x8xf32, #tpu.memory_space<vmem_shared>>
        tpu.enqueue_indirect_dma source(%arg24 : memref<128x8xf32, #tpu.memory_space<vmem>>) target(%dma_start3A_412 : memref<10240x8xf32, #tpu.memory_space<vmem_shared>>) offsets(%arg12 : memref<128xi32, #tpu.memory_space<vmem>>) semaphore(%run_scoped3A : memref<!tpu.dma_semaphore, #tpu.memory_space<semaphore_mem>>) {add = true}
        %dma_wait3A_413 = arith.constant 0 : i32
        %dma_wait3A_414 = arith.constant 0 : i32
        %dma_wait3A_415 = tpu.memref_slice %arg28[%dma_wait3A_413, %dma_wait3A_414] : memref<10240x8xf32, #tpu.memory_space<vmem_shared>> -> memref<10240x8xf32, #tpu.memory_space<vmem_shared>>
        tpu.wait_indirect_dma semaphore(%run_scoped3A : memref<!tpu.dma_semaphore, #tpu.memory_space<semaphore_mem>>) src(%arg24 : memref<128x8xf32, #tpu.memory_space<vmem>>) dst(%dma_wait3A_415 : memref<10240x8xf32, #tpu.memory_space<vmem_shared>>)
        tpu.yield
      }) : () -> ()
    } else {
    }
    %barrier3A_363 = arith.constant 0 : index
    tpu.barrier barrier_id(%barrier3A_363)
    "tpu.region"() ({
      %run_scoped3A = tpu.sem_alloc : memref<!tpu.dma_semaphore, #tpu.memory_space<semaphore_mem>>
      %dma_start3A_364 = arith.constant 0 : i32
      %dma_start3A_365 = tpu.memref_slice %arg28[%mul3A_297, %dma_start3A_364] : memref<10240x8xf32, #tpu.memory_space<vmem_shared>> -> memref<640x8xf32, #tpu.memory_space<vmem_shared>>
      %dma_start3A_366 = arith.constant 0 : i32
      %dma_start3A_367 = tpu.memref_slice %arg28[%mul3A_297, %dma_start3A_366] : memref<10240x8xf32, #tpu.memory_space<vmem_shared>> -> memref<640x8xf32, #tpu.memory_space<vmem_shared>>
      tpu.enqueue_dma source(%dma_start3A_367 : memref<640x8xf32, #tpu.memory_space<vmem_shared>>) target(%arg27 : memref<640x8xf32, #tpu.memory_space<vmem>>) target_semaphore(%run_scoped3A : memref<!tpu.dma_semaphore, #tpu.memory_space<semaphore_mem>>)
      %dma_wait3A_368 = arith.constant 0 : i32
      %dma_wait3A_369 = tpu.memref_slice %arg28[%mul3A_297, %dma_wait3A_368] : memref<10240x8xf32, #tpu.memory_space<vmem_shared>> -> memref<640x8xf32, #tpu.memory_space<vmem_shared>>
      %dma_wait3A_370 = arith.constant 0 : i32
      %dma_wait3A_371 = tpu.memref_slice %arg28[%mul3A_297, %dma_wait3A_370] : memref<10240x8xf32, #tpu.memory_space<vmem_shared>> -> memref<640x8xf32, #tpu.memory_space<vmem_shared>>
      tpu.wait_dma2 semaphore(%run_scoped3A : memref<!tpu.dma_semaphore, #tpu.memory_space<semaphore_mem>>) src(%dma_wait3A_371 : memref<640x8xf32, #tpu.memory_space<vmem_shared>>) dst(%arg27 : memref<640x8xf32, #tpu.memory_space<vmem>>)
      tpu.yield
    }) : () -> ()
    "tpu.region"() ({
      %run_scoped3A = tpu.sem_alloc : memref<!tpu.dma_semaphore, #tpu.memory_space<semaphore_mem>>
      %dma_start3A_364 = arith.constant 0 : i32
      %dma_start3A_365 = tpu.memref_slice %arg11[%arg0, %mul3A_297, %dma_start3A_364] : memref<2x10240x8xf32, #tpu.memory_space<hbm>> -> memref<1x640x8xf32, #tpu.memory_space<hbm>>
      %dma_start3A_366 = tpu.memref_squeeze %dma_start3A_365 : memref<1x640x8xf32, #tpu.memory_space<hbm>> -> memref<640x8xf32, #tpu.memory_space<hbm>>
      %dma_start3A_367 = arith.constant 0 : i32
      %dma_start3A_368 = tpu.memref_slice %arg11[%arg0, %mul3A_297, %dma_start3A_367] : memref<2x10240x8xf32, #tpu.memory_space<hbm>> -> memref<1x640x8xf32, #tpu.memory_space<hbm>>
      %dma_start3A_369 = tpu.memref_squeeze %dma_start3A_368 : memref<1x640x8xf32, #tpu.memory_space<hbm>> -> memref<640x8xf32, #tpu.memory_space<hbm>>
      tpu.enqueue_dma source(%arg27 : memref<640x8xf32, #tpu.memory_space<vmem>>) target(%dma_start3A_369 : memref<640x8xf32, #tpu.memory_space<hbm>>) target_semaphore(%run_scoped3A : memref<!tpu.dma_semaphore, #tpu.memory_space<semaphore_mem>>)
      %dma_wait3A_370 = arith.constant 0 : i32
      %dma_wait3A_371 = tpu.memref_slice %arg11[%arg0, %mul3A_297, %dma_wait3A_370] : memref<2x10240x8xf32, #tpu.memory_space<hbm>> -> memref<1x640x8xf32, #tpu.memory_space<hbm>>
      %dma_wait3A_372 = tpu.memref_squeeze %dma_wait3A_371 : memref<1x640x8xf32, #tpu.memory_space<hbm>> -> memref<640x8xf32, #tpu.memory_space<hbm>>
      %dma_wait3A_373 = arith.constant 0 : i32
      %dma_wait3A_374 = tpu.memref_slice %arg11[%arg0, %mul3A_297, %dma_wait3A_373] : memref<2x10240x8xf32, #tpu.memory_space<hbm>> -> memref<1x640x8xf32, #tpu.memory_space<hbm>>
      %dma_wait3A_375 = tpu.memref_squeeze %dma_wait3A_374 : memref<1x640x8xf32, #tpu.memory_space<hbm>> -> memref<640x8xf32, #tpu.memory_space<hbm>>
      tpu.wait_dma2 semaphore(%run_scoped3A : memref<!tpu.dma_semaphore, #tpu.memory_space<semaphore_mem>>) src(%arg27 : memref<640x8xf32, #tpu.memory_space<vmem>>) dst(%dma_wait3A_375 : memref<640x8xf32, #tpu.memory_space<hbm>>)
      tpu.yield
    }) : () -> ()
    return
  }
}

module attributes {stable_mosaic.version = 14 : i64} {
  func.func @_tables_body(%arg0: i32, %arg1: memref<2000x128xf32, #tpu.memory_space<vmem>>, %arg2: memref<128x128xf32, #tpu.memory_space<vmem>>, %arg3: memref<128x128xf32, #tpu.memory_space<vmem>>, %arg4: memref<1x128xf32, #tpu.memory_space<vmem>>, %arg5: memref<2000x128xf32, #tpu.memory_space<vmem>>, %arg6: memref<2000x128xf32, #tpu.memory_space<vmem>>) attributes {dimension_semantics = [#tpu.dimension_semantics<arbitrary>], iteration_bounds = array<i64: 5>, scalar_prefetch = 0 : i64, scratch_operands = 0 : i64, tpu.core_type = #tpu.core_type<tc>, window_params = [{transform_indices = @transform_0, window_bounds = array<i64: 2000, 128>}, {pipeline_mode = #tpu.pipeline_mode<synchronous>, transform_indices = @transform_1, window_bounds = array<i64: 128, 128>}, {pipeline_mode = #tpu.pipeline_mode<synchronous>, transform_indices = @transform_2, window_bounds = array<i64: 128, 128>}, {pipeline_mode = #tpu.pipeline_mode<synchronous>, transform_indices = @transform_3, window_bounds = array<i64: 1, 128>}, {transform_indices = @transform_4, window_bounds = array<i64: 2000, 128>}, {transform_indices = @transform_5, window_bounds = array<i64: 2000, 128>}]} {
    %get3A = arith.constant 0 : index
    %get3A_0 = arith.constant 0 : index
    %get3A_1 = vector.load %arg1[%get3A, %get3A_0] : memref<2000x128xf32, #tpu.memory_space<vmem>>, vector<2000x128xf32>
    %get3A_2 = arith.constant 0 : index
    %get3A_3 = arith.constant 0 : index
    %get3A_4 = vector.load %arg2[%get3A_2, %get3A_3] : memref<128x128xf32, #tpu.memory_space<vmem>>, vector<128x128xf32>
    %dot_general3A = arith.constant dense<0.000000e+00> : vector<2000x128xf32>
    %dot_general3A_5 = tpu.matmul %get3A_1, %get3A_4, %dot_general3A {dimension_numbers = #tpu.dot_dimension_numbers<[1], [0], [0], [1], [0, 0, 1, 1], [], []>, transpose_lhs_hint = false} : vector<2000x128xf32>, vector<128x128xf32>, vector<2000x128xf32> -> vector<2000x128xf32>
    %get3A_6 = arith.constant 0 : index
    %get3A_7 = arith.constant 0 : index
    %get3A_8 = vector.load %arg4[%get3A_6, %get3A_7] : memref<1x128xf32, #tpu.memory_space<vmem>>, vector<1x128xf32>
    %add3A = vector.broadcast %get3A_8 : vector<1x128xf32> to vector<2000x128xf32>
    %add3A_9 = arith.addf %dot_general3A_5, %add3A : vector<2000x128xf32>
    %swap3A = arith.constant 0 : index
    %swap3A_10 = arith.constant 0 : index
    %swap3A_11 = vector.load %arg5[%swap3A, %swap3A_10] : memref<2000x128xf32, #tpu.memory_space<vmem>>, vector<2000x128xf32>
    tpu.vector_store %arg5[%swap3A, %swap3A_10], %add3A_9 {strides = array<i32>} : memref<2000x128xf32, #tpu.memory_space<vmem>>, vector<2000x128xf32>,
    %get3A_12 = arith.constant 0 : index
    %get3A_13 = arith.constant 0 : index
    %get3A_14 = vector.load %arg3[%get3A_12, %get3A_13] : memref<128x128xf32, #tpu.memory_space<vmem>>, vector<128x128xf32>
    %dot_general3A_15 = arith.constant dense<0.000000e+00> : vector<2000x128xf32>
    %dot_general3A_16 = tpu.matmul %get3A_1, %get3A_14, %dot_general3A_15 {dimension_numbers = #tpu.dot_dimension_numbers<[1], [0], [0], [1], [0, 0, 1, 1], [], []>, transpose_lhs_hint = false} : vector<2000x128xf32>, vector<128x128xf32>, vector<2000x128xf32> -> vector<2000x128xf32>
    %swap3A_17 = arith.constant 0 : index
    %swap3A_18 = arith.constant 0 : index
    %swap3A_19 = vector.load %arg6[%swap3A_17, %swap3A_18] : memref<2000x128xf32, #tpu.memory_space<vmem>>, vector<2000x128xf32>
    tpu.vector_store %arg6[%swap3A_17, %swap3A_18], %dot_general3A_16 {strides = array<i32>} : memref<2000x128xf32, #tpu.memory_space<vmem>>, vector<2000x128xf32>,
    return
  }
  func.func @transform_0(%arg0: i32) -> (i32, i32) {
    %c0_i32 = arith.constant 0 : i32
    %c0_i32_0 = arith.constant 0 : i32
    return %arg0, %c0_i32 : i32, i32
  }
  func.func @transform_1(%arg0: i32) -> (i32, i32) {
    %c0_i32 = arith.constant 0 : i32
    %c0_i32_0 = arith.constant 0 : i32
    %c0_i32_1 = arith.constant 0 : i32
    return %c0_i32, %c0_i32_0 : i32, i32
  }
  func.func @transform_2(%arg0: i32) -> (i32, i32) {
    %c0_i32 = arith.constant 0 : i32
    %c0_i32_0 = arith.constant 0 : i32
    %c0_i32_1 = arith.constant 0 : i32
    return %c0_i32, %c0_i32_0 : i32, i32
  }
  func.func @transform_3(%arg0: i32) -> (i32, i32) {
    %c0_i32 = arith.constant 0 : i32
    %c0_i32_0 = arith.constant 0 : i32
    %c0_i32_1 = arith.constant 0 : i32
    return %c0_i32, %c0_i32_0 : i32, i32
  }
  func.func @transform_4(%arg0: i32) -> (i32, i32) {
    %c0_i32 = arith.constant 0 : i32
    %c0_i32_0 = arith.constant 0 : i32
    return %arg0, %c0_i32 : i32, i32
  }
  func.func @transform_5(%arg0: i32) -> (i32, i32) {
    %c0_i32 = arith.constant 0 : i32
    %c0_i32_0 = arith.constant 0 : i32
    return %arg0, %c0_i32 : i32, i32
  }
}

module attributes {stable_mosaic.version = 14 : i64} {
  func.func @_a128_body(%arg0: i32, %arg1: memref<12800x4xf32, #tpu.memory_space<vmem>>, %arg2: memref<4x128xf32, #tpu.memory_space<vmem>>, %arg3: memref<12800x128xf32, #tpu.memory_space<vmem>>) attributes {dimension_semantics = [#tpu.dimension_semantics<arbitrary>], iteration_bounds = array<i64: 25>, scalar_prefetch = 0 : i64, scratch_operands = 0 : i64, tpu.core_type = #tpu.core_type<tc>, window_params = [{transform_indices = @transform_0, window_bounds = array<i64: 12800, 4>}, {pipeline_mode = #tpu.pipeline_mode<synchronous>, transform_indices = @transform_1, window_bounds = array<i64: 4, 128>}, {transform_indices = @transform_2, window_bounds = array<i64: 12800, 128>}]} {
    %get3A = arith.constant 0 : index
    %get3A_0 = arith.constant 0 : index
    %get3A_1 = vector.load %arg1[%get3A, %get3A_0] : memref<12800x4xf32, #tpu.memory_space<vmem>>, vector<12800x4xf32>
    %get3A_2 = arith.constant 0 : index
    %get3A_3 = arith.constant 0 : index
    %get3A_4 = vector.load %arg2[%get3A_2, %get3A_3] : memref<4x128xf32, #tpu.memory_space<vmem>>, vector<4x128xf32>
    %dot_general3A = arith.constant dense<0.000000e+00> : vector<12800x128xf32>
    %dot_general3A_5 = tpu.matmul %get3A_1, %get3A_4, %dot_general3A {dimension_numbers = #tpu.dot_dimension_numbers<[1], [0], [0], [1], [0, 0, 1, 1], [], []>, transpose_lhs_hint = false} : vector<12800x4xf32>, vector<4x128xf32>, vector<12800x128xf32> -> vector<12800x128xf32>
    %swap3A = arith.constant 0 : index
    %swap3A_6 = arith.constant 0 : index
    %swap3A_7 = vector.load %arg3[%swap3A, %swap3A_6] : memref<12800x128xf32, #tpu.memory_space<vmem>>, vector<12800x128xf32>
    tpu.vector_store %arg3[%swap3A, %swap3A_6], %dot_general3A_5 {strides = array<i32>} : memref<12800x128xf32, #tpu.memory_space<vmem>>, vector<12800x128xf32>,
    return
  }
  func.func @transform_0(%arg0: i32) -> (i32, i32) {
    %c0_i32 = arith.constant 0 : i32
    %c0_i32_0 = arith.constant 0 : i32
    return %arg0, %c0_i32 : i32, i32
  }
  func.func @transform_1(%arg0: i32) -> (i32, i32) {
    %c0_i32 = arith.constant 0 : i32
    %c0_i32_0 = arith.constant 0 : i32
    %c0_i32_1 = arith.constant 0 : i32
    return %c0_i32, %c0_i32_0 : i32, i32
  }
  func.func @transform_2(%arg0: i32) -> (i32, i32) {
    %c0_i32 = arith.constant 0 : i32
    %c0_i32_0 = arith.constant 0 : i32
    return %arg0, %c0_i32 : i32, i32
  }
}

module attributes {stable_mosaic.version = 14 : i64} {
  func.func @_node_mlp_body(%arg0: i32, %arg1: memref<2000x128xf32, #tpu.memory_space<vmem>>, %arg2: memref<2x2000x8xf32, #tpu.memory_space<vmem>>, %arg3: memref<128x128xf32, #tpu.memory_space<vmem>>, %arg4: memref<4x128xf32, #tpu.memory_space<vmem>>, %arg5: memref<1x128xf32, #tpu.memory_space<vmem>>, %arg6: memref<128x128xf32, #tpu.memory_space<vmem>>, %arg7: memref<1x128xf32, #tpu.memory_space<vmem>>, %arg8: memref<2000x128xf32, #tpu.memory_space<vmem>>) attributes {dimension_semantics = [#tpu.dimension_semantics<arbitrary>], iteration_bounds = array<i64: 5>, scalar_prefetch = 0 : i64, scratch_operands = 0 : i64, tpu.core_type = #tpu.core_type<tc>, window_params = [{transform_indices = @transform_0, window_bounds = array<i64: 2000, 128>}, {transform_indices = @transform_1, window_bounds = array<i64: 2, 2000, 8>}, {pipeline_mode = #tpu.pipeline_mode<synchronous>, transform_indices = @transform_2, window_bounds = array<i64: 128, 128>}, {pipeline_mode = #tpu.pipeline_mode<synchronous>, transform_indices = @transform_3, window_bounds = array<i64: 4, 128>}, {pipeline_mode = #tpu.pipeline_mode<synchronous>, transform_indices = @transform_4, window_bounds = array<i64: 1, 128>}, {pipeline_mode = #tpu.pipeline_mode<synchronous>, transform_indices = @transform_5, window_bounds = array<i64: 128, 128>}, {pipeline_mode = #tpu.pipeline_mode<synchronous>, transform_indices = @transform_6, window_bounds = array<i64: 1, 128>}, {transform_indices = @transform_7, window_bounds = array<i64: 2000, 128>}]} {
    %get3A = arith.constant 0 : index
    %get3A_0 = arith.constant 0 : index
    %get3A_1 = arith.constant 0 : index
    %get3A_2 = vector.load %arg2[%get3A, %get3A_0, %get3A_1] : memref<2x2000x8xf32, #tpu.memory_space<vmem>>, vector<1x2000x8xf32>
    %get3A_3 = vector.shape_cast %get3A_2 : vector<1x2000x8xf32> to vector<2000x8xf32>
    %get3A_4 = arith.constant 1 : index
    %get3A_5 = arith.constant 0 : index
    %get3A_6 = arith.constant 0 : index
    %get3A_7 = vector.load %arg2[%get3A_4, %get3A_5, %get3A_6] : memref<2x2000x8xf32, #tpu.memory_space<vmem>>, vector<1x2000x8xf32>
    %get3A_8 = vector.shape_cast %get3A_7 : vector<1x2000x8xf32> to vector<2000x8xf32>
    %add3A = arith.addf %get3A_3, %get3A_8 : vector<2000x8xf32>
    %slice3A = vector.extract_strided_slice %add3A {offsets = [0, 0], sizes = [2000, 4], strides = [1, 1]} : vector<2000x8xf32> to vector<2000x4xf32>
    %slice3A_9 = vector.extract_strided_slice %add3A {offsets = [0, 4], sizes = [2000, 1], strides = [1, 1]} : vector<2000x8xf32> to vector<2000x1xf32>
    %max3A = arith.constant 1.000000e+00 : f32
    %max3A_10 = vector.broadcast %max3A : f32 to vector<2000x1xf32>
    %max3A_11 = arith.maximumf %slice3A_9, %max3A_10 : vector<2000x1xf32>
    %div3A = vector.broadcast %max3A_11 : vector<2000x1xf32> to vector<2000x4xf32>
    %div3A_12 = arith.divf %slice3A, %div3A : vector<2000x4xf32>
    %get3A_13 = arith.constant 0 : index
    %get3A_14 = arith.constant 0 : index
    %get3A_15 = vector.load %arg1[%get3A_13, %get3A_14] : memref<2000x128xf32, #tpu.memory_space<vmem>>, vector<2000x128xf32>
    %get3A_16 = arith.constant 0 : index
    %get3A_17 = arith.constant 0 : index
    %get3A_18 = vector.load %arg3[%get3A_16, %get3A_17] : memref<128x128xf32, #tpu.memory_space<vmem>>, vector<128x128xf32>
    %dot_general3A = arith.constant dense<0.000000e+00> : vector<2000x128xf32>
    %dot_general3A_19 = tpu.matmul %get3A_15, %get3A_18, %dot_general3A {dimension_numbers = #tpu.dot_dimension_numbers<[1], [0], [0], [1], [0, 0, 1, 1], [], []>, transpose_lhs_hint = false} : vector<2000x128xf32>, vector<128x128xf32>, vector<2000x128xf32> -> vector<2000x128xf32>
    %get3A_20 = arith.constant 0 : index
    %get3A_21 = arith.constant 0 : index
    %get3A_22 = vector.load %arg4[%get3A_20, %get3A_21] : memref<4x128xf32, #tpu.memory_space<vmem>>, vector<4x128xf32>
    %dot_general3A_23 = arith.constant dense<0.000000e+00> : vector<2000x128xf32>
    %dot_general3A_24 = tpu.matmul %div3A_12, %get3A_22, %dot_general3A_23 {dimension_numbers = #tpu.dot_dimension_numbers<[1], [0], [0], [1], [0, 0, 1, 1], [], []>, transpose_lhs_hint = false} : vector<2000x4xf32>, vector<4x128xf32>, vector<2000x128xf32> -> vector<2000x128xf32>
    %add3A_25 = arith.addf %dot_general3A_19, %dot_general3A_24 : vector<2000x128xf32>
    %get3A_26 = arith.constant 0 : index
    %get3A_27 = arith.constant 0 : index
    %get3A_28 = vector.load %arg5[%get3A_26, %get3A_27] : memref<1x128xf32, #tpu.memory_space<vmem>>, vector<1x128xf32>
    %add3A_29 = vector.broadcast %get3A_28 : vector<1x128xf32> to vector<2000x128xf32>
    %add3A_30 = arith.addf %add3A_25, %add3A_29 : vector<2000x128xf32>
    %max3A_31 = arith.constant 0.000000e+00 : f32
    %max3A_32 = vector.broadcast %max3A_31 : f32 to vector<2000x128xf32>
    %max3A_33 = arith.maximumf %add3A_30, %max3A_32 : vector<2000x128xf32>
    %get3A_34 = arith.constant 0 : index
    %get3A_35 = arith.constant 0 : index
    %get3A_36 = vector.load %arg6[%get3A_34, %get3A_35] : memref<128x128xf32, #tpu.memory_space<vmem>>, vector<128x128xf32>
    %dot_general3A_37 = arith.constant dense<0.000000e+00> : vector<2000x128xf32>
    %dot_general3A_38 = tpu.matmul %max3A_33, %get3A_36, %dot_general3A_37 {dimension_numbers = #tpu.dot_dimension_numbers<[1], [0], [0], [1], [0, 0, 1, 1], [], []>, transpose_lhs_hint = false} : vector<2000x128xf32>, vector<128x128xf32>, vector<2000x128xf32> -> vector<2000x128xf32>
    %get3A_39 = arith.constant 0 : index
    %get3A_40 = arith.constant 0 : index
    %get3A_41 = vector.load %arg7[%get3A_39, %get3A_40] : memref<1x128xf32, #tpu.memory_space<vmem>>, vector<1x128xf32>
    %add3A_42 = vector.broadcast %get3A_41 : vector<1x128xf32> to vector<2000x128xf32>
    %add3A_43 = arith.addf %dot_general3A_38, %add3A_42 : vector<2000x128xf32>
    %swap3A = arith.constant 0 : index
    %swap3A_44 = arith.constant 0 : index
    %swap3A_45 = vector.load %arg8[%swap3A, %swap3A_44] : memref<2000x128xf32, #tpu.memory_space<vmem>>, vector<2000x128xf32>
    tpu.vector_store %arg8[%swap3A, %swap3A_44], %add3A_43 {strides = array<i32>} : memref<2000x128xf32, #tpu.memory_space<vmem>>, vector<2000x128xf32>,
    return
  }
  func.func @transform_0(%arg0: i32) -> (i32, i32) {
    %c0_i32 = arith.constant 0 : i32
    %c0_i32_0 = arith.constant 0 : i32
    return %arg0, %c0_i32 : i32, i32
  }
  func.func @transform_1(%arg0: i32) -> (i32, i32, i32) {
    %c0_i32 = arith.constant 0 : i32
    %c0_i32_0 = arith.constant 0 : i32
    %c0_i32_1 = arith.constant 0 : i32
    return %c0_i32, %arg0, %c0_i32_0 : i32, i32, i32
  }
  func.func @transform_2(%arg0: i32) -> (i32, i32) {
    %c0_i32 = arith.constant 0 : i32
    %c0_i32_0 = arith.constant 0 : i32
    %c0_i32_1 = arith.constant 0 : i32
    return %c0_i32, %c0_i32_0 : i32, i32
  }
  func.func @transform_3(%arg0: i32) -> (i32, i32) {
    %c0_i32 = arith.constant 0 : i32
    %c0_i32_0 = arith.constant 0 : i32
    %c0_i32_1 = arith.constant 0 : i32
    return %c0_i32, %c0_i32_0 : i32, i32
  }
  func.func @transform_4(%arg0: i32) -> (i32, i32) {
    %c0_i32 = arith.constant 0 : i32
    %c0_i32_0 = arith.constant 0 : i32
    %c0_i32_1 = arith.constant 0 : i32
    return %c0_i32, %c0_i32_0 : i32, i32
  }
  func.func @transform_5(%arg0: i32) -> (i32, i32) {
    %c0_i32 = arith.constant 0 : i32
    %c0_i32_0 = arith.constant 0 : i32
    %c0_i32_1 = arith.constant 0 : i32
    return %c0_i32, %c0_i32_0 : i32, i32
  }
  func.func @transform_6(%arg0: i32) -> (i32, i32) {
    %c0_i32 = arith.constant 0 : i32
    %c0_i32_0 = arith.constant 0 : i32
    %c0_i32_1 = arith.constant 0 : i32
    return %c0_i32, %c0_i32_0 : i32, i32
  }
  func.func @transform_7(%arg0: i32) -> (i32, i32) {
    %c0_i32 = arith.constant 0 : i32
    %c0_i32_0 = arith.constant 0 : i32
    return %arg0, %c0_i32 : i32, i32
  }
}

</mosaic_0001>

<sc_bundles>
// kernel: kernel.6.cloned.1.call-start
scs
__scs_entry_jumppad:
0x0: {  	(pc) =	sbr.rel $0x88, $3  }
0x1: {  	(tag) =	ssettag $0x0;
	lr =	simm.s32 $0x1  }
0x2: {  	[smem:$0x3F96] =	sst lr;
	_ =	strace $0xD0000000  }
0x3: {  	_ = 	snop  }
0x4: {  	_ = 	snop  }
0x5: {  	_ = 	snop  }
0x6: {  	_ = 	snop  }
0x7: {  	_ = 	snop  }
__scs_overlays_trampoline_lowered:
0x8: {  	[smem:$0x3FA5] =	sst s0  }
0x9: {  	[smem:$0x3FA6] =	sst s1  }
0xa: {  	[smem:$0x3FA7] =	sst s2  }
0xb: {  	[smem:$0x3FA8] =	sst s3  }
0xc: {  	[smem:$0x3FA9] =	sst s4  }
0xd: {  	[smem:$0x3FAA] =	sst s5  }
0xe: {  	[smem:$0x3FAB] =	sst s6  }
0xf: {  	[smem:$0x3FAC] =	sst s7  }
0x10: {  	[smem:$0x3FAD] =	sst s8  }
0x11: {  	[smem:$0x3FAE] =	sst s9;
	s0 =	simm.s32 @!p0 $0x0  }
0x12: {  	s1 =	sld [smem:$0x3F94];
	s0 =	simm.s32 @p0 $0x1  }
0x13: {  	[smem:$0x3FAF] =	sst s0;
	s0 =	simm.s32 @!p1 $0x0  }
0x14: {  	s2 =	sld [smem:$0x3F93];
	s0 =	simm.s32 @p1 $0x1  }
0x15: {  	[smem:$0x3FB0] =	sst s0;
	s0 =	simm.s32 @!p2 $0x0  }
0x16: {  	s3 =	sld [smem:$0x3FDB];
	s0 =	simm.s32 @p2 $0x1  }
0x17: {  	s4 =	simm.s32 $0x1BF5;
	[smem:$0x3FB2] =	sst s0  }
0x18: {  	s0 =	sld [smem:$0x3F95];
	_ =	swait.ge [sflag:s4], $0x0  }
0x19: {  	s7 =	sld [smem:$0x3F96]  }
0x1a: {  	s8 =	sadd.s32 $0xFFFFE003, lr  }
0x1b: {  	s9 =	sadd.s32 $0xFFFFFEF7, lr;
	s5 =	simm.s32 $0xFFFFFFFF;
	p2 =	slt.u32 s8, $0xFFFFF086  }
0x1c: {  	p1 =	slt.u32 s9, $0xF7A;
	s5 =	simm.s32 @!p2 $0x0  }
0x1d: {  	s5 =	simm.s32 @p1 $0x1;
	p0 =	seq.s32 s7, s2  }
0x1e: {  	s7 =	smul.u32 @!p0 $0xF7A, s2;
	p2 =	seq.s32 @!p0 s5, $0x0  }
0x1f: {  	s9 =	smul.u32 $0xF7A, s1;
	s8 =	simm.s32 @!p0 $0x1BF5;
	p2 =	por !p2, p0  }
0x20: {  	[sflag:s8] =	ssyncset.s32 @!p0 $0xFFFFF086;
	s6 =	sadd.s32 @!p0 s3, s7;
	s7 =	simm.s32 @!p0 $0x108  }
0x21: {  	s3 =	sadd.s32 s3, s9;
	s6 =	sadd.s32 @!p0 $0x88, s6;
	s7 =	simm.s32 @p2 $0x1082  }
0x22: {  	[simem:s7], [sflag:s8] =	dma.local @!p0 [hbm:s6], $0xF7A  }
0x23: {  	s9 =	sor.u32 $0xD0000000, s2;
	s6 =	simm.s32 $0x108;
	_ =	swait.ge @!p0 [sflag:s8], $0x0  }
0x24: {  	s3 =	sadd.s32 $0x88, s3;
	s6 =	simm.s32 @!p1 $0x1082;
	[sflag:s4] =	ssyncset.s32 $0xFFFFF086  }
0x25: {  	[simem:s6], [sflag:s4] =	dma.local [hbm:s3], $0xF7A  }
0x26: {  	[smem:$0x3F96] =	sst s1;
	(tag) =	ssettag s2;
	_ =	strace s9  }
0x27: {  	s1 =	sld [smem:$0x3FA6]  }
0x28: {  	s2 =	sld [smem:$0x3FA7]  }
0x29: {  	s4 =	sld [smem:$0x3FA9]  }
0x2a: {  	p0 =	seq.s32 s5, $0x0;
	s5 =	sld [smem:$0x3FAA]  }
0x2b: {  	s6 =	sld [smem:$0x3FAB]  }
0x2c: {  	s7 =	sld [smem:$0x3FAC]  }
0x2d: {  	s3 =	simm.s32 $0x108;
	s8 =	sld [smem:$0x3FAD]  }
0x2e: {  	s3 =	simm.s32 @!p0 $0x1082;
	s9 =	sld [smem:$0x3FAE]  }
0x2f: {  	lr =	sadd.s32 s0, s3;
	s0 =	sld [smem:$0x3FA5]  }
0x30: {  	s3 =	sld [smem:$0x3FA8]  }
0x31: {  	[smem:$0x3FB1] =	sst s10  }
0x32: {  	s10 =	sld [smem:$0x3FAF];
	_ =	sdelay $0x3  }
0x33: {  	p0 =	seq.s32 s10, $0x1;
	s10 =	sld [smem:$0x3FB1];
	_ =	sdelay $0x3  }
0x34: {  	[smem:$0x3FB1] =	sst s10  }
0x35: {  	s10 =	sld [smem:$0x3FB0];
	_ =	sdelay $0x3  }
0x36: {  	p1 =	seq.s32 s10, $0x1;
	s10 =	sld [smem:$0x3FB1];
	_ =	sdelay $0x3  }
0x37: {  	[smem:$0x3FB1] =	sst s10  }
0x38: {  	s10 =	sld [smem:$0x3FB2]  }
0x39: {  	_ = 	snop;
	(pc) =	sbr.ind lr, $3  }
0x3a: {  	_ = 	snop  }
0x3b: {  	_ = 	snop  }
0x3c: {  	p2 =	seq.s32 s10, $0x1;
	s10 =	sld [smem:$0x3FB1]  }
0x3d: {  	_ =	shalt  }
0x3e: {  	_ =	shalt  }
0x3f: {  	_ =	shalt  }
0x40: {  	_ =	shalt  }
0x41: {  	_ =	shalt  }
0x42: {  	_ =	shalt  }
0x43: {  	_ =	shalt  }
0x44: {  	_ =	shalt  }
0x45: {  	_ =	shalt  }
0x46: {  	_ =	shalt  }
0x47: {  	_ =	shalt  }
0x48: {  	_ =	shalt  }
0x49: {  	_ =	shalt  }
0x4a: {  	_ =	shalt  }
0x4b: {  	_ =	shalt  }
0x4c: {  	_ =	shalt  }
0x4d: {  	_ =	shalt  }
0x4e: {  	_ =	shalt  }
0x4f: {  	_ =	shalt  }
0x50: {  	_ =	shalt  }
0x51: {  	_ =	shalt  }
0x52: {  	_ =	shalt  }
0x53: {  	_ =	shalt  }
0x54: {  	_ =	shalt  }
0x55: {  	_ =	shalt  }
0x56: {  	_ =	shalt  }
0x57: {  	_ =	shalt  }
0x58: {  	_ =	shalt  }
0x59: {  	_ =	shalt  }
0x5a: {  	_ =	shalt  }
0x5b: {  	_ =	shalt  }
0x5c: {  	_ =	shalt  }
0x5d: {  	_ =	shalt  }
0x5e: {  	_ =	shalt  }
0x5f: {  	_ =	shalt  }
0x60: {  	_ =	shalt  }
0x61: {  	_ =	shalt  }
0x62: {  	_ =	shalt  }
0x63: {  	_ =	shalt  }
0x64: {  	_ =	shalt  }
0x65: {  	_ =	shalt  }
0x66: {  	_ =	shalt  }
0x67: {  	_ =	shalt  }
0x68: {  	_ =	shalt  }
0x69: {  	_ =	shalt  }
0x6a: {  	_ =	shalt  }
0x6b: {  	_ =	shalt  }
0x6c: {  	_ =	shalt  }
0x6d: {  	_ =	shalt  }
0x6e: {  	_ =	shalt  }
0x6f: {  	_ =	shalt  }
0x70: {  	_ =	shalt  }
0x71: {  	_ =	shalt  }
0x72: {  	_ =	shalt  }
0x73: {  	_ =	shalt  }
0x74: {  	_ =	shalt  }
0x75: {  	_ =	shalt  }
0x76: {  	_ =	shalt  }
0x77: {  	_ =	shalt  }
0x78: {  	_ =	shalt  }
0x79: {  	_ =	shalt  }
0x7a: {  	_ =	shalt  }
0x7b: {  	_ =	shalt  }
0x7c: {  	_ =	shalt  }
0x7d: {  	_ =	shalt  }
0x7e: {  	_ =	shalt  }
0x7f: {  	_ =	shalt  }
0x80: {  	_ =	shalt  }
0x81: {  	_ =	shalt  }
0x82: {  	_ =	shalt  }
0x83: {  	_ =	shalt  }
0x84: {  	_ =	shalt  }
0x85: {  	_ =	shalt  }
0x86: {  	_ =	shalt  }
0x87: {  	_ =	shalt  }
.Lfunc_end0:
.L_simem_size_0:
called_computation_lowered:
.L_overlay_start_0:
0x88: {  	s2 =	sld [smem:$0x3FD9]  }
0x89: {  	s3 =	sld [smem:$0x3FFE];
	_ =	sdelay $0x1  }
0x8a: {  	s1 =	srdreg.scid  }
0x8b: {  	s0 =	sand.u32 $0x1, s1  }
0x8c: {  	s14 =	sshll.u32 s0, $0xA;
	s2 =	sadd.s32 s3, s2  }
0x8d: {  	s2 =	sadd.s32 s2, s14  }
0x8e: {  	[smem:$0x3FBD] =	sst s2  }
0x8f: {  	_ = 	snop  }
0x90: {  	s2 =	sld [smem:$0x3FD0];
	_ =	sdelay $0x2  }
0x91: {  	s4 =	simm.s32 $0xA;
	s5 =	simm.s32 $0x10;
	s15 =	sld [smem:$0x3FC4]  }
0x92: {  	[smem:s5], [sflag:s4] =	dma.local [hbm:s2], $0x1  }
0x93: {  	_ =	swait.eq [sflag:s4], $0x1  }
0x94: {  	[sflag:s4] =	ssyncset.done $0x0  }
0x95: {  	s16 =	sld [smem:$0x10];
	[sflag:s4] =	ssyncadd.s32 $0xFFFFFFFF  }
0x96: {  	s17 =	sld [smem:$0x11];
	(tm) =	ssettm $0x1  }
0x97: {  	s18 =	sld [smem:$0x3FFB];
	_ =	sdelay $0x3  }
0x98: {  	_ =	strace s18  }
0x99: {  	s5 =	sld [smem:$0x3FFC];
	_ =	sdelay $0x3  }
0x9a: {  	_ =	strace s5  }
0x9b: {  	s5 =	sld [smem:$0x3FFD];
	_ =	sdelay $0x3  }
0x9c: {  	_ =	strace s5  }
0x9d: {  	_ =	strace $0x8FFFFFFF  }
0x9e: {  	s19 =	sld [smem:$0x3FDB];
	_ =	sdelay $0x1  }
0x9f: {  	s6 =	simm.s32 $_scs_section_size  }
0xa0: {  	s7 =	simm.s32 $_size__tile_overlayer_lowered;
	s8 =	simm.s32 $_tile_overlayer_lowered  }
0xa1: {  	s22 =	simm.s32 $0x1BFF;
	s21 =	sshll.u32 s8, $0x1;
	s5 =	sadd.s32 s6, s19  }
0xa2: {  	s9 =	simm.s32 $0x0;
	s20 =	sshll.u32 s7, $0x1;
	s7 =	sadd.s32 s21, s5  }
0xa3: {  	[timem:s9], [sflag:s22] =	dma.local [hbm:s7], s20  }
0xa4: {  	_ =	swait.ge [sflag:s22], s20  }
0xa5: {  	s6 =	ssub.s32 $0x0, s20;
	[sflag:s22] =	ssyncset.done $0x0  }
0xa6: {  	[sflag:s22] =	ssyncadd.s32 s6;
	_ =	sdelay $0x1  }
0xa7: {  	s23 =	simm.s32 $0x1B8B  }
0xa8: {  	_ =	swait.ge [sflag:s23], $0x1  }
0xa9: {  	[sflag:s23] =	ssyncset.done $0x0  }
0xaa: {  	s25 =	simm.s32 $0x1B8E;
	s24 =	sld [smem:$0x3FFE];
	[sflag:s23] =	ssyncadd.s32 $0xFFFFFFFF  }
0xab: {  	s26 =	simm.s32 $execute0_lowered;
	[smem:$0x3FD2] =	sst s25  }
0xac: {  	s7 =	sshll.u32 s26, $0x1;
	_ =	strace $0x80000046;
	[dreg:$0x1] =	wrdreg $0xFFFFFFFF  }
0xad: {  	s28 =	simm.s32 $_size_execute0_lowered;
	s5 =	sadd.s32 s5, s7;
	[dreg:$0x0] =	wrdreg $0x0  }
0xae: {  	s7 =	sshll.u32 s28, $0x1;
	[dreg:$0x2] =	wrdreg s5  }
0xaf: {  	[dreg:$0x3] =	wrdreg s7  }
0xb0: {  	[dreg:$0x4] =	wrdreg $0xC0  }
0xb1: {  	_ =	task [dreg:s9], $0x5FFFF  }
0xb2: {  	[dreg:$0x1] =	wrdreg $0xFFFFFFFF  }
0xb3: {  	[dreg:$0x0] =	wrdreg $0x60  }
0xb4: {  	[dreg:$0x2] =	wrdreg s17  }
0xb5: {  	[dreg:$0x3] =	wrdreg s16  }
0xb6: {  	[dreg:$0x4] =	wrdreg s24  }
0xb7: {  	[dreg:$0x5] =	wrdreg s15  }
0xb8: {  	[dreg:$0x6] =	wrdreg $0x1A4100  }
0xb9: {  	[dreg:$0x7] =	wrdreg $0x9  }
0xba: {  	_ =	task.clear_ibuf [dreg:s9], $0x8FFFF;
	_ =	strace $0x90000046  }
0xbb: {  	s29 =	simm.s32 $0x9;
	_ =	strace $0x80000048  }
0xbc: {  	_ =	swait.ge [sflag:s29], $0x1  }
0xbd: {  	[sflag:s29] =	ssyncadd.s32 $0xFFFFFFFF  }
0xbe: {  	_ =	strace $0x90000048  }
0xbf: {  	_ =	sfence  }
0xc0: {  	s30 =	sld [smem:$0x0];
	_ =	sdelay $0x2  }
0xc1: {  	s31 =	sshll.u32 s1, $0xD;
	s1 =	sshrl.u32 s1, $0x2  }
0xc2: {  	s3 =	sand.u32 $0x4000, s31;
	s1 =	sadd.s32 s1, s30  }
0xc3: {  	s0 =	sor.u32 s3, s0;
	s1 =	sshll.u32 s1, $0x11  }
0xc4: {  	s0 =	sor.u32 s1, s0  }
0xc5: {  	s0 =	sadd.s32 $0x8F2B, s0  }
0xc6: {  	[sflag:s0] =	ssyncadd.remote.s32 $0x1  }
0xc7: {  	_ =	sfence.sel $0xFFFF  }
0xc8: {  	[dreg:$0x0] =	wrdreg $0xFFFFFFFF;
	(pc) =	sbr.abs _section_cstart, $3  }
0xc9: {  	[dreg:$0x1] =	wrdreg $0xFFFFFFFF  }
0xca: {  	_ =	task.clear_ibuf [dreg:s9], $0x2FFFF;
	_ =	strace $0x9FFFFFFF  }
0xcb: {  	(tm) =	ssettm $0x7FFFFFFF  }
tec
execute0_lowered:
.L_overlay_start_1:
0x0: {  	(tag) =	ssettag $0x1  }
0x1: {  	v1 =	vlaneseq.u32  }
0x2: {  	v2 =	vor.u32 $0x10, v1  }
0x3: {  	[tilespmem:$0x1FC90] =	vst v2;
	v2 =	vor.u32 $0x20, v1  }
0x4: {  	[tilespmem:$0x1FCA0] =	vst v2;
	v2 =	vor.u32 $0x30, v1  }
0x5: {  	[tilespmem:$0x1FCB0] =	vst v2;
	v2 =	vor.u32 $0x40, v1  }
0x6: {  	[tilespmem:$0x1FCC0] =	vst v2;
	v2 =	vor.u32 $0x50, v1  }
0x7: {  	[tilespmem:$0x1FCD0] =	vst v2;
	v2 =	vor.u32 $0x60, v1  }
0x8: {  	[tilespmem:$0x1FCE0] =	vst v2;
	v2 =	vor.u32 $0x70, v1  }
0x9: {  	[tilespmem:$0x1FCF0] =	vst v2;
	v2 =	vor.u32 $0x80, v1  }
0xa: {  	[tilespmem:$0x1FD00] =	vst v2;
	v2 =	vor.u32 $0x90, v1  }
0xb: {  	s0 =	rddreg [dreg:$0x0];
	[tilespmem:$0x1FD10] =	vst v2;
	v2 =	vor.u32 $0xA0, v1  }
0xc: {  	s1 =	rddreg [dreg:$0x1];
	[tilespmem:$0x1FD20] =	vst v2;
	v2 =	vor.u32 $0xB0, v1  }
0xd: {  	s2 =	rddreg [dreg:$0x2];
	s5 =	simm.s32 $0x0;
	[tilespmem:$0x1FD30] =	vst v2;
	v2 =	vor.u32 $0xC0, v1  }
0xe: {  	[smem:$0x7FF] =	sst s5;
	[tilespmem:$0x1FD40] =	vst v2;
	v2 =	vor.u32 $0xD0, v1  }
0xf: {  	s4 =	rddreg [dreg:$0x4];
	_ =	strace $0x80000047;
	[tilespmem:$0x1FD50] =	vst v2;
	v2 =	vor.u32 $0xE0, v1  }
0x10: {  	[tilespmem:$0x1FD60] =	vst v2;
	v2 =	vor.u32 $0xF0, v1  }
0x11: {  	[tilespmem:$0x1FD70] =	vst v2;
	v2 =	vor.u32 $0x100, v1  }
0x12: {  	[tilespmem:$0x1FD80] =	vst v2;
	v2 =	vor.u32 $0x110, v1  }
0x13: {  	[tilespmem:$0x1FD90] =	vst v2;
	v2 =	vor.u32 $0x120, v1  }
0x14: {  	[tilespmem:$0x1FDA0] =	vst v2;
	v2 =	vor.u32 $0x130, v1  }
0x15: {  	[tilespmem:$0x1FDB0] =	vst v2;
	v2 =	vor.u32 $0x140, v1  }
0x16: {  	[tilespmem:$0x1FDC0] =	vst v2;
	v2 =	vor.u32 $0x150, v1  }
0x17: {  	[tilespmem:$0x1FDD0] =	vst v2;
	v2 =	vor.u32 $0x160, v1  }
0x18: {  	[tilespmem:$0x1FDE0] =	vst v2;
	v2 =	vor.u32 $0x170, v1  }
0x19: {  	[tilespmem:$0x1FDF0] =	vst v2;
	v2 =	vor.u32 $0x180, v1  }
0x1a: {  	[tilespmem:$0x1FE00] =	vst v2;
	v2 =	vor.u32 $0x190, v1  }
0x1b: {  	[tilespmem:$0x1FE10] =	vst v2;
	v2 =	vor.u32 $0x1A0, v1  }
0x1c: {  	[tilespmem:$0x1FE20] =	vst v2;
	v2 =	vor.u32 $0x1B0, v1  }
0x1d: {  	[tilespmem:$0x1FE30] =	vst v2;
	v2 =	vor.u32 $0x1C0, v1  }
0x1e: {  	[tilespmem:$0x1FE40] =	vst v2;
	v2 =	vor.u32 $0x1D0, v1  }
0x1f: {  	[tilespmem:$0x1FE50] =	vst v2;
	v2 =	vor.u32 $0x1E0, v1  }
0x20: {  	s14 =	stileid.u32;
	s3 =	srdreg.scid;
	[tilespmem:$0x1FE60] =	vst v2;
	v2 =	vor.u32 $0x1F0, v1  }
0x21: {  	s6 =	smul.u32 $0x1400, s14;
	s7 =	sadd.s32 $0xC600, s2;
	s8 =	sadd.s32 $0x2800, s2;
	[tilespmem:$0x1FE70] =	vst v2;
	v2 =	vor.u32 $0x200, v1  }
0x22: {  	s3 =	sand.u32 $0x1, s3;
	s9 =	sadd.s32 $0x4F8600, s2;
	s12 =	sadd.s32 $0x4F8400, s2;
	[tilespmem:$0x1FE80] =	vst v2;
	v2 =	vor.u32 $0x210, v1  }
0x23: {  	s10 =	smul.u32 $0x14000, s3;
	s21 =	ssub.s32 $0x2, s3;
	s3 =	sshll.u32 s3, $0x4;
	[tilespmem:$0x1FE90] =	vst v2;
	v2 =	vor.u32 $0x220, v1  }
0x24: {  	s11 =	sshrl.u32 s6, $0x3;
	s22 =	sshrl.u32 s21, $0x1;
	s15 =	sadd.s32 s6, s4;
	[tilespmem:$0x1FEA0] =	vst v2;
	v2 =	vor.u32 $0x230, v1  }
0x25: {  	s13 =	sadd.s32 s11, s2;
	s10 =	sadd.s32 s6, s10;
	s11 =	sadd.s32 $0x18C00, s2;
	[tilespmem:$0x1FEB0] =	vst v2;
	v2 =	vor.u32 $0x240, v1  }
0x26: {  	s6 =	simm.s32 $0x80;
	s10 =	sshrl.u32 s10, $0x3;
	s23 =	sadd.s32 $0x16400, s13;
	[tilespmem:$0x1FEC0] =	vst v2;
	v2 =	vor.u32 $0x250, v1  }
0x27: {  	s2 =	sadd.s32 s10, s2;
	s10 =	ssub.s32 s21, s22;
	[dreg:$0x6] =	wrdreg s12;
	[tilespmem:$0x1FED0] =	vst v2;
	v2 =	vor.u32 $0x260, v1  }
0x28: {  	s2 =	sadd.s32 $0x66E00, s2;
	s12 =	sor.u32 s14, s3;
	[dreg:$0x7] =	wrdreg s23;
	[tilespmem:$0x1FEE0] =	vst v2;
	v2 =	vor.u32 $0x270, v1  }
0x29: {  	v0 =	vimm.f32 $0.0e+00;
	[dreg:$0x13] =	wrdreg s2;
	s2 =	simm.s32 $0x18A00;
	s14 =	simm.s32 $0x0;
	[tilespmem:$0x1FEF0] =	vst v2;
	v2 =	vor.u32 $0x280, v1  }
0x2a: {  	vm0 =	vcmask $0x1310;
	vm1 =	vcmask $0x30C;
	[dreg:$0x8] =	wrdreg s15;
	s24 =	sshll.u32 s12, $0x4;
	s25 =	sshll.u32 s12, $0x7;
	[tilespmem:$0x1FF00] =	vst v2;
	v2 =	vor.u32 $0x290, v1  }
0x2b: {  	vm2 =	vcmask $0xF0C;
	vm3 =	vcmask $0x714;
	s28 =	sshll.u32 s12, $0xB;
	p0 =	sgt.u32 s12, $0x3;
	s29 =	sor.u32 $0x40, s12;
	[tilespmem:$0x1FF10] =	vst v2;
	v2 =	vor.u32 $0x2A0, v1  }
0x2c: {  	vm4 =	vcmask $0xF18;
	vm5 =	vcmask $0x131C;
	s30 =	sor.u32 $0x60, s12;
	s26 =	sadd.s32 s7, s24;
	s31 =	sor.u32 $0x1000, s25;
	[tilespmem:$0x1FF20] =	vst v2;
	v2 =	vor.u32 $0x2B0, v1  }
0x2d: {  	vm6 =	vcmask $0x1F1C;
	vm7 =	vcmask $0x1724;
	s3 =	sadd.s32 s8, s24;
	s16 =	sadd.s32 s9, s28;
	[dreg:$0x9] =	wrdreg s26;
	[tilespmem:$0x1FF30] =	vst v2;
	v2 =	vor.u32 $0x2C0, v1  }
0x2e: {  	vm8 =	vcmask $0x1F28;
	vm9 =	vcmask $0x232C;
	s20 =	sor.u32 $0x4E000, s25;
	s21 =	sadd.s32 s11, s25;
	[dreg:$0xa] =	wrdreg s3;
	[tilespmem:$0x1FF40] =	vst v2;
	v2 =	vor.u32 $0x2D0, v1  }
0x2f: {  	vm10 =	vcmask $0x2F2C;
	vm11 =	vcmask $0x2734;
	[dreg:$0xb] =	wrdreg s16;
	s17 =	sshrl.u32 s31, $0x3;
	s19 =	sshll.u32 s31, $0x4;
	[tilespmem:$0x1FF50] =	vst v2;
	v2 =	vor.u32 $0x2E0, v1  }
0x30: {  	vm12 =	vcmask $0x2F38;
	vm13 =	vcmask $0x333C;
	s23 =	sshrl.u32 s20, $0x3;
	s25 =	sshll.u32 s20, $0x4;
	s28 =	sadd.s32 s11, s20;
	[tilespmem:$0x1FF60] =	vst v2;
	v2 =	vor.u32 $0x2F0, v1  }
0x31: {  	vm14 =	vmmov $0x3fff;
	vm15 =	vmmov $0x7fff;
	s31 =	smax.u32 s10, $0x1;
	s10 =	simm.s32 $0x2;
	[dreg:$0x12] =	wrdreg s28;
	[tilespmem:$0x1FF70] =	vst v2;
	v2 =	vor.u32 $0x300, v1  }
0x32: {  	v0 =	vsel vm0, $0x3F800000, v0;
	vm0 =	vcmask $0x3330;
	s16 =	simm.s32 $0x3;
	s18 =	sadd.s32 s7, s17;
	[dreg:$0x14] =	wrdreg s31;
	[tilespmem:$0x1FF80] =	vst v2;
	v2 =	vor.u32 $0x310, v1  }
0x33: {  	v57 =	vor.u32 $0x380, v1;
	v58 =	vor.u32 $0x390, v1;
	s20 =	simm.s32 $0x6;
	s3 =	sadd.s32 s8, s17;
	[dreg:$0xc] =	wrdreg s18;
	[tilespmem:$0x1FF90] =	vst v2;
	v2 =	vor.u32 $0x320, v1  }
0x34: {  	v59 =	vor.u32 $0x3A0, v1;
	v60 =	vor.u32 $0x3B0, v1;
	s22 =	sadd.s32 s9, s19;
	s24 =	sadd.s32 s7, s23;
	[dreg:$0xd] =	wrdreg s3;
	[tilespmem:$0x1FFA0] =	vst v2;
	v2 =	vor.u32 $0x330, v1  }
.Ltmp0:
0x35: {  	v61 =	vor.u32 $0x3C0, v1;
	v62 =	vor.u32 $0x3D0, v1;
	s26 =	sadd.s32 s9, s25;
	[dreg:$0xe] =	wrdreg s22;
	[tilespmem:$0x1FFB0] =	vst v2;
	v2 =	vor.u32 $0x340, v1;
	(pc) =	sbr.rel .LBB2_1-.Ltmp0, $4  }
0x36: {  	v63 =	vor.u32 $0x3E0, v1;
	vm2 =	vmor vm3, vm2;
	s17 =	simm.s32 $0x4;
	s19 =	simm.s32 $0x5;
	[dreg:$0xf] =	wrdreg s24;
	[tilespmem:$0x1FFC0] =	vst v2;
	v2 =	vor.u32 $0x350, v1  }
0x37: {  	vm3 =	vcmask $0xB14;
	vm6 =	vmor vm7, vm6;
	s3 =	sadd.s32 s8, s23;
	[dreg:$0x11] =	wrdreg s26;
	s23 =	simm.s32 $0x19010;
	[tilespmem:$0x1FFD0] =	vst v2;
	v2 =	vor.u32 $0x360, v1  }
0x38: {  	vm7 =	vcmask $0x1B24;
	vm10 =	vmor vm11, vm10;
	s22 =	simm.s32 $0x4100;
	s24 =	simm.s32 $0x4180;
	s18 =	simm.s32 $0x18200;
	[tilespmem:$0x1FFE0] =	vst v2;
	v2 =	vor.u32 $0x370, v1  }
0x39: {  	vm11 =	vcmask $0x2B34;
	v0 =	vsel vm0, $0x3F800000, v0;
	vm0 =	vmmov $0x1;
	s26 =	simm.s32 $0x18600;
	[dreg:$0x10] =	wrdreg s3;
	s3 =	simm.s32 $0x9;
	[tilespmem:$0x1FFF0] =	vst v2  }
.LBB2_12:
0x3a: {  	[bflag:$0x0] =	sbarrier.arrive $0xFFFF  }
0x3b: {  	s23 =	simm.s32 $0x19010;
	s15 =	rddreg [dreg:$0x8]  }
0x3c: {  	[tilespmem:s23], [sflag:$0x9] =	stream.linear.gather [spmem:s15], $0x1400, $0x38;
	[tilespmem:$0x1B810] =	vst v63  }
0x3d: {  	_ =	swait.ge [sflag:s3], $0x1400  }
0x3e: {  	[sflag:s3] =	ssyncset.done $0x0  }
0x3f: {  	s13 =	rddreg [dreg:$0x13];
	[sflag:s3] =	ssyncadd.s32 $0xFFFFEC00  }
0x40: {  	[hbm4b:s13+s5] =	stream.linear.scatter [tilespmem:s23], [sflag:$0x9], $0x1400, $0x38;
	[tilespmem:$0x1B810] =	vst v63  }
0x41: {  	_ =	swait.ge [sflag:s3], $0x1400  }
0x42: {  	s14 =	sadd.s32 $0x1, s14;
	s31 =	rddreg [dreg:$0x14]  }
0x43: {  	p1 =	sne.s32 s14, s31  }
.Ltmp1:
0x44: {  	_ = 	snop;
	(pc) =	sbr.rel @!p1 .LBB2_13-.Ltmp1, $3  }
0x45: {  	_ =	sdelay $0x1  }
0x46: {  	[sflag:s3] =	ssyncset.done $0x0  }
0x47: {  	[sflag:s3] =	ssyncadd.s32 $0xFFFFEC00  }
.LBB2_1:
0x48: {  	[dreg:$0x15] =	wrdreg s14  }
0x49: {  	s13 =	rddreg [dreg:$0x3];
	s25 =	simm.s32 $0x18E00  }
0x4a: {  	[tilespmem:s25], [sflag:$0x9] =	stream.linear.gather [hbm4b:s13+s5], $0x200, $0x38;
	[tilespmem:$0x1B810] =	vst v63  }
0x4b: {  	_ =	swait.ge [sflag:s3], $0x200  }
0x4c: {  	[sflag:s3] =	ssyncset.done $0x0  }
0x4d: {  	s31 =	simm.s32 $0x19000;
	s28 =	rddreg [dreg:$0x6];
	[sflag:s3] =	ssyncadd.s32 $0xFFFFFE00  }
0x4e: {  	[tilespmem:s31], [sflag:$0x9] =	stream.linear.gather [hbm4b:s28+s5], $0x10, $0x38;
	[tilespmem:$0x1B810] =	vst v63  }
0x4f: {  	_ =	swait.ge [sflag:s3], $0x10  }
0x50: {  	v2 =	vld [tilespmem:$0x1FC90];
	_ =	sdelay $0x4  }
0x51: {  	[sflag:s3] =	ssyncset.done $0x0  }
0x52: {  	[sflag:s3] =	ssyncadd.s32 $0xFFFFFFF0  }
0x53: {  	[tilespmem:v1+s2+$0x0] =	vst.idx.msk $0xffff, v0  }
0x54: {  	[tilespmem:v2+s2+$0x0] =	vst.idx.msk $0xffff, v0;
	v2 =	vld [tilespmem:$0x1FCA0];
	_ =	sdelay $0x7  }
0x55: {  	[tilespmem:v2+s2+$0x0] =	vst.idx.msk $0xffff, v0;
	v2 =	vld [tilespmem:$0x1FCB0];
	_ =	sdelay $0x7  }
0x56: {  	[tilespmem:v2+s2+$0x0] =	vst.idx.msk $0xffff, v0;
	v2 =	vld [tilespmem:$0x1FCC0];
	_ =	sdelay $0x7  }
0x57: {  	[tilespmem:v2+s2+$0x0] =	vst.idx.msk $0xffff, v0;
	v2 =	vld [tilespmem:$0x1FCD0];
	_ =	sdelay $0x7  }
0x58: {  	[tilespmem:v2+s2+$0x0] =	vst.idx.msk $0xffff, v0;
	v2 =	vld [tilespmem:$0x1FCE0];
	_ =	sdelay $0x7  }
0x59: {  	[tilespmem:v2+s2+$0x0] =	vst.idx.msk $0xffff, v0;
	v2 =	vld [tilespmem:$0x1FCF0];
	_ =	sdelay $0x7  }
0x5a: {  	[tilespmem:v2+s2+$0x0] =	vst.idx.msk $0xffff, v0;
	v2 =	vld [tilespmem:$0x1FD00];
	_ =	sdelay $0x7  }
0x5b: {  	[tilespmem:v2+s2+$0x0] =	vst.idx.msk $0xffff, v0;
	v2 =	vld [tilespmem:$0x1FD10];
	_ =	sdelay $0x7  }
0x5c: {  	[tilespmem:v2+s2+$0x0] =	vst.idx.msk $0xffff, v0;
	v2 =	vld [tilespmem:$0x1FD20];
	_ =	sdelay $0x7  }
0x5d: {  	[tilespmem:v2+s2+$0x0] =	vst.idx.msk $0xffff, v0;
	v2 =	vld [tilespmem:$0x1FD30];
	_ =	sdelay $0x7  }
0x5e: {  	[tilespmem:v2+s2+$0x0] =	vst.idx.msk $0xffff, v0;
	v2 =	vld [tilespmem:$0x1FD40];
	_ =	sdelay $0x7  }
0x5f: {  	[tilespmem:v2+s2+$0x0] =	vst.idx.msk $0xffff, v0;
	v2 =	vld [tilespmem:$0x1FD50];
	_ =	sdelay $0x7  }
0x60: {  	[tilespmem:v2+s2+$0x0] =	vst.idx.msk $0xffff, v0;
	v2 =	vld [tilespmem:$0x1FD60];
	_ =	sdelay $0x7  }
0x61: {  	[tilespmem:v2+s2+$0x0] =	vst.idx.msk $0xffff, v0;
	v2 =	vld [tilespmem:$0x1FD70];
	_ =	sdelay $0x7  }
0x62: {  	[tilespmem:v2+s2+$0x0] =	vst.idx.msk $0xffff, v0;
	v2 =	vld [tilespmem:$0x1FD80];
	_ =	sdelay $0x7  }
0x63: {  	[tilespmem:v2+s2+$0x0] =	vst.idx.msk $0xffff, v0;
	v2 =	vld [tilespmem:$0x1FD90];
	_ =	sdelay $0x7  }
0x64: {  	[tilespmem:v2+s2+$0x0] =	vst.idx.msk $0xffff, v0;
	v2 =	vld [tilespmem:$0x1FDA0];
	_ =	sdelay $0x7  }
0x65: {  	[tilespmem:v2+s2+$0x0] =	vst.idx.msk $0xffff, v0;
	v2 =	vld [tilespmem:$0x1FDB0];
	_ =	sdelay $0x7  }
0x66: {  	[tilespmem:v2+s2+$0x0] =	vst.idx.msk $0xffff, v0;
	v2 =	vld [tilespmem:$0x1FDC0];
	_ =	sdelay $0x7  }
0x67: {  	[tilespmem:v2+s2+$0x0] =	vst.idx.msk $0xffff, v0;
	v2 =	vld [tilespmem:$0x1FDD0];
	_ =	sdelay $0x7  }
0x68: {  	[tilespmem:v2+s2+$0x0] =	vst.idx.msk $0xffff, v0;
	v2 =	vld [tilespmem:$0x1FDE0];
	_ =	sdelay $0x7  }
0x69: {  	[tilespmem:v2+s2+$0x0] =	vst.idx.msk $0xffff, v0;
	v2 =	vld [tilespmem:$0x1FDF0];
	_ =	sdelay $0x7  }
0x6a: {  	[tilespmem:v2+s2+$0x0] =	vst.idx.msk $0xffff, v0;
	v2 =	vld [tilespmem:$0x1FE00];
	_ =	sdelay $0x7  }
0x6b: {  	[tilespmem:v2+s2+$0x0] =	vst.idx.msk $0xffff, v0;
	v2 =	vld [tilespmem:$0x1FE10];
	_ =	sdelay $0x7  }
0x6c: {  	[tilespmem:v2+s2+$0x0] =	vst.idx.msk $0xffff, v0;
	v2 =	vld [tilespmem:$0x1FE20];
	_ =	sdelay $0x7  }
0x6d: {  	[tilespmem:v2+s2+$0x0] =	vst.idx.msk $0xffff, v0;
	v2 =	vld [tilespmem:$0x1FE30];
	_ =	sdelay $0x7  }
0x6e: {  	[tilespmem:v2+s2+$0x0] =	vst.idx.msk $0xffff, v0;
	v2 =	vld [tilespmem:$0x1FE40];
	_ =	sdelay $0x7  }
0x6f: {  	[tilespmem:v2+s2+$0x0] =	vst.idx.msk $0xffff, v0;
	v2 =	vld [tilespmem:$0x1FE50];
	_ =	sdelay $0x7  }
0x70: {  	[tilespmem:v2+s2+$0x0] =	vst.idx.msk $0xffff, v0;
	v2 =	vld [tilespmem:$0x1FE60];
	_ =	sdelay $0x7  }
0x71: {  	[tilespmem:v2+s2+$0x0] =	vst.idx.msk $0xffff, v0;
	v2 =	vld [tilespmem:$0x1FE70];
	_ =	sdelay $0x7  }
0x72: {  	[tilespmem:v2+s2+$0x0] =	vst.idx.msk $0xffff, v0;
	v2 =	vld [tilespmem:$0x1FE80];
	_ =	sdelay $0x7  }
0x73: {  	[tilespmem:v2+s2+$0x0] =	vst.idx.msk $0xffff, v0;
	v2 =	vld [tilespmem:$0x1FE90];
	_ =	sdelay $0x7  }
0x74: {  	[tilespmem:v2+s2+$0x0] =	vst.idx.msk $0xffff, v0;
	v2 =	vld [tilespmem:$0x1FEA0];
	_ =	sdelay $0x7  }
0x75: {  	[tilespmem:v2+s2+$0x0] =	vst.idx.msk $0xffff, v0;
	v2 =	vld [tilespmem:$0x1FEB0];
	_ =	sdelay $0x7  }
0x76: {  	[tilespmem:v2+s2+$0x0] =	vst.idx.msk $0xffff, v0;
	v2 =	vld [tilespmem:$0x1FEC0];
	_ =	sdelay $0x7  }
0x77: {  	[tilespmem:v2+s2+$0x0] =	vst.idx.msk $0xffff, v0;
	v2 =	vld [tilespmem:$0x1FED0];
	_ =	sdelay $0x7  }
0x78: {  	[tilespmem:v2+s2+$0x0] =	vst.idx.msk $0xffff, v0;
	v2 =	vld [tilespmem:$0x1FEE0];
	_ =	sdelay $0x7  }
0x79: {  	[tilespmem:v2+s2+$0x0] =	vst.idx.msk $0xffff, v0;
	v2 =	vld [tilespmem:$0x1FEF0];
	_ =	sdelay $0x7  }
0x7a: {  	[tilespmem:v2+s2+$0x0] =	vst.idx.msk $0xffff, v0;
	v2 =	vld [tilespmem:$0x1FF00];
	_ =	sdelay $0x7  }
0x7b: {  	[tilespmem:v2+s2+$0x0] =	vst.idx.msk $0xffff, v0;
	v2 =	vld [tilespmem:$0x1FF10];
	_ =	sdelay $0x7  }
0x7c: {  	[tilespmem:v2+s2+$0x0] =	vst.idx.msk $0xffff, v0;
	v2 =	vld [tilespmem:$0x1FF20];
	_ =	sdelay $0x7  }
0x7d: {  	[tilespmem:v2+s2+$0x0] =	vst.idx.msk $0xffff, v0;
	v2 =	vld [tilespmem:$0x1FF30];
	_ =	sdelay $0x7  }
0x7e: {  	[tilespmem:v2+s2+$0x0] =	vst.idx.msk $0xffff, v0;
	v2 =	vld [tilespmem:$0x1FF40];
	_ =	sdelay $0x7  }
0x7f: {  	[tilespmem:v2+s2+$0x0] =	vst.idx.msk $0xffff, v0;
	v2 =	vld [tilespmem:$0x1FF50];
	_ =	sdelay $0x7  }
0x80: {  	[tilespmem:v2+s2+$0x0] =	vst.idx.msk $0xffff, v0;
	v2 =	vld [tilespmem:$0x1FF60];
	_ =	sdelay $0x7  }
0x81: {  	[tilespmem:v2+s2+$0x0] =	vst.idx.msk $0xffff, v0;
	v2 =	vld [tilespmem:$0x1FF70];
	_ =	sdelay $0x7  }
0x82: {  	[tilespmem:v2+s2+$0x0] =	vst.idx.msk $0xffff, v0;
	v2 =	vld [tilespmem:$0x1FF80];
	_ =	sdelay $0x7  }
0x83: {  	[tilespmem:v2+s2+$0x0] =	vst.idx.msk $0xffff, v0;
	v2 =	vld [tilespmem:$0x1FF90];
	_ =	sdelay $0x7  }
0x84: {  	[tilespmem:v2+s2+$0x0] =	vst.idx.msk $0xffff, v0;
	v2 =	vld [tilespmem:$0x1FFA0];
	_ =	sdelay $0x7  }
0x85: {  	[tilespmem:v2+s2+$0x0] =	vst.idx.msk $0xffff, v0;
	v2 =	vld [tilespmem:$0x1FFB0];
	_ =	sdelay $0x7  }
0x86: {  	[tilespmem:v2+s2+$0x0] =	vst.idx.msk $0xffff, v0;
	v2 =	vld [tilespmem:$0x1FFC0];
	_ =	sdelay $0x7  }
0x87: {  	[tilespmem:v2+s2+$0x0] =	vst.idx.msk $0xffff, v0;
	v2 =	vld [tilespmem:$0x1FFD0];
	_ =	sdelay $0x7  }
0x88: {  	[tilespmem:v2+s2+$0x0] =	vst.idx.msk $0xffff, v0;
	v2 =	vld [tilespmem:$0x1FFE0];
	_ =	sdelay $0x7  }
0x89: {  	[tilespmem:v2+s2+$0x0] =	vst.idx.msk $0xffff, v0;
	v2 =	vld [tilespmem:$0x1FFF0];
	_ =	sdelay $0x7  }
0x8a: {  	[tilespmem:v2+s2+$0x0] =	vst.idx.msk $0xffff, v0  }
0x8b: {  	[tilespmem:v57+s2+$0x0] =	vst.idx.msk $0xffff, v0  }
0x8c: {  	[tilespmem:v58+s2+$0x0] =	vst.idx.msk $0xffff, v0  }
0x8d: {  	v2 =	vor.u32 $0x3F0, v1;
	[tilespmem:v59+s2+$0x0] =	vst.idx.msk $0xffff, v0  }
0x8e: {  	[tilespmem:v60+s2+$0x0] =	vst.idx.msk $0xffff, v0  }
0x8f: {  	[tilespmem:v61+s2+$0x0] =	vst.idx.msk $0xffff, v0  }
0x90: {  	[tilespmem:v62+s2+$0x0] =	vst.idx.msk $0xffff, v0  }
0x91: {  	[tilespmem:v63+s2+$0x0] =	vst.idx.msk $0xffff, v0  }
0x92: {  	s14 =	rddreg [dreg:$0x7];
	[tilespmem:v2+s2+$0x0] =	vst.idx.msk $0xffff, v0  }
0x93: {  	[tilespmem:s23], [sflag:$0x9] =	stream.linear.gather [hbm4b:s14+s5], $0x1400, $0x38;
	[tilespmem:$0x1B810] =	vst v63  }
0x94: {  	_ =	swait.ge [sflag:s3], $0x1400  }
0x95: {  	[sflag:s3] =	ssyncset.done $0x0  }
0x96: {  	[sflag:s3] =	ssyncadd.s32 $0xFFFFEC00  }
0x97: {  	[spmem:s15] =	stream.linear.scatter [tilespmem:s23], [sflag:$0x9], $0x1400, $0x38;
	[tilespmem:$0x1B810] =	vst v63  }
0x98: {  	_ =	swait.ge [sflag:s3], $0x1400  }
0x99: {  	[sflag:s3] =	ssyncset.done $0x0  }
0x9a: {  	[sflag:s3] =	ssyncadd.s32 $0xFFFFEC00  }
0x9b: {  	[bflag:$0x0] =	sbarrier.arrive $0xFFFF  }
0x9c: {  	s15 =	rddreg [dreg:$0x9]  }
0x9d: {  	v2 =	vld [tilespmem:$0x19000];
	[tilespmem:s5], [sflag:$0x1] =	stream.linear.gather [hbm4b:s15+s5], $0x80, $0x38  }
0x9e: {  	s23 =	rddreg [dreg:$0xa]  }
0x9f: {  	[tilespmem:s6], [sflag:$0x1] =	stream.linear.gather [hbm4b:s23+s5], $0x80, $0x38;
	[tilespmem:$0x1B810] =	vst v63  }
0xa0: {  	s28 =	simm.s32 $0x100;
	s31 =	simm.s32 $0x1;
	s25 =	rddreg [dreg:$0xb]  }
0xa1: {  	[tilespmem:s28], [sflag:$0x1] =	stream.linear.gather [hbm4b:s25+s5], $0x4000, $0x38;
	[tilespmem:$0x1B810] =	vst v63  }
0xa2: {  	_ =	swait.ge [sflag:s31], $0x80  }
0xa3: {  	[sflag:s31] =	ssyncset.done $0x0  }
0xa4: {  	[sflag:s31] =	ssyncadd.s32 $0xFFFFFF80  }
0xa5: {  	_ =	swait.ge [sflag:s31], $0x80  }
0xa6: {  	[sflag:s31] =	ssyncset.done $0x0  }
0xa7: {  	[sflag:s31] =	ssyncadd.s32 $0xFFFFFF80  }
0xa8: {  	_ =	swait.ge [sflag:s31], $0x4000  }
0xa9: {  	[sflag:s31] =	ssyncset.done $0x0  }
0xaa: {  	s14 =	simm.s32 $0x8200;
	[sflag:s31] =	ssyncadd.s32 $0xFFFFC000  }
0xab: {  	[tilespmem:s14], [sflag:$0x3] =	stream.indirect.gather [hbm4b:s0+s6], $0x80, s5, s6, $0xb8;
	[tilespmem:$0x1B810] =	vst v63  }
0xac: {  	s15 =	simm.s32 $0xC200  }
0xad: {  	[tilespmem:s15], [sflag:$0x4] =	stream.indirect.gather [hbm4b:s1+s6], $0x80, s6, s6, $0xb8;
	[tilespmem:$0x1B810] =	vst v63  }
0xae: {  	s23 =	rddreg [dreg:$0xc]  }
0xaf: {  	[tilespmem:s22], [sflag:$0x2] =	stream.linear.gather [hbm4b:s23+s5], $0x80, $0x38;
	[tilespmem:$0x1B810] =	vst v63  }
0xb0: {  	s25 =	rddreg [dreg:$0xd]  }
0xb1: {  	[tilespmem:s24], [sflag:$0x2] =	stream.linear.gather [hbm4b:s25+s5], $0x80, $0x38;
	[tilespmem:$0x1B810] =	vst v63  }
0xb2: {  	s28 =	rddreg [dreg:$0xe];
	s31 =	simm.s32 $0x4200;
	s14 =	simm.s32 $0x0  }
0xb3: {  	[tilespmem:s31], [sflag:$0x2] =	stream.linear.gather [hbm4b:s28+s5], $0x4000, $0x38;
	[tilespmem:$0x1B810] =	vst v63  }
.LBB2_2:
0xb4: {  	_ =	swait.ge [sflag:s10], $0x80  }
0xb5: {  	[sflag:s10] =	ssyncset.done $0x0  }
0xb6: {  	[sflag:s10] =	ssyncadd.s32 $0xFFFFFF80  }
0xb7: {  	_ =	swait.ge [sflag:s10], $0x80  }
0xb8: {  	[sflag:s10] =	ssyncset.done $0x0  }
0xb9: {  	[sflag:s10] =	ssyncadd.s32 $0xFFFFFF80  }
0xba: {  	_ =	swait.ge [sflag:s10], $0x4000  }
0xbb: {  	[sflag:s10] =	ssyncset.done $0x0  }
0xbc: {  	s13 =	simm.s32 $0x10200;
	[sflag:s10] =	ssyncadd.s32 $0xFFFFC000  }
0xbd: {  	[tilespmem:s13], [sflag:$0x5] =	stream.indirect.gather [hbm4b:s0+s6], $0x80, s22, s6, $0xb8;
	[tilespmem:$0x1B810] =	vst v63  }
0xbe: {  	s25 =	simm.s32 $0x14200  }
0xbf: {  	[tilespmem:s25], [sflag:$0x6] =	stream.indirect.gather [hbm4b:s1+s6], $0x80, s24, s6, $0xb8;
	[tilespmem:$0x1B810] =	vst v63  }
0xc0: {  	_ =	swait.ge [sflag:s16], $0x4000  }
0xc1: {  	[sflag:s16] =	ssyncset.done $0x0  }
0xc2: {  	[sflag:s16] =	ssyncadd.s32 $0xFFFFC000  }
0xc3: {  	_ =	swait.ge [sflag:s17], $0x4000  }
0xc4: {  	p1 =	seq.s32 s14, $0x0;
	[sflag:s17] =	ssyncset.done $0x0  }
0xc5: {  	s13 =	simm.s32 @!p1 $0x7;
	[sflag:s17] =	ssyncadd.s32 $0xFFFFC000  }
0xc6: {  	s31 =	sshll.u32 s14, $0x6;
	s28 =	simm.s32 $0x0;
	_ =	swait.ge @!p1 [sflag:s13], $0x400  }
0xc7: {  	s15 =	simm.s32 $0x200;
	s23 =	sor.u32 s12, s31;
	[sflag:s13] =	ssyncset.done @!p1 $0x0  }
0xc8: {  	s25 =	simm.s32 $0x8300;
	[sflag:s13] =	ssyncadd.s32 @!p1 $0xFFFFFC00;
	s13 =	simm.s32 $0xC300  }
.LBB2_3:
0xc9: {  	v3 =	vld [tilespmem:s25+$0xFFFFFF00]  }
0xca: {  	v4 =	vld [tilespmem:s13+$0xFFFFFF00]  }
0xcb: {  	v7 =	vld [tilespmem:s15+$0xFFFFFF00]  }
0xcc: {  	v21 =	vld [tilespmem:$0x18E00]  }
0xcd: {  	v18 =	vld [tilespmem:$0x18E80]  }
0xce: {  	v17 =	vld [tilespmem:$0x18F00]  }
0xcf: {  	v16 =	vld [tilespmem:$0x18F80]  }
0xd0: {  	v5 =	vld [tilespmem:s25+$0xFFFFFF10]  }
0xd1: {  	v8 =	vld [tilespmem:s13+$0xFFFFFF10]  }
0xd2: {  	v14 =	vld [tilespmem:s15+$0xFFFFFF10]  }
0xd3: {  	v26 =	vld [tilespmem:$0x18E10]  }
0xd4: {  	v20 =	vld [tilespmem:$0x18E90]  }
0xd5: {  	v15 =	vld [tilespmem:$0x18F10]  }
0xd6: {  	v19 =	vld [tilespmem:s25+$0xFFFFFF20]  }
0xd7: {  	v22 =	vld [tilespmem:s13+$0xFFFFFF20]  }
0xd8: {  	v23 =	vld [tilespmem:s15+$0xFFFFFF20]  }
0xd9: {  	v13 =	vld [tilespmem:$0x18E20]  }
0xda: {  	v12 =	vld [tilespmem:$0x18EA0]  }
0xdb: {  	v11 =	vld [tilespmem:$0x18F20]  }
0xdc: {  	v24 =	vld [tilespmem:s25+$0xFFFFFF30]  }
0xdd: {  	v25 =	vld [tilespmem:s13+$0xFFFFFF30]  }
0xde: {  	v27 =	vld [tilespmem:s15+$0xFFFFFF30]  }
0xdf: {  	v10 =	vld [tilespmem:$0x18E30]  }
0xe0: {  	v9 =	vld [tilespmem:$0x18EB0]  }
0xe1: {  	v6 =	vld [tilespmem:$0x18F30]  }
0xe2: {  	v28 =	vld [tilespmem:s25+$0xFFFFFF40]  }
0xe3: {  	v29 =	vld [tilespmem:s13+$0xFFFFFF40]  }
0xe4: {  	v30 =	vld [tilespmem:s15+$0xFFFFFF40]  }
0xe5: {  	v56 =	vld [tilespmem:s25+$0xFFFFFF60]  }
0xe6: {  	v44 =	vld [tilespmem:s13+$0xFFFFFF60]  }
0xe7: {  	v46 =	vld [tilespmem:s25+$0xFFFFFF70]  }
0xe8: {  	v39 =	vld [tilespmem:s13+$0xFFFFFF70]  }
0xe9: {  	v50 =	vld [tilespmem:s25+$0xFFFFFF50];
	v3 =	vadd.f32 v4, v3;
	v8 =	vadd.f32 v8, v5  }
0xea: {  	v52 =	vld [tilespmem:s13+$0xFFFFFF50];
	v24 =	vadd.f32 v25, v24;
	v28 =	vadd.f32 v29, v28  }
0xeb: {  	v38 =	vld [tilespmem:s15+$0xFFFFFF60];
	v7 =	vadd.f32 v7, v3;
	v8 =	vadd.f32 v14, v8  }
0xec: {  	v33 =	vld [tilespmem:s15+$0xFFFFFF50];
	v24 =	vadd.f32 v27, v24;
	v28 =	vadd.f32 v30, v28  }
0xed: {  	v5 =	vld [tilespmem:$0x18E40];
	v27 =	vadd.f32 v44, v56;
	v30 =	vadd.f32 v39, v46;
	v31 =	vmax.f32 v7, $0.0e+00  }
0xee: {  	v4 =	vld [tilespmem:$0x18EC0];
	v7 =	vadd.f32 v22, v19;
	v35 =	vmax.f32 v8, $0.0e+00;
	v40 =	vmax.f32 v28, $0.0e+00  }
0xef: {  	v3 =	vld [tilespmem:$0x18F40];
	v22 =	vadd.f32 v52, v50;
	v51 =	vmul.f32 v31, v21;
	v32 =	vmul.f32 v18, v31  }
0xf0: {  	v14 =	vld [tilespmem:$0x18F50];
	v27 =	vadd.f32 v38, v27;
	v8 =	vmul.f32 v35, v26;
	v34 =	vmul.f32 v17, v31  }
0xf1: {  	v36 =	vmul.f32 v20, v35;
	v44 =	vmul.f32 v16, v31;
	v31 =	vld [tilespmem:$0x18FC0];
	v23 =	vadd.f32 v23, v7  }
0xf2: {  	v53 =	vmul.f32 v15, v35;
	v50 =	vmul.f32 v40, v5;
	v7 =	vld [tilespmem:$0x18E50];
	v33 =	vadd.f32 v33, v22  }
0xf3: {  	v22 =	vld [tilespmem:$0x18E60];
	v42 =	vmax.f32 v27, $0.0e+00;
	v19 =	vadd.f32 v8, v51;
	v37 =	vmax.f32 v23, $0.0e+00  }
0xf4: {  	v54 =	vadd.f32 v36, v32;
	v25 =	vadd.f32 v53, v34;
	v51 =	vld [tilespmem:s15+$0xFFFFFF70];
	v55 =	vmul.f32 v37, v13  }
0xf5: {  	v27 =	vld [tilespmem:$0x18EF0];
	v36 =	vmax.f32 v24, $0.0e+00;
	v53 =	vmul.f32 v4, v40;
	v43 =	vmul.f32 v12, v37  }
0xf6: {  	v8 =	vld [tilespmem:$0x18ED0];
	v24 =	vmul.f32 v36, v10;
	v45 =	vmul.f32 v11, v37;
	v19 =	vadd.f32 v55, v19  }
0xf7: {  	v34 =	vld [tilespmem:$0x18F90];
	v47 =	vmul.f32 v9, v36;
	v48 =	vmul.f32 v6, v36;
	v23 =	vadd.f32 v43, v54  }
0xf8: {  	v41 =	vmax.f32 v33, $0.0e+00;
	v25 =	vadd.f32 v45, v25;
	v19 =	vadd.f32 v24, v19;
	v24 =	vld [tilespmem:$0x18EE0]  }
0xf9: {  	v54 =	vmul.f32 v3, v40;
	v45 =	vadd.f32 v51, v30;
	v49 =	vadd.f32 v47, v23;
	v23 =	vld [tilespmem:$0x18E70]  }
0xfa: {  	v33 =	vmul.f32 v41, v7;
	v30 =	vld [tilespmem:$0x18FD0];
	v25 =	vadd.f32 v48, v25;
	v52 =	vadd.f32 v50, v19  }
0xfb: {  	v55 =	vmul.f32 v8, v41;
	v28 =	vadd.f32 v53, v49;
	v19 =	vld [tilespmem:$0x18F60]  }
0xfc: {  	v46 =	vmul.f32 v42, v22;
	v56 =	vadd.f32 v54, v25;
	v25 =	vld [tilespmem:$0x18F70];
	v29 =	vadd.f32 v33, v52  }
0xfd: {  	v43 =	vmax.f32 v45, $0.0e+00;
	v28 =	vadd.f32 v55, v28;
	v33 =	vld [tilespmem:$0x18FA0];
	v48 =	vmul.f32 v24, v42  }
0xfe: {  	v32 =	vld [tilespmem:$0x18FB0];
	v47 =	vmul.f32 v14, v41;
	v49 =	vmul.f32 v43, v23;
	v29 =	vadd.f32 v46, v29  }
0xff: {  	v35 =	vmul.f32 v34, v35;
	v45 =	vld [tilespmem:s25+$0xFFFFFFA0];
	v51 =	vmul.f32 v27, v43;
	v28 =	vadd.f32 v48, v28  }
0x100: {  	v54 =	vld [tilespmem:s25+$0xFFFFFF90];
	v39 =	vadd.f32 v47, v56;
	v50 =	vmul.f32 v19, v42;
	v29 =	vadd.f32 v49, v29  }
0x101: {  	v35 =	vadd.f32 v35, v44;
	v55 =	vmul.f32 v30, v41;
	v56 =	vld [tilespmem:s13+$0xFFFFFF90];
	v28 =	vadd.f32 v51, v28  }
0x102: {  	v41 =	vld [tilespmem:s15+$0xFFFFFF80];
	v52 =	vmul.f32 v25, v43;
	v38 =	vadd.f32 v50, v39;
	v37 =	vmul.f32 v33, v37;
	(xrf2) =	vadd.scan.msk.f32 $0xffff, v29  }
0x103: {  	v49 =	vld [tilespmem:s15+$0xFFFFFF90];
	(xrf2) =	vadd.scan.msk.f32 $0xffff, v28  }
0x104: {  	v36 =	vmul.f32 v32, v36;
	v29 =	vld [tilespmem:$0x18FE0];
	v38 =	vadd.f32 v52, v38;
	v35 =	vadd.f32 v37, v35  }
0x105: {  	v37 =	vld [tilespmem:s25+$0xFFFFFF80]  }
0x106: {  	v53 =	vmul.f32 v31, v40;
	(xrf2) =	vadd.scan.msk.f32 $0xffff, v38;
	v35 =	vadd.f32 v36, v35;
	v38 =	vld [tilespmem:s13+$0xFFFFFF80]  }
0x107: {  	v28 =	vld [tilespmem:$0x18FF0]  }
0x108: {  	v35 =	vadd.f32 v53, v35;
	v53 =	vld [tilespmem:s13+$0xFFFFFFA0]  }
0x109: {  	v39 =	vadd.f32 v56, v54  }
0x10a: {  	v56 =	vld [tilespmem:s15+$0xFFFFFFA0];
	v48 =	vmul.f32 v29, v42;
	v35 =	vadd.f32 v55, v35  }
0x10b: {  	v42 =	vadd.f32 v49, v39;
	v37 =	vadd.f32 v38, v37  }
0x10c: {  	v51 =	vmul.f32 v28, v43;
	v35 =	vadd.f32 v48, v35;
	v50, _, _ =	vpop (xrf2)  }
0x10d: {  	v47 =	vld [tilespmem:s15+$0xFFFFFFB0];
	v42 =	vmax.f32 v42, $0.0e+00;
	v41 =	vadd.f32 v41, v37;
	v53 =	vadd.f32 v53, v45;
	v46, _, _ =	vpop (xrf2)  }
0x10e: {  	v36 =	vld [tilespmem:s13+$0xFFFFFFB0];
	v52 =	vbroadcast v50, $0xF;
	v38 =	vadd.f32 v51, v35;
	v55 =	vbroadcast v46, $0xF  }
0x10f: {  	v46 =	vld [tilespmem:s25+$0xFFFFFFB0];
	v41 =	vmax.f32 v41, $0.0e+00;
	v40 =	vadd.f32 v56, v53;
	v56 =	vmul.f32 v42, v20  }
0x110: {  	v43 =	vld [tilespmem:s25+$0xFFFFFFC0];
	v54 =	vadd.f32 v52, v2;
	v51, _, _ =	vpop (xrf2);
	v48 =	vmul.f32 v41, v18;
	v49 =	vmul.f32 v41, v17  }
0x111: {  	v50 =	vld [tilespmem:s13+$0xFFFFFFC0];
	v39 =	vadd.f32 v2, v55;
	v52 =	vbroadcast v51, $0xF;
	v55 =	vmul.f32 v42, v26  }
0x112: {  	v51 =	vmul.f32 v42, v15;
	v40 =	vmax.f32 v40, $0.0e+00;
	v42 =	vmul.f32 v42, v34  }
0x113: {  	v37 =	vsel vm0, v54, v2;
	v54 =	vmul.f32 v41, v21;
	v45 =	vadd.f32 v56, v48;
	v48 =	vld [tilespmem:s15+$0xFFFFFFC0]  }
0x114: {  	v41 =	vmul.f32 v41, v16;
	v56 =	vmul.f32 v40, v11;
	v36 =	vadd.f32 v36, v46  }
0x115: {  	v49 =	vadd.f32 v51, v49;
	v44 =	vadd.f32 v55, v54;
	v54 =	vmul.f32 v40, v13;
	v46 =	vld [tilespmem:s13+$0xFFFFFFD0]  }
0x116: {  	v43 =	vadd.f32 v50, v43;
	v55 =	vmul.f32 v40, v12;
	v36 =	vadd.f32 v47, v36;
	v47 =	vld [tilespmem:s25+$0xFFFFFFD0]  }
0x117: {  	v50 =	vld [tilespmem:s15+$0xFFFFFFD0];
	v41 =	vadd.f32 v42, v41;
	v40 =	vmul.f32 v40, v33;
	v42 =	vadd.f32 v54, v44  }
0x118: {  	v44 =	vadd.f32 v55, v45;
	v45 =	vld [tilespmem:s13+$0xFFFFFFE0];
	v43 =	vadd.f32 v48, v43;
	v36 =	vmax.f32 v36, $0.0e+00  }
0x119: {  	v49 =	vadd.f32 v56, v49;
	v40 =	vadd.f32 v40, v41;
	v48 =	vld [tilespmem:s25+$0xFFFFFFE0];
	v54 =	vmul.f32 v36, v10  }
0x11a: {  	v55 =	vmul.f32 v36, v9;
	v56 =	vmul.f32 v36, v6;
	v43 =	vmax.f32 v43, $0.0e+00  }
0x11b: {  	v36 =	vmul.f32 v36, v32;
	v41 =	vadd.f32 v54, v42;
	v46 =	vadd.f32 v46, v47  }
0x11c: {  	v42 =	vadd.f32 v55, v44;
	v54 =	vmul.f32 v43, v5;
	v47 =	vld [tilespmem:s15+$0xFFFFFFE0];
	v49 =	vadd.f32 v56, v49  }
0x11d: {  	v36 =	vadd.f32 v36, v40;
	v55 =	vmul.f32 v43, v4;
	v44 =	vld [tilespmem:s13+$0xFFFFFFF0];
	v46 =	vadd.f32 v50, v46  }
0x11e: {  	v51 =	vmul.f32 v43, v3;
	v45 =	vadd.f32 v45, v48;
	v50 =	vld [tilespmem:s25+$0xFFFFFFF0];
	v40 =	vadd.f32 v54, v41  }
0x11f: {  	v53 =	vld [tilespmem:s13+$0x10];
	v41 =	vadd.f32 v55, v42;
	v42 =	vmul.f32 v43, v31;
	v46 =	vmax.f32 v46, $0.0e+00  }
0x120: {  	v35 =	vadd.f32 v37, v52;
	v48 =	vld [tilespmem:s15+$0xFFFFFFF0];
	v49 =	vadd.f32 v51, v49;
	v56 =	vmul.f32 v46, v7  }
0x121: {  	v52 =	vld [tilespmem:s25+$0x0];
	v36 =	vadd.f32 v42, v36;
	v45 =	vadd.f32 v47, v45;
	v55 =	vmul.f32 v46, v8  }
0x122: {  	v47 =	vld [tilespmem:s13+$0x0];
	v51 =	vmul.f32 v46, v14;
	v42 =	vmul.f32 v46, v30;
	v40 =	vadd.f32 v56, v40  }
0x123: {  	v43 =	vld [tilespmem:s15+$0x0];
	v45 =	vmax.f32 v45, $0.0e+00;
	v44 =	vadd.f32 v44, v50;
	v41 =	vadd.f32 v55, v41  }
0x124: {  	v50 =	vld [tilespmem:s25+$0x10];
	v49 =	vadd.f32 v51, v49;
	v56 =	vmul.f32 v45, v22;
	v54 =	vmul.f32 v45, v24  }
0x125: {  	v46 =	vld [tilespmem:s15+$0x10];
	v36 =	vadd.f32 v42, v36;
	v55 =	vmul.f32 v45, v19;
	v44 =	vadd.f32 v48, v44  }
0x126: {  	v51 =	vld [tilespmem:s13+$0x20];
	v45 =	vmul.f32 v45, v29;
	v40 =	vadd.f32 v56, v40;
	v41 =	vadd.f32 v54, v41  }
0x127: {  	v48 =	vld [tilespmem:s25+$0x20];
	v47 =	vadd.f32 v47, v52;
	v42 =	vadd.f32 v55, v49;
	v44 =	vmax.f32 v44, $0.0e+00  }
0x128: {  	v45 =	vadd.f32 v45, v36;
	v49 =	vmul.f32 v44, v23;
	v56 =	vmul.f32 v44, v27  }
0x129: {  	v43 =	vadd.f32 v43, v47;
	v54 =	vadd.f32 v53, v50;
	v55 =	vmul.f32 v44, v25  }
0x12a: {  	v50 =	vld [tilespmem:s15+$0x20];
	v49 =	vadd.f32 v49, v40;
	v40 =	vadd.f32 v56, v41  }
0x12b: {  	v47 =	vld [tilespmem:s13+$0x30];
	v43 =	vmax.f32 v43, $0.0e+00;
	v41 =	vadd.f32 v46, v54;
	v36 =	vadd.f32 v55, v42  }
0x12c: {  	v46 =	vld [tilespmem:s25+$0x30];
	v56 =	vmul.f32 v44, v28;
	v48 =	vadd.f32 v51, v48;
	v44 =	vmul.f32 v43, v21  }
0x12d: {  	v52 =	vmul.f32 v43, v18;
	v54 =	vmul.f32 v43, v17;
	v53 =	vmax.f32 v41, $0.0e+00  }
0x12e: {  	v51 =	vld [tilespmem:s15+$0x30];
	v41 =	vadd.f32 v56, v45;
	v42 =	vmul.f32 v53, v26;
	v45 =	vmul.f32 v53, v20  }
0x12f: {  	v43 =	vmul.f32 v43, v16;
	v48 =	vadd.f32 v50, v48;
	v50 =	vld [tilespmem:s25+$0x40];
	v56 =	vmul.f32 v53, v15  }
0x130: {  	v53 =	vmul.f32 v53, v34;
	v42 =	vadd.f32 v42, v44;
	v44 =	vadd.f32 v45, v52;
	v52 =	vld [tilespmem:s13+$0x40]  }
0x131: {  	v46 =	vadd.f32 v47, v46  }
0x132: {  	v55 =	vld [tilespmem:s15+$0x40];
	v48 =	vmax.f32 v48, $0.0e+00;
	v45 =	vadd.f32 v56, v54;
	v43 =	vadd.f32 v53, v43  }
0x133: {  	v53 =	vld [tilespmem:s13+$0x50];
	v47 =	vmul.f32 v48, v13;
	v54 =	vmul.f32 v48, v12;
	v46 =	vadd.f32 v51, v46  }
0x134: {  	v56 =	vmul.f32 v48, v11;
	v48 =	vmul.f32 v48, v33;
	v51 =	vld [tilespmem:s25+$0x50]  }
0x135: {  	v42 =	vadd.f32 v47, v42;
	v46 =	vmax.f32 v46, $0.0e+00;
	v50 =	vadd.f32 v52, v50  }
0x136: {  	v44 =	vadd.f32 v54, v44;
	v45 =	vadd.f32 v56, v45;
	v54 =	vld [tilespmem:s15+$0x50];
	v52 =	vmul.f32 v46, v9  }
0x137: {  	v43 =	vadd.f32 v48, v43;
	v47 =	vmul.f32 v46, v10;
	v48 =	vadd.f32 v55, v50;
	v50 =	vld [tilespmem:s25+$0x60]  }
0x138: {  	v56 =	vmul.f32 v46, v6;
	v46 =	vmul.f32 v46, v32;
	v44 =	vadd.f32 v52, v44;
	v52 =	vld [tilespmem:s13+$0x60]  }
0x139: {  	v51 =	vadd.f32 v53, v51  }
0x13a: {  	v42 =	vadd.f32 v47, v42;
	v55 =	vld [tilespmem:s15+$0x60];
	v43 =	vadd.f32 v46, v43;
	v48 =	vmax.f32 v48, $0.0e+00  }
0x13b: {  	v46 =	vadd.f32 v54, v51;
	v51 =	vld [tilespmem:s25+$0x70];
	v47 =	vmul.f32 v48, v5;
	v53 =	vmul.f32 v48, v4  }
0x13c: {  	(xrf2) =	vadd.scan.msk.f32 $0xffff, v38;
	v45 =	vadd.f32 v56, v45;
	v54 =	vld [tilespmem:s25+$0x80];
	v56 =	vmul.f32 v48, v3;
	v38 =	vmul.f32 v48, v31  }
0x13d: {  	v46 =	vmax.f32 v46, $0.0e+00;
	v44 =	vadd.f32 v53, v44;
	v53 =	vld [tilespmem:s13+$0x70];
	v48 =	vadd.f32 v52, v50  }
0x13e: {  	v37 =	vsel vm1, v37, v39;
	v42 =	vadd.f32 v47, v42;
	v50 =	vld [tilespmem:s15+$0x70];
	v47 =	vmul.f32 v46, v7  }
0x13f: {  	v52 =	vmul.f32 v46, v8;
	v38 =	vadd.f32 v38, v43;
	v43 =	vld [tilespmem:s13+$0x80];
	v55 =	vadd.f32 v55, v48  }
0x140: {  	v45 =	vadd.f32 v56, v45;
	v56 =	vmul.f32 v46, v14;
	v46 =	vmul.f32 v46, v30;
	v48 =	vld [tilespmem:s25+$0x90]  }
0x141: {  	v42 =	vadd.f32 v47, v42;
	v44 =	vadd.f32 v52, v44;
	v39 =	vmax.f32 v55, $0.0e+00;
	v55 =	vld [tilespmem:s15+$0x80]  }
0x142: {  	v35 =	vsel vm2, v37, v35;
	v52 =	vld [tilespmem:s13+$0x90];
	v45 =	vadd.f32 v56, v45;
	v51 =	vadd.f32 v53, v51  }
0x143: {  	v38 =	vadd.f32 v46, v38;
	v47 =	vmul.f32 v39, v22;
	v53 =	vmul.f32 v39, v24  }
0x144: {  	(xrf2) =	vadd.scan.msk.f32 $0xffff, v49;
	v46 =	vmul.f32 v39, v19;
	v43 =	vadd.f32 v43, v54;
	v56 =	vadd.f32 v50, v51;
	v50 =	vld [tilespmem:s15+$0x90]  }
0x145: {  	v49 =	vld [tilespmem:s13+$0xA0];
	v39 =	vmul.f32 v39, v29;
	v42 =	vadd.f32 v47, v42;
	v44 =	vadd.f32 v53, v44  }
0x146: {  	v45 =	vadd.f32 v46, v45;
	v47 =	vld [tilespmem:s25+$0xA0];
	v46 =	vmax.f32 v56, $0.0e+00;
	v43 =	vadd.f32 v55, v43  }
0x147: {  	v38 =	vadd.f32 v39, v38;
	v48 =	vadd.f32 v52, v48;
	v39 =	vmul.f32 v46, v23  }
0x148: {  	v51 =	vld [tilespmem:s25+$0xB0];
	v52 =	vmul.f32 v46, v27;
	v53 =	vmul.f32 v46, v25;
	v56, _, _ =	vpop (xrf2);
	v43 =	vmax.f32 v43, $0.0e+00  }
0x149: {  	v39 =	vadd.f32 v39, v42;
	v42 =	vbroadcast v56, $0xF;
	v48 =	vadd.f32 v50, v48;
	v56 =	vld [tilespmem:s15+$0xA0]  }
0x14a: {  	v46 =	vmul.f32 v46, v28;
	v44 =	vadd.f32 v52, v44;
	v21 =	vmul.f32 v43, v21;
	v52 =	vld [tilespmem:s13+$0xB0]  }
0x14b: {  	v18 =	vmul.f32 v43, v18;
	v47 =	vadd.f32 v49, v47;
	v49 =	vld [tilespmem:s15+$0xB0];
	v48 =	vmax.f32 v48, $0.0e+00  }
0x14c: {  	v38 =	vadd.f32 v46, v38;
	v46 =	vld [tilespmem:s25+$0xC0];
	v26 =	vmul.f32 v48, v26;
	v20 =	vmul.f32 v48, v20  }
0x14d: {  	v45 =	vadd.f32 v53, v45;
	v15 =	vmul.f32 v48, v15;
	v34 =	vmul.f32 v48, v34;
	v48 =	vld [tilespmem:s13+$0xD0]  }
0x14e: {  	v17 =	vmul.f32 v43, v17;
	v16 =	vmul.f32 v43, v16;
	v54, _, _ =	vpop (xrf2);
	v55 =	vadd.f32 v56, v47;
	v56 =	vld [tilespmem:s13+$0xC0]  }
0x14f: {  	v21 =	vadd.f32 v26, v21;
	v26 =	vbroadcast v54, $0xF;
	v18 =	vadd.f32 v20, v18;
	v20 =	vld [tilespmem:s15+$0xC0]  }
0x150: {  	v42 =	vadd.f32 v37, v42;
	v54 =	vadd.f32 v52, v51;
	v51 =	vld [tilespmem:s25+$0xD0];
	v43 =	vmax.f32 v55, $0.0e+00  }
0x151: {  	v15 =	vadd.f32 v15, v17;
	v26 =	vadd.f32 v26, v37;
	v37 =	vld [tilespmem:s15+$0xD0];
	v13 =	vmul.f32 v43, v13  }
0x152: {  	v16 =	vadd.f32 v34, v16;
	v55 =	vadd.f32 v49, v54;
	v49 =	vld [tilespmem:s13+$0xE0];
	v12 =	vmul.f32 v43, v12  }
0x153: {  	v54 =	vld [tilespmem:s25+$0xF0];
	v11 =	vmul.f32 v43, v11;
	v50 =	vmul.f32 v43, v33;
	v13 =	vadd.f32 v13, v21  }
0x154: {  	v17 =	vmax.f32 v55, $0.0e+00;
	v21 =	vld [tilespmem:s25+$0xE0];
	v56 =	vadd.f32 v56, v46;
	v12 =	vadd.f32 v12, v18  }
0x155: {  	v55 =	vld [tilespmem:s13+$0xF0];
	v10 =	vmul.f32 v17, v10;
	v11 =	vadd.f32 v11, v15;
	v9 =	vmul.f32 v17, v9  }
0x156: {  	v52 =	vld [tilespmem:s15+$0xE0];
	v16 =	vadd.f32 v50, v16;
	v6 =	vmul.f32 v17, v6;
	v53 =	vadd.f32 v20, v56  }
0x157: {  	v34 =	vld [tilespmem:s15+$0xF0];
	v10 =	vadd.f32 v10, v13;
	v56 =	vadd.f32 v48, v51  }
0x158: {  	v35 =	vsel vm3, v35, v42;
	v9 =	vadd.f32 v9, v12;
	v6 =	vadd.f32 v6, v11  }
0x159: {  	v15 =	vmax.f32 v53, $0.0e+00;
	v12 =	vadd.f32 v37, v56;
	v21 =	vadd.f32 v49, v21  }
0x15a: {  	v13 =	vadd.f32 v55, v54;
	v5 =	vmul.f32 v15, v5;
	v4 =	vmul.f32 v15, v4  }
0x15b: {  	(xrf2) =	vadd.scan.msk.f32 $0xffff, v40;
	v3 =	vmul.f32 v15, v3;
	v37 =	vmax.f32 v12, $0.0e+00;
	v40 =	vadd.f32 v52, v21  }
0x15c: {  	(xrf2) =	vadd.scan.msk.f32 $0xffff, v36;
	v43 =	vadd.f32 v34, v13;
	v5 =	vadd.f32 v5, v10;
	v7 =	vmul.f32 v37, v7  }
0x15d: {  	(xrf2) =	vadd.scan.msk.f32 $0xffff, v41;
	v4 =	vadd.f32 v4, v9;
	v8 =	vmul.f32 v37, v8;
	v42 =	vmax.f32 v40, $0.0e+00  }
0x15e: {  	(xrf2) =	vadd.scan.msk.f32 $0xffff, v39;
	v3 =	vadd.f32 v3, v6;
	v5 =	vadd.f32 v7, v5;
	v6 =	vmul.f32 v42, v22  }
0x15f: {  	v32 =	vmul.f32 v17, v32;
	v4 =	vadd.f32 v8, v4;
	v7 =	vmul.f32 v42, v24  }
0x160: {  	v47 =	vmul.f32 v37, v14;
	v46 =	vmax.f32 v43, $0.0e+00;
	v5 =	vadd.f32 v6, v5  }
0x161: {  	(xrf2) =	vadd.scan.msk.f32 $0xffff, v44;
	v6 =	vmul.f32 v46, v23;
	v4 =	vadd.f32 v7, v4;
	v7 =	vmul.f32 v46, v27  }
0x162: {  	v11 =	vadd.f32 v32, v16;
	v48 =	vmul.f32 v15, v31  }
0x163: {  	(xrf2) =	vadd.scan.msk.f32 $0xffff, v45;
	v3 =	vadd.f32 v47, v3;
	v49 =	vmul.f32 v42, v19;
	v4 =	vadd.f32 v7, v4  }
0x164: {  	v5 =	vadd.f32 v6, v5;
	v7 =	vmul.f32 v46, v25  }
0x165: {  	(xrf2) =	vadd.scan.msk.f32 $0xffff, v38;
	v11 =	vadd.f32 v48, v11;
	v10 =	vmul.f32 v37, v30;
	v3 =	vadd.f32 v49, v3;
	v6, _, _ =	vpop (xrf2)  }
0x166: {  	(xrf2) =	vadd.scan.msk.f32 $0xffff, v5;
	v6 =	vbroadcast v6, $0xF;
	v50, _, _ =	vpop (xrf2)  }
0x167: {  	v10 =	vadd.f32 v10, v11;
	v8 =	vmul.f32 v46, v28;
	v3 =	vadd.f32 v7, v3;
	(xrf2) =	vadd.scan.msk.f32 $0xffff, v4;
	v4, _, _ =	vpop (xrf2)  }
0x168: {  	v9 =	vmul.f32 v42, v29;
	v51 =	vbroadcast v50, $0xF;
	v6 =	vadd.f32 v35, v6;
	v7, _, _ =	vpop (xrf2)  }
0x169: {  	v5 =	vsel vm4, v35, v26;
	v4 =	vbroadcast v4, $0xF;
	v7 =	vbroadcast v7, $0xF  }
0x16a: {  	v9 =	vadd.f32 v9, v10;
	(xrf2) =	vadd.scan.msk.f32 $0xffff, v3;
	v6 =	vsel vm5, v5, v6;
	v5 =	vadd.f32 v5, v51  }
0x16b: {  	v3, _, _ =	vpop (xrf2);
	v4 =	vadd.f32 v6, v4  }
0x16c: {  	v8 =	vadd.f32 v8, v9;
	v3 =	vbroadcast v3, $0xF;
	v5 =	vsel vm6, v6, v5  }
0x16d: {  	v6 =	vadd.f32 v7, v6;
	v7, _, _ =	vpop (xrf2);
	v4 =	vsel vm7, v5, v4  }
0x16e: {  	(xrf2) =	vadd.scan.msk.f32 $0xffff, v8;
	v5 =	vbroadcast v7, $0xF;
	v3 =	vadd.f32 v4, v3  }
0x16f: {  	v7, _, _ =	vpop (xrf2);
	v6 =	vsel vm8, v4, v6  }
0x170: {  	v4 =	vadd.f32 v6, v5;
	v5 =	vbroadcast v7, $0xF  }
0x171: {  	v7, _, _ =	vpop (xrf2);
	v6 =	vsel vm9, v6, v3  }
0x172: {  	v7 =	vbroadcast v7, $0xF;
	v3, _, _ =	vpop (xrf2);
	v5 =	vadd.f32 v6, v5  }
0x173: {  	v4 =	vsel vm10, v6, v4;
	v52 =	vbroadcast v3, $0xF;
	v3 =	vshrl.u32 v1, $0x2  }
0x174: {  	v53, _, _ =	vpop (xrf2);
	v5 =	vsel vm11, v4, v5;
	v4 =	vmov s28;
	v3 =	vmul.u32 $0x8, v3  }
0x175: {  	v6 =	vadd.f32 v7, v6;
	v54 =	vbroadcast v53, $0xF;
	v4 =	vshll.u32 v4, $0x3  }
0x176: {  	v7 =	vadd.f32 v5, v52;
	v55 =	vor.u32 v3, v4;
	v4 =	vand.u32 $0x3, v1  }
0x177: {  	v5 =	vsel vm12, v5, v6;
	v6 =	vor.u32 v4, v55  }
0x178: {  	p2 =	sne.s32 s28, $0x7C;
	v56, _, _ =	vpop (xrf2);
	v7 =	vsel vm13, v5, v7;
	v5 =	vadd.f32 v5, v54  }
.Ltmp2:
0x179: {  	v8 =	vadd.f32 v7, v56;
	(pc) =	sbr.rel @p2 .LBB2_3-.Ltmp2, $4  }
0x17a: {  	v5 =	vsel vm14, v7, v5  }
0x17b: {  	v5 =	vsel vm15, v5, v8  }
0x17c: {  	s15 =	sadd.s32 $0x200, s15;
	[tilespmem:v6+s18+$0x0] =	vst.idx.msk $0xffff, v5  }
0x17d: {  	s13 =	sadd.s32 $0x200, s13;
	s25 =	sadd.s32 $0x200, s25;
	s28 =	sadd.s32 $0x4, s28;
	[tilespmem:v6+s2+$0x0] =	vst.idx.msk $0xffff, v5  }
0x17e: {  	s13 =	sshll.u32 s14, $0xD  }
0x17f: {  	s13 =	sadd.s32 s13, s21  }
0x180: {  	[hbm4b:s13+s5] =	stream.linear.scatter [tilespmem:s18], [sflag:$0x7], $0x400, $0x38;
	[tilespmem:$0x1B810] =	vst v63  }
0x181: {  	p2 =	seq.s32 s14, $0x26  }
0x182: {  	[spmem:s4] =	stream.indirect.scatter.add.f32 [tilespmem:s2], [sflag:$0x9], $0x8, s5, s6, $0xb8;
	[tilespmem:$0x1B810] =	vst v63  }
0x183: {  	s13 =	sadd.s32 @!p2 s29, s31;
	_ =	swait.ge [sflag:s3], $0x400  }
0x184: {  	s15 =	sshll.u32 @!p2 s13, $0x4;
	[sflag:s3] =	ssyncset.done $0x0  }
0x185: {  	s28 =	simm.s32 @!p2 $0x0;
	s25 =	sadd.s32 @!p2 s7, s15;
	[sflag:s3] =	ssyncadd.s32 $0xFFFFFC00  }
0x186: {  	[tilespmem:s28], [sflag:$0x1] =	stream.linear.gather @!p2 [hbm4b:s25+s28], $0x80, $0x38;
	[tilespmem:$0x1B810] =	vst v63  }
0x187: {  	s13 =	sshll.u32 @!p2 s13, $0xB;
	s15 =	sadd.s32 @!p2 s8, s15;
	s25 =	simm.s32 @!p2 $0x80  }
0x188: {  	[tilespmem:s25], [sflag:$0x1] =	stream.linear.gather @!p2 [hbm4b:s15+s28], $0x80, $0x38;
	[tilespmem:$0x1B810] =	vst v63  }
0x189: {  	s13 =	sadd.s32 @!p2 s9, s13;
	s15 =	simm.s32 @!p2 $0x100  }
0x18a: {  	[tilespmem:s15], [sflag:$0x1] =	stream.linear.gather @!p2 [hbm4b:s13+s28], $0x4000, $0x38;
	[tilespmem:$0x1B810] =	vst v63  }
0x18b: {  	s13 =	simm.s32 @!p2 $0x1  }
0x18c: {  	_ =	swait.ge @!p2 [sflag:s13], $0x80  }
0x18d: {  	[sflag:s13] =	ssyncset.done @!p2 $0x0  }
0x18e: {  	[sflag:s13] =	ssyncadd.s32 @!p2 $0xFFFFFF80  }
0x18f: {  	_ =	swait.ge @!p2 [sflag:s13], $0x80  }
0x190: {  	[sflag:s13] =	ssyncset.done @!p2 $0x0  }
0x191: {  	[sflag:s13] =	ssyncadd.s32 @!p2 $0xFFFFFF80  }
0x192: {  	_ =	swait.ge @!p2 [sflag:s13], $0x4000  }
0x193: {  	[sflag:s13] =	ssyncset.done @!p2 $0x0  }
0x194: {  	[sflag:s13] =	ssyncadd.s32 @!p2 $0xFFFFC000;
	s13 =	simm.s32 @!p2 $0x8200  }
0x195: {  	[tilespmem:s13], [sflag:$0x3] =	stream.indirect.gather @!p2 [hbm4b:s0+s25], $0x80, s28, s25, $0xb8;
	[tilespmem:$0x1B810] =	vst v63  }
0x196: {  	s13 =	simm.s32 @!p2 $0xC200  }
0x197: {  	[tilespmem:s13], [sflag:$0x4] =	stream.indirect.gather @!p2 [hbm4b:s1+s25], $0x80, s25, s25, $0xb8;
	[tilespmem:$0x1B810] =	vst v63  }
0x198: {  	_ =	swait.ge [sflag:s19], $0x4000  }
0x199: {  	[sflag:s19] =	ssyncset.done $0x0  }
0x19a: {  	[sflag:s19] =	ssyncadd.s32 $0xFFFFC000  }
0x19b: {  	_ =	swait.ge [sflag:s20], $0x4000  }
0x19c: {  	[sflag:s20] =	ssyncset.done $0x0  }
0x19d: {  	s13 =	simm.s32 @!p1 $0x8;
	[sflag:s20] =	ssyncadd.s32 $0xFFFFC000  }
0x19e: {  	_ =	swait.ge @!p1 [sflag:s13], $0x400  }
0x19f: {  	s15 =	simm.s32 $0x10300;
	s28 =	simm.s32 $0x4300;
	[sflag:s13] =	ssyncset.done @!p1 $0x0  }
0x1a0: {  	s25 =	simm.s32 $0x14300;
	[sflag:s13] =	ssyncadd.s32 @!p1 $0xFFFFFC00;
	s13 =	simm.s32 $0x0  }
.LBB2_5:
0x1a1: {  	v5 =	vld [tilespmem:s15+$0xFFFFFF00]  }
0x1a2: {  	v6 =	vld [tilespmem:s25+$0xFFFFFF00]  }
0x1a3: {  	v8 =	vld [tilespmem:s28+$0xFFFFFF00]  }
0x1a4: {  	v31 =	vld [tilespmem:$0x18E00]  }
0x1a5: {  	v30 =	vld [tilespmem:$0x18E80]  }
0x1a6: {  	v28 =	vld [tilespmem:$0x18F00]  }
0x1a7: {  	v25 =	vld [tilespmem:$0x18F80]  }
0x1a8: {  	v9 =	vld [tilespmem:s15+$0xFFFFFF10]  }
0x1a9: {  	v12 =	vld [tilespmem:s25+$0xFFFFFF10]  }
0x1aa: {  	v15 =	vld [tilespmem:s28+$0xFFFFFF10]  }
0x1ab: {  	v34 =	vld [tilespmem:$0x18E10]  }
0x1ac: {  	v32 =	vld [tilespmem:$0x18E90]  }
0x1ad: {  	v27 =	vld [tilespmem:$0x18F10]  }
0x1ae: {  	v24 =	vld [tilespmem:$0x18F90]  }
0x1af: {  	v21 =	vld [tilespmem:s15+$0xFFFFFF20]  }
0x1b0: {  	v22 =	vld [tilespmem:s25+$0xFFFFFF20]  }
0x1b1: {  	v23 =	vld [tilespmem:s28+$0xFFFFFF20]  }
0x1b2: {  	v26 =	vld [tilespmem:$0x18E20]  }
0x1b3: {  	v20 =	vld [tilespmem:$0x18EA0]  }
0x1b4: {  	v17 =	vld [tilespmem:$0x18F20]  }
0x1b5: {  	v18 =	vld [tilespmem:$0x18FA0]  }
0x1b6: {  	v29 =	vld [tilespmem:s15+$0xFFFFFF30]  }
0x1b7: {  	v33 =	vld [tilespmem:s25+$0xFFFFFF30]  }
0x1b8: {  	v35 =	vld [tilespmem:s28+$0xFFFFFF30]  }
0x1b9: {  	v19 =	vld [tilespmem:$0x18E30]  }
0x1ba: {  	v16 =	vld [tilespmem:$0x18EB0]  }
0x1bb: {  	v14 =	vld [tilespmem:$0x18F30]  }
0x1bc: {  	v13 =	vld [tilespmem:$0x18FB0]  }
0x1bd: {  	v36 =	vld [tilespmem:s15+$0xFFFFFF40]  }
0x1be: {  	v37 =	vld [tilespmem:s25+$0xFFFFFF40]  }
0x1bf: {  	v38 =	vld [tilespmem:s28+$0xFFFFFF40]  }
0x1c0: {  	v10 =	vld [tilespmem:$0x18E40]  }
0x1c1: {  	v11 =	vld [tilespmem:$0x18EC0]  }
0x1c2: {  	v7 =	vld [tilespmem:$0x18F40]  }
0x1c3: {  	v39 =	vld [tilespmem:s15+$0xFFFFFF50]  }
0x1c4: {  	v40 =	vld [tilespmem:s25+$0xFFFFFF50]  }
0x1c5: {  	v41 =	vld [tilespmem:s28+$0xFFFFFF50];
	v5 =	vadd.f32 v6, v5  }
0x1c6: {  	v9 =	vadd.f32 v12, v9;
	v6 =	vld [tilespmem:$0x18FC0]  }
0x1c7: {  	v47 =	vadd.f32 v22, v21;
	v12 =	vld [tilespmem:$0x18ED0];
	v5 =	vadd.f32 v8, v5  }
0x1c8: {  	v51 =	vadd.f32 v33, v29;
	v29 =	vld [tilespmem:s15+$0xFFFFFF60];
	v46 =	vadd.f32 v15, v9  }
0x1c9: {  	v22 =	vld [tilespmem:$0x18E60];
	v23 =	vadd.f32 v23, v47;
	v5 =	vmax.f32 v5, $0.0e+00  }
0x1ca: {  	v36 =	vadd.f32 v37, v36;
	v8 =	vld [tilespmem:$0x18E50];
	v15 =	vmax.f32 v46, $0.0e+00;
	v48 =	vmul.f32 v5, v31  }
0x1cb: {  	v9 =	vld [tilespmem:$0x18F50];
	v46 =	vmax.f32 v23, $0.0e+00;
	v49 =	vmul.f32 v15, v34;
	v42 =	vmul.f32 v30, v5  }
0x1cc: {  	v23 =	vadd.f32 v35, v51;
	v35 =	vld [tilespmem:$0x18E70];
	v43 =	vmul.f32 v28, v5;
	v50 =	vmul.f32 v32, v15  }
0x1cd: {  	v44 =	vmul.f32 v25, v5;
	v5 =	vld [tilespmem:$0x18FD0];
	v45 =	vmul.f32 v27, v15  }
0x1ce: {  	v36 =	vadd.f32 v38, v36;
	v15 =	vmul.f32 v24, v15;
	v52 =	vadd.f32 v50, v42;
	v42 =	vld [tilespmem:s25+$0xFFFFFF60]  }
0x1cf: {  	v53 =	vmul.f32 v46, v26;
	v21 =	vadd.f32 v49, v48;
	v43 =	vadd.f32 v45, v43;
	v45 =	vld [tilespmem:s28+$0xFFFFFF60]  }
0x1d0: {  	v56 =	vmul.f32 v20, v46;
	v47 =	vmul.f32 v17, v46;
	v48 =	vmax.f32 v23, $0.0e+00;
	v23 =	vld [tilespmem:$0x18EE0]  }
0x1d1: {  	v51 =	vmul.f32 v18, v46;
	v54 =	vadd.f32 v15, v44;
	v15 =	vld [tilespmem:$0x18FE0];
	v55 =	vadd.f32 v53, v21  }
0x1d2: {  	v44 =	vld [tilespmem:s15+$0xFFFFFF70];
	v33 =	vadd.f32 v56, v52;
	v52 =	vmul.f32 v48, v19;
	v43 =	vadd.f32 v47, v43  }
0x1d3: {  	v49 =	vld [tilespmem:s28+$0xFFFFFF70];
	v37 =	vadd.f32 v51, v54;
	v53 =	vmul.f32 v16, v48;
	v54 =	vmul.f32 v14, v48  }
0x1d4: {  	v21 =	vld [tilespmem:$0x18F60];
	v47 =	vmax.f32 v36, $0.0e+00;
	v38 =	vadd.f32 v52, v55;
	v55 =	vadd.f32 v40, v39  }
0x1d5: {  	v36 =	vld [tilespmem:$0x18EF0];
	v56 =	vadd.f32 v53, v33;
	v52 =	vmul.f32 v13, v48;
	v53 =	vmul.f32 v47, v10  }
0x1d6: {  	v39 =	vld [tilespmem:s25+$0xFFFFFF70];
	v43 =	vadd.f32 v54, v43;
	v54 =	vmul.f32 v11, v47;
	v42 =	vadd.f32 v42, v29  }
0x1d7: {  	v51 =	vld [tilespmem:s28+$0xFFFFFF90];
	v41 =	vadd.f32 v41, v55;
	v37 =	vadd.f32 v52, v37;
	v55 =	vmul.f32 v7, v47  }
0x1d8: {  	v33 =	vld [tilespmem:$0x18F70];
	v38 =	vadd.f32 v53, v38;
	v47 =	vmul.f32 v6, v47;
	v40 =	vadd.f32 v54, v56  }
0x1d9: {  	v48 =	vld [tilespmem:s15+$0xFFFFFF80];
	v42 =	vadd.f32 v45, v42;
	v41 =	vmax.f32 v41, $0.0e+00;
	v43 =	vadd.f32 v55, v43  }
0x1da: {  	v45 =	vld [tilespmem:s25+$0xFFFFFF80];
	v37 =	vadd.f32 v47, v37;
	v56 =	vmul.f32 v41, v8;
	v52 =	vmul.f32 v12, v41  }
0x1db: {  	v54 =	vld [tilespmem:s25+$0xFFFFFF90];
	v53 =	vmul.f32 v9, v41;
	v39 =	vadd.f32 v39, v44;
	v42 =	vmax.f32 v42, $0.0e+00  }
0x1dc: {  	v44 =	vld [tilespmem:s15+$0xFFFFFF90];
	v41 =	vmul.f32 v5, v41;
	v55 =	vmul.f32 v42, v22;
	v38 =	vadd.f32 v56, v38  }
0x1dd: {  	v50 =	vmul.f32 v23, v42;
	v40 =	vadd.f32 v52, v40;
	v39 =	vadd.f32 v49, v39;
	v49 =	vld [tilespmem:s28+$0xFFFFFF80]  }
0x1de: {  	v29 =	vld [tilespmem:$0x18FF0];
	v43 =	vadd.f32 v53, v43;
	v37 =	vadd.f32 v41, v37;
	v56 =	vmul.f32 v21, v42  }
0x1df: {  	v47 =	vld [tilespmem:s15+$0xFFFFFFA0];
	v42 =	vmul.f32 v15, v42;
	v45 =	vadd.f32 v45, v48;
	v38 =	vadd.f32 v55, v38  }
0x1e0: {  	v53 =	vld [tilespmem:s25+$0xFFFFFFA0];
	v40 =	vadd.f32 v50, v40;
	v41 =	vadd.f32 v56, v43  }
0x1e1: {  	v39 =	vmax.f32 v39, $0.0e+00;
	v37 =	vadd.f32 v42, v37;
	v44 =	vadd.f32 v54, v44  }
0x1e2: {  	v56 =	vld [tilespmem:s28+$0xFFFFFFA0];
	v54 =	vmul.f32 v36, v39;
	v55 =	vmul.f32 v33, v39;
	v45 =	vadd.f32 v49, v45  }
0x1e3: {  	v52 =	vmul.f32 v39, v35;
	v39 =	vmul.f32 v29, v39;
	v44 =	vadd.f32 v51, v44;
	v49 =	vld [tilespmem:s15+$0xFFFFFFB0]  }
0x1e4: {  	v42 =	vadd.f32 v54, v40;
	v40 =	vadd.f32 v55, v41;
	v41 =	vld [tilespmem:s25+$0xFFFFFFB0];
	v45 =	vmax.f32 v45, $0.0e+00  }
0x1e5: {  	v48 =	vld [tilespmem:s15+$0xFFFFFFC0];
	v43 =	vadd.f32 v53, v47;
	v44 =	vmax.f32 v44, $0.0e+00;
	v54 =	vmul.f32 v45, v31  }
0x1e6: {  	v38 =	vadd.f32 v52, v38;
	v47 =	vld [tilespmem:s28+$0xFFFFFFB0];
	v55 =	vmul.f32 v44, v34;
	v50 =	vmul.f32 v45, v30  }
0x1e7: {  	v52 =	vld [tilespmem:s25+$0xFFFFFFC0];
	v43 =	vadd.f32 v56, v43;
	v51 =	vmul.f32 v45, v28;
	v56 =	vmul.f32 v44, v32  }
0x1e8: {  	v39 =	vadd.f32 v39, v37;
	v45 =	vmul.f32 v45, v25;
	v53 =	vmul.f32 v44, v27  }
0x1e9: {  	v44 =	vmul.f32 v44, v24;
	v41 =	vadd.f32 v41, v49;
	v46 =	vadd.f32 v56, v50;
	v50 =	vld [tilespmem:s28+$0xFFFFFFC0]  }
0x1ea: {  	v43 =	vmax.f32 v43, $0.0e+00;
	v37 =	vadd.f32 v55, v54;
	v51 =	vadd.f32 v53, v51;
	v49 =	vld [tilespmem:s25+$0xFFFFFFD0]  }
0x1eb: {  	v55 =	vmul.f32 v43, v26;
	v44 =	vadd.f32 v44, v45;
	v41 =	vadd.f32 v47, v41;
	v47 =	vld [tilespmem:s15+$0xFFFFFFD0]  }
0x1ec: {  	v56 =	vmul.f32 v43, v20;
	v53 =	vmul.f32 v43, v17;
	v48 =	vadd.f32 v52, v48  }
0x1ed: {  	v43 =	vmul.f32 v43, v18;
	v52 =	vld [tilespmem:s28+$0xFFFFFFD0];
	v37 =	vadd.f32 v55, v37;
	v41 =	vmax.f32 v41, $0.0e+00  }
0x1ee: {  	v45 =	vadd.f32 v56, v46;
	v51 =	vadd.f32 v53, v51;
	v46 =	vld [tilespmem:s25+$0xFFFFFFE0];
	v56 =	vmul.f32 v41, v19  }
0x1ef: {  	v43 =	vadd.f32 v43, v44;
	v48 =	vadd.f32 v50, v48;
	v50 =	vld [tilespmem:s15+$0xFFFFFFE0]  }
0x1f0: {  	v37 =	vadd.f32 v56, v37;
	v56 =	vmul.f32 v41, v16;
	v47 =	vadd.f32 v49, v47  }
0x1f1: {  	v53 =	vmul.f32 v41, v14;
	v48 =	vmax.f32 v48, $0.0e+00;
	v41 =	vmul.f32 v41, v13;
	v49 =	vld [tilespmem:s28+$0xFFFFFFE0]  }
0x1f2: {  	v44 =	vadd.f32 v56, v45;
	v56 =	vmul.f32 v48, v10;
	v47 =	vadd.f32 v52, v47;
	v52 =	vld [tilespmem:s15+$0xFFFFFFF0]  }
0x1f3: {  	(xrf2) =	vadd.scan.msk.f32 $0xffff, v38;
	v51 =	vadd.f32 v53, v51;
	v55 =	vmul.f32 v48, v11;
	v38 =	vadd.f32 v41, v43;
	v43 =	vld [tilespmem:s25+$0xFFFFFFF0]  }
0x1f4: {  	v54 =	vld [tilespmem:s25+$0x10];
	v45 =	vmul.f32 v48, v7;
	v46 =	vadd.f32 v46, v50;
	v37 =	vadd.f32 v56, v37  }
0x1f5: {  	v50 =	vld [tilespmem:s28+$0xFFFFFFF0];
	v47 =	vmax.f32 v47, $0.0e+00;
	v41 =	vadd.f32 v55, v44;
	v44 =	vmul.f32 v48, v6  }
0x1f6: {  	v53 =	vld [tilespmem:s15+$0x0];
	v45 =	vadd.f32 v45, v51;
	v56 =	vmul.f32 v47, v8;
	v46 =	vadd.f32 v49, v46  }
0x1f7: {  	v49 =	vld [tilespmem:s25+$0x0];
	v51 =	vmul.f32 v47, v9;
	v38 =	vadd.f32 v44, v38;
	v44 =	vmul.f32 v47, v5  }
0x1f8: {  	v48 =	vld [tilespmem:s28+$0x0];
	v37 =	vadd.f32 v56, v37;
	v46 =	vmax.f32 v46, $0.0e+00;
	v43 =	vadd.f32 v43, v52  }
0x1f9: {  	v56 =	vmul.f32 v47, v12;
	v52 =	vld [tilespmem:s15+$0x10];
	v45 =	vadd.f32 v51, v45;
	v47 =	vmul.f32 v46, v22  }
0x1fa: {  	v38 =	vadd.f32 v44, v38;
	v55 =	vmul.f32 v46, v21;
	v43 =	vadd.f32 v50, v43  }
0x1fb: {  	v41 =	vadd.f32 v56, v41;
	v56 =	vmul.f32 v46, v23;
	v37 =	vadd.f32 v47, v37;
	v47 =	vld [tilespmem:s28+$0x10]  }
0x1fc: {  	v44 =	vadd.f32 v55, v45;
	v50 =	vmax.f32 v43, $0.0e+00;
	v43 =	vadd.f32 v49, v53;
	v49 =	vld [tilespmem:s15+$0x20]  }
0x1fd: {  	v45 =	vmul.f32 v46, v15;
	v41 =	vadd.f32 v56, v41;
	v53 =	vld [tilespmem:s25+$0x20];
	v56 =	vmul.f32 v50, v35  }
0x1fe: {  	v52 =	vadd.f32 v54, v52;
	v48 =	vadd.f32 v48, v43  }
0x1ff: {  	v38 =	vadd.f32 v45, v38;
	v45 =	vld [tilespmem:s28+$0x20];
	v43 =	vadd.f32 v56, v37;
	v56 =	vmul.f32 v50, v36  }
0x200: {  	v55 =	vld [tilespmem:s25+$0x30];
	v46 =	vmul.f32 v50, v33;
	v48 =	vmax.f32 v48, $0.0e+00;
	v47 =	vadd.f32 v47, v52  }
0x201: {  	v50 =	vmul.f32 v50, v29;
	v52 =	vld [tilespmem:s15+$0x30];
	v41 =	vadd.f32 v56, v41;
	v54 =	vmul.f32 v48, v31  }
0x202: {  	v56 =	vmul.f32 v48, v30;
	v49 =	vadd.f32 v53, v49;
	v47 =	vmax.f32 v47, $0.0e+00  }
0x203: {  	v37 =	vadd.f32 v46, v44;
	v53 =	vld [tilespmem:s28+$0x30];
	v44 =	vmul.f32 v47, v34;
	v46 =	vmul.f32 v47, v32  }
0x204: {  	v38 =	vadd.f32 v50, v38;
	v50 =	vmul.f32 v48, v28;
	v45 =	vadd.f32 v45, v49;
	v49 =	vld [tilespmem:s15+$0x40]  }
0x205: {  	v44 =	vadd.f32 v44, v54;
	v46 =	vadd.f32 v46, v56;
	v54 =	vmul.f32 v47, v27;
	v56 =	vld [tilespmem:s25+$0x40]  }
0x206: {  	v48 =	vmul.f32 v48, v25;
	v45 =	vmax.f32 v45, $0.0e+00;
	v52 =	vadd.f32 v55, v52  }
0x207: {  	v51, _, _ =	vpop (xrf2);
	v47 =	vmul.f32 v47, v24;
	v55 =	vld [tilespmem:s28+$0x40];
	v50 =	vadd.f32 v54, v50;
	v54 =	vmul.f32 v45, v26  }
0x208: {  	v51 =	vbroadcast v51, $0xF;
	v52 =	vadd.f32 v53, v52;
	v53 =	vld [tilespmem:s15+$0x50]  }
0x209: {  	(xrf2) =	vadd.scan.msk.f32 $0xffff, v42;
	v42 =	vadd.f32 v47, v48;
	v47 =	vmul.f32 v45, v20;
	v48 =	vld [tilespmem:s25+$0x50];
	v44 =	vadd.f32 v54, v44  }
0x20a: {  	v54 =	vmul.f32 v45, v17;
	v52 =	vmax.f32 v52, $0.0e+00;
	v49 =	vadd.f32 v56, v49  }
0x20b: {  	v51 =	vadd.f32 v51, v2;
	v46 =	vadd.f32 v47, v46;
	v47 =	vmul.f32 v52, v19;
	v56 =	vld [tilespmem:s28+$0x50]  }
0x20c: {  	v45 =	vmul.f32 v45, v18;
	v50 =	vadd.f32 v54, v50;
	v54 =	vld [tilespmem:s15+$0x60];
	v49 =	vadd.f32 v55, v49  }
0x20d: {  	(xrf2) =	vadd.scan.msk.f32 $0xffff, v40;
	v40 =	vmul.f32 v52, v14;
	v44 =	vadd.f32 v47, v44;
	v55 =	vmul.f32 v52, v16;
	v47 =	vld [tilespmem:s25+$0x60]  }
0x20e: {  	v42 =	vadd.f32 v45, v42;
	v48 =	vadd.f32 v48, v53;
	v49 =	vmax.f32 v49, $0.0e+00  }
0x20f: {  	v53 =	vld [tilespmem:s28+$0x60];
	v45 =	vadd.f32 v55, v46;
	v46 =	vmul.f32 v52, v13;
	v52 =	vmul.f32 v49, v10  }
0x210: {  	v40 =	vadd.f32 v40, v50;
	v48 =	vadd.f32 v56, v48  }
0x211: {  	v50 =	vld [tilespmem:s15+$0x70];
	v42 =	vadd.f32 v46, v42;
	v46 =	vmul.f32 v49, v11;
	v44 =	vadd.f32 v52, v44  }
0x212: {  	v52 =	vmul.f32 v49, v7;
	v48 =	vmax.f32 v48, $0.0e+00;
	v47 =	vadd.f32 v47, v54;
	v54 =	vld [tilespmem:s25+$0x70]  }
0x213: {  	v45 =	vadd.f32 v46, v45;
	v46 =	vmul.f32 v49, v6;
	v49 =	vmul.f32 v48, v8  }
0x214: {  	v55, _, _ =	vpop (xrf2);
	v56 =	vmul.f32 v48, v12;
	v40 =	vadd.f32 v52, v40;
	v47 =	vadd.f32 v53, v47;
	v52 =	vld [tilespmem:s28+$0x70]  }
0x215: {  	(xrf2) =	vadd.scan.msk.f32 $0xffff, v39;
	v55 =	vbroadcast v55, $0xF;
	v53 =	vld [tilespmem:s25+$0x80];
	v39 =	vadd.f32 v46, v42;
	v42 =	vadd.f32 v49, v44  }
0x216: {  	v46 =	vld [tilespmem:s15+$0x80];
	v49 =	vmul.f32 v48, v9;
	v48 =	vmul.f32 v48, v5;
	v47 =	vmax.f32 v47, $0.0e+00  }
0x217: {  	v44 =	vadd.f32 v56, v45;
	v45 =	vmul.f32 v47, v22;
	v50 =	vadd.f32 v54, v50;
	v54 =	vld [tilespmem:s15+$0x90]  }
0x218: {  	v56, _, _ =	vpop (xrf2);
	v40 =	vadd.f32 v49, v40;
	v39 =	vadd.f32 v48, v39;
	v48 =	vmul.f32 v47, v23;
	v49 =	vld [tilespmem:s25+$0x90]  }
0x219: {  	v56 =	vbroadcast v56, $0xF;
	v42 =	vadd.f32 v45, v42;
	v45 =	vadd.f32 v52, v50;
	v50 =	vld [tilespmem:s28+$0x80]  }
0x21a: {  	v44 =	vadd.f32 v48, v44;
	v48 =	vmul.f32 v47, v21;
	v47 =	vmul.f32 v47, v15;
	v52 =	vld [tilespmem:s28+$0x90]  }
0x21b: {  	v51 =	vsel vm0, v51, v2;
	v55 =	vadd.f32 v2, v55;
	v45 =	vmax.f32 v45, $0.0e+00  }
0x21c: {  	v56 =	vadd.f32 v51, v56;
	v39 =	vadd.f32 v47, v39;
	v47 =	vmul.f32 v45, v35  }
0x21d: {  	v46 =	vadd.f32 v53, v46;
	v53 =	vld [tilespmem:s25+$0xA0];
	v51 =	vsel vm1, v51, v55;
	v49 =	vadd.f32 v49, v54  }
0x21e: {  	v40 =	vadd.f32 v48, v40;
	v48 =	vld [tilespmem:s15+$0xA0];
	v54 =	vmul.f32 v45, v33;
	v42 =	vadd.f32 v47, v42  }
0x21f: {  	(xrf2) =	vadd.scan.msk.f32 $0xffff, v43;
	v56 =	vsel vm2, v51, v56;
	v46 =	vadd.f32 v50, v46;
	v49 =	vadd.f32 v52, v49  }
0x220: {  	v47 =	vmul.f32 v45, v36;
	v50, _, _ =	vpop (xrf2);
	v52 =	vld [tilespmem:s28+$0xA0];
	v40 =	vadd.f32 v54, v40;
	v45 =	vmul.f32 v45, v29  }
0x221: {  	v54 =	vld [tilespmem:s25+$0xB0];
	v50 =	vbroadcast v50, $0xF;
	v46 =	vmax.f32 v46, $0.0e+00;
	v49 =	vmax.f32 v49, $0.0e+00  }
0x222: {  	v44 =	vadd.f32 v47, v44;
	v47 =	vld [tilespmem:s15+$0xB0];
	v31 =	vmul.f32 v46, v31;
	v34 =	vmul.f32 v49, v34  }
0x223: {  	v43 =	vld [tilespmem:s28+$0xB0];
	v48 =	vadd.f32 v53, v48;
	v30 =	vmul.f32 v46, v30;
	v32 =	vmul.f32 v49, v32  }
0x224: {  	v39 =	vadd.f32 v45, v39;
	v45 =	vld [tilespmem:s15+$0xC0];
	v28 =	vmul.f32 v46, v28;
	v25 =	vmul.f32 v46, v25  }
0x225: {  	v53 =	vld [tilespmem:s25+$0xC0];
	v27 =	vmul.f32 v49, v27;
	v31 =	vadd.f32 v34, v31;
	v48 =	vadd.f32 v52, v48  }
0x226: {  	v24 =	vmul.f32 v49, v24;
	v49 =	vld [tilespmem:s15+$0xD0];
	v52 =	vadd.f32 v51, v50;
	v30 =	vadd.f32 v32, v30  }
0x227: {  	v27 =	vadd.f32 v27, v28;
	v50 =	vld [tilespmem:s25+$0xD0];
	v34 =	vmax.f32 v48, $0.0e+00;
	v55 =	vadd.f32 v54, v47  }
0x228: {  	v24 =	vadd.f32 v24, v25;
	v47 =	vld [tilespmem:s28+$0xC0];
	v46 =	vsel vm3, v56, v52;
	v26 =	vmul.f32 v34, v26  }
0x229: {  	v54 =	vld [tilespmem:s25+$0xE0];
	v56, _, _ =	vpop (xrf2);
	v20 =	vmul.f32 v34, v20;
	v17 =	vmul.f32 v34, v17;
	v48 =	vadd.f32 v43, v55  }
0x22a: {  	v53 =	vadd.f32 v53, v45;
	v18 =	vmul.f32 v34, v18;
	v45 =	vbroadcast v56, $0xF;
	v55 =	vld [tilespmem:s28+$0xE0]  }
0x22b: {  	v52 =	vadd.f32 v26, v31;
	v26 =	vld [tilespmem:s28+$0xD0];
	v20 =	vadd.f32 v20, v30;
	v28 =	vmax.f32 v48, $0.0e+00  }
0x22c: {  	v31 =	vld [tilespmem:s15+$0xE0];
	v17 =	vadd.f32 v17, v27;
	v18 =	vadd.f32 v18, v24;
	v19 =	vmul.f32 v28, v19  }
0x22d: {  	v43 =	vld [tilespmem:s15+$0xF0];
	v16 =	vmul.f32 v28, v16;
	v14 =	vmul.f32 v28, v14;
	v34 =	vadd.f32 v47, v53  }
0x22e: {  	v49 =	vadd.f32 v50, v49;
	v13 =	vmul.f32 v28, v13;
	v47 =	vld [tilespmem:s25+$0xF0];
	v19 =	vadd.f32 v19, v52  }
0x22f: {  	v16 =	vadd.f32 v16, v20;
	v14 =	vadd.f32 v14, v17;
	v48 =	vmax.f32 v34, $0.0e+00  }
0x230: {  	v13 =	vadd.f32 v13, v18;
	v10 =	vmul.f32 v48, v10;
	v11 =	vmul.f32 v48, v11  }
0x231: {  	v52 =	vld [tilespmem:s28+$0xF0];
	v26 =	vadd.f32 v26, v49;
	v53 =	vadd.f32 v54, v31;
	v7 =	vmul.f32 v48, v7  }
0x232: {  	(xrf2) =	vadd.scan.msk.f32 $0xffff, v41;
	v6 =	vmul.f32 v48, v6;
	v10 =	vadd.f32 v10, v19;
	v11 =	vadd.f32 v11, v16  }
0x233: {  	v54 =	vmax.f32 v26, $0.0e+00;
	v55 =	vadd.f32 v55, v53;
	v56 =	vadd.f32 v47, v43  }
0x234: {  	(xrf2) =	vadd.scan.msk.f32 $0xffff, v37;
	v7 =	vadd.f32 v7, v14;
	v8 =	vmul.f32 v54, v8;
	v12 =	vmul.f32 v54, v12  }
0x235: {  	(xrf2) =	vadd.scan.msk.f32 $0xffff, v38;
	v6 =	vadd.f32 v6, v13;
	v9 =	vmul.f32 v54, v9;
	v5 =	vmul.f32 v54, v5  }
0x236: {  	(xrf2) =	vadd.scan.msk.f32 $0xffff, v42;
	v30 =	vmax.f32 v55, $0.0e+00;
	v31 =	vadd.f32 v52, v56;
	v8 =	vadd.f32 v8, v10  }
0x237: {  	v32 =	vmul.f32 v30, v22;
	v11 =	vadd.f32 v12, v11;
	v34 =	vmul.f32 v30, v23  }
0x238: {  	(xrf2) =	vadd.scan.msk.f32 $0xffff, v44;
	v7 =	vadd.f32 v9, v7;
	v38 =	vmul.f32 v30, v21;
	v17 =	vmax.f32 v31, $0.0e+00  }
0x239: {  	v8 =	vadd.f32 v32, v8;
	v35 =	vmul.f32 v17, v35;
	v37 =	vadd.f32 v34, v11  }
0x23a: {  	(xrf2) =	vadd.scan.msk.f32 $0xffff, v40;
	v40 =	vmul.f32 v17, v36;
	v7 =	vadd.f32 v38, v7;
	v42 =	vmul.f32 v17, v33  }
0x23b: {  	(xrf2) =	vadd.scan.msk.f32 $0xffff, v39;
	v5 =	vadd.f32 v5, v6;
	v8 =	vadd.f32 v35, v8  }
0x23c: {  	v50, _, _ =	vpop (xrf2);
	v6 =	vmul.f32 v30, v15;
	v41 =	vadd.f32 v40, v37;
	v7 =	vadd.f32 v42, v7  }
0x23d: {  	v28 =	vbroadcast v50, $0xF;
	(xrf2) =	vadd.scan.msk.f32 $0xffff, v8  }
0x23e: {  	v43 =	vadd.f32 v45, v51;
	v45, _, _ =	vpop (xrf2);
	v5 =	vadd.f32 v6, v5;
	v6 =	vmul.f32 v17, v29;
	(xrf2) =	vadd.scan.msk.f32 $0xffff, v41  }
0x23f: {  	v44 =	vadd.f32 v46, v28;
	v47 =	vbroadcast v45, $0xF;
	v48, _, _ =	vpop (xrf2)  }
0x240: {  	v10 =	vbroadcast v48, $0xF;
	v11 =	vsel vm4, v46, v43;
	v5 =	vadd.f32 v6, v5;
	(xrf2) =	vadd.scan.msk.f32 $0xffff, v7;
	v7, _, _ =	vpop (xrf2)  }
0x241: {  	v9 =	vadd.f32 v11, v47;
	v8 =	vsel vm5, v11, v44;
	v7 =	vbroadcast v7, $0xF  }
0x242: {  	v6 =	vadd.f32 v8, v10;
	v49, _, _ =	vpop (xrf2)  }
0x243: {  	v9 =	vsel vm6, v8, v9;
	(xrf2) =	vadd.scan.msk.f32 $0xffff, v5;
	v10 =	vbroadcast v49, $0xF;
	v7 =	vadd.f32 v7, v8  }
0x244: {  	v6 =	vsel vm7, v9, v6;
	v5, _, _ =	vpop (xrf2)  }
0x245: {  	v50, _, _ =	vpop (xrf2);
	v5 =	vbroadcast v5, $0xF;
	v9 =	vadd.f32 v6, v10;
	v6 =	vsel vm8, v6, v7  }
0x246: {  	v7 =	vbroadcast v50, $0xF  }
0x247: {  	v9 =	vsel vm9, v6, v9;
	v5 =	vadd.f32 v6, v5;
	v51, _, _ =	vpop (xrf2)  }
0x248: {  	v7 =	vadd.f32 v9, v7;
	v6, _, _ =	vpop (xrf2);
	v8 =	vbroadcast v51, $0xF  }
0x249: {  	v52 =	vmov s13;
	v5 =	vsel vm10, v9, v5;
	v6 =	vbroadcast v6, $0xF  }
0x24a: {  	v54 =	vshll.u32 v52, $0x3;
	v5 =	vsel vm11, v5, v7;
	v53, _, _ =	vpop (xrf2);
	v7 =	vadd.f32 v8, v9  }
0x24b: {  	v55 =	vbroadcast v53, $0xF;
	v8 =	vor.u32 v3, v54;
	v6 =	vadd.f32 v5, v6  }
0x24c: {  	v5 =	vsel vm12, v5, v7;
	v7 =	vor.u32 v4, v8  }
0x24d: {  	p1 =	sne.s32 s13, $0x7C;
	v56, _, _ =	vpop (xrf2);
	v6 =	vsel vm13, v5, v6;
	v5 =	vadd.f32 v5, v55  }
.Ltmp3:
0x24e: {  	v8 =	vadd.f32 v6, v56;
	(pc) =	sbr.rel @p1 .LBB2_5-.Ltmp3, $4  }
0x24f: {  	v5 =	vsel vm14, v6, v5  }
0x250: {  	v5 =	vsel vm15, v5, v8  }
0x251: {  	s15 =	sadd.s32 $0x200, s15;
	[tilespmem:v7+s26+$0x0] =	vst.idx.msk $0xffff, v5  }
0x252: {  	s25 =	sadd.s32 $0x200, s25;
	s28 =	sadd.s32 $0x200, s28;
	s13 =	sadd.s32 $0x4, s13;
	[tilespmem:v7+s2+$0x0] =	vst.idx.msk $0xffff, v5  }
0x253: {  	s13 =	sshll.u32 s23, $0x7  }
0x254: {  	s13 =	sadd.s32 s13, s11  }
0x255: {  	s13 =	sadd.s32 $0x1000, s13  }
0x256: {  	[hbm4b:s13+s5] =	stream.linear.scatter [tilespmem:s26], [sflag:$0x8], $0x400, $0x38;
	[tilespmem:$0x1B810] =	vst v63  }
.Ltmp4:
0x257: {  	_ = 	snop;
	(pc) =	sbr.rel @p2 .LBB2_8-.Ltmp4, $4  }
0x258: {  	[spmem:s4] =	stream.indirect.scatter.add.f32 [tilespmem:s2], [sflag:$0x9], $0x8, s22, s6, $0xb8;
	[tilespmem:$0x1B810] =	vst v63  }
0x259: {  	_ =	swait.ge [sflag:s3], $0x400  }
0x25a: {  	[sflag:s3] =	ssyncset.done $0x0  }
0x25b: {  	[sflag:s3] =	ssyncadd.s32 $0xFFFFFC00  }
0x25c: {  	s13 =	sadd.s32 s30, s31  }
0x25d: {  	s15 =	sshll.u32 s13, $0x4  }
0x25e: {  	s23 =	sadd.s32 s7, s15  }
0x25f: {  	[tilespmem:s22], [sflag:$0x2] =	stream.linear.gather [hbm4b:s23+s5], $0x80, $0x38;
	[tilespmem:$0x1B810] =	vst v63  }
.Ltmp5:
0x260: {  	_ = 	snop;
	(pc) =	sbr.rel .LBB2_2-.Ltmp5, $4  }
0x261: {  	s13 =	sshll.u32 s13, $0xB;
	s15 =	sadd.s32 s8, s15  }
0x262: {  	[tilespmem:s24], [sflag:$0x2] =	stream.linear.gather [hbm4b:s15+s5], $0x80, $0x38;
	[tilespmem:$0x1B810] =	vst v63  }
0x263: {  	s31 =	simm.s32 $0x4200;
	s14 =	sadd.s32 $0x1, s14;
	s13 =	sadd.s32 s9, s13  }
0x264: {  	[tilespmem:s31], [sflag:$0x2] =	stream.linear.gather [hbm4b:s13+s5], $0x4000, $0x38;
	[tilespmem:$0x1B810] =	vst v63  }
.LBB2_8:
0x265: {  	s13 =	simm.s32 $0x7  }
0x266: {  	_ =	swait.ge [sflag:s13], $0x400  }
.Ltmp6:
0x267: {  	[sflag:s13] =	ssyncset.done $0x0;
	(pc) =	sbr.rel @p0 .LBB2_12-.Ltmp6, $4  }
0x268: {  	s31 =	simm.s32 $0x8;
	[sflag:s13] =	ssyncadd.s32 $0xFFFFFC00  }
0x269: {  	_ =	swait.ge [sflag:s31], $0x400  }
0x26a: {  	[sflag:s31] =	ssyncset.done $0x0  }
0x26b: {  	s14 =	rddreg [dreg:$0x15];
	[sflag:s31] =	ssyncadd.s32 $0xFFFFFC00  }
0x26c: {  	s14 =	simm.s32 $0x0;
	s13 =	rddreg [dreg:$0xf]  }
0x26d: {  	[tilespmem:s14], [sflag:$0x1] =	stream.linear.gather [hbm4b:s13+s14], $0x80, $0x38;
	[tilespmem:$0x1B810] =	vst v63  }
0x26e: {  	s15 =	rddreg [dreg:$0x10]  }
0x26f: {  	[tilespmem:s6], [sflag:$0x1] =	stream.linear.gather [hbm4b:s15+s14], $0x80, $0x38;
	[tilespmem:$0x1B810] =	vst v63  }
0x270: {  	s23 =	rddreg [dreg:$0x11];
	s25 =	simm.s32 $0x1;
	s15 =	simm.s32 $0x100  }
0x271: {  	[tilespmem:s15], [sflag:$0x1] =	stream.linear.gather [hbm4b:s23+s14], $0x4000, $0x38;
	[tilespmem:$0x1B810] =	vst v63  }
0x272: {  	_ =	swait.ge [sflag:s25], $0x80  }
0x273: {  	[sflag:s25] =	ssyncset.done $0x0  }
0x274: {  	[sflag:s25] =	ssyncadd.s32 $0xFFFFFF80  }
0x275: {  	_ =	swait.ge [sflag:s25], $0x80  }
0x276: {  	[sflag:s25] =	ssyncset.done $0x0  }
0x277: {  	[sflag:s25] =	ssyncadd.s32 $0xFFFFFF80  }
0x278: {  	_ =	swait.ge [sflag:s25], $0x4000  }
0x279: {  	[sflag:s25] =	ssyncset.done $0x0  }
0x27a: {  	s28 =	simm.s32 $0x8200;
	[sflag:s25] =	ssyncadd.s32 $0xFFFFC000  }
0x27b: {  	[tilespmem:s28], [sflag:$0x3] =	stream.indirect.gather [hbm4b:s0+s6], $0x80, s14, s6, $0xb8;
	[tilespmem:$0x1B810] =	vst v63  }
0x27c: {  	s31 =	simm.s32 $0xC200  }
0x27d: {  	[tilespmem:s31], [sflag:$0x4] =	stream.indirect.gather [hbm4b:s1+s6], $0x80, s6, s6, $0xb8;
	[tilespmem:$0x1B810] =	vst v63  }
0x27e: {  	_ =	swait.ge [sflag:s16], $0x4000  }
0x27f: {  	[sflag:s16] =	ssyncset.done $0x0  }
0x280: {  	[sflag:s16] =	ssyncadd.s32 $0xFFFFC000  }
0x281: {  	_ =	swait.ge [sflag:s17], $0x4000  }
0x282: {  	s13 =	simm.s32 $0x8300;
	[sflag:s17] =	ssyncset.done $0x0  }
0x283: {  	s15 =	simm.s32 $0xC300;
	s23 =	simm.s32 $0x200;
	[sflag:s17] =	ssyncadd.s32 $0xFFFFC000  }
.LBB2_10:
0x284: {  	v5 =	vld [tilespmem:s13+$0xFFFFFF00]  }
0x285: {  	v6 =	vld [tilespmem:s15+$0xFFFFFF00]  }
0x286: {  	v8 =	vld [tilespmem:s23+$0xFFFFFF00]  }
0x287: {  	v31 =	vld [tilespmem:$0x18E00]  }
0x288: {  	v30 =	vld [tilespmem:$0x18E80]  }
0x289: {  	v28 =	vld [tilespmem:$0x18F00]  }
0x28a: {  	v25 =	vld [tilespmem:$0x18F80]  }
0x28b: {  	v9 =	vld [tilespmem:s13+$0xFFFFFF10]  }
0x28c: {  	v12 =	vld [tilespmem:s15+$0xFFFFFF10]  }
0x28d: {  	v15 =	vld [tilespmem:s23+$0xFFFFFF10]  }
0x28e: {  	v34 =	vld [tilespmem:$0x18E10]  }
0x28f: {  	v32 =	vld [tilespmem:$0x18E90]  }
0x290: {  	v27 =	vld [tilespmem:$0x18F10]  }
0x291: {  	v24 =	vld [tilespmem:$0x18F90]  }
0x292: {  	v21 =	vld [tilespmem:s13+$0xFFFFFF20]  }
0x293: {  	v22 =	vld [tilespmem:s15+$0xFFFFFF20]  }
0x294: {  	v23 =	vld [tilespmem:s23+$0xFFFFFF20]  }
0x295: {  	v26 =	vld [tilespmem:$0x18E20]  }
0x296: {  	v20 =	vld [tilespmem:$0x18EA0]  }
0x297: {  	v17 =	vld [tilespmem:$0x18F20]  }
0x298: {  	v18 =	vld [tilespmem:$0x18FA0]  }
0x299: {  	v29 =	vld [tilespmem:s13+$0xFFFFFF30]  }
0x29a: {  	v33 =	vld [tilespmem:s15+$0xFFFFFF30]  }
0x29b: {  	v35 =	vld [tilespmem:s23+$0xFFFFFF30]  }
0x29c: {  	v19 =	vld [tilespmem:$0x18E30]  }
0x29d: {  	v16 =	vld [tilespmem:$0x18EB0]  }
0x29e: {  	v14 =	vld [tilespmem:$0x18F30]  }
0x29f: {  	v13 =	vld [tilespmem:$0x18FB0]  }
0x2a0: {  	v36 =	vld [tilespmem:s13+$0xFFFFFF40]  }
0x2a1: {  	v37 =	vld [tilespmem:s15+$0xFFFFFF40]  }
0x2a2: {  	v38 =	vld [tilespmem:s23+$0xFFFFFF40]  }
0x2a3: {  	v10 =	vld [tilespmem:$0x18E40]  }
0x2a4: {  	v11 =	vld [tilespmem:$0x18EC0]  }
0x2a5: {  	v7 =	vld [tilespmem:$0x18F40]  }
0x2a6: {  	v39 =	vld [tilespmem:s13+$0xFFFFFF50]  }
0x2a7: {  	v40 =	vld [tilespmem:s15+$0xFFFFFF50]  }
0x2a8: {  	v41 =	vld [tilespmem:s23+$0xFFFFFF50];
	v5 =	vadd.f32 v6, v5  }
0x2a9: {  	v9 =	vadd.f32 v12, v9;
	v6 =	vld [tilespmem:$0x18FC0]  }
0x2aa: {  	v47 =	vadd.f32 v22, v21;
	v12 =	vld [tilespmem:$0x18ED0];
	v5 =	vadd.f32 v8, v5  }
0x2ab: {  	v51 =	vadd.f32 v33, v29;
	v29 =	vld [tilespmem:s13+$0xFFFFFF60];
	v46 =	vadd.f32 v15, v9  }
0x2ac: {  	v22 =	vld [tilespmem:$0x18E60];
	v23 =	vadd.f32 v23, v47;
	v5 =	vmax.f32 v5, $0.0e+00  }
0x2ad: {  	v36 =	vadd.f32 v37, v36;
	v8 =	vld [tilespmem:$0x18E50];
	v15 =	vmax.f32 v46, $0.0e+00;
	v48 =	vmul.f32 v5, v31  }
0x2ae: {  	v9 =	vld [tilespmem:$0x18F50];
	v46 =	vmax.f32 v23, $0.0e+00;
	v49 =	vmul.f32 v15, v34;
	v42 =	vmul.f32 v30, v5  }
0x2af: {  	v23 =	vadd.f32 v35, v51;
	v35 =	vld [tilespmem:$0x18E70];
	v43 =	vmul.f32 v28, v5;
	v50 =	vmul.f32 v32, v15  }
0x2b0: {  	v44 =	vmul.f32 v25, v5;
	v5 =	vld [tilespmem:$0x18FD0];
	v45 =	vmul.f32 v27, v15  }
0x2b1: {  	v36 =	vadd.f32 v38, v36;
	v15 =	vmul.f32 v24, v15;
	v52 =	vadd.f32 v50, v42;
	v42 =	vld [tilespmem:s15+$0xFFFFFF60]  }
0x2b2: {  	v53 =	vmul.f32 v46, v26;
	v21 =	vadd.f32 v49, v48;
	v43 =	vadd.f32 v45, v43;
	v45 =	vld [tilespmem:s23+$0xFFFFFF60]  }
0x2b3: {  	v56 =	vmul.f32 v20, v46;
	v47 =	vmul.f32 v17, v46;
	v48 =	vmax.f32 v23, $0.0e+00;
	v23 =	vld [tilespmem:$0x18EE0]  }
0x2b4: {  	v51 =	vmul.f32 v18, v46;
	v54 =	vadd.f32 v15, v44;
	v15 =	vld [tilespmem:$0x18FE0];
	v55 =	vadd.f32 v53, v21  }
0x2b5: {  	v44 =	vld [tilespmem:s13+$0xFFFFFF70];
	v33 =	vadd.f32 v56, v52;
	v52 =	vmul.f32 v48, v19;
	v43 =	vadd.f32 v47, v43  }
0x2b6: {  	v49 =	vld [tilespmem:s23+$0xFFFFFF70];
	v37 =	vadd.f32 v51, v54;
	v53 =	vmul.f32 v16, v48;
	v54 =	vmul.f32 v14, v48  }
0x2b7: {  	v21 =	vld [tilespmem:$0x18F60];
	v47 =	vmax.f32 v36, $0.0e+00;
	v38 =	vadd.f32 v52, v55;
	v55 =	vadd.f32 v40, v39  }
0x2b8: {  	v36 =	vld [tilespmem:$0x18EF0];
	v56 =	vadd.f32 v53, v33;
	v52 =	vmul.f32 v13, v48;
	v53 =	vmul.f32 v47, v10  }
0x2b9: {  	v39 =	vld [tilespmem:s15+$0xFFFFFF70];
	v43 =	vadd.f32 v54, v43;
	v54 =	vmul.f32 v11, v47;
	v42 =	vadd.f32 v42, v29  }
0x2ba: {  	v51 =	vld [tilespmem:s23+$0xFFFFFF90];
	v41 =	vadd.f32 v41, v55;
	v37 =	vadd.f32 v52, v37;
	v55 =	vmul.f32 v7, v47  }
0x2bb: {  	v33 =	vld [tilespmem:$0x18F70];
	v38 =	vadd.f32 v53, v38;
	v47 =	vmul.f32 v6, v47;
	v40 =	vadd.f32 v54, v56  }
0x2bc: {  	v48 =	vld [tilespmem:s13+$0xFFFFFF80];
	v42 =	vadd.f32 v45, v42;
	v41 =	vmax.f32 v41, $0.0e+00;
	v43 =	vadd.f32 v55, v43  }
0x2bd: {  	v45 =	vld [tilespmem:s15+$0xFFFFFF80];
	v37 =	vadd.f32 v47, v37;
	v56 =	vmul.f32 v41, v8;
	v52 =	vmul.f32 v12, v41  }
0x2be: {  	v54 =	vld [tilespmem:s15+$0xFFFFFF90];
	v53 =	vmul.f32 v9, v41;
	v39 =	vadd.f32 v39, v44;
	v42 =	vmax.f32 v42, $0.0e+00  }
0x2bf: {  	v44 =	vld [tilespmem:s13+$0xFFFFFF90];
	v41 =	vmul.f32 v5, v41;
	v55 =	vmul.f32 v42, v22;
	v38 =	vadd.f32 v56, v38  }
0x2c0: {  	v50 =	vmul.f32 v23, v42;
	v40 =	vadd.f32 v52, v40;
	v39 =	vadd.f32 v49, v39;
	v49 =	vld [tilespmem:s23+$0xFFFFFF80]  }
0x2c1: {  	v29 =	vld [tilespmem:$0x18FF0];
	v43 =	vadd.f32 v53, v43;
	v37 =	vadd.f32 v41, v37;
	v56 =	vmul.f32 v21, v42  }
0x2c2: {  	v47 =	vld [tilespmem:s13+$0xFFFFFFA0];
	v42 =	vmul.f32 v15, v42;
	v45 =	vadd.f32 v45, v48;
	v38 =	vadd.f32 v55, v38  }
0x2c3: {  	v53 =	vld [tilespmem:s15+$0xFFFFFFA0];
	v40 =	vadd.f32 v50, v40;
	v41 =	vadd.f32 v56, v43  }
0x2c4: {  	v39 =	vmax.f32 v39, $0.0e+00;
	v37 =	vadd.f32 v42, v37;
	v44 =	vadd.f32 v54, v44  }
0x2c5: {  	v56 =	vld [tilespmem:s23+$0xFFFFFFA0];
	v54 =	vmul.f32 v36, v39;
	v55 =	vmul.f32 v33, v39;
	v45 =	vadd.f32 v49, v45  }
0x2c6: {  	v52 =	vmul.f32 v39, v35;
	v39 =	vmul.f32 v29, v39;
	v44 =	vadd.f32 v51, v44;
	v49 =	vld [tilespmem:s13+$0xFFFFFFB0]  }
0x2c7: {  	v42 =	vadd.f32 v54, v40;
	v40 =	vadd.f32 v55, v41;
	v41 =	vld [tilespmem:s15+$0xFFFFFFB0];
	v45 =	vmax.f32 v45, $0.0e+00  }
0x2c8: {  	v48 =	vld [tilespmem:s13+$0xFFFFFFC0];
	v43 =	vadd.f32 v53, v47;
	v44 =	vmax.f32 v44, $0.0e+00;
	v54 =	vmul.f32 v45, v31  }
0x2c9: {  	v38 =	vadd.f32 v52, v38;
	v47 =	vld [tilespmem:s23+$0xFFFFFFB0];
	v55 =	vmul.f32 v44, v34;
	v50 =	vmul.f32 v45, v30  }
0x2ca: {  	v52 =	vld [tilespmem:s15+$0xFFFFFFC0];
	v43 =	vadd.f32 v56, v43;
	v51 =	vmul.f32 v45, v28;
	v56 =	vmul.f32 v44, v32  }
0x2cb: {  	v39 =	vadd.f32 v39, v37;
	v45 =	vmul.f32 v45, v25;
	v53 =	vmul.f32 v44, v27  }
0x2cc: {  	v44 =	vmul.f32 v44, v24;
	v41 =	vadd.f32 v41, v49;
	v46 =	vadd.f32 v56, v50;
	v50 =	vld [tilespmem:s23+$0xFFFFFFC0]  }
0x2cd: {  	v43 =	vmax.f32 v43, $0.0e+00;
	v37 =	vadd.f32 v55, v54;
	v51 =	vadd.f32 v53, v51;
	v49 =	vld [tilespmem:s15+$0xFFFFFFD0]  }
0x2ce: {  	v55 =	vmul.f32 v43, v26;
	v44 =	vadd.f32 v44, v45;
	v41 =	vadd.f32 v47, v41;
	v47 =	vld [tilespmem:s13+$0xFFFFFFD0]  }
0x2cf: {  	v56 =	vmul.f32 v43, v20;
	v53 =	vmul.f32 v43, v17;
	v48 =	vadd.f32 v52, v48  }
0x2d0: {  	v43 =	vmul.f32 v43, v18;
	v52 =	vld [tilespmem:s23+$0xFFFFFFD0];
	v37 =	vadd.f32 v55, v37;
	v41 =	vmax.f32 v41, $0.0e+00  }
0x2d1: {  	v45 =	vadd.f32 v56, v46;
	v51 =	vadd.f32 v53, v51;
	v46 =	vld [tilespmem:s15+$0xFFFFFFE0];
	v56 =	vmul.f32 v41, v19  }
0x2d2: {  	v43 =	vadd.f32 v43, v44;
	v48 =	vadd.f32 v50, v48;
	v50 =	vld [tilespmem:s13+$0xFFFFFFE0]  }
0x2d3: {  	v37 =	vadd.f32 v56, v37;
	v56 =	vmul.f32 v41, v16;
	v47 =	vadd.f32 v49, v47  }
0x2d4: {  	v53 =	vmul.f32 v41, v14;
	v48 =	vmax.f32 v48, $0.0e+00;
	v41 =	vmul.f32 v41, v13;
	v49 =	vld [tilespmem:s23+$0xFFFFFFE0]  }
0x2d5: {  	v44 =	vadd.f32 v56, v45;
	v56 =	vmul.f32 v48, v10;
	v47 =	vadd.f32 v52, v47;
	v52 =	vld [tilespmem:s13+$0xFFFFFFF0]  }
0x2d6: {  	(xrf2) =	vadd.scan.msk.f32 $0xffff, v38;
	v51 =	vadd.f32 v53, v51;
	v55 =	vmul.f32 v48, v11;
	v38 =	vadd.f32 v41, v43;
	v43 =	vld [tilespmem:s15+$0xFFFFFFF0]  }
0x2d7: {  	v54 =	vld [tilespmem:s15+$0x10];
	v45 =	vmul.f32 v48, v7;
	v46 =	vadd.f32 v46, v50;
	v37 =	vadd.f32 v56, v37  }
0x2d8: {  	v50 =	vld [tilespmem:s23+$0xFFFFFFF0];
	v47 =	vmax.f32 v47, $0.0e+00;
	v41 =	vadd.f32 v55, v44;
	v44 =	vmul.f32 v48, v6  }
0x2d9: {  	v53 =	vld [tilespmem:s13+$0x0];
	v45 =	vadd.f32 v45, v51;
	v56 =	vmul.f32 v47, v8;
	v46 =	vadd.f32 v49, v46  }
0x2da: {  	v49 =	vld [tilespmem:s15+$0x0];
	v51 =	vmul.f32 v47, v9;
	v38 =	vadd.f32 v44, v38;
	v44 =	vmul.f32 v47, v5  }
0x2db: {  	v48 =	vld [tilespmem:s23+$0x0];
	v37 =	vadd.f32 v56, v37;
	v46 =	vmax.f32 v46, $0.0e+00;
	v43 =	vadd.f32 v43, v52  }
0x2dc: {  	v56 =	vmul.f32 v47, v12;
	v52 =	vld [tilespmem:s13+$0x10];
	v45 =	vadd.f32 v51, v45;
	v47 =	vmul.f32 v46, v22  }
0x2dd: {  	v38 =	vadd.f32 v44, v38;
	v55 =	vmul.f32 v46, v21;
	v43 =	vadd.f32 v50, v43  }
0x2de: {  	v41 =	vadd.f32 v56, v41;
	v56 =	vmul.f32 v46, v23;
	v37 =	vadd.f32 v47, v37;
	v47 =	vld [tilespmem:s23+$0x10]  }
0x2df: {  	v44 =	vadd.f32 v55, v45;
	v50 =	vmax.f32 v43, $0.0e+00;
	v43 =	vadd.f32 v49, v53;
	v49 =	vld [tilespmem:s13+$0x20]  }
0x2e0: {  	v45 =	vmul.f32 v46, v15;
	v41 =	vadd.f32 v56, v41;
	v53 =	vld [tilespmem:s15+$0x20];
	v56 =	vmul.f32 v50, v35  }
0x2e1: {  	v52 =	vadd.f32 v54, v52;
	v48 =	vadd.f32 v48, v43  }
0x2e2: {  	v38 =	vadd.f32 v45, v38;
	v45 =	vld [tilespmem:s23+$0x20];
	v43 =	vadd.f32 v56, v37;
	v56 =	vmul.f32 v50, v36  }
0x2e3: {  	v55 =	vld [tilespmem:s15+$0x30];
	v46 =	vmul.f32 v50, v33;
	v48 =	vmax.f32 v48, $0.0e+00;
	v47 =	vadd.f32 v47, v52  }
0x2e4: {  	v50 =	vmul.f32 v50, v29;
	v52 =	vld [tilespmem:s13+$0x30];
	v41 =	vadd.f32 v56, v41;
	v54 =	vmul.f32 v48, v31  }
0x2e5: {  	v56 =	vmul.f32 v48, v30;
	v49 =	vadd.f32 v53, v49;
	v47 =	vmax.f32 v47, $0.0e+00  }
0x2e6: {  	v37 =	vadd.f32 v46, v44;
	v53 =	vld [tilespmem:s23+$0x30];
	v44 =	vmul.f32 v47, v34;
	v46 =	vmul.f32 v47, v32  }
0x2e7: {  	v38 =	vadd.f32 v50, v38;
	v50 =	vmul.f32 v48, v28;
	v45 =	vadd.f32 v45, v49;
	v49 =	vld [tilespmem:s13+$0x40]  }
0x2e8: {  	v44 =	vadd.f32 v44, v54;
	v46 =	vadd.f32 v46, v56;
	v54 =	vmul.f32 v47, v27;
	v56 =	vld [tilespmem:s15+$0x40]  }
0x2e9: {  	v48 =	vmul.f32 v48, v25;
	v45 =	vmax.f32 v45, $0.0e+00;
	v52 =	vadd.f32 v55, v52  }
0x2ea: {  	v51, _, _ =	vpop (xrf2);
	v47 =	vmul.f32 v47, v24;
	v55 =	vld [tilespmem:s23+$0x40];
	v50 =	vadd.f32 v54, v50;
	v54 =	vmul.f32 v45, v26  }
0x2eb: {  	v51 =	vbroadcast v51, $0xF;
	v52 =	vadd.f32 v53, v52;
	v53 =	vld [tilespmem:s13+$0x50]  }
0x2ec: {  	(xrf2) =	vadd.scan.msk.f32 $0xffff, v42;
	v42 =	vadd.f32 v47, v48;
	v47 =	vmul.f32 v45, v20;
	v48 =	vld [tilespmem:s15+$0x50];
	v44 =	vadd.f32 v54, v44  }
0x2ed: {  	v54 =	vmul.f32 v45, v17;
	v52 =	vmax.f32 v52, $0.0e+00;
	v49 =	vadd.f32 v56, v49  }
0x2ee: {  	v51 =	vadd.f32 v51, v2;
	v46 =	vadd.f32 v47, v46;
	v47 =	vmul.f32 v52, v19;
	v56 =	vld [tilespmem:s23+$0x50]  }
0x2ef: {  	v45 =	vmul.f32 v45, v18;
	v50 =	vadd.f32 v54, v50;
	v54 =	vld [tilespmem:s13+$0x60];
	v49 =	vadd.f32 v55, v49  }
0x2f0: {  	(xrf2) =	vadd.scan.msk.f32 $0xffff, v40;
	v40 =	vmul.f32 v52, v14;
	v44 =	vadd.f32 v47, v44;
	v55 =	vmul.f32 v52, v16;
	v47 =	vld [tilespmem:s15+$0x60]  }
0x2f1: {  	v42 =	vadd.f32 v45, v42;
	v48 =	vadd.f32 v48, v53;
	v49 =	vmax.f32 v49, $0.0e+00  }
0x2f2: {  	v53 =	vld [tilespmem:s23+$0x60];
	v45 =	vadd.f32 v55, v46;
	v46 =	vmul.f32 v52, v13;
	v52 =	vmul.f32 v49, v10  }
0x2f3: {  	v40 =	vadd.f32 v40, v50;
	v48 =	vadd.f32 v56, v48  }
0x2f4: {  	v50 =	vld [tilespmem:s13+$0x70];
	v42 =	vadd.f32 v46, v42;
	v46 =	vmul.f32 v49, v11;
	v44 =	vadd.f32 v52, v44  }
0x2f5: {  	v52 =	vmul.f32 v49, v7;
	v48 =	vmax.f32 v48, $0.0e+00;
	v47 =	vadd.f32 v47, v54;
	v54 =	vld [tilespmem:s15+$0x70]  }
0x2f6: {  	v45 =	vadd.f32 v46, v45;
	v46 =	vmul.f32 v49, v6;
	v49 =	vmul.f32 v48, v8  }
0x2f7: {  	v55, _, _ =	vpop (xrf2);
	v56 =	vmul.f32 v48, v12;
	v40 =	vadd.f32 v52, v40;
	v47 =	vadd.f32 v53, v47;
	v52 =	vld [tilespmem:s23+$0x70]  }
0x2f8: {  	(xrf2) =	vadd.scan.msk.f32 $0xffff, v39;
	v55 =	vbroadcast v55, $0xF;
	v53 =	vld [tilespmem:s15+$0x80];
	v39 =	vadd.f32 v46, v42;
	v42 =	vadd.f32 v49, v44  }
0x2f9: {  	v46 =	vld [tilespmem:s13+$0x80];
	v49 =	vmul.f32 v48, v9;
	v48 =	vmul.f32 v48, v5;
	v47 =	vmax.f32 v47, $0.0e+00  }
0x2fa: {  	v44 =	vadd.f32 v56, v45;
	v45 =	vmul.f32 v47, v22;
	v50 =	vadd.f32 v54, v50;
	v54 =	vld [tilespmem:s13+$0x90]  }
0x2fb: {  	v56, _, _ =	vpop (xrf2);
	v40 =	vadd.f32 v49, v40;
	v39 =	vadd.f32 v48, v39;
	v48 =	vmul.f32 v47, v23;
	v49 =	vld [tilespmem:s15+$0x90]  }
0x2fc: {  	v56 =	vbroadcast v56, $0xF;
	v42 =	vadd.f32 v45, v42;
	v45 =	vadd.f32 v52, v50;
	v50 =	vld [tilespmem:s23+$0x80]  }
0x2fd: {  	v44 =	vadd.f32 v48, v44;
	v48 =	vmul.f32 v47, v21;
	v47 =	vmul.f32 v47, v15;
	v52 =	vld [tilespmem:s23+$0x90]  }
0x2fe: {  	v51 =	vsel vm0, v51, v2;
	v55 =	vadd.f32 v2, v55;
	v45 =	vmax.f32 v45, $0.0e+00  }
0x2ff: {  	v56 =	vadd.f32 v51, v56;
	v39 =	vadd.f32 v47, v39;
	v47 =	vmul.f32 v45, v35  }
0x300: {  	v46 =	vadd.f32 v53, v46;
	v53 =	vld [tilespmem:s15+$0xA0];
	v51 =	vsel vm1, v51, v55;
	v49 =	vadd.f32 v49, v54  }
0x301: {  	v40 =	vadd.f32 v48, v40;
	v48 =	vld [tilespmem:s13+$0xA0];
	v54 =	vmul.f32 v45, v33;
	v42 =	vadd.f32 v47, v42  }
0x302: {  	(xrf2) =	vadd.scan.msk.f32 $0xffff, v43;
	v56 =	vsel vm2, v51, v56;
	v46 =	vadd.f32 v50, v46;
	v49 =	vadd.f32 v52, v49  }
0x303: {  	v47 =	vmul.f32 v45, v36;
	v50, _, _ =	vpop (xrf2);
	v52 =	vld [tilespmem:s23+$0xA0];
	v40 =	vadd.f32 v54, v40;
	v45 =	vmul.f32 v45, v29  }
0x304: {  	v54 =	vld [tilespmem:s15+$0xB0];
	v50 =	vbroadcast v50, $0xF;
	v46 =	vmax.f32 v46, $0.0e+00;
	v49 =	vmax.f32 v49, $0.0e+00  }
0x305: {  	v44 =	vadd.f32 v47, v44;
	v47 =	vld [tilespmem:s13+$0xB0];
	v31 =	vmul.f32 v46, v31;
	v34 =	vmul.f32 v49, v34  }
0x306: {  	v43 =	vld [tilespmem:s23+$0xB0];
	v48 =	vadd.f32 v53, v48;
	v30 =	vmul.f32 v46, v30;
	v32 =	vmul.f32 v49, v32  }
0x307: {  	v39 =	vadd.f32 v45, v39;
	v45 =	vld [tilespmem:s13+$0xC0];
	v28 =	vmul.f32 v46, v28;
	v25 =	vmul.f32 v46, v25  }
0x308: {  	v53 =	vld [tilespmem:s15+$0xC0];
	v27 =	vmul.f32 v49, v27;
	v31 =	vadd.f32 v34, v31;
	v48 =	vadd.f32 v52, v48  }
0x309: {  	v24 =	vmul.f32 v49, v24;
	v49 =	vld [tilespmem:s13+$0xD0];
	v52 =	vadd.f32 v51, v50;
	v30 =	vadd.f32 v32, v30  }
0x30a: {  	v27 =	vadd.f32 v27, v28;
	v50 =	vld [tilespmem:s15+$0xD0];
	v34 =	vmax.f32 v48, $0.0e+00;
	v55 =	vadd.f32 v54, v47  }
0x30b: {  	v24 =	vadd.f32 v24, v25;
	v47 =	vld [tilespmem:s23+$0xC0];
	v46 =	vsel vm3, v56, v52;
	v26 =	vmul.f32 v34, v26  }
0x30c: {  	v54 =	vld [tilespmem:s15+$0xE0];
	v56, _, _ =	vpop (xrf2);
	v20 =	vmul.f32 v34, v20;
	v17 =	vmul.f32 v34, v17;
	v48 =	vadd.f32 v43, v55  }
0x30d: {  	v53 =	vadd.f32 v53, v45;
	v18 =	vmul.f32 v34, v18;
	v45 =	vbroadcast v56, $0xF;
	v55 =	vld [tilespmem:s23+$0xE0]  }
0x30e: {  	v52 =	vadd.f32 v26, v31;
	v26 =	vld [tilespmem:s23+$0xD0];
	v20 =	vadd.f32 v20, v30;
	v28 =	vmax.f32 v48, $0.0e+00  }
0x30f: {  	v31 =	vld [tilespmem:s13+$0xE0];
	v17 =	vadd.f32 v17, v27;
	v18 =	vadd.f32 v18, v24;
	v19 =	vmul.f32 v28, v19  }
0x310: {  	v43 =	vld [tilespmem:s13+$0xF0];
	v16 =	vmul.f32 v28, v16;
	v14 =	vmul.f32 v28, v14;
	v34 =	vadd.f32 v47, v53  }
0x311: {  	v49 =	vadd.f32 v50, v49;
	v13 =	vmul.f32 v28, v13;
	v47 =	vld [tilespmem:s15+$0xF0];
	v19 =	vadd.f32 v19, v52  }
0x312: {  	v16 =	vadd.f32 v16, v20;
	v14 =	vadd.f32 v14, v17;
	v48 =	vmax.f32 v34, $0.0e+00  }
0x313: {  	v13 =	vadd.f32 v13, v18;
	v10 =	vmul.f32 v48, v10;
	v11 =	vmul.f32 v48, v11  }
0x314: {  	v52 =	vld [tilespmem:s23+$0xF0];
	v26 =	vadd.f32 v26, v49;
	v53 =	vadd.f32 v54, v31;
	v7 =	vmul.f32 v48, v7  }
0x315: {  	(xrf2) =	vadd.scan.msk.f32 $0xffff, v41;
	v6 =	vmul.f32 v48, v6;
	v10 =	vadd.f32 v10, v19;
	v11 =	vadd.f32 v11, v16  }
0x316: {  	v54 =	vmax.f32 v26, $0.0e+00;
	v55 =	vadd.f32 v55, v53;
	v56 =	vadd.f32 v47, v43  }
0x317: {  	(xrf2) =	vadd.scan.msk.f32 $0xffff, v37;
	v7 =	vadd.f32 v7, v14;
	v8 =	vmul.f32 v54, v8;
	v12 =	vmul.f32 v54, v12  }
0x318: {  	(xrf2) =	vadd.scan.msk.f32 $0xffff, v38;
	v6 =	vadd.f32 v6, v13;
	v9 =	vmul.f32 v54, v9;
	v5 =	vmul.f32 v54, v5  }
0x319: {  	(xrf2) =	vadd.scan.msk.f32 $0xffff, v42;
	v30 =	vmax.f32 v55, $0.0e+00;
	v31 =	vadd.f32 v52, v56;
	v8 =	vadd.f32 v8, v10  }
0x31a: {  	v32 =	vmul.f32 v30, v22;
	v11 =	vadd.f32 v12, v11;
	v34 =	vmul.f32 v30, v23  }
0x31b: {  	(xrf2) =	vadd.scan.msk.f32 $0xffff, v44;
	v7 =	vadd.f32 v9, v7;
	v38 =	vmul.f32 v30, v21;
	v17 =	vmax.f32 v31, $0.0e+00  }
0x31c: {  	v8 =	vadd.f32 v32, v8;
	v35 =	vmul.f32 v17, v35;
	v37 =	vadd.f32 v34, v11  }
0x31d: {  	(xrf2) =	vadd.scan.msk.f32 $0xffff, v40;
	v40 =	vmul.f32 v17, v36;
	v7 =	vadd.f32 v38, v7;
	v42 =	vmul.f32 v17, v33  }
0x31e: {  	(xrf2) =	vadd.scan.msk.f32 $0xffff, v39;
	v5 =	vadd.f32 v5, v6;
	v8 =	vadd.f32 v35, v8  }
0x31f: {  	v50, _, _ =	vpop (xrf2);
	v6 =	vmul.f32 v30, v15;
	v41 =	vadd.f32 v40, v37;
	v7 =	vadd.f32 v42, v7  }
0x320: {  	v28 =	vbroadcast v50, $0xF;
	(xrf2) =	vadd.scan.msk.f32 $0xffff, v8  }
0x321: {  	v43 =	vadd.f32 v45, v51;
	v45, _, _ =	vpop (xrf2);
	v5 =	vadd.f32 v6, v5;
	v6 =	vmul.f32 v17, v29;
	(xrf2) =	vadd.scan.msk.f32 $0xffff, v41  }
0x322: {  	v44 =	vadd.f32 v46, v28;
	v47 =	vbroadcast v45, $0xF;
	v48, _, _ =	vpop (xrf2)  }
0x323: {  	v10 =	vbroadcast v48, $0xF;
	v11 =	vsel vm4, v46, v43;
	v5 =	vadd.f32 v6, v5;
	(xrf2) =	vadd.scan.msk.f32 $0xffff, v7;
	v7, _, _ =	vpop (xrf2)  }
0x324: {  	v9 =	vadd.f32 v11, v47;
	v8 =	vsel vm5, v11, v44;
	v7 =	vbroadcast v7, $0xF  }
0x325: {  	v6 =	vadd.f32 v8, v10;
	v49, _, _ =	vpop (xrf2)  }
0x326: {  	v9 =	vsel vm6, v8, v9;
	(xrf2) =	vadd.scan.msk.f32 $0xffff, v5;
	v10 =	vbroadcast v49, $0xF;
	v7 =	vadd.f32 v7, v8  }
0x327: {  	v6 =	vsel vm7, v9, v6;
	v5, _, _ =	vpop (xrf2)  }
0x328: {  	v50, _, _ =	vpop (xrf2);
	v5 =	vbroadcast v5, $0xF;
	v9 =	vadd.f32 v6, v10;
	v6 =	vsel vm8, v6, v7  }
0x329: {  	v7 =	vbroadcast v50, $0xF  }
0x32a: {  	v9 =	vsel vm9, v6, v9;
	v5 =	vadd.f32 v6, v5;
	v51, _, _ =	vpop (xrf2)  }
0x32b: {  	v7 =	vadd.f32 v9, v7;
	v6, _, _ =	vpop (xrf2);
	v8 =	vbroadcast v51, $0xF  }
0x32c: {  	v52 =	vmov s14;
	v5 =	vsel vm10, v9, v5;
	v6 =	vbroadcast v6, $0xF  }
0x32d: {  	v54 =	vshll.u32 v52, $0x3;
	v5 =	vsel vm11, v5, v7;
	v53, _, _ =	vpop (xrf2);
	v7 =	vadd.f32 v8, v9  }
0x32e: {  	v55 =	vbroadcast v53, $0xF;
	v8 =	vor.u32 v3, v54;
	v6 =	vadd.f32 v5, v6  }
0x32f: {  	v5 =	vsel vm12, v5, v7;
	v7 =	vor.u32 v4, v8  }
0x330: {  	p1 =	sne.s32 s14, $0x7C;
	v56, _, _ =	vpop (xrf2);
	v6 =	vsel vm13, v5, v6;
	v5 =	vadd.f32 v5, v55  }
.Ltmp7:
0x331: {  	v8 =	vadd.f32 v6, v56;
	(pc) =	sbr.rel @p1 .LBB2_10-.Ltmp7, $4  }
0x332: {  	v5 =	vsel vm14, v6, v5  }
0x333: {  	v5 =	vsel vm15, v5, v8  }
0x334: {  	s13 =	sadd.s32 $0x200, s13;
	[tilespmem:v7+s18+$0x0] =	vst.idx.msk $0xffff, v5  }
0x335: {  	s15 =	sadd.s32 $0x200, s15;
	s23 =	sadd.s32 $0x200, s23;
	s14 =	sadd.s32 $0x4, s14;
	[tilespmem:v7+s2+$0x0] =	vst.idx.msk $0xffff, v5  }
0x336: {  	s13 =	rddreg [dreg:$0x12]  }
0x337: {  	[hbm4b:s13+s5] =	stream.linear.scatter [tilespmem:s18], [sflag:$0x9], $0x400, $0x38;
	[tilespmem:$0x1B810] =	vst v63  }
0x338: {  	_ =	swait.ge [sflag:s3], $0x400  }
0x339: {  	[sflag:s3] =	ssyncset.done $0x0  }
.Ltmp8:
0x33a: {  	[sflag:s3] =	ssyncadd.s32 $0xFFFFFC00;
	(pc) =	sbr.rel .LBB2_12-.Ltmp8, $4  }
0x33b: {  	[spmem:s4] =	stream.indirect.scatter.add.f32 [tilespmem:s2], [sflag:$0x9], $0x8, s5, s6, $0xb8;
	[tilespmem:$0x1B810] =	vst v63  }
0x33c: {  	_ =	swait.ge [sflag:s3], $0x400  }
0x33d: {  	[sflag:s3] =	ssyncset.done $0x0  }
0x33e: {  	s14 =	rddreg [dreg:$0x15];
	[sflag:s3] =	ssyncadd.s32 $0xFFFFFC00  }
.LBB2_13:
0x33f: {  	_ =	sfence.sel $0x180000  }
0x340: {  	[bflag:$0x0] =	sbarrier.arrive $0xFFFF  }
0x341: {  	_ =	strace $0x90000047  }
0x342: {  	s0 =	stileid.u32;
	[bflag:$0x2] =	sbarrier.arrive $0xFFFF  }
0x343: {  	p0 =	sne.s32 s0, $0x0;
	s0 =	rddreg [dreg:$0x5]  }
0x344: {  	s0 =	sadd.s32 @!p0 $0x100000, s0  }
0x345: {  	[sflag:s0] =	ssyncadd.tile.s32 @!p0 $0x1;
	_ =	shalt  }
.Lfunc_end2:
_tile_overlayer_lowered:
.L_overlay_start_2:
0x346: {  	(tag) =	ssettag $0x2  }
0x347: {  	s0 =	rddreg [dreg:$0x0];
	s2 =	stileid.u32  }
0x348: {  	s1 =	rddreg [dreg:$0x1];
	p0 =	sne.s32 s2, $0x0  }
0x349: {  	s3 =	rddreg [dreg:$0x2];
	[bflag:$0x3] =	sbarrier.arrive $0xFFFF;
	s2 =	simm.s32 @!p0 $0x1C09  }
0x34a: {  	[timem:s3], [sflag:s2] =	dma.local @!p0 [hbm:s0], s1  }
0x34b: {  	s0 =	simm.s32 @!p0 $0x9  }
0x34c: {  	_ =	swait.ge @!p0 [sflag:s0], s1  }
0x34d: {  	s1 =	ssub.s32 @!p0 $0x0, s1;
	[sflag:s0] =	ssyncset.done @!p0 $0x0  }
0x34e: {  	[sflag:s0] =	ssyncadd.s32 @!p0 s1  }
0x34f: {  	[bflag:$0x3] =	sbarrier.arrive $0xFFFF  }
0x350: {  	_ =	shalt  }

</sc_bundles>
